<compile_context>
chip_gen: v7x
topology: tpu7x:2x2x1
jax: 0.10.2.dev20260603
libtpu: 0.0.44.dev20260713+nightly
codegen_flags: <defaults>
</compile_context>

<pallas_src>
import jax
import jax.numpy as jnp
from jax.experimental import pallas as pl

HID_SCA, HID_VEC = 128, 32
KEY_SCA, KEY_VEC = 64, 16
NUM_HEADS = 16
NUM_EDGE_TYPES = 3
CUTOFF = 10.0

BN = 2560
BA = 2560


def _head_expand(n):
    r = jax.lax.broadcasted_iota(jnp.int32, (16, n), 0)
    c = jax.lax.broadcasted_iota(jnp.int32, (16, n), 1)
    return jnp.where(c // (n // 16) == r, 1.0, 0.0).astype(jnp.float32)


def _qkv_kernel(sca_ref, vec_ref,
                qWvT, qWv2T, qWsvT, qWssT, qGwT, qGb,
                kWvT, kWv2T, kWsvT, kWssT, kGwT, kGb,
                vWvT, vWv2T, vWsvT, vWssT, vGwT, vGb,
                q_o, k_o, v_o):
    sca = sca_ref[...]
    vx = vec_ref[:, 0:32]
    vy = vec_ref[:, 32:64]
    vz = vec_ref[:, 64:96]

    def gv(WvT, Wv2T, WsvT, WssT, GwT, Gb):
        ix = vx @ WvT[...]
        iy = vy @ WvT[...]
        iz = vz @ WvT[...]
        vnorm = jnp.sqrt(ix * ix + iy * iy + iz * iz + 1e-12)
        out_s = vnorm @ WsvT[...] + sca @ WssT[...]
        ox = ix @ Wv2T[...]
        oy = iy @ Wv2T[...]
        oz = iz @ Wv2T[...]
        gate = jax.nn.sigmoid(out_s @ GwT[...] + Gb[...])
        return jnp.concatenate([out_s, gate * ox, gate * oy, gate * oz], axis=1)

    q_o[...] = gv(qWvT, qWv2T, qWsvT, qWssT, qGwT, qGb)
    k_o[...] = gv(kWvT, kWv2T, kWsvT, kWssT, kGwT, kGb)
    v_o[...] = gv(vWvT, vWv2T, vWsvT, vWssT, vGwT, vGb)


def _logits_kernel(vec_ref, trif_ref, qi_ref, kj_ref,
                   offs_ref, coeff_ref, u2_ref, g2_ref,
                   WsvT, WssT, GwT, Gb,
                   l_o):
    vx = vec_ref[:, 0:1]
    vy = vec_ref[:, 1:2]
    vz = vec_ref[:, 2:3]
    d2 = vx * vx + vy * vy + vz * vz
    dist = jnp.sqrt(d2 + 1e-12)
    inv = 1.0 / (dist + 1e-7)
    s2 = d2 * inv * inv

    coeff = coeff_ref[...]
    diff = dist - offs_ref[...]
    gauss = jnp.exp(coeff * diff * diff)

    r3 = jax.lax.broadcasted_iota(jnp.int32, (8, 128), 0)
    c3 = jax.lax.broadcasted_iota(jnp.int32, (8, 128), 1)
    P = jnp.where(c3 == r3 + 125, 1.0, 0.0).astype(jnp.float32)
    tri128 = trif_ref[...] @ P
    col = jax.lax.broadcasted_iota(jnp.int32, (1, 128), 1)
    sca_feat = jnp.where(col < 125, gauss, tri128)

    vec_norm = jnp.sqrt(s2 * u2_ref[...] + 1e-12)
    out_sca = vec_norm @ WsvT[...] + sca_feat @ WssT[...]
    gate = jax.nn.sigmoid(out_sca @ GwT[...] + Gb[...])
    bias_v = gate * gate * g2_ref[...] * s2

    rG = jax.lax.broadcasted_iota(jnp.int32, (64, 16), 0)
    cG = jax.lax.broadcasted_iota(jnp.int32, (64, 16), 1)
    G64 = jnp.where(rG // 4 == cG, 1.0, 0.0).astype(jnp.float32)
    qi = qi_ref[...]
    kj = kj_ref[...]
    qk_s = (qi[:, 0:64] * kj[:, 0:64]) @ G64
    pv = qi[:, 64:112] * kj[:, 64:112]
    qk_v = pv[:, 0:16] + pv[:, 16:32] + pv[:, 32:48]

    l_o[...] = jnp.concatenate([out_sca + qk_s, bias_v + qk_v], axis=1)


def _weight_kernel(l_ref, mg_ref, vj_ref, w_o):
    ex = jnp.exp(l_ref[...] - mg_ref[...])
    a128 = ex[:, 0:16] @ _head_expand(128)
    a32 = ex[:, 16:32] @ _head_expand(32)
    vj = vj_ref[...]
    w_o[...] = jnp.concatenate(
        [ex, a128 * vj[:, 0:128],
         a32 * vj[:, 128:160], a32 * vj[:, 160:192], a32 * vj[:, 192:224]],
        axis=1)


def _final_kernel(sca_ref, vec_ref, agg_ref, lsw, lsb, lvw, lvb, os_o, ov_o):
    agg = agg_ref[...]
    den_s = agg[:, 0:16] @ _head_expand(128) + 1e-16
    den_v = agg[:, 16:32] @ _head_expand(32) + 1e-16
    s = sca_ref[...] + agg[:, 32:160] / den_s
    mu = jnp.mean(s, axis=-1, keepdims=True)
    var = jnp.mean((s - mu) ** 2, axis=-1, keepdims=True)
    os_o[...] = (s - mu) / jnp.sqrt(var + 1e-5) * lsw[...] + lsb[...]
    v = vec_ref[...] + jnp.concatenate(
        [agg[:, 160:192] / den_v, agg[:, 192:224] / den_v,
         agg[:, 224:256] / den_v], axis=1)
    muv = jnp.mean(v, axis=-1, keepdims=True)
    varv = jnp.mean((v - muv) ** 2, axis=-1, keepdims=True)
    ov_o[...] = (v - muv) / jnp.sqrt(varv + 1e-5) * lvw[...] + lvb[...]


def _full(a):
    return pl.BlockSpec(a.shape, lambda i: (0,) * a.ndim)


def kernel(edge_attr_sca, edge_attr_vec, edge_index, pos_compose,
           index_real_cps_edge_for_atten_i, index_real_cps_edge_for_atten_j,
           tri_edge_index, tri_edge_feat, params):
    N = edge_attr_sca.shape[0]
    A = index_real_cps_edge_for_atten_i.shape[0]
    idx_i = index_real_cps_edge_for_atten_i
    idx_j = index_real_cps_edge_for_atten_j

    vec96 = edge_attr_vec.transpose(0, 2, 1).reshape(N, 96)

    def prep(p):
        Ws = p['lin_scalar']
        return [p['lin_vector'].T, p['lin_vector2'].T,
                Ws[:, :32].T, Ws[:, 32:].T,
                p['gate_w'].T, p['gate_b'][None, :]]

    pq = prep(params['q'])
    pk = prep(params['k'])
    pv = prep(params['v'])
    nb = N // BN
    f32 = jnp.float32
    q_cat, k_cat, v_cat = pl.pallas_call(
        _qkv_kernel,
        grid=(nb,),
        in_specs=[pl.BlockSpec((BN, 128), lambda i: (i, 0)),
                  pl.BlockSpec((BN, 96), lambda i: (i, 0))]
                 + [_full(a) for a in pq + pk + pv],
        out_specs=[pl.BlockSpec((BN, 112), lambda i: (i, 0)),
                   pl.BlockSpec((BN, 112), lambda i: (i, 0)),
                   pl.BlockSpec((BN, 224), lambda i: (i, 0))],
        out_shape=[jax.ShapeDtypeStruct((N, 112), f32),
                   jax.ShapeDtypeStruct((N, 112), f32),
                   jax.ShapeDtypeStruct((N, 224), f32)],
    )(edge_attr_sca, vec96, *pq, *pk, *pv)

    vector = pos_compose[tri_edge_index[0]] - pos_compose[tri_edge_index[1]]
    trif8 = jnp.pad(tri_edge_feat, ((0, 0), (0, 5)))

    num_g = HID_SCA - NUM_EDGE_TYPES
    offset = jnp.linspace(0.0, CUTOFF, num_g)
    coeff = (-0.5 / (offset[1] - offset[0]) ** 2).reshape(1, 1)
    offs128 = jnp.concatenate([offset, jnp.zeros((3,), f32)]).reshape(1, 128)

    pb_ = params['gv_bias']
    u = pb_['lin_vector'] @ params['vec_exp_w']
    g = pb_['lin_vector2'] @ u
    Wsb = pb_['lin_scalar']
    bias_params = [offs128, coeff, (u * u)[None, :], (g * g)[None, :],
                   Wsb[:, :32].T, Wsb[:, 32:].T,
                   pb_['gate_w'].T, pb_['gate_b'][None, :]]

    qi = q_cat[idx_i]
    kj = k_cat[idx_j]
    vj = v_cat[idx_j]

    na = A // BA
    l_cat = pl.pallas_call(
        _logits_kernel,
        grid=(na,),
        in_specs=[pl.BlockSpec((BA, 3), lambda i: (i, 0)),
                  pl.BlockSpec((BA, 8), lambda i: (i, 0)),
                  pl.BlockSpec((BA, 112), lambda i: (i, 0)),
                  pl.BlockSpec((BA, 112), lambda i: (i, 0))]
                 + [_full(a) for a in bias_params],
        out_specs=pl.BlockSpec((BA, 32), lambda i: (i, 0)),
        out_shape=jax.ShapeDtypeStruct((A, 32), f32),
    )(vector, trif8, qi, kj, *bias_params)

    m = jax.ops.segment_max(l_cat, idx_i, num_segments=N, indices_are_sorted=True)
    m = jnp.where(jnp.isfinite(m), m, 0.0)

    w_cat = pl.pallas_call(
        _weight_kernel,
        grid=(na,),
        in_specs=[pl.BlockSpec((BA, 32), lambda i: (i, 0)),
                  pl.BlockSpec((BA, 32), lambda i: (i, 0)),
                  pl.BlockSpec((BA, 224), lambda i: (i, 0))],
        out_specs=pl.BlockSpec((BA, 256), lambda i: (i, 0)),
        out_shape=jax.ShapeDtypeStruct((A, 256), f32),
    )(l_cat, m[idx_i], vj)

    agg = jax.ops.segment_sum(w_cat, idx_i, num_segments=N, indices_are_sorted=True)

    ln = [params['ln_sca_w'][None, :], params['ln_sca_b'][None, :],
          params['ln_vec_w'].T.reshape(1, 96), params['ln_vec_b'].T.reshape(1, 96)]
    out_s, out_v96 = pl.pallas_call(
        _final_kernel,
        grid=(nb,),
        in_specs=[pl.BlockSpec((BN, 128), lambda i: (i, 0)),
                  pl.BlockSpec((BN, 96), lambda i: (i, 0)),
                  pl.BlockSpec((BN, 256), lambda i: (i, 0))]
                 + [_full(a) for a in ln],
        out_specs=[pl.BlockSpec((BN, 128), lambda i: (i, 0)),
                   pl.BlockSpec((BN, 96), lambda i: (i, 0))],
        out_shape=[jax.ShapeDtypeStruct((N, 128), f32),
                   jax.ShapeDtypeStruct((N, 96), f32)],
    )(edge_attr_sca, vec96, agg, *ln)

    out_v = out_v96.reshape(N, 3, 32).transpose(0, 2, 1)
    return out_s, out_v

# --- scband reference (transcript-rebuilt; emitter-appended) ---
"""Pipeline reference for scband-attention-edges-29618094473623 (READ-ONLY COPY).

The authoritative reference and input builder live on the scoring server;
editing this copy changes nothing except your own understanding.
"""

import jax, jax.numpy as jnp
import numpy as np

HID_SCA, HID_VEC = 128, 32
KEY_SCA, KEY_VEC = 64, 16
NUM_HEADS = 16
NUM_EDGE_TYPES = 3
CUTOFF = 10.0
N_NODES = 10000
N_EDGES = 320000
N_ATT = 640000


def _gv_params(key, in_s, in_v, out_s, out_v):
    dim_hid = max(in_v, out_v)
    ks = jax.random.split(key, 4)
    def _w(k, shape, fan):
        return (jax.random.normal(k, shape, dtype=jnp.float32) / np.sqrt(fan)).astype(jnp.float32)
    return {
        'lin_vector': _w(ks[0], (dim_hid, in_v), in_v),
        'lin_vector2': _w(ks[1], (out_v, dim_hid), dim_hid),
        'lin_scalar': _w(ks[2], (out_s, in_s + dim_hid), in_s + dim_hid),
        'gate_w': _w(ks[3], (out_v, out_s), out_s),
        'gate_b': jnp.zeros((out_v,), dtype=jnp.float32),
    }


def _safe_norm(x, axis=-1, keepdims=False):
    return jnp.sqrt(jnp.sum(x * x, axis=axis, keepdims=keepdims) + 1e-12)


def _gvlinear(p, sca, vec):
    # VNLinear: (N, in_v, 3) -> (N, dim_hid, 3)
    vec_inter = jnp.einsum('oi,nic->noc', p['lin_vector'], vec)
    vec_norm = _safe_norm(vec_inter, axis=-1)
    sca_cat = jnp.concatenate([vec_norm, sca], axis=-1)
    out_sca = sca_cat @ p['lin_scalar'].T
    out_vec = jnp.einsum('oi,nic->noc', p['lin_vector2'], vec_inter)
    gate = jax.nn.sigmoid(out_sca @ p['gate_w'].T + p['gate_b'])[..., None]
    return out_sca, gate * out_vec


def _scatter_softmax(src, index, num_segments):
    seg_max = jax.ops.segment_max(src, index, num_segments=num_segments)
    seg_max = jnp.where(jnp.isfinite(seg_max), seg_max, 0.0)
    ex = jnp.exp(src - seg_max[index])
    denom = jax.ops.segment_sum(ex, index, num_segments=num_segments)
    return ex / (denom[index] + 1e-16)


def _layernorm(x, w, b, axes):
    mu = jnp.mean(x, axis=axes, keepdims=True)
    var = jnp.mean((x - mu) ** 2, axis=axes, keepdims=True)
    return (x - mu) / jnp.sqrt(var + 1e-5) * w + b


def _attention_bias(p, tri_edge_index, tri_edge_feat, pos_compose):
    node_a = tri_edge_index[0]
    node_b = tri_edge_index[1]
    vector = pos_compose[node_a] - pos_compose[node_b]
    dist = _safe_norm(vector, axis=-1, keepdims=True)
    num_g = HID_SCA - NUM_EDGE_TYPES
    offset = jnp.linspace(0.0, CUTOFF, num_g)
    coeff = -0.5 / (offset[1] - offset[0]) ** 2
    dist_feat = jnp.exp(coeff * (dist - offset[None, :]) ** 2)
    sca_feat = jnp.concatenate([dist_feat, tri_edge_feat], axis=-1)
    # EdgeExpansion: normalize then outer-product with learned (HID_VEC,) weight -> (A, HID_VEC, 3)
    v = vector / (_safe_norm(vector, axis=-1, keepdims=True) + 1e-7)
    vec_feat = jnp.einsum('nc,o->noc', v, p['vec_exp_w'])
    out_sca, out_vec = _gvlinear(p['gv_bias'], sca_feat, vec_feat)
    out_vec = jnp.sum(out_vec * out_vec, axis=-1)
    return out_sca, out_vec


def _forward(edge_attr_sca, edge_attr_vec, edge_index, pos_compose, idx_i, idx_j, tri_edge_index, tri_edge_feat, params):
    N = edge_attr_sca.shape[0]
    H = NUM_HEADS
    q_s, q_v = _gvlinear(params['q'], edge_attr_sca, edge_attr_vec)
    k_s, k_v = _gvlinear(params['k'], edge_attr_sca, edge_attr_vec)
    v_s, v_v = _gvlinear(params['v'], edge_attr_sca, edge_attr_vec)
    q_s = q_s.reshape(N, H, -1); q_v = q_v.reshape(N, H, -1, 3)
    k_s = k_s.reshape(N, H, -1); k_v = k_v.reshape(N, H, -1, 3)
    v_s = v_s.reshape(N, H, -1); v_v = v_v.reshape(N, H, -1, 3)
    bias_s, bias_v = _attention_bias(params, tri_edge_index, tri_edge_feat, pos_compose)
    qi_s = q_s[idx_i]; qi_v = q_v[idx_i]
    kj_s = k_s[idx_j]; kj_v = k_v[idx_j]
    qk_s = jnp.sum(qi_s * kj_s, axis=-1)
    qk_v = jnp.sum(qi_v * kj_v, axis=(-1, -2))
    alpha_s = _scatter_softmax(bias_s + qk_s, idx_i, N)
    alpha_v = _scatter_softmax(bias_v + qk_v, idx_i, N)
    vj_s = v_s[idx_j]; vj_v = v_v[idx_j]
    A = idx_j.shape[0]
    out_s = jax.ops.segment_sum((alpha_s[..., None] * vj_s).reshape(A, -1), idx_i, num_segments=N)
    out_v = jax.ops.segment_sum((alpha_v[..., None, None] * vj_v).reshape(A, -1, 3), idx_i, num_segments=N)
    out_s = edge_attr_sca + out_s
    out_v = edge_attr_vec + out_v
    out_s = _layernorm(out_s, params['ln_sca_w'], params['ln_sca_b'], (-1,))
    out_v = _layernorm(out_v, params['ln_vec_w'], params['ln_vec_b'], (-2, -1))
    return out_s, out_v


def setup_inputs(seed: int = 0) -> dict:
    key = jax.random.key(seed)
    ks = jax.random.split(key, 12)
    edge_attr_sca = jax.random.normal(ks[0], (N_EDGES, HID_SCA), dtype=jnp.float32)
    edge_attr_vec = jax.random.normal(ks[1], (N_EDGES, HID_VEC, 3), dtype=jnp.float32)
    edge_index = jax.random.randint(ks[2], (2, N_EDGES), 0, N_NODES, dtype=jnp.int32)
    pos_compose = jax.random.normal(ks[3], (N_NODES, 3), dtype=jnp.float32) * 3.0
    idx_i = jnp.sort(jax.random.randint(ks[4], (N_ATT,), 0, N_EDGES, dtype=jnp.int32))
    idx_j = jax.random.randint(ks[5], (N_ATT,), 0, N_EDGES, dtype=jnp.int32)
    tri_edge_index = jax.random.randint(ks[6], (2, N_ATT), 0, N_NODES, dtype=jnp.int32)
    tri_edge_feat = jax.random.uniform(ks[7], (N_ATT, NUM_EDGE_TYPES), dtype=jnp.float32)
    params = {
        'q': _gv_params(ks[8], HID_SCA, HID_VEC, KEY_SCA, KEY_VEC),
        'k': _gv_params(ks[9], HID_SCA, HID_VEC, KEY_SCA, KEY_VEC),
        'v': _gv_params(ks[10], HID_SCA, HID_VEC, HID_SCA, HID_VEC),
        'gv_bias': _gv_params(ks[11], HID_SCA, HID_VEC, NUM_HEADS, NUM_HEADS),
        'vec_exp_w': jax.random.normal(jax.random.fold_in(key, 100), (HID_VEC,), dtype=jnp.float32),
        'ln_sca_w': jnp.ones((HID_SCA,), dtype=jnp.float32),
        'ln_sca_b': jnp.zeros((HID_SCA,), dtype=jnp.float32),
        'ln_vec_w': jnp.ones((HID_VEC, 3), dtype=jnp.float32),
        'ln_vec_b': jnp.zeros((HID_VEC, 3), dtype=jnp.float32),
    }
    return {
        'edge_attr_sca': edge_attr_sca,
        'edge_attr_vec': edge_attr_vec,
        'edge_index': edge_index,
        'pos_compose': pos_compose,
        'index_real_cps_edge_for_atten_i': idx_i,
        'index_real_cps_edge_for_atten_j': idx_j,
        'tri_edge_index': tri_edge_index,
        'tri_edge_feat': tri_edge_feat,
        'params': params,
    }


def reference(edge_attr_sca, edge_attr_vec, edge_index, pos_compose, index_real_cps_edge_for_atten_i, index_real_cps_edge_for_atten_j, tri_edge_index, tri_edge_feat, params):
    return _forward(edge_attr_sca, edge_attr_vec, edge_index, pos_compose, index_real_cps_edge_for_atten_i, index_real_cps_edge_for_atten_j, tri_edge_index, tri_edge_feat, params)

if __name__ == "__main__":
    import jax
    _d = setup_inputs()
    print(jax.jit(kernel)(*tuple(_d.values())))

</pallas_src>

<mosaic_0001>
module attributes {stable_mosaic.version = 14 : i64} {
  func.func @_qkv_kernel(%arg0: i32, %arg1: memref<2560x128xf32, #tpu.memory_space<vmem>>, %arg2: memref<2560x96xf32, #tpu.memory_space<vmem>>, %arg3: memref<32x32xf32, #tpu.memory_space<vmem>>, %arg4: memref<32x16xf32, #tpu.memory_space<vmem>>, %arg5: memref<32x64xf32, #tpu.memory_space<vmem>>, %arg6: memref<128x64xf32, #tpu.memory_space<vmem>>, %arg7: memref<64x16xf32, #tpu.memory_space<vmem>>, %arg8: memref<1x16xf32, #tpu.memory_space<vmem>>, %arg9: memref<32x32xf32, #tpu.memory_space<vmem>>, %arg10: memref<32x16xf32, #tpu.memory_space<vmem>>, %arg11: memref<32x64xf32, #tpu.memory_space<vmem>>, %arg12: memref<128x64xf32, #tpu.memory_space<vmem>>, %arg13: memref<64x16xf32, #tpu.memory_space<vmem>>, %arg14: memref<1x16xf32, #tpu.memory_space<vmem>>, %arg15: memref<32x32xf32, #tpu.memory_space<vmem>>, %arg16: memref<32x32xf32, #tpu.memory_space<vmem>>, %arg17: memref<32x128xf32, #tpu.memory_space<vmem>>, %arg18: memref<128x128xf32, #tpu.memory_space<vmem>>, %arg19: memref<128x32xf32, #tpu.memory_space<vmem>>, %arg20: memref<1x32xf32, #tpu.memory_space<vmem>>, %arg21: memref<2560x112xf32, #tpu.memory_space<vmem>>, %arg22: memref<2560x112xf32, #tpu.memory_space<vmem>>, %arg23: memref<2560x224xf32, #tpu.memory_space<vmem>>) attributes {dimension_semantics = [#tpu.dimension_semantics<arbitrary>], iteration_bounds = array<i64: 125>, scalar_prefetch = 0 : i64, scratch_operands = 0 : i64, tpu.core_type = #tpu.core_type<tc>, window_params = [{transform_indices = @transform_0, window_bounds = array<i64: 2560, 128>}, {transform_indices = @transform_1, window_bounds = array<i64: 2560, 96>}, {pipeline_mode = #tpu.pipeline_mode<synchronous>, transform_indices = @transform_2, window_bounds = array<i64: 32, 32>}, {pipeline_mode = #tpu.pipeline_mode<synchronous>, transform_indices = @transform_3, window_bounds = array<i64: 32, 16>}, {pipeline_mode = #tpu.pipeline_mode<synchronous>, transform_indices = @transform_4, window_bounds = array<i64: 32, 64>}, {pipeline_mode = #tpu.pipeline_mode<synchronous>, transform_indices = @transform_5, window_bounds = array<i64: 128, 64>}, {pipeline_mode = #tpu.pipeline_mode<synchronous>, transform_indices = @transform_6, window_bounds = array<i64: 64, 16>}, {pipeline_mode = #tpu.pipeline_mode<synchronous>, transform_indices = @transform_7, window_bounds = array<i64: 1, 16>}, {pipeline_mode = #tpu.pipeline_mode<synchronous>, transform_indices = @transform_8, window_bounds = array<i64: 32, 32>}, {pipeline_mode = #tpu.pipeline_mode<synchronous>, transform_indices = @transform_9, window_bounds = array<i64: 32, 16>}, {pipeline_mode = #tpu.pipeline_mode<synchronous>, transform_indices = @transform_10, window_bounds = array<i64: 32, 64>}, {pipeline_mode = #tpu.pipeline_mode<synchronous>, transform_indices = @transform_11, window_bounds = array<i64: 128, 64>}, {pipeline_mode = #tpu.pipeline_mode<synchronous>, transform_indices = @transform_12, window_bounds = array<i64: 64, 16>}, {pipeline_mode = #tpu.pipeline_mode<synchronous>, transform_indices = @transform_13, window_bounds = array<i64: 1, 16>}, {pipeline_mode = #tpu.pipeline_mode<synchronous>, transform_indices = @transform_14, window_bounds = array<i64: 32, 32>}, {pipeline_mode = #tpu.pipeline_mode<synchronous>, transform_indices = @transform_15, window_bounds = array<i64: 32, 32>}, {pipeline_mode = #tpu.pipeline_mode<synchronous>, transform_indices = @transform_16, window_bounds = array<i64: 32, 128>}, {pipeline_mode = #tpu.pipeline_mode<synchronous>, transform_indices = @transform_17, window_bounds = array<i64: 128, 128>}, {pipeline_mode = #tpu.pipeline_mode<synchronous>, transform_indices = @transform_18, window_bounds = array<i64: 128, 32>}, {pipeline_mode = #tpu.pipeline_mode<synchronous>, transform_indices = @transform_19, window_bounds = array<i64: 1, 32>}, {transform_indices = @transform_20, window_bounds = array<i64: 2560, 112>}, {transform_indices = @transform_21, window_bounds = array<i64: 2560, 112>}, {transform_indices = @transform_22, window_bounds = array<i64: 2560, 224>}]} {
    %get3A = arith.constant 0 : index
    %get3A_0 = arith.constant 0 : index
    %get3A_1 = vector.load %arg1[%get3A, %get3A_0] : memref<2560x128xf32, #tpu.memory_space<vmem>>, vector<2560x128xf32>
    %get3A_2 = arith.constant 0 : index
    %get3A_3 = arith.constant 0 : index
    %get3A_4 = vector.load %arg2[%get3A_2, %get3A_3] : memref<2560x96xf32, #tpu.memory_space<vmem>>, vector<2560x32xf32>
    %get3A_5 = arith.constant 0 : index
    %get3A_6 = arith.constant 32 : index
    %get3A_7 = vector.load %arg2[%get3A_5, %get3A_6] : memref<2560x96xf32, #tpu.memory_space<vmem>>, vector<2560x32xf32>
    %get3A_8 = arith.constant 0 : index
    %get3A_9 = arith.constant 64 : index
    %get3A_10 = vector.load %arg2[%get3A_8, %get3A_9] : memref<2560x96xf32, #tpu.memory_space<vmem>>, vector<2560x32xf32>
    %get3A_11 = arith.constant 0 : index
    %get3A_12 = arith.constant 0 : index
    %get3A_13 = vector.load %arg3[%get3A_11, %get3A_12] : memref<32x32xf32, #tpu.memory_space<vmem>>, vector<32x32xf32>
    %dot_general3A = arith.constant dense<0.000000e+00> : vector<2560x32xf32>
    %dot_general3A_14 = tpu.matmul %get3A_4, %get3A_13, %dot_general3A {dimension_numbers = #tpu.dot_dimension_numbers<[1], [0], [0], [1], [0, 0, 1, 1], [], []>, transpose_lhs_hint = false} : vector<2560x32xf32>, vector<32x32xf32>, vector<2560x32xf32> -> vector<2560x32xf32>
    %get3A_15 = arith.constant 0 : index
    %get3A_16 = arith.constant 0 : index
    %get3A_17 = vector.load %arg3[%get3A_15, %get3A_16] : memref<32x32xf32, #tpu.memory_space<vmem>>, vector<32x32xf32>
    %dot_general3A_18 = arith.constant dense<0.000000e+00> : vector<2560x32xf32>
    %dot_general3A_19 = tpu.matmul %get3A_7, %get3A_17, %dot_general3A_18 {dimension_numbers = #tpu.dot_dimension_numbers<[1], [0], [0], [1], [0, 0, 1, 1], [], []>, transpose_lhs_hint = false} : vector<2560x32xf32>, vector<32x32xf32>, vector<2560x32xf32> -> vector<2560x32xf32>
    %get3A_20 = arith.constant 0 : index
    %get3A_21 = arith.constant 0 : index
    %get3A_22 = vector.load %arg3[%get3A_20, %get3A_21] : memref<32x32xf32, #tpu.memory_space<vmem>>, vector<32x32xf32>
    %dot_general3A_23 = arith.constant dense<0.000000e+00> : vector<2560x32xf32>
    %dot_general3A_24 = tpu.matmul %get3A_10, %get3A_22, %dot_general3A_23 {dimension_numbers = #tpu.dot_dimension_numbers<[1], [0], [0], [1], [0, 0, 1, 1], [], []>, transpose_lhs_hint = false} : vector<2560x32xf32>, vector<32x32xf32>, vector<2560x32xf32> -> vector<2560x32xf32>
    %mul3A = arith.mulf %dot_general3A_14, %dot_general3A_14 : vector<2560x32xf32>
    %mul3A_25 = arith.mulf %dot_general3A_19, %dot_general3A_19 : vector<2560x32xf32>
    %add3A = arith.addf %mul3A, %mul3A_25 : vector<2560x32xf32>
    %mul3A_26 = arith.mulf %dot_general3A_24, %dot_general3A_24 : vector<2560x32xf32>
    %add3A_27 = arith.addf %add3A, %mul3A_26 : vector<2560x32xf32>
    %add3A_28 = arith.constant 9.99999996E-13 : f32
    %add3A_29 = vector.broadcast %add3A_28 : f32 to vector<2560x32xf32>
    %add3A_30 = arith.addf %add3A_27, %add3A_29 : vector<2560x32xf32>
    %sqrt3A = math.sqrt %add3A_30 : vector<2560x32xf32>
    %get3A_31 = arith.constant 0 : index
    %get3A_32 = arith.constant 0 : index
    %get3A_33 = vector.load %arg5[%get3A_31, %get3A_32] : memref<32x64xf32, #tpu.memory_space<vmem>>, vector<32x64xf32>
    %dot_general3A_34 = arith.constant dense<0.000000e+00> : vector<2560x64xf32>
    %dot_general3A_35 = tpu.matmul %sqrt3A, %get3A_33, %dot_general3A_34 {dimension_numbers = #tpu.dot_dimension_numbers<[1], [0], [0], [1], [0, 0, 1, 1], [], []>, transpose_lhs_hint = false} : vector<2560x32xf32>, vector<32x64xf32>, vector<2560x64xf32> -> vector<2560x64xf32>
    %get3A_36 = arith.constant 0 : index
    %get3A_37 = arith.constant 0 : index
    %get3A_38 = vector.load %arg6[%get3A_36, %get3A_37] : memref<128x64xf32, #tpu.memory_space<vmem>>, vector<128x64xf32>
    %dot_general3A_39 = arith.constant dense<0.000000e+00> : vector<2560x64xf32>
    %dot_general3A_40 = tpu.matmul %get3A_1, %get3A_38, %dot_general3A_39 {dimension_numbers = #tpu.dot_dimension_numbers<[1], [0], [0], [1], [0, 0, 1, 1], [], []>, transpose_lhs_hint = false} : vector<2560x128xf32>, vector<128x64xf32>, vector<2560x64xf32> -> vector<2560x64xf32>
    %add3A_41 = arith.addf %dot_general3A_35, %dot_general3A_40 : vector<2560x64xf32>
    %get3A_42 = arith.constant 0 : index
    %get3A_43 = arith.constant 0 : index
    %get3A_44 = vector.load %arg4[%get3A_42, %get3A_43] : memref<32x16xf32, #tpu.memory_space<vmem>>, vector<32x16xf32>
    %dot_general3A_45 = arith.constant dense<0.000000e+00> : vector<2560x16xf32>
    %dot_general3A_46 = tpu.matmul %dot_general3A_14, %get3A_44, %dot_general3A_45 {dimension_numbers = #tpu.dot_dimension_numbers<[1], [0], [0], [1], [0, 0, 1, 1], [], []>, transpose_lhs_hint = false} : vector<2560x32xf32>, vector<32x16xf32>, vector<2560x16xf32> -> vector<2560x16xf32>
    %get3A_47 = arith.constant 0 : index
    %get3A_48 = arith.constant 0 : index
    %get3A_49 = vector.load %arg4[%get3A_47, %get3A_48] : memref<32x16xf32, #tpu.memory_space<vmem>>, vector<32x16xf32>
    %dot_general3A_50 = arith.constant dense<0.000000e+00> : vector<2560x16xf32>
    %dot_general3A_51 = tpu.matmul %dot_general3A_19, %get3A_49, %dot_general3A_50 {dimension_numbers = #tpu.dot_dimension_numbers<[1], [0], [0], [1], [0, 0, 1, 1], [], []>, transpose_lhs_hint = false} : vector<2560x32xf32>, vector<32x16xf32>, vector<2560x16xf32> -> vector<2560x16xf32>
    %get3A_52 = arith.constant 0 : index
    %get3A_53 = arith.constant 0 : index
    %get3A_54 = vector.load %arg4[%get3A_52, %get3A_53] : memref<32x16xf32, #tpu.memory_space<vmem>>, vector<32x16xf32>
    %dot_general3A_55 = arith.constant dense<0.000000e+00> : vector<2560x16xf32>
    %dot_general3A_56 = tpu.matmul %dot_general3A_24, %get3A_54, %dot_general3A_55 {dimension_numbers = #tpu.dot_dimension_numbers<[1], [0], [0], [1], [0, 0, 1, 1], [], []>, transpose_lhs_hint = false} : vector<2560x32xf32>, vector<32x16xf32>, vector<2560x16xf32> -> vector<2560x16xf32>
    %get3A_57 = arith.constant 0 : index
    %get3A_58 = arith.constant 0 : index
    %get3A_59 = vector.load %arg7[%get3A_57, %get3A_58] : memref<64x16xf32, #tpu.memory_space<vmem>>, vector<64x16xf32>
    %dot_general3A_60 = arith.constant dense<0.000000e+00> : vector<2560x16xf32>
    %dot_general3A_61 = tpu.matmul %add3A_41, %get3A_59, %dot_general3A_60 {dimension_numbers = #tpu.dot_dimension_numbers<[1], [0], [0], [1], [0, 0, 1, 1], [], []>, transpose_lhs_hint = false} : vector<2560x64xf32>, vector<64x16xf32>, vector<2560x16xf32> -> vector<2560x16xf32>
    %get3A_62 = arith.constant 0 : index
    %get3A_63 = arith.constant 0 : index
    %get3A_64 = vector.load %arg8[%get3A_62, %get3A_63] : memref<1x16xf32, #tpu.memory_space<vmem>>, vector<1x16xf32>
    %add3A_65 = vector.broadcast %get3A_64 : vector<1x16xf32> to vector<2560x16xf32>
    %add3A_66 = arith.addf %dot_general3A_61, %add3A_65 : vector<2560x16xf32>
    %logistic3A = arith.negf %add3A_66 : vector<2560x16xf32>
    %logistic3A_67 = math.exp %logistic3A : vector<2560x16xf32>
    %logistic3A_68 = arith.constant 1.000000e+00 : f32
    %logistic3A_69 = vector.broadcast %logistic3A_68 : f32 to vector<2560x16xf32>
    %logistic3A_70 = arith.addf %logistic3A_69, %logistic3A_67 : vector<2560x16xf32>
    %logistic3A_71 = arith.divf %logistic3A_69, %logistic3A_70 : vector<2560x16xf32>
    %mul3A_72 = arith.mulf %logistic3A_71, %dot_general3A_46 : vector<2560x16xf32>
    %mul3A_73 = arith.mulf %logistic3A_71, %dot_general3A_51 : vector<2560x16xf32>
    %mul3A_74 = arith.mulf %logistic3A_71, %dot_general3A_56 : vector<2560x16xf32>
    %concatenate3A = tpu.concatenate %add3A_41, %mul3A_72, %mul3A_73, %mul3A_74 in 1 : vector<2560x64xf32>, vector<2560x16xf32>, vector<2560x16xf32>, vector<2560x16xf32> -> vector<2560x112xf32>
    %swap3A = arith.constant 0 : index
    %swap3A_75 = arith.constant 0 : index
    %swap3A_76 = vector.load %arg21[%swap3A, %swap3A_75] : memref<2560x112xf32, #tpu.memory_space<vmem>>, vector<2560x112xf32>
    tpu.vector_store %arg21[%swap3A, %swap3A_75], %concatenate3A {strides = array<i32>} : memref<2560x112xf32, #tpu.memory_space<vmem>>, vector<2560x112xf32>,
    %get3A_77 = arith.constant 0 : index
    %get3A_78 = arith.constant 0 : index
    %get3A_79 = vector.load %arg9[%get3A_77, %get3A_78] : memref<32x32xf32, #tpu.memory_space<vmem>>, vector<32x32xf32>
    %dot_general3A_80 = arith.constant dense<0.000000e+00> : vector<2560x32xf32>
    %dot_general3A_81 = tpu.matmul %get3A_4, %get3A_79, %dot_general3A_80 {dimension_numbers = #tpu.dot_dimension_numbers<[1], [0], [0], [1], [0, 0, 1, 1], [], []>, transpose_lhs_hint = false} : vector<2560x32xf32>, vector<32x32xf32>, vector<2560x32xf32> -> vector<2560x32xf32>
    %get3A_82 = arith.constant 0 : index
    %get3A_83 = arith.constant 0 : index
    %get3A_84 = vector.load %arg9[%get3A_82, %get3A_83] : memref<32x32xf32, #tpu.memory_space<vmem>>, vector<32x32xf32>
    %dot_general3A_85 = arith.constant dense<0.000000e+00> : vector<2560x32xf32>
    %dot_general3A_86 = tpu.matmul %get3A_7, %get3A_84, %dot_general3A_85 {dimension_numbers = #tpu.dot_dimension_numbers<[1], [0], [0], [1], [0, 0, 1, 1], [], []>, transpose_lhs_hint = false} : vector<2560x32xf32>, vector<32x32xf32>, vector<2560x32xf32> -> vector<2560x32xf32>
    %get3A_87 = arith.constant 0 : index
    %get3A_88 = arith.constant 0 : index
    %get3A_89 = vector.load %arg9[%get3A_87, %get3A_88] : memref<32x32xf32, #tpu.memory_space<vmem>>, vector<32x32xf32>
    %dot_general3A_90 = arith.constant dense<0.000000e+00> : vector<2560x32xf32>
    %dot_general3A_91 = tpu.matmul %get3A_10, %get3A_89, %dot_general3A_90 {dimension_numbers = #tpu.dot_dimension_numbers<[1], [0], [0], [1], [0, 0, 1, 1], [], []>, transpose_lhs_hint = false} : vector<2560x32xf32>, vector<32x32xf32>, vector<2560x32xf32> -> vector<2560x32xf32>
    %mul3A_92 = arith.mulf %dot_general3A_81, %dot_general3A_81 : vector<2560x32xf32>
    %mul3A_93 = arith.mulf %dot_general3A_86, %dot_general3A_86 : vector<2560x32xf32>
    %add3A_94 = arith.addf %mul3A_92, %mul3A_93 : vector<2560x32xf32>
    %mul3A_95 = arith.mulf %dot_general3A_91, %dot_general3A_91 : vector<2560x32xf32>
    %add3A_96 = arith.addf %add3A_94, %mul3A_95 : vector<2560x32xf32>
    %add3A_97 = arith.constant 9.99999996E-13 : f32
    %add3A_98 = vector.broadcast %add3A_97 : f32 to vector<2560x32xf32>
    %add3A_99 = arith.addf %add3A_96, %add3A_98 : vector<2560x32xf32>
    %sqrt3A_100 = math.sqrt %add3A_99 : vector<2560x32xf32>
    %get3A_101 = arith.constant 0 : index
    %get3A_102 = arith.constant 0 : index
    %get3A_103 = vector.load %arg11[%get3A_101, %get3A_102] : memref<32x64xf32, #tpu.memory_space<vmem>>, vector<32x64xf32>
    %dot_general3A_104 = arith.constant dense<0.000000e+00> : vector<2560x64xf32>
    %dot_general3A_105 = tpu.matmul %sqrt3A_100, %get3A_103, %dot_general3A_104 {dimension_numbers = #tpu.dot_dimension_numbers<[1], [0], [0], [1], [0, 0, 1, 1], [], []>, transpose_lhs_hint = false} : vector<2560x32xf32>, vector<32x64xf32>, vector<2560x64xf32> -> vector<2560x64xf32>
    %get3A_106 = arith.constant 0 : index
    %get3A_107 = arith.constant 0 : index
    %get3A_108 = vector.load %arg12[%get3A_106, %get3A_107] : memref<128x64xf32, #tpu.memory_space<vmem>>, vector<128x64xf32>
    %dot_general3A_109 = arith.constant dense<0.000000e+00> : vector<2560x64xf32>
    %dot_general3A_110 = tpu.matmul %get3A_1, %get3A_108, %dot_general3A_109 {dimension_numbers = #tpu.dot_dimension_numbers<[1], [0], [0], [1], [0, 0, 1, 1], [], []>, transpose_lhs_hint = false} : vector<2560x128xf32>, vector<128x64xf32>, vector<2560x64xf32> -> vector<2560x64xf32>
    %add3A_111 = arith.addf %dot_general3A_105, %dot_general3A_110 : vector<2560x64xf32>
    %get3A_112 = arith.constant 0 : index
    %get3A_113 = arith.constant 0 : index
    %get3A_114 = vector.load %arg10[%get3A_112, %get3A_113] : memref<32x16xf32, #tpu.memory_space<vmem>>, vector<32x16xf32>
    %dot_general3A_115 = arith.constant dense<0.000000e+00> : vector<2560x16xf32>
    %dot_general3A_116 = tpu.matmul %dot_general3A_81, %get3A_114, %dot_general3A_115 {dimension_numbers = #tpu.dot_dimension_numbers<[1], [0], [0], [1], [0, 0, 1, 1], [], []>, transpose_lhs_hint = false} : vector<2560x32xf32>, vector<32x16xf32>, vector<2560x16xf32> -> vector<2560x16xf32>
    %get3A_117 = arith.constant 0 : index
    %get3A_118 = arith.constant 0 : index
    %get3A_119 = vector.load %arg10[%get3A_117, %get3A_118] : memref<32x16xf32, #tpu.memory_space<vmem>>, vector<32x16xf32>
    %dot_general3A_120 = arith.constant dense<0.000000e+00> : vector<2560x16xf32>
    %dot_general3A_121 = tpu.matmul %dot_general3A_86, %get3A_119, %dot_general3A_120 {dimension_numbers = #tpu.dot_dimension_numbers<[1], [0], [0], [1], [0, 0, 1, 1], [], []>, transpose_lhs_hint = false} : vector<2560x32xf32>, vector<32x16xf32>, vector<2560x16xf32> -> vector<2560x16xf32>
    %get3A_122 = arith.constant 0 : index
    %get3A_123 = arith.constant 0 : index
    %get3A_124 = vector.load %arg10[%get3A_122, %get3A_123] : memref<32x16xf32, #tpu.memory_space<vmem>>, vector<32x16xf32>
    %dot_general3A_125 = arith.constant dense<0.000000e+00> : vector<2560x16xf32>
    %dot_general3A_126 = tpu.matmul %dot_general3A_91, %get3A_124, %dot_general3A_125 {dimension_numbers = #tpu.dot_dimension_numbers<[1], [0], [0], [1], [0, 0, 1, 1], [], []>, transpose_lhs_hint = false} : vector<2560x32xf32>, vector<32x16xf32>, vector<2560x16xf32> -> vector<2560x16xf32>
    %get3A_127 = arith.constant 0 : index
    %get3A_128 = arith.constant 0 : index
    %get3A_129 = vector.load %arg13[%get3A_127, %get3A_128] : memref<64x16xf32, #tpu.memory_space<vmem>>, vector<64x16xf32>
    %dot_general3A_130 = arith.constant dense<0.000000e+00> : vector<2560x16xf32>
    %dot_general3A_131 = tpu.matmul %add3A_111, %get3A_129, %dot_general3A_130 {dimension_numbers = #tpu.dot_dimension_numbers<[1], [0], [0], [1], [0, 0, 1, 1], [], []>, transpose_lhs_hint = false} : vector<2560x64xf32>, vector<64x16xf32>, vector<2560x16xf32> -> vector<2560x16xf32>
    %get3A_132 = arith.constant 0 : index
    %get3A_133 = arith.constant 0 : index
    %get3A_134 = vector.load %arg14[%get3A_132, %get3A_133] : memref<1x16xf32, #tpu.memory_space<vmem>>, vector<1x16xf32>
    %add3A_135 = vector.broadcast %get3A_134 : vector<1x16xf32> to vector<2560x16xf32>
    %add3A_136 = arith.addf %dot_general3A_131, %add3A_135 : vector<2560x16xf32>
    %logistic3A_137 = arith.negf %add3A_136 : vector<2560x16xf32>
    %logistic3A_138 = math.exp %logistic3A_137 : vector<2560x16xf32>
    %logistic3A_139 = arith.constant 1.000000e+00 : f32
    %logistic3A_140 = vector.broadcast %logistic3A_139 : f32 to vector<2560x16xf32>
    %logistic3A_141 = arith.addf %logistic3A_140, %logistic3A_138 : vector<2560x16xf32>
    %logistic3A_142 = arith.divf %logistic3A_140, %logistic3A_141 : vector<2560x16xf32>
    %mul3A_143 = arith.mulf %logistic3A_142, %dot_general3A_116 : vector<2560x16xf32>
    %mul3A_144 = arith.mulf %logistic3A_142, %dot_general3A_121 : vector<2560x16xf32>
    %mul3A_145 = arith.mulf %logistic3A_142, %dot_general3A_126 : vector<2560x16xf32>
    %concatenate3A_146 = tpu.concatenate %add3A_111, %mul3A_143, %mul3A_144, %mul3A_145 in 1 : vector<2560x64xf32>, vector<2560x16xf32>, vector<2560x16xf32>, vector<2560x16xf32> -> vector<2560x112xf32>
    %swap3A_147 = arith.constant 0 : index
    %swap3A_148 = arith.constant 0 : index
    %swap3A_149 = vector.load %arg22[%swap3A_147, %swap3A_148] : memref<2560x112xf32, #tpu.memory_space<vmem>>, vector<2560x112xf32>
    tpu.vector_store %arg22[%swap3A_147, %swap3A_148], %concatenate3A_146 {strides = array<i32>} : memref<2560x112xf32, #tpu.memory_space<vmem>>, vector<2560x112xf32>,
    %get3A_150 = arith.constant 0 : index
    %get3A_151 = arith.constant 0 : index
    %get3A_152 = vector.load %arg15[%get3A_150, %get3A_151] : memref<32x32xf32, #tpu.memory_space<vmem>>, vector<32x32xf32>
    %dot_general3A_153 = arith.constant dense<0.000000e+00> : vector<2560x32xf32>
    %dot_general3A_154 = tpu.matmul %get3A_4, %get3A_152, %dot_general3A_153 {dimension_numbers = #tpu.dot_dimension_numbers<[1], [0], [0], [1], [0, 0, 1, 1], [], []>, transpose_lhs_hint = false} : vector<2560x32xf32>, vector<32x32xf32>, vector<2560x32xf32> -> vector<2560x32xf32>
    %get3A_155 = arith.constant 0 : index
    %get3A_156 = arith.constant 0 : index
    %get3A_157 = vector.load %arg15[%get3A_155, %get3A_156] : memref<32x32xf32, #tpu.memory_space<vmem>>, vector<32x32xf32>
    %dot_general3A_158 = arith.constant dense<0.000000e+00> : vector<2560x32xf32>
    %dot_general3A_159 = tpu.matmul %get3A_7, %get3A_157, %dot_general3A_158 {dimension_numbers = #tpu.dot_dimension_numbers<[1], [0], [0], [1], [0, 0, 1, 1], [], []>, transpose_lhs_hint = false} : vector<2560x32xf32>, vector<32x32xf32>, vector<2560x32xf32> -> vector<2560x32xf32>
    %get3A_160 = arith.constant 0 : index
    %get3A_161 = arith.constant 0 : index
    %get3A_162 = vector.load %arg15[%get3A_160, %get3A_161] : memref<32x32xf32, #tpu.memory_space<vmem>>, vector<32x32xf32>
    %dot_general3A_163 = arith.constant dense<0.000000e+00> : vector<2560x32xf32>
    %dot_general3A_164 = tpu.matmul %get3A_10, %get3A_162, %dot_general3A_163 {dimension_numbers = #tpu.dot_dimension_numbers<[1], [0], [0], [1], [0, 0, 1, 1], [], []>, transpose_lhs_hint = false} : vector<2560x32xf32>, vector<32x32xf32>, vector<2560x32xf32> -> vector<2560x32xf32>
    %mul3A_165 = arith.mulf %dot_general3A_154, %dot_general3A_154 : vector<2560x32xf32>
    %mul3A_166 = arith.mulf %dot_general3A_159, %dot_general3A_159 : vector<2560x32xf32>
    %add3A_167 = arith.addf %mul3A_165, %mul3A_166 : vector<2560x32xf32>
    %mul3A_168 = arith.mulf %dot_general3A_164, %dot_general3A_164 : vector<2560x32xf32>
    %add3A_169 = arith.addf %add3A_167, %mul3A_168 : vector<2560x32xf32>
    %add3A_170 = arith.constant 9.99999996E-13 : f32
    %add3A_171 = vector.broadcast %add3A_170 : f32 to vector<2560x32xf32>
    %add3A_172 = arith.addf %add3A_169, %add3A_171 : vector<2560x32xf32>
    %sqrt3A_173 = math.sqrt %add3A_172 : vector<2560x32xf32>
    %get3A_174 = arith.constant 0 : index
    %get3A_175 = arith.constant 0 : index
    %get3A_176 = vector.load %arg17[%get3A_174, %get3A_175] : memref<32x128xf32, #tpu.memory_space<vmem>>, vector<32x128xf32>
    %dot_general3A_177 = arith.constant dense<0.000000e+00> : vector<2560x128xf32>
    %dot_general3A_178 = tpu.matmul %sqrt3A_173, %get3A_176, %dot_general3A_177 {dimension_numbers = #tpu.dot_dimension_numbers<[1], [0], [0], [1], [0, 0, 1, 1], [], []>, transpose_lhs_hint = false} : vector<2560x32xf32>, vector<32x128xf32>, vector<2560x128xf32> -> vector<2560x128xf32>
    %get3A_179 = arith.constant 0 : index
    %get3A_180 = arith.constant 0 : index
    %get3A_181 = vector.load %arg18[%get3A_179, %get3A_180] : memref<128x128xf32, #tpu.memory_space<vmem>>, vector<128x128xf32>
    %dot_general3A_182 = arith.constant dense<0.000000e+00> : vector<2560x128xf32>
    %dot_general3A_183 = tpu.matmul %get3A_1, %get3A_181, %dot_general3A_182 {dimension_numbers = #tpu.dot_dimension_numbers<[1], [0], [0], [1], [0, 0, 1, 1], [], []>, transpose_lhs_hint = false} : vector<2560x128xf32>, vector<128x128xf32>, vector<2560x128xf32> -> vector<2560x128xf32>
    %add3A_184 = arith.addf %dot_general3A_178, %dot_general3A_183 : vector<2560x128xf32>
    %get3A_185 = arith.constant 0 : index
    %get3A_186 = arith.constant 0 : index
    %get3A_187 = vector.load %arg16[%get3A_185, %get3A_186] : memref<32x32xf32, #tpu.memory_space<vmem>>, vector<32x32xf32>
    %dot_general3A_188 = arith.constant dense<0.000000e+00> : vector<2560x32xf32>
    %dot_general3A_189 = tpu.matmul %dot_general3A_154, %get3A_187, %dot_general3A_188 {dimension_numbers = #tpu.dot_dimension_numbers<[1], [0], [0], [1], [0, 0, 1, 1], [], []>, transpose_lhs_hint = false} : vector<2560x32xf32>, vector<32x32xf32>, vector<2560x32xf32> -> vector<2560x32xf32>
    %get3A_190 = arith.constant 0 : index
    %get3A_191 = arith.constant 0 : index
    %get3A_192 = vector.load %arg16[%get3A_190, %get3A_191] : memref<32x32xf32, #tpu.memory_space<vmem>>, vector<32x32xf32>
    %dot_general3A_193 = arith.constant dense<0.000000e+00> : vector<2560x32xf32>
    %dot_general3A_194 = tpu.matmul %dot_general3A_159, %get3A_192, %dot_general3A_193 {dimension_numbers = #tpu.dot_dimension_numbers<[1], [0], [0], [1], [0, 0, 1, 1], [], []>, transpose_lhs_hint = false} : vector<2560x32xf32>, vector<32x32xf32>, vector<2560x32xf32> -> vector<2560x32xf32>
    %get3A_195 = arith.constant 0 : index
    %get3A_196 = arith.constant 0 : index
    %get3A_197 = vector.load %arg16[%get3A_195, %get3A_196] : memref<32x32xf32, #tpu.memory_space<vmem>>, vector<32x32xf32>
    %dot_general3A_198 = arith.constant dense<0.000000e+00> : vector<2560x32xf32>
    %dot_general3A_199 = tpu.matmul %dot_general3A_164, %get3A_197, %dot_general3A_198 {dimension_numbers = #tpu.dot_dimension_numbers<[1], [0], [0], [1], [0, 0, 1, 1], [], []>, transpose_lhs_hint = false} : vector<2560x32xf32>, vector<32x32xf32>, vector<2560x32xf32> -> vector<2560x32xf32>
    %get3A_200 = arith.constant 0 : index
    %get3A_201 = arith.constant 0 : index
    %get3A_202 = vector.load %arg19[%get3A_200, %get3A_201] : memref<128x32xf32, #tpu.memory_space<vmem>>, vector<128x32xf32>
    %dot_general3A_203 = arith.constant dense<0.000000e+00> : vector<2560x32xf32>
    %dot_general3A_204 = tpu.matmul %add3A_184, %get3A_202, %dot_general3A_203 {dimension_numbers = #tpu.dot_dimension_numbers<[1], [0], [0], [1], [0, 0, 1, 1], [], []>, transpose_lhs_hint = false} : vector<2560x128xf32>, vector<128x32xf32>, vector<2560x32xf32> -> vector<2560x32xf32>
    %get3A_205 = arith.constant 0 : index
    %get3A_206 = arith.constant 0 : index
    %get3A_207 = vector.load %arg20[%get3A_205, %get3A_206] : memref<1x32xf32, #tpu.memory_space<vmem>>, vector<1x32xf32>
    %add3A_208 = vector.broadcast %get3A_207 : vector<1x32xf32> to vector<2560x32xf32>
    %add3A_209 = arith.addf %dot_general3A_204, %add3A_208 : vector<2560x32xf32>
    %logistic3A_210 = arith.negf %add3A_209 : vector<2560x32xf32>
    %logistic3A_211 = math.exp %logistic3A_210 : vector<2560x32xf32>
    %logistic3A_212 = arith.constant 1.000000e+00 : f32
    %logistic3A_213 = vector.broadcast %logistic3A_212 : f32 to vector<2560x32xf32>
    %logistic3A_214 = arith.addf %logistic3A_213, %logistic3A_211 : vector<2560x32xf32>
    %logistic3A_215 = arith.divf %logistic3A_213, %logistic3A_214 : vector<2560x32xf32>
    %mul3A_216 = arith.mulf %logistic3A_215, %dot_general3A_189 : vector<2560x32xf32>
    %mul3A_217 = arith.mulf %logistic3A_215, %dot_general3A_194 : vector<2560x32xf32>
    %mul3A_218 = arith.mulf %logistic3A_215, %dot_general3A_199 : vector<2560x32xf32>
    %concatenate3A_219 = tpu.concatenate %add3A_184, %mul3A_216, %mul3A_217, %mul3A_218 in 1 : vector<2560x128xf32>, vector<2560x32xf32>, vector<2560x32xf32>, vector<2560x32xf32> -> vector<2560x224xf32>
    %swap3A_220 = arith.constant 0 : index
    %swap3A_221 = arith.constant 0 : index
    %swap3A_222 = vector.load %arg23[%swap3A_220, %swap3A_221] : memref<2560x224xf32, #tpu.memory_space<vmem>>, vector<2560x224xf32>
    tpu.vector_store %arg23[%swap3A_220, %swap3A_221], %concatenate3A_219 {strides = array<i32>} : memref<2560x224xf32, #tpu.memory_space<vmem>>, vector<2560x224xf32>,
    return
  }
  func.func @transform_0(%arg0: i32) -> (i32, i32) {
    %c0_i32 = arith.constant 0 : i32
    %c0_i32_0 = arith.constant 0 : i32
    return %arg0, %c0_i32 : i32, i32
  }
  func.func @transform_1(%arg0: i32) -> (i32, i32) {
    %c0_i32 = arith.constant 0 : i32
    %c0_i32_0 = arith.constant 0 : i32
    return %arg0, %c0_i32 : i32, i32
  }
  func.func @transform_2(%arg0: i32) -> (i32, i32) {
    %c0_i32 = arith.constant 0 : i32
    %c0_i32_0 = arith.constant 0 : i32
    %c0_i32_1 = arith.constant 0 : i32
    return %c0_i32, %c0_i32_0 : i32, i32
  }
  func.func @transform_3(%arg0: i32) -> (i32, i32) {
    %c0_i32 = arith.constant 0 : i32
    %c0_i32_0 = arith.constant 0 : i32
    %c0_i32_1 = arith.constant 0 : i32
    return %c0_i32, %c0_i32_0 : i32, i32
  }
  func.func @transform_4(%arg0: i32) -> (i32, i32) {
    %c0_i32 = arith.constant 0 : i32
    %c0_i32_0 = arith.constant 0 : i32
    %c0_i32_1 = arith.constant 0 : i32
    return %c0_i32, %c0_i32_0 : i32, i32
  }
  func.func @transform_5(%arg0: i32) -> (i32, i32) {
    %c0_i32 = arith.constant 0 : i32
    %c0_i32_0 = arith.constant 0 : i32
    %c0_i32_1 = arith.constant 0 : i32
    return %c0_i32, %c0_i32_0 : i32, i32
  }
  func.func @transform_6(%arg0: i32) -> (i32, i32) {
    %c0_i32 = arith.constant 0 : i32
    %c0_i32_0 = arith.constant 0 : i32
    %c0_i32_1 = arith.constant 0 : i32
    return %c0_i32, %c0_i32_0 : i32, i32
  }
  func.func @transform_7(%arg0: i32) -> (i32, i32) {
    %c0_i32 = arith.constant 0 : i32
    %c0_i32_0 = arith.constant 0 : i32
    %c0_i32_1 = arith.constant 0 : i32
    return %c0_i32, %c0_i32_0 : i32, i32
  }
  func.func @transform_8(%arg0: i32) -> (i32, i32) {
    %c0_i32 = arith.constant 0 : i32
    %c0_i32_0 = arith.constant 0 : i32
    %c0_i32_1 = arith.constant 0 : i32
    return %c0_i32, %c0_i32_0 : i32, i32
  }
  func.func @transform_9(%arg0: i32) -> (i32, i32) {
    %c0_i32 = arith.constant 0 : i32
    %c0_i32_0 = arith.constant 0 : i32
    %c0_i32_1 = arith.constant 0 : i32
    return %c0_i32, %c0_i32_0 : i32, i32
  }
  func.func @transform_10(%arg0: i32) -> (i32, i32) {
    %c0_i32 = arith.constant 0 : i32
    %c0_i32_0 = arith.constant 0 : i32
    %c0_i32_1 = arith.constant 0 : i32
    return %c0_i32, %c0_i32_0 : i32, i32
  }
  func.func @transform_11(%arg0: i32) -> (i32, i32) {
    %c0_i32 = arith.constant 0 : i32
    %c0_i32_0 = arith.constant 0 : i32
    %c0_i32_1 = arith.constant 0 : i32
    return %c0_i32, %c0_i32_0 : i32, i32
  }
  func.func @transform_12(%arg0: i32) -> (i32, i32) {
    %c0_i32 = arith.constant 0 : i32
    %c0_i32_0 = arith.constant 0 : i32
    %c0_i32_1 = arith.constant 0 : i32
    return %c0_i32, %c0_i32_0 : i32, i32
  }
  func.func @transform_13(%arg0: i32) -> (i32, i32) {
    %c0_i32 = arith.constant 0 : i32
    %c0_i32_0 = arith.constant 0 : i32
    %c0_i32_1 = arith.constant 0 : i32
    return %c0_i32, %c0_i32_0 : i32, i32
  }
  func.func @transform_14(%arg0: i32) -> (i32, i32) {
    %c0_i32 = arith.constant 0 : i32
    %c0_i32_0 = arith.constant 0 : i32
    %c0_i32_1 = arith.constant 0 : i32
    return %c0_i32, %c0_i32_0 : i32, i32
  }
  func.func @transform_15(%arg0: i32) -> (i32, i32) {
    %c0_i32 = arith.constant 0 : i32
    %c0_i32_0 = arith.constant 0 : i32
    %c0_i32_1 = arith.constant 0 : i32
    return %c0_i32, %c0_i32_0 : i32, i32
  }
  func.func @transform_16(%arg0: i32) -> (i32, i32) {
    %c0_i32 = arith.constant 0 : i32
    %c0_i32_0 = arith.constant 0 : i32
    %c0_i32_1 = arith.constant 0 : i32
    return %c0_i32, %c0_i32_0 : i32, i32
  }
  func.func @transform_17(%arg0: i32) -> (i32, i32) {
    %c0_i32 = arith.constant 0 : i32
    %c0_i32_0 = arith.constant 0 : i32
    %c0_i32_1 = arith.constant 0 : i32
    return %c0_i32, %c0_i32_0 : i32, i32
  }
  func.func @transform_18(%arg0: i32) -> (i32, i32) {
    %c0_i32 = arith.constant 0 : i32
    %c0_i32_0 = arith.constant 0 : i32
    %c0_i32_1 = arith.constant 0 : i32
    return %c0_i32, %c0_i32_0 : i32, i32
  }
  func.func @transform_19(%arg0: i32) -> (i32, i32) {
    %c0_i32 = arith.constant 0 : i32
    %c0_i32_0 = arith.constant 0 : i32
    %c0_i32_1 = arith.constant 0 : i32
    return %c0_i32, %c0_i32_0 : i32, i32
  }
  func.func @transform_20(%arg0: i32) -> (i32, i32) {
    %c0_i32 = arith.constant 0 : i32
    %c0_i32_0 = arith.constant 0 : i32
    return %arg0, %c0_i32 : i32, i32
  }
  func.func @transform_21(%arg0: i32) -> (i32, i32) {
    %c0_i32 = arith.constant 0 : i32
    %c0_i32_0 = arith.constant 0 : i32
    return %arg0, %c0_i32 : i32, i32
  }
  func.func @transform_22(%arg0: i32) -> (i32, i32) {
    %c0_i32 = arith.constant 0 : i32
    %c0_i32_0 = arith.constant 0 : i32
    return %arg0, %c0_i32 : i32, i32
  }
}

module attributes {stable_mosaic.version = 14 : i64} {
  func.func @_logits_kernel(%arg0: i32, %arg1: memref<2560x3xf32, #tpu.memory_space<vmem>>, %arg2: memref<2560x8xf32, #tpu.memory_space<vmem>>, %arg3: memref<2560x112xf32, #tpu.memory_space<vmem>>, %arg4: memref<2560x112xf32, #tpu.memory_space<vmem>>, %arg5: memref<1x128xf32, #tpu.memory_space<vmem>>, %arg6: memref<1x1xf32, #tpu.memory_space<vmem>>, %arg7: memref<1x32xf32, #tpu.memory_space<vmem>>, %arg8: memref<1x16xf32, #tpu.memory_space<vmem>>, %arg9: memref<32x16xf32, #tpu.memory_space<vmem>>, %arg10: memref<128x16xf32, #tpu.memory_space<vmem>>, %arg11: memref<16x16xf32, #tpu.memory_space<vmem>>, %arg12: memref<1x16xf32, #tpu.memory_space<vmem>>, %arg13: memref<2560x32xf32, #tpu.memory_space<vmem>>) attributes {dimension_semantics = [#tpu.dimension_semantics<arbitrary>], iteration_bounds = array<i64: 250>, scalar_prefetch = 0 : i64, scratch_operands = 0 : i64, tpu.core_type = #tpu.core_type<tc>, window_params = [{transform_indices = @transform_0, window_bounds = array<i64: 2560, 3>}, {transform_indices = @transform_1, window_bounds = array<i64: 2560, 8>}, {transform_indices = @transform_2, window_bounds = array<i64: 2560, 112>}, {transform_indices = @transform_3, window_bounds = array<i64: 2560, 112>}, {pipeline_mode = #tpu.pipeline_mode<synchronous>, transform_indices = @transform_4, window_bounds = array<i64: 1, 128>}, {pipeline_mode = #tpu.pipeline_mode<synchronous>, transform_indices = @transform_5, window_bounds = array<i64: 1, 1>}, {pipeline_mode = #tpu.pipeline_mode<synchronous>, transform_indices = @transform_6, window_bounds = array<i64: 1, 32>}, {pipeline_mode = #tpu.pipeline_mode<synchronous>, transform_indices = @transform_7, window_bounds = array<i64: 1, 16>}, {pipeline_mode = #tpu.pipeline_mode<synchronous>, transform_indices = @transform_8, window_bounds = array<i64: 32, 16>}, {pipeline_mode = #tpu.pipeline_mode<synchronous>, transform_indices = @transform_9, window_bounds = array<i64: 128, 16>}, {pipeline_mode = #tpu.pipeline_mode<synchronous>, transform_indices = @transform_10, window_bounds = array<i64: 16, 16>}, {pipeline_mode = #tpu.pipeline_mode<synchronous>, transform_indices = @transform_11, window_bounds = array<i64: 1, 16>}, {transform_indices = @transform_12, window_bounds = array<i64: 2560, 32>}]} {
    %get3A = arith.constant 0 : index
    %get3A_0 = arith.constant 0 : index
    %get3A_1 = vector.load %arg1[%get3A, %get3A_0] : memref<2560x3xf32, #tpu.memory_space<vmem>>, vector<2560x1xf32>
    %get3A_2 = arith.constant 0 : index
    %get3A_3 = arith.constant 1 : index
    %get3A_4 = vector.load %arg1[%get3A_2, %get3A_3] : memref<2560x3xf32, #tpu.memory_space<vmem>>, vector<2560x1xf32>
    %get3A_5 = arith.constant 0 : index
    %get3A_6 = arith.constant 2 : index
    %get3A_7 = vector.load %arg1[%get3A_5, %get3A_6] : memref<2560x3xf32, #tpu.memory_space<vmem>>, vector<2560x1xf32>
    %mul3A = arith.mulf %get3A_1, %get3A_1 : vector<2560x1xf32>
    %mul3A_8 = arith.mulf %get3A_4, %get3A_4 : vector<2560x1xf32>
    %add3A = arith.addf %mul3A, %mul3A_8 : vector<2560x1xf32>
    %mul3A_9 = arith.mulf %get3A_7, %get3A_7 : vector<2560x1xf32>
    %add3A_10 = arith.addf %add3A, %mul3A_9 : vector<2560x1xf32>
    %add3A_11 = arith.constant 9.99999996E-13 : f32
    %add3A_12 = vector.broadcast %add3A_11 : f32 to vector<2560x1xf32>
    %add3A_13 = arith.addf %add3A_10, %add3A_12 : vector<2560x1xf32>
    %sqrt3A = math.sqrt %add3A_13 : vector<2560x1xf32>
    %add3A_14 = arith.constant 1.000000e-07 : f32
    %add3A_15 = vector.broadcast %add3A_14 : f32 to vector<2560x1xf32>
    %add3A_16 = arith.addf %sqrt3A, %add3A_15 : vector<2560x1xf32>
    %div3A = arith.constant 1.000000e+00 : f32
    %div3A_17 = vector.broadcast %div3A : f32 to vector<2560x1xf32>
    %div3A_18 = arith.divf %div3A_17, %add3A_16 : vector<2560x1xf32>
    %mul3A_19 = arith.mulf %add3A_10, %div3A_18 : vector<2560x1xf32>
    %mul3A_20 = arith.mulf %mul3A_19, %div3A_18 : vector<2560x1xf32>
    %get3A_21 = arith.constant 0 : index
    %get3A_22 = arith.constant 0 : index
    %get3A_23 = vector.load %arg6[%get3A_21, %get3A_22] : memref<1x1xf32, #tpu.memory_space<vmem>>, vector<1x1xf32>
    %get3A_24 = arith.constant 0 : index
    %get3A_25 = arith.constant 0 : index
    %get3A_26 = vector.load %arg5[%get3A_24, %get3A_25] : memref<1x128xf32, #tpu.memory_space<vmem>>, vector<1x128xf32>
    %sub3A = vector.broadcast %sqrt3A : vector<2560x1xf32> to vector<2560x128xf32>
    %sub3A_27 = vector.broadcast %get3A_26 : vector<1x128xf32> to vector<2560x128xf32>
    %sub3A_28 = arith.subf %sub3A, %sub3A_27 : vector<2560x128xf32>
    %mul3A_29 = vector.broadcast %get3A_23 : vector<1x1xf32> to vector<2560x128xf32>
    %mul3A_30 = arith.mulf %mul3A_29, %sub3A_28 : vector<2560x128xf32>
    %mul3A_31 = arith.mulf %mul3A_30, %sub3A_28 : vector<2560x128xf32>
    %exp3A = math.exp %mul3A_31 : vector<2560x128xf32>
    %iota3A = tpu.iota {dimensions = array<i32: 0>} : vector<8x128xi32>
    %iota3A_32 = tpu.iota {dimensions = array<i32: 1>} : vector<8x128xi32>
    %add3A_33 = arith.constant 125 : i32
    %add3A_34 = vector.broadcast %add3A_33 : i32 to vector<8x128xi32>
    %add3A_35 = arith.addi %iota3A, %add3A_34 : vector<8x128xi32>
    %eq3A = arith.cmpi eq, %iota3A_32, %add3A_35 : vector<8x128xi32>
    %jit3A = arith.constant 1.000000e+00 : f32
    %jit3A_36 = arith.constant 0.000000e+00 : f32
    %broadcast_in_dim3A = vector.broadcast %jit3A : f32 to vector<8x128xf32>
    %broadcast_in_dim3A_37 = vector.broadcast %jit3A_36 : f32 to vector<8x128xf32>
    %select_n3A = arith.select %eq3A, %broadcast_in_dim3A, %broadcast_in_dim3A_37 : vector<8x128xi1>, vector<8x128xf32>
    %get3A_38 = arith.constant 0 : index
    %get3A_39 = arith.constant 0 : index
    %get3A_40 = vector.load %arg2[%get3A_38, %get3A_39] : memref<2560x8xf32, #tpu.memory_space<vmem>>, vector<2560x8xf32>
    %dot_general3A = arith.constant dense<0.000000e+00> : vector<2560x128xf32>
    %dot_general3A_41 = tpu.matmul %get3A_40, %select_n3A, %dot_general3A {dimension_numbers = #tpu.dot_dimension_numbers<[1], [0], [0], [1], [0, 0, 1, 1], [], []>, transpose_lhs_hint = false} : vector<2560x8xf32>, vector<8x128xf32>, vector<2560x128xf32> -> vector<2560x128xf32>
    %iota3A_42 = tpu.iota {dimensions = array<i32: 1>} : vector<1x128xi32>
    %lt3A = arith.constant 125 : i32
    %lt3A_43 = vector.broadcast %lt3A : i32 to vector<1x128xi32>
    %lt3A_44 = arith.cmpi slt, %iota3A_42, %lt3A_43 : vector<1x128xi32>
    %broadcast_in_dim3A_45 = vector.shape_cast %lt3A_44 : vector<1x128xi1> to vector<1x128xi1>
    %broadcast_in_dim3A_46 = vector.broadcast %broadcast_in_dim3A_45 : vector<1x128xi1> to vector<2560x128xi1>
    %select_n3A_47 = arith.select %broadcast_in_dim3A_46, %exp3A, %dot_general3A_41 : vector<2560x128xi1>, vector<2560x128xf32>
    %get3A_48 = arith.constant 0 : index
    %get3A_49 = arith.constant 0 : index
    %get3A_50 = vector.load %arg7[%get3A_48, %get3A_49] : memref<1x32xf32, #tpu.memory_space<vmem>>, vector<1x32xf32>
    %mul3A_51 = vector.broadcast %mul3A_20 : vector<2560x1xf32> to vector<2560x32xf32>
    %mul3A_52 = vector.broadcast %get3A_50 : vector<1x32xf32> to vector<2560x32xf32>
    %mul3A_53 = arith.mulf %mul3A_51, %mul3A_52 : vector<2560x32xf32>
    %add3A_54 = arith.constant 9.99999996E-13 : f32
    %add3A_55 = vector.broadcast %add3A_54 : f32 to vector<2560x32xf32>
    %add3A_56 = arith.addf %mul3A_53, %add3A_55 : vector<2560x32xf32>
    %sqrt3A_57 = math.sqrt %add3A_56 : vector<2560x32xf32>
    %get3A_58 = arith.constant 0 : index
    %get3A_59 = arith.constant 0 : index
    %get3A_60 = vector.load %arg9[%get3A_58, %get3A_59] : memref<32x16xf32, #tpu.memory_space<vmem>>, vector<32x16xf32>
    %dot_general3A_61 = arith.constant dense<0.000000e+00> : vector<2560x16xf32>
    %dot_general3A_62 = tpu.matmul %sqrt3A_57, %get3A_60, %dot_general3A_61 {dimension_numbers = #tpu.dot_dimension_numbers<[1], [0], [0], [1], [0, 0, 1, 1], [], []>, transpose_lhs_hint = false} : vector<2560x32xf32>, vector<32x16xf32>, vector<2560x16xf32> -> vector<2560x16xf32>
    %get3A_63 = arith.constant 0 : index
    %get3A_64 = arith.constant 0 : index
    %get3A_65 = vector.load %arg10[%get3A_63, %get3A_64] : memref<128x16xf32, #tpu.memory_space<vmem>>, vector<128x16xf32>
    %dot_general3A_66 = arith.constant dense<0.000000e+00> : vector<2560x16xf32>
    %dot_general3A_67 = tpu.matmul %select_n3A_47, %get3A_65, %dot_general3A_66 {dimension_numbers = #tpu.dot_dimension_numbers<[1], [0], [0], [1], [0, 0, 1, 1], [], []>, transpose_lhs_hint = false} : vector<2560x128xf32>, vector<128x16xf32>, vector<2560x16xf32> -> vector<2560x16xf32>
    %add3A_68 = arith.addf %dot_general3A_62, %dot_general3A_67 : vector<2560x16xf32>
    %get3A_69 = arith.constant 0 : index
    %get3A_70 = arith.constant 0 : index
    %get3A_71 = vector.load %arg11[%get3A_69, %get3A_70] : memref<16x16xf32, #tpu.memory_space<vmem>>, vector<16x16xf32>
    %dot_general3A_72 = arith.constant dense<0.000000e+00> : vector<2560x16xf32>
    %dot_general3A_73 = tpu.matmul %add3A_68, %get3A_71, %dot_general3A_72 {dimension_numbers = #tpu.dot_dimension_numbers<[1], [0], [0], [1], [0, 0, 1, 1], [], []>, transpose_lhs_hint = false} : vector<2560x16xf32>, vector<16x16xf32>, vector<2560x16xf32> -> vector<2560x16xf32>
    %get3A_74 = arith.constant 0 : index
    %get3A_75 = arith.constant 0 : index
    %get3A_76 = vector.load %arg12[%get3A_74, %get3A_75] : memref<1x16xf32, #tpu.memory_space<vmem>>, vector<1x16xf32>
    %add3A_77 = vector.broadcast %get3A_76 : vector<1x16xf32> to vector<2560x16xf32>
    %add3A_78 = arith.addf %dot_general3A_73, %add3A_77 : vector<2560x16xf32>
    %logistic3A = arith.negf %add3A_78 : vector<2560x16xf32>
    %logistic3A_79 = math.exp %logistic3A : vector<2560x16xf32>
    %logistic3A_80 = arith.constant 1.000000e+00 : f32
    %logistic3A_81 = vector.broadcast %logistic3A_80 : f32 to vector<2560x16xf32>
    %logistic3A_82 = arith.addf %logistic3A_81, %logistic3A_79 : vector<2560x16xf32>
    %logistic3A_83 = arith.divf %logistic3A_81, %logistic3A_82 : vector<2560x16xf32>
    %mul3A_84 = arith.mulf %logistic3A_83, %logistic3A_83 : vector<2560x16xf32>
    %get3A_85 = arith.constant 0 : index
    %get3A_86 = arith.constant 0 : index
    %get3A_87 = vector.load %arg8[%get3A_85, %get3A_86] : memref<1x16xf32, #tpu.memory_space<vmem>>, vector<1x16xf32>
    %mul3A_88 = vector.broadcast %get3A_87 : vector<1x16xf32> to vector<2560x16xf32>
    %mul3A_89 = arith.mulf %mul3A_84, %mul3A_88 : vector<2560x16xf32>
    %mul3A_90 = vector.broadcast %mul3A_20 : vector<2560x1xf32> to vector<2560x16xf32>
    %mul3A_91 = arith.mulf %mul3A_89, %mul3A_90 : vector<2560x16xf32>
    %iota3A_92 = tpu.iota {dimensions = array<i32: 0>} : vector<64x16xi32>
    %iota3A_93 = tpu.iota {dimensions = array<i32: 1>} : vector<64x16xi32>
    %jit3A_94 = arith.constant 4 : i32
    %div3A_95 = vector.broadcast %jit3A_94 : i32 to vector<64x16xi32>
    %div3A_96 = arith.divsi %iota3A_92, %div3A_95 : vector<64x16xi32>
    %sign3A = arith.constant 0 : i32
    %sign3A_97 = vector.broadcast %sign3A : i32 to vector<64x16xi32>
    %sign3A_98 = arith.cmpi sgt, %iota3A_92, %sign3A_97 : vector<64x16xi32>
    %sign3A_99 = arith.extui %sign3A_98 : vector<64x16xi1> to vector<64x16xi32>
    %sign3A_100 = arith.constant 0 : i32
    %sign3A_101 = vector.broadcast %sign3A_100 : i32 to vector<64x16xi32>
    %sign3A_102 = arith.cmpi slt, %iota3A_92, %sign3A_101 : vector<64x16xi32>
    %sign3A_103 = arith.extui %sign3A_102 : vector<64x16xi1> to vector<64x16xi32>
    %sign3A_104 = arith.subi %sign3A_99, %sign3A_103 : vector<64x16xi32>
    %sign3A_105 = arith.constant 0 : i32
    %sign3A_106 = arith.cmpi sgt, %jit3A_94, %sign3A_105 : i32
    %sign3A_107 = arith.extui %sign3A_106 : i1 to i32
    %sign3A_108 = arith.constant 0 : i32
    %sign3A_109 = arith.cmpi slt, %jit3A_94, %sign3A_108 : i32
    %sign3A_110 = arith.extui %sign3A_109 : i1 to i32
    %sign3A_111 = arith.subi %sign3A_107, %sign3A_110 : i32
    %ne3A = vector.broadcast %sign3A_111 : i32 to vector<64x16xi32>
    %ne3A_112 = arith.cmpi ne, %sign3A_104, %ne3A : vector<64x16xi32>
    %rem3A = vector.broadcast %jit3A_94 : i32 to vector<64x16xi32>
    %rem3A_113 = arith.remsi %iota3A_92, %rem3A : vector<64x16xi32>
    %ne3A_114 = arith.constant 0 : i32
    %ne3A_115 = vector.broadcast %ne3A_114 : i32 to vector<64x16xi32>
    %ne3A_116 = arith.cmpi ne, %rem3A_113, %ne3A_115 : vector<64x16xi32>
    %and3A = arith.andi %ne3A_112, %ne3A_116 : vector<64x16xi1>
    %sub3A_117 = arith.constant 1 : i32
    %sub3A_118 = vector.broadcast %sub3A_117 : i32 to vector<64x16xi32>
    %sub3A_119 = arith.subi %div3A_96, %sub3A_118 : vector<64x16xi32>
    %select_n3A_120 = arith.select %and3A, %sub3A_119, %div3A_96 : vector<64x16xi1>, vector<64x16xi32>
    %eq3A_121 = arith.cmpi eq, %select_n3A_120, %iota3A_93 : vector<64x16xi32>
    %jit3A_122 = arith.constant 1.000000e+00 : f32
    %jit3A_123 = arith.constant 0.000000e+00 : f32
    %broadcast_in_dim3A_124 = vector.broadcast %jit3A_122 : f32 to vector<64x16xf32>
    %broadcast_in_dim3A_125 = vector.broadcast %jit3A_123 : f32 to vector<64x16xf32>
    %select_n3A_126 = arith.select %eq3A_121, %broadcast_in_dim3A_124, %broadcast_in_dim3A_125 : vector<64x16xi1>, vector<64x16xf32>
    %get3A_127 = arith.constant 0 : index
    %get3A_128 = arith.constant 0 : index
    %get3A_129 = vector.load %arg3[%get3A_127, %get3A_128] : memref<2560x112xf32, #tpu.memory_space<vmem>>, vector<2560x112xf32>
    %get3A_130 = arith.constant 0 : index
    %get3A_131 = arith.constant 0 : index
    %get3A_132 = vector.load %arg4[%get3A_130, %get3A_131] : memref<2560x112xf32, #tpu.memory_space<vmem>>, vector<2560x112xf32>
    %slice3A = vector.extract_strided_slice %get3A_129 {offsets = [0, 0], sizes = [2560, 64], strides = [1, 1]} : vector<2560x112xf32> to vector<2560x64xf32>
    %slice3A_133 = vector.extract_strided_slice %get3A_132 {offsets = [0, 0], sizes = [2560, 64], strides = [1, 1]} : vector<2560x112xf32> to vector<2560x64xf32>
    %mul3A_134 = arith.mulf %slice3A, %slice3A_133 : vector<2560x64xf32>
    %dot_general3A_135 = arith.constant dense<0.000000e+00> : vector<2560x16xf32>
    %dot_general3A_136 = tpu.matmul %mul3A_134, %select_n3A_126, %dot_general3A_135 {dimension_numbers = #tpu.dot_dimension_numbers<[1], [0], [0], [1], [0, 0, 1, 1], [], []>, transpose_lhs_hint = false} : vector<2560x64xf32>, vector<64x16xf32>, vector<2560x16xf32> -> vector<2560x16xf32>
    %slice3A_137 = vector.extract_strided_slice %get3A_129 {offsets = [0, 64], sizes = [2560, 48], strides = [1, 1]} : vector<2560x112xf32> to vector<2560x48xf32>
    %slice3A_138 = vector.extract_strided_slice %get3A_132 {offsets = [0, 64], sizes = [2560, 48], strides = [1, 1]} : vector<2560x112xf32> to vector<2560x48xf32>
    %mul3A_139 = arith.mulf %slice3A_137, %slice3A_138 : vector<2560x48xf32>
    %slice3A_140 = vector.extract_strided_slice %mul3A_139 {offsets = [0, 0], sizes = [2560, 16], strides = [1, 1]} : vector<2560x48xf32> to vector<2560x16xf32>
    %slice3A_141 = vector.extract_strided_slice %mul3A_139 {offsets = [0, 16], sizes = [2560, 16], strides = [1, 1]} : vector<2560x48xf32> to vector<2560x16xf32>
    %add3A_142 = arith.addf %slice3A_140, %slice3A_141 : vector<2560x16xf32>
    %slice3A_143 = vector.extract_strided_slice %mul3A_139 {offsets = [0, 32], sizes = [2560, 16], strides = [1, 1]} : vector<2560x48xf32> to vector<2560x16xf32>
    %add3A_144 = arith.addf %add3A_142, %slice3A_143 : vector<2560x16xf32>
    %add3A_145 = arith.addf %add3A_68, %dot_general3A_136 : vector<2560x16xf32>
    %add3A_146 = arith.addf %mul3A_91, %add3A_144 : vector<2560x16xf32>
    %concatenate3A = tpu.concatenate %add3A_145, %add3A_146 in 1 : vector<2560x16xf32>, vector<2560x16xf32> -> vector<2560x32xf32>
    %swap3A = arith.constant 0 : index
    %swap3A_147 = arith.constant 0 : index
    %swap3A_148 = vector.load %arg13[%swap3A, %swap3A_147] : memref<2560x32xf32, #tpu.memory_space<vmem>>, vector<2560x32xf32>
    tpu.vector_store %arg13[%swap3A, %swap3A_147], %concatenate3A {strides = array<i32>} : memref<2560x32xf32, #tpu.memory_space<vmem>>, vector<2560x32xf32>,
    return
  }
  func.func @transform_0(%arg0: i32) -> (i32, i32) {
    %c0_i32 = arith.constant 0 : i32
    %c0_i32_0 = arith.constant 0 : i32
    return %arg0, %c0_i32 : i32, i32
  }
  func.func @transform_1(%arg0: i32) -> (i32, i32) {
    %c0_i32 = arith.constant 0 : i32
    %c0_i32_0 = arith.constant 0 : i32
    return %arg0, %c0_i32 : i32, i32
  }
  func.func @transform_2(%arg0: i32) -> (i32, i32) {
    %c0_i32 = arith.constant 0 : i32
    %c0_i32_0 = arith.constant 0 : i32
    return %arg0, %c0_i32 : i32, i32
  }
  func.func @transform_3(%arg0: i32) -> (i32, i32) {
    %c0_i32 = arith.constant 0 : i32
    %c0_i32_0 = arith.constant 0 : i32
    return %arg0, %c0_i32 : i32, i32
  }
  func.func @transform_4(%arg0: i32) -> (i32, i32) {
    %c0_i32 = arith.constant 0 : i32
    %c0_i32_0 = arith.constant 0 : i32
    %c0_i32_1 = arith.constant 0 : i32
    return %c0_i32, %c0_i32_0 : i32, i32
  }
  func.func @transform_5(%arg0: i32) -> (i32, i32) {
    %c0_i32 = arith.constant 0 : i32
    %c0_i32_0 = arith.constant 0 : i32
    %c0_i32_1 = arith.constant 0 : i32
    return %c0_i32, %c0_i32_0 : i32, i32
  }
  func.func @transform_6(%arg0: i32) -> (i32, i32) {
    %c0_i32 = arith.constant 0 : i32
    %c0_i32_0 = arith.constant 0 : i32
    %c0_i32_1 = arith.constant 0 : i32
    return %c0_i32, %c0_i32_0 : i32, i32
  }
  func.func @transform_7(%arg0: i32) -> (i32, i32) {
    %c0_i32 = arith.constant 0 : i32
    %c0_i32_0 = arith.constant 0 : i32
    %c0_i32_1 = arith.constant 0 : i32
    return %c0_i32, %c0_i32_0 : i32, i32
  }
  func.func @transform_8(%arg0: i32) -> (i32, i32) {
    %c0_i32 = arith.constant 0 : i32
    %c0_i32_0 = arith.constant 0 : i32
    %c0_i32_1 = arith.constant 0 : i32
    return %c0_i32, %c0_i32_0 : i32, i32
  }
  func.func @transform_9(%arg0: i32) -> (i32, i32) {
    %c0_i32 = arith.constant 0 : i32
    %c0_i32_0 = arith.constant 0 : i32
    %c0_i32_1 = arith.constant 0 : i32
    return %c0_i32, %c0_i32_0 : i32, i32
  }
  func.func @transform_10(%arg0: i32) -> (i32, i32) {
    %c0_i32 = arith.constant 0 : i32
    %c0_i32_0 = arith.constant 0 : i32
    %c0_i32_1 = arith.constant 0 : i32
    return %c0_i32, %c0_i32_0 : i32, i32
  }
  func.func @transform_11(%arg0: i32) -> (i32, i32) {
    %c0_i32 = arith.constant 0 : i32
    %c0_i32_0 = arith.constant 0 : i32
    %c0_i32_1 = arith.constant 0 : i32
    return %c0_i32, %c0_i32_0 : i32, i32
  }
  func.func @transform_12(%arg0: i32) -> (i32, i32) {
    %c0_i32 = arith.constant 0 : i32
    %c0_i32_0 = arith.constant 0 : i32
    return %arg0, %c0_i32 : i32, i32
  }
}

module attributes {stable_mosaic.version = 14 : i64} {
  func.func @_weight_kernel(%arg0: i32, %arg1: memref<2560x32xf32, #tpu.memory_space<vmem>>, %arg2: memref<2560x32xf32, #tpu.memory_space<vmem>>, %arg3: memref<2560x224xf32, #tpu.memory_space<vmem>>, %arg4: memref<2560x256xf32, #tpu.memory_space<vmem>>) attributes {dimension_semantics = [#tpu.dimension_semantics<arbitrary>], iteration_bounds = array<i64: 250>, scalar_prefetch = 0 : i64, scratch_operands = 0 : i64, tpu.core_type = #tpu.core_type<tc>, window_params = [{transform_indices = @transform_0, window_bounds = array<i64: 2560, 32>}, {transform_indices = @transform_1, window_bounds = array<i64: 2560, 32>}, {transform_indices = @transform_2, window_bounds = array<i64: 2560, 224>}, {transform_indices = @transform_3, window_bounds = array<i64: 2560, 256>}]} {
    %get3A = arith.constant 0 : index
    %get3A_0 = arith.constant 0 : index
    %get3A_1 = vector.load %arg1[%get3A, %get3A_0] : memref<2560x32xf32, #tpu.memory_space<vmem>>, vector<2560x32xf32>
    %get3A_2 = arith.constant 0 : index
    %get3A_3 = arith.constant 0 : index
    %get3A_4 = vector.load %arg2[%get3A_2, %get3A_3] : memref<2560x32xf32, #tpu.memory_space<vmem>>, vector<2560x32xf32>
    %sub3A = arith.subf %get3A_1, %get3A_4 : vector<2560x32xf32>
    %exp3A = math.exp %sub3A : vector<2560x32xf32>
    %slice3A = vector.extract_strided_slice %exp3A {offsets = [0, 0], sizes = [2560, 16], strides = [1, 1]} : vector<2560x32xf32> to vector<2560x16xf32>
    %iota3A = tpu.iota {dimensions = array<i32: 0>} : vector<16x128xi32>
    %iota3A_5 = tpu.iota {dimensions = array<i32: 1>} : vector<16x128xi32>
    %jit3A = arith.constant 8 : i32
    %div3A = vector.broadcast %jit3A : i32 to vector<16x128xi32>
    %div3A_6 = arith.divsi %iota3A_5, %div3A : vector<16x128xi32>
    %sign3A = arith.constant 0 : i32
    %sign3A_7 = vector.broadcast %sign3A : i32 to vector<16x128xi32>
    %sign3A_8 = arith.cmpi sgt, %iota3A_5, %sign3A_7 : vector<16x128xi32>
    %sign3A_9 = arith.extui %sign3A_8 : vector<16x128xi1> to vector<16x128xi32>
    %sign3A_10 = arith.constant 0 : i32
    %sign3A_11 = vector.broadcast %sign3A_10 : i32 to vector<16x128xi32>
    %sign3A_12 = arith.cmpi slt, %iota3A_5, %sign3A_11 : vector<16x128xi32>
    %sign3A_13 = arith.extui %sign3A_12 : vector<16x128xi1> to vector<16x128xi32>
    %sign3A_14 = arith.subi %sign3A_9, %sign3A_13 : vector<16x128xi32>
    %sign3A_15 = arith.constant 0 : i32
    %sign3A_16 = arith.cmpi sgt, %jit3A, %sign3A_15 : i32
    %sign3A_17 = arith.extui %sign3A_16 : i1 to i32
    %sign3A_18 = arith.constant 0 : i32
    %sign3A_19 = arith.cmpi slt, %jit3A, %sign3A_18 : i32
    %sign3A_20 = arith.extui %sign3A_19 : i1 to i32
    %sign3A_21 = arith.subi %sign3A_17, %sign3A_20 : i32
    %ne3A = vector.broadcast %sign3A_21 : i32 to vector<16x128xi32>
    %ne3A_22 = arith.cmpi ne, %sign3A_14, %ne3A : vector<16x128xi32>
    %rem3A = vector.broadcast %jit3A : i32 to vector<16x128xi32>
    %rem3A_23 = arith.remsi %iota3A_5, %rem3A : vector<16x128xi32>
    %ne3A_24 = arith.constant 0 : i32
    %ne3A_25 = vector.broadcast %ne3A_24 : i32 to vector<16x128xi32>
    %ne3A_26 = arith.cmpi ne, %rem3A_23, %ne3A_25 : vector<16x128xi32>
    %and3A = arith.andi %ne3A_22, %ne3A_26 : vector<16x128xi1>
    %sub3A_27 = arith.constant 1 : i32
    %sub3A_28 = vector.broadcast %sub3A_27 : i32 to vector<16x128xi32>
    %sub3A_29 = arith.subi %div3A_6, %sub3A_28 : vector<16x128xi32>
    %select_n3A = arith.select %and3A, %sub3A_29, %div3A_6 : vector<16x128xi1>, vector<16x128xi32>
    %eq3A = arith.cmpi eq, %select_n3A, %iota3A : vector<16x128xi32>
    %jit3A_30 = arith.constant 1.000000e+00 : f32
    %jit3A_31 = arith.constant 0.000000e+00 : f32
    %broadcast_in_dim3A = vector.broadcast %jit3A_30 : f32 to vector<16x128xf32>
    %broadcast_in_dim3A_32 = vector.broadcast %jit3A_31 : f32 to vector<16x128xf32>
    %select_n3A_33 = arith.select %eq3A, %broadcast_in_dim3A, %broadcast_in_dim3A_32 : vector<16x128xi1>, vector<16x128xf32>
    %dot_general3A = arith.constant dense<0.000000e+00> : vector<2560x128xf32>
    %dot_general3A_34 = tpu.matmul %slice3A, %select_n3A_33, %dot_general3A {dimension_numbers = #tpu.dot_dimension_numbers<[1], [0], [0], [1], [0, 0, 1, 1], [], []>, transpose_lhs_hint = false} : vector<2560x16xf32>, vector<16x128xf32>, vector<2560x128xf32> -> vector<2560x128xf32>
    %slice3A_35 = vector.extract_strided_slice %exp3A {offsets = [0, 16], sizes = [2560, 16], strides = [1, 1]} : vector<2560x32xf32> to vector<2560x16xf32>
    %iota3A_36 = tpu.iota {dimensions = array<i32: 0>} : vector<16x32xi32>
    %iota3A_37 = tpu.iota {dimensions = array<i32: 1>} : vector<16x32xi32>
    %jit3A_38 = arith.constant 2 : i32
    %div3A_39 = vector.broadcast %jit3A_38 : i32 to vector<16x32xi32>
    %div3A_40 = arith.divsi %iota3A_37, %div3A_39 : vector<16x32xi32>
    %sign3A_41 = arith.constant 0 : i32
    %sign3A_42 = vector.broadcast %sign3A_41 : i32 to vector<16x32xi32>
    %sign3A_43 = arith.cmpi sgt, %iota3A_37, %sign3A_42 : vector<16x32xi32>
    %sign3A_44 = arith.extui %sign3A_43 : vector<16x32xi1> to vector<16x32xi32>
    %sign3A_45 = arith.constant 0 : i32
    %sign3A_46 = vector.broadcast %sign3A_45 : i32 to vector<16x32xi32>
    %sign3A_47 = arith.cmpi slt, %iota3A_37, %sign3A_46 : vector<16x32xi32>
    %sign3A_48 = arith.extui %sign3A_47 : vector<16x32xi1> to vector<16x32xi32>
    %sign3A_49 = arith.subi %sign3A_44, %sign3A_48 : vector<16x32xi32>
    %sign3A_50 = arith.constant 0 : i32
    %sign3A_51 = arith.cmpi sgt, %jit3A_38, %sign3A_50 : i32
    %sign3A_52 = arith.extui %sign3A_51 : i1 to i32
    %sign3A_53 = arith.constant 0 : i32
    %sign3A_54 = arith.cmpi slt, %jit3A_38, %sign3A_53 : i32
    %sign3A_55 = arith.extui %sign3A_54 : i1 to i32
    %sign3A_56 = arith.subi %sign3A_52, %sign3A_55 : i32
    %ne3A_57 = vector.broadcast %sign3A_56 : i32 to vector<16x32xi32>
    %ne3A_58 = arith.cmpi ne, %sign3A_49, %ne3A_57 : vector<16x32xi32>
    %rem3A_59 = vector.broadcast %jit3A_38 : i32 to vector<16x32xi32>
    %rem3A_60 = arith.remsi %iota3A_37, %rem3A_59 : vector<16x32xi32>
    %ne3A_61 = arith.constant 0 : i32
    %ne3A_62 = vector.broadcast %ne3A_61 : i32 to vector<16x32xi32>
    %ne3A_63 = arith.cmpi ne, %rem3A_60, %ne3A_62 : vector<16x32xi32>
    %and3A_64 = arith.andi %ne3A_58, %ne3A_63 : vector<16x32xi1>
    %sub3A_65 = arith.constant 1 : i32
    %sub3A_66 = vector.broadcast %sub3A_65 : i32 to vector<16x32xi32>
    %sub3A_67 = arith.subi %div3A_40, %sub3A_66 : vector<16x32xi32>
    %select_n3A_68 = arith.select %and3A_64, %sub3A_67, %div3A_40 : vector<16x32xi1>, vector<16x32xi32>
    %eq3A_69 = arith.cmpi eq, %select_n3A_68, %iota3A_36 : vector<16x32xi32>
    %jit3A_70 = arith.constant 1.000000e+00 : f32
    %jit3A_71 = arith.constant 0.000000e+00 : f32
    %broadcast_in_dim3A_72 = vector.broadcast %jit3A_70 : f32 to vector<16x32xf32>
    %broadcast_in_dim3A_73 = vector.broadcast %jit3A_71 : f32 to vector<16x32xf32>
    %select_n3A_74 = arith.select %eq3A_69, %broadcast_in_dim3A_72, %broadcast_in_dim3A_73 : vector<16x32xi1>, vector<16x32xf32>
    %dot_general3A_75 = arith.constant dense<0.000000e+00> : vector<2560x32xf32>
    %dot_general3A_76 = tpu.matmul %slice3A_35, %select_n3A_74, %dot_general3A_75 {dimension_numbers = #tpu.dot_dimension_numbers<[1], [0], [0], [1], [0, 0, 1, 1], [], []>, transpose_lhs_hint = false} : vector<2560x16xf32>, vector<16x32xf32>, vector<2560x32xf32> -> vector<2560x32xf32>
    %get3A_77 = arith.constant 0 : index
    %get3A_78 = arith.constant 0 : index
    %get3A_79 = vector.load %arg3[%get3A_77, %get3A_78] : memref<2560x224xf32, #tpu.memory_space<vmem>>, vector<2560x224xf32>
    %slice3A_80 = vector.extract_strided_slice %get3A_79 {offsets = [0, 0], sizes = [2560, 128], strides = [1, 1]} : vector<2560x224xf32> to vector<2560x128xf32>
    %mul3A = arith.mulf %dot_general3A_34, %slice3A_80 : vector<2560x128xf32>
    %slice3A_81 = vector.extract_strided_slice %get3A_79 {offsets = [0, 128], sizes = [2560, 32], strides = [1, 1]} : vector<2560x224xf32> to vector<2560x32xf32>
    %mul3A_82 = arith.mulf %dot_general3A_76, %slice3A_81 : vector<2560x32xf32>
    %slice3A_83 = vector.extract_strided_slice %get3A_79 {offsets = [0, 160], sizes = [2560, 32], strides = [1, 1]} : vector<2560x224xf32> to vector<2560x32xf32>
    %mul3A_84 = arith.mulf %dot_general3A_76, %slice3A_83 : vector<2560x32xf32>
    %slice3A_85 = vector.extract_strided_slice %get3A_79 {offsets = [0, 192], sizes = [2560, 32], strides = [1, 1]} : vector<2560x224xf32> to vector<2560x32xf32>
    %mul3A_86 = arith.mulf %dot_general3A_76, %slice3A_85 : vector<2560x32xf32>
    %concatenate3A = tpu.concatenate %exp3A, %mul3A, %mul3A_82, %mul3A_84, %mul3A_86 in 1 : vector<2560x32xf32>, vector<2560x128xf32>, vector<2560x32xf32>, vector<2560x32xf32>, vector<2560x32xf32> -> vector<2560x256xf32>
    %swap3A = arith.constant 0 : index
    %swap3A_87 = arith.constant 0 : index
    %swap3A_88 = vector.load %arg4[%swap3A, %swap3A_87] : memref<2560x256xf32, #tpu.memory_space<vmem>>, vector<2560x256xf32>
    tpu.vector_store %arg4[%swap3A, %swap3A_87], %concatenate3A {strides = array<i32>} : memref<2560x256xf32, #tpu.memory_space<vmem>>, vector<2560x256xf32>,
    return
  }
  func.func @transform_0(%arg0: i32) -> (i32, i32) {
    %c0_i32 = arith.constant 0 : i32
    %c0_i32_0 = arith.constant 0 : i32
    return %arg0, %c0_i32 : i32, i32
  }
  func.func @transform_1(%arg0: i32) -> (i32, i32) {
    %c0_i32 = arith.constant 0 : i32
    %c0_i32_0 = arith.constant 0 : i32
    return %arg0, %c0_i32 : i32, i32
  }
  func.func @transform_2(%arg0: i32) -> (i32, i32) {
    %c0_i32 = arith.constant 0 : i32
    %c0_i32_0 = arith.constant 0 : i32
    return %arg0, %c0_i32 : i32, i32
  }
  func.func @transform_3(%arg0: i32) -> (i32, i32) {
    %c0_i32 = arith.constant 0 : i32
    %c0_i32_0 = arith.constant 0 : i32
    return %arg0, %c0_i32 : i32, i32
  }
}

module attributes {stable_mosaic.version = 14 : i64} {
  func.func @_final_kernel(%arg0: i32, %arg1: memref<2560x128xf32, #tpu.memory_space<vmem>>, %arg2: memref<2560x96xf32, #tpu.memory_space<vmem>>, %arg3: memref<2560x256xf32, #tpu.memory_space<vmem>>, %arg4: memref<1x128xf32, #tpu.memory_space<vmem>>, %arg5: memref<1x128xf32, #tpu.memory_space<vmem>>, %arg6: memref<1x96xf32, #tpu.memory_space<vmem>>, %arg7: memref<1x96xf32, #tpu.memory_space<vmem>>, %arg8: memref<2560x128xf32, #tpu.memory_space<vmem>>, %arg9: memref<2560x96xf32, #tpu.memory_space<vmem>>) attributes {dimension_semantics = [#tpu.dimension_semantics<arbitrary>], iteration_bounds = array<i64: 125>, scalar_prefetch = 0 : i64, scratch_operands = 0 : i64, tpu.core_type = #tpu.core_type<tc>, window_params = [{transform_indices = @transform_0, window_bounds = array<i64: 2560, 128>}, {transform_indices = @transform_1, window_bounds = array<i64: 2560, 96>}, {transform_indices = @transform_2, window_bounds = array<i64: 2560, 256>}, {pipeline_mode = #tpu.pipeline_mode<synchronous>, transform_indices = @transform_3, window_bounds = array<i64: 1, 128>}, {pipeline_mode = #tpu.pipeline_mode<synchronous>, transform_indices = @transform_4, window_bounds = array<i64: 1, 128>}, {pipeline_mode = #tpu.pipeline_mode<synchronous>, transform_indices = @transform_5, window_bounds = array<i64: 1, 96>}, {pipeline_mode = #tpu.pipeline_mode<synchronous>, transform_indices = @transform_6, window_bounds = array<i64: 1, 96>}, {transform_indices = @transform_7, window_bounds = array<i64: 2560, 128>}, {transform_indices = @transform_8, window_bounds = array<i64: 2560, 96>}]} {
    %get3A = arith.constant 0 : index
    %get3A_0 = arith.constant 0 : index
    %get3A_1 = vector.load %arg3[%get3A, %get3A_0] : memref<2560x256xf32, #tpu.memory_space<vmem>>, vector<2560x256xf32>
    %slice3A = vector.extract_strided_slice %get3A_1 {offsets = [0, 0], sizes = [2560, 16], strides = [1, 1]} : vector<2560x256xf32> to vector<2560x16xf32>
    %iota3A = tpu.iota {dimensions = array<i32: 0>} : vector<16x128xi32>
    %iota3A_2 = tpu.iota {dimensions = array<i32: 1>} : vector<16x128xi32>
    %jit3A = arith.constant 8 : i32
    %div3A = vector.broadcast %jit3A : i32 to vector<16x128xi32>
    %div3A_3 = arith.divsi %iota3A_2, %div3A : vector<16x128xi32>
    %sign3A = arith.constant 0 : i32
    %sign3A_4 = vector.broadcast %sign3A : i32 to vector<16x128xi32>
    %sign3A_5 = arith.cmpi sgt, %iota3A_2, %sign3A_4 : vector<16x128xi32>
    %sign3A_6 = arith.extui %sign3A_5 : vector<16x128xi1> to vector<16x128xi32>
    %sign3A_7 = arith.constant 0 : i32
    %sign3A_8 = vector.broadcast %sign3A_7 : i32 to vector<16x128xi32>
    %sign3A_9 = arith.cmpi slt, %iota3A_2, %sign3A_8 : vector<16x128xi32>
    %sign3A_10 = arith.extui %sign3A_9 : vector<16x128xi1> to vector<16x128xi32>
    %sign3A_11 = arith.subi %sign3A_6, %sign3A_10 : vector<16x128xi32>
    %sign3A_12 = arith.constant 0 : i32
    %sign3A_13 = arith.cmpi sgt, %jit3A, %sign3A_12 : i32
    %sign3A_14 = arith.extui %sign3A_13 : i1 to i32
    %sign3A_15 = arith.constant 0 : i32
    %sign3A_16 = arith.cmpi slt, %jit3A, %sign3A_15 : i32
    %sign3A_17 = arith.extui %sign3A_16 : i1 to i32
    %sign3A_18 = arith.subi %sign3A_14, %sign3A_17 : i32
    %ne3A = vector.broadcast %sign3A_18 : i32 to vector<16x128xi32>
    %ne3A_19 = arith.cmpi ne, %sign3A_11, %ne3A : vector<16x128xi32>
    %rem3A = vector.broadcast %jit3A : i32 to vector<16x128xi32>
    %rem3A_20 = arith.remsi %iota3A_2, %rem3A : vector<16x128xi32>
    %ne3A_21 = arith.constant 0 : i32
    %ne3A_22 = vector.broadcast %ne3A_21 : i32 to vector<16x128xi32>
    %ne3A_23 = arith.cmpi ne, %rem3A_20, %ne3A_22 : vector<16x128xi32>
    %and3A = arith.andi %ne3A_19, %ne3A_23 : vector<16x128xi1>
    %sub3A = arith.constant 1 : i32
    %sub3A_24 = vector.broadcast %sub3A : i32 to vector<16x128xi32>
    %sub3A_25 = arith.subi %div3A_3, %sub3A_24 : vector<16x128xi32>
    %select_n3A = arith.select %and3A, %sub3A_25, %div3A_3 : vector<16x128xi1>, vector<16x128xi32>
    %eq3A = arith.cmpi eq, %select_n3A, %iota3A : vector<16x128xi32>
    %jit3A_26 = arith.constant 1.000000e+00 : f32
    %jit3A_27 = arith.constant 0.000000e+00 : f32
    %broadcast_in_dim3A = vector.broadcast %jit3A_26 : f32 to vector<16x128xf32>
    %broadcast_in_dim3A_28 = vector.broadcast %jit3A_27 : f32 to vector<16x128xf32>
    %select_n3A_29 = arith.select %eq3A, %broadcast_in_dim3A, %broadcast_in_dim3A_28 : vector<16x128xi1>, vector<16x128xf32>
    %dot_general3A = arith.constant dense<0.000000e+00> : vector<2560x128xf32>
    %dot_general3A_30 = tpu.matmul %slice3A, %select_n3A_29, %dot_general3A {dimension_numbers = #tpu.dot_dimension_numbers<[1], [0], [0], [1], [0, 0, 1, 1], [], []>, transpose_lhs_hint = false} : vector<2560x16xf32>, vector<16x128xf32>, vector<2560x128xf32> -> vector<2560x128xf32>
    %add3A = arith.constant 1.000000e-16 : f32
    %add3A_31 = vector.broadcast %add3A : f32 to vector<2560x128xf32>
    %add3A_32 = arith.addf %dot_general3A_30, %add3A_31 : vector<2560x128xf32>
    %slice3A_33 = vector.extract_strided_slice %get3A_1 {offsets = [0, 16], sizes = [2560, 16], strides = [1, 1]} : vector<2560x256xf32> to vector<2560x16xf32>
    %iota3A_34 = tpu.iota {dimensions = array<i32: 0>} : vector<16x32xi32>
    %iota3A_35 = tpu.iota {dimensions = array<i32: 1>} : vector<16x32xi32>
    %jit3A_36 = arith.constant 2 : i32
    %div3A_37 = vector.broadcast %jit3A_36 : i32 to vector<16x32xi32>
    %div3A_38 = arith.divsi %iota3A_35, %div3A_37 : vector<16x32xi32>
    %sign3A_39 = arith.constant 0 : i32
    %sign3A_40 = vector.broadcast %sign3A_39 : i32 to vector<16x32xi32>
    %sign3A_41 = arith.cmpi sgt, %iota3A_35, %sign3A_40 : vector<16x32xi32>
    %sign3A_42 = arith.extui %sign3A_41 : vector<16x32xi1> to vector<16x32xi32>
    %sign3A_43 = arith.constant 0 : i32
    %sign3A_44 = vector.broadcast %sign3A_43 : i32 to vector<16x32xi32>
    %sign3A_45 = arith.cmpi slt, %iota3A_35, %sign3A_44 : vector<16x32xi32>
    %sign3A_46 = arith.extui %sign3A_45 : vector<16x32xi1> to vector<16x32xi32>
    %sign3A_47 = arith.subi %sign3A_42, %sign3A_46 : vector<16x32xi32>
    %sign3A_48 = arith.constant 0 : i32
    %sign3A_49 = arith.cmpi sgt, %jit3A_36, %sign3A_48 : i32
    %sign3A_50 = arith.extui %sign3A_49 : i1 to i32
    %sign3A_51 = arith.constant 0 : i32
    %sign3A_52 = arith.cmpi slt, %jit3A_36, %sign3A_51 : i32
    %sign3A_53 = arith.extui %sign3A_52 : i1 to i32
    %sign3A_54 = arith.subi %sign3A_50, %sign3A_53 : i32
    %ne3A_55 = vector.broadcast %sign3A_54 : i32 to vector<16x32xi32>
    %ne3A_56 = arith.cmpi ne, %sign3A_47, %ne3A_55 : vector<16x32xi32>
    %rem3A_57 = vector.broadcast %jit3A_36 : i32 to vector<16x32xi32>
    %rem3A_58 = arith.remsi %iota3A_35, %rem3A_57 : vector<16x32xi32>
    %ne3A_59 = arith.constant 0 : i32
    %ne3A_60 = vector.broadcast %ne3A_59 : i32 to vector<16x32xi32>
    %ne3A_61 = arith.cmpi ne, %rem3A_58, %ne3A_60 : vector<16x32xi32>
    %and3A_62 = arith.andi %ne3A_56, %ne3A_61 : vector<16x32xi1>
    %sub3A_63 = arith.constant 1 : i32
    %sub3A_64 = vector.broadcast %sub3A_63 : i32 to vector<16x32xi32>
    %sub3A_65 = arith.subi %div3A_38, %sub3A_64 : vector<16x32xi32>
    %select_n3A_66 = arith.select %and3A_62, %sub3A_65, %div3A_38 : vector<16x32xi1>, vector<16x32xi32>
    %eq3A_67 = arith.cmpi eq, %select_n3A_66, %iota3A_34 : vector<16x32xi32>
    %jit3A_68 = arith.constant 1.000000e+00 : f32
    %jit3A_69 = arith.constant 0.000000e+00 : f32
    %broadcast_in_dim3A_70 = vector.broadcast %jit3A_68 : f32 to vector<16x32xf32>
    %broadcast_in_dim3A_71 = vector.broadcast %jit3A_69 : f32 to vector<16x32xf32>
    %select_n3A_72 = arith.select %eq3A_67, %broadcast_in_dim3A_70, %broadcast_in_dim3A_71 : vector<16x32xi1>, vector<16x32xf32>
    %dot_general3A_73 = arith.constant dense<0.000000e+00> : vector<2560x32xf32>
    %dot_general3A_74 = tpu.matmul %slice3A_33, %select_n3A_72, %dot_general3A_73 {dimension_numbers = #tpu.dot_dimension_numbers<[1], [0], [0], [1], [0, 0, 1, 1], [], []>, transpose_lhs_hint = false} : vector<2560x16xf32>, vector<16x32xf32>, vector<2560x32xf32> -> vector<2560x32xf32>
    %add3A_75 = arith.constant 1.000000e-16 : f32
    %add3A_76 = vector.broadcast %add3A_75 : f32 to vector<2560x32xf32>
    %add3A_77 = arith.addf %dot_general3A_74, %add3A_76 : vector<2560x32xf32>
    %get3A_78 = arith.constant 0 : index
    %get3A_79 = arith.constant 0 : index
    %get3A_80 = vector.load %arg1[%get3A_78, %get3A_79] : memref<2560x128xf32, #tpu.memory_space<vmem>>, vector<2560x128xf32>
    %slice3A_81 = vector.extract_strided_slice %get3A_1 {offsets = [0, 32], sizes = [2560, 128], strides = [1, 1]} : vector<2560x256xf32> to vector<2560x128xf32>
    %div3A_82 = arith.divf %slice3A_81, %add3A_32 : vector<2560x128xf32>
    %add3A_83 = arith.addf %get3A_80, %div3A_82 : vector<2560x128xf32>
    %reduce_sum3A = arith.constant dense<0.000000e+00> : vector<2560xf32>
    %reduce_sum3A_84 = vector.multi_reduction <add>, %add3A_83, %reduce_sum3A [1] : vector<2560x128xf32> to vector<2560xf32>
    %broadcast_in_dim3A_85 = vector.shape_cast %reduce_sum3A_84 : vector<2560xf32> to vector<2560x1xf32>
    %div3A_86 = arith.constant 1.280000e+02 : f32
    %div3A_87 = vector.broadcast %div3A_86 : f32 to vector<2560x1xf32>
    %div3A_88 = arith.divf %broadcast_in_dim3A_85, %div3A_87 : vector<2560x1xf32>
    %sub3A_89 = vector.broadcast %div3A_88 : vector<2560x1xf32> to vector<2560x128xf32>
    %sub3A_90 = arith.subf %add3A_83, %sub3A_89 : vector<2560x128xf32>
    %integer_pow3A = arith.mulf %sub3A_90, %sub3A_90 : vector<2560x128xf32>
    %reduce_sum3A_91 = arith.constant dense<0.000000e+00> : vector<2560xf32>
    %reduce_sum3A_92 = vector.multi_reduction <add>, %integer_pow3A, %reduce_sum3A_91 [1] : vector<2560x128xf32> to vector<2560xf32>
    %broadcast_in_dim3A_93 = vector.shape_cast %reduce_sum3A_92 : vector<2560xf32> to vector<2560x1xf32>
    %div3A_94 = arith.constant 1.280000e+02 : f32
    %div3A_95 = vector.broadcast %div3A_94 : f32 to vector<2560x1xf32>
    %div3A_96 = arith.divf %broadcast_in_dim3A_93, %div3A_95 : vector<2560x1xf32>
    %sub3A_97 = vector.broadcast %div3A_88 : vector<2560x1xf32> to vector<2560x128xf32>
    %sub3A_98 = arith.subf %add3A_83, %sub3A_97 : vector<2560x128xf32>
    %add3A_99 = arith.constant 9.99999974E-6 : f32
    %add3A_100 = vector.broadcast %add3A_99 : f32 to vector<2560x1xf32>
    %add3A_101 = arith.addf %div3A_96, %add3A_100 : vector<2560x1xf32>
    %sqrt3A = math.sqrt %add3A_101 : vector<2560x1xf32>
    %div3A_102 = vector.broadcast %sqrt3A : vector<2560x1xf32> to vector<2560x128xf32>
    %div3A_103 = arith.divf %sub3A_98, %div3A_102 : vector<2560x128xf32>
    %get3A_104 = arith.constant 0 : index
    %get3A_105 = arith.constant 0 : index
    %get3A_106 = vector.load %arg4[%get3A_104, %get3A_105] : memref<1x128xf32, #tpu.memory_space<vmem>>, vector<1x128xf32>
    %mul3A = vector.broadcast %get3A_106 : vector<1x128xf32> to vector<2560x128xf32>
    %mul3A_107 = arith.mulf %div3A_103, %mul3A : vector<2560x128xf32>
    %get3A_108 = arith.constant 0 : index
    %get3A_109 = arith.constant 0 : index
    %get3A_110 = vector.load %arg5[%get3A_108, %get3A_109] : memref<1x128xf32, #tpu.memory_space<vmem>>, vector<1x128xf32>
    %add3A_111 = vector.broadcast %get3A_110 : vector<1x128xf32> to vector<2560x128xf32>
    %add3A_112 = arith.addf %mul3A_107, %add3A_111 : vector<2560x128xf32>
    %swap3A = arith.constant 0 : index
    %swap3A_113 = arith.constant 0 : index
    %swap3A_114 = vector.load %arg8[%swap3A, %swap3A_113] : memref<2560x128xf32, #tpu.memory_space<vmem>>, vector<2560x128xf32>
    tpu.vector_store %arg8[%swap3A, %swap3A_113], %add3A_112 {strides = array<i32>} : memref<2560x128xf32, #tpu.memory_space<vmem>>, vector<2560x128xf32>,
    %get3A_115 = arith.constant 0 : index
    %get3A_116 = arith.constant 0 : index
    %get3A_117 = vector.load %arg2[%get3A_115, %get3A_116] : memref<2560x96xf32, #tpu.memory_space<vmem>>, vector<2560x96xf32>
    %slice3A_118 = vector.extract_strided_slice %get3A_1 {offsets = [0, 160], sizes = [2560, 32], strides = [1, 1]} : vector<2560x256xf32> to vector<2560x32xf32>
    %div3A_119 = arith.divf %slice3A_118, %add3A_77 : vector<2560x32xf32>
    %slice3A_120 = vector.extract_strided_slice %get3A_1 {offsets = [0, 192], sizes = [2560, 32], strides = [1, 1]} : vector<2560x256xf32> to vector<2560x32xf32>
    %div3A_121 = arith.divf %slice3A_120, %add3A_77 : vector<2560x32xf32>
    %slice3A_122 = vector.extract_strided_slice %get3A_1 {offsets = [0, 224], sizes = [2560, 32], strides = [1, 1]} : vector<2560x256xf32> to vector<2560x32xf32>
    %div3A_123 = arith.divf %slice3A_122, %add3A_77 : vector<2560x32xf32>
    %concatenate3A = tpu.concatenate %div3A_119, %div3A_121, %div3A_123 in 1 : vector<2560x32xf32>, vector<2560x32xf32>, vector<2560x32xf32> -> vector<2560x96xf32>
    %add3A_124 = arith.addf %get3A_117, %concatenate3A : vector<2560x96xf32>
    %reduce_sum3A_125 = arith.constant dense<0.000000e+00> : vector<2560xf32>
    %reduce_sum3A_126 = vector.multi_reduction <add>, %add3A_124, %reduce_sum3A_125 [1] : vector<2560x96xf32> to vector<2560xf32>
    %broadcast_in_dim3A_127 = vector.shape_cast %reduce_sum3A_126 : vector<2560xf32> to vector<2560x1xf32>
    %div3A_128 = arith.constant 9.600000e+01 : f32
    %div3A_129 = vector.broadcast %div3A_128 : f32 to vector<2560x1xf32>
    %div3A_130 = arith.divf %broadcast_in_dim3A_127, %div3A_129 : vector<2560x1xf32>
    %sub3A_131 = vector.broadcast %div3A_130 : vector<2560x1xf32> to vector<2560x96xf32>
    %sub3A_132 = arith.subf %add3A_124, %sub3A_131 : vector<2560x96xf32>
    %integer_pow3A_133 = arith.mulf %sub3A_132, %sub3A_132 : vector<2560x96xf32>
    %reduce_sum3A_134 = arith.constant dense<0.000000e+00> : vector<2560xf32>
    %reduce_sum3A_135 = vector.multi_reduction <add>, %integer_pow3A_133, %reduce_sum3A_134 [1] : vector<2560x96xf32> to vector<2560xf32>
    %broadcast_in_dim3A_136 = vector.shape_cast %reduce_sum3A_135 : vector<2560xf32> to vector<2560x1xf32>
    %div3A_137 = arith.constant 9.600000e+01 : f32
    %div3A_138 = vector.broadcast %div3A_137 : f32 to vector<2560x1xf32>
    %div3A_139 = arith.divf %broadcast_in_dim3A_136, %div3A_138 : vector<2560x1xf32>
    %sub3A_140 = vector.broadcast %div3A_130 : vector<2560x1xf32> to vector<2560x96xf32>
    %sub3A_141 = arith.subf %add3A_124, %sub3A_140 : vector<2560x96xf32>
    %add3A_142 = arith.constant 9.99999974E-6 : f32
    %add3A_143 = vector.broadcast %add3A_142 : f32 to vector<2560x1xf32>
    %add3A_144 = arith.addf %div3A_139, %add3A_143 : vector<2560x1xf32>
    %sqrt3A_145 = math.sqrt %add3A_144 : vector<2560x1xf32>
    %div3A_146 = vector.broadcast %sqrt3A_145 : vector<2560x1xf32> to vector<2560x96xf32>
    %div3A_147 = arith.divf %sub3A_141, %div3A_146 : vector<2560x96xf32>
    %get3A_148 = arith.constant 0 : index
    %get3A_149 = arith.constant 0 : index
    %get3A_150 = vector.load %arg6[%get3A_148, %get3A_149] : memref<1x96xf32, #tpu.memory_space<vmem>>, vector<1x96xf32>
    %mul3A_151 = vector.broadcast %get3A_150 : vector<1x96xf32> to vector<2560x96xf32>
    %mul3A_152 = arith.mulf %div3A_147, %mul3A_151 : vector<2560x96xf32>
    %get3A_153 = arith.constant 0 : index
    %get3A_154 = arith.constant 0 : index
    %get3A_155 = vector.load %arg7[%get3A_153, %get3A_154] : memref<1x96xf32, #tpu.memory_space<vmem>>, vector<1x96xf32>
    %add3A_156 = vector.broadcast %get3A_155 : vector<1x96xf32> to vector<2560x96xf32>
    %add3A_157 = arith.addf %mul3A_152, %add3A_156 : vector<2560x96xf32>
    %swap3A_158 = arith.constant 0 : index
    %swap3A_159 = arith.constant 0 : index
    %swap3A_160 = vector.load %arg9[%swap3A_158, %swap3A_159] : memref<2560x96xf32, #tpu.memory_space<vmem>>, vector<2560x96xf32>
    tpu.vector_store %arg9[%swap3A_158, %swap3A_159], %add3A_157 {strides = array<i32>} : memref<2560x96xf32, #tpu.memory_space<vmem>>, vector<2560x96xf32>,
    return
  }
  func.func @transform_0(%arg0: i32) -> (i32, i32) {
    %c0_i32 = arith.constant 0 : i32
    %c0_i32_0 = arith.constant 0 : i32
    return %arg0, %c0_i32 : i32, i32
  }
  func.func @transform_1(%arg0: i32) -> (i32, i32) {
    %c0_i32 = arith.constant 0 : i32
    %c0_i32_0 = arith.constant 0 : i32
    return %arg0, %c0_i32 : i32, i32
  }
  func.func @transform_2(%arg0: i32) -> (i32, i32) {
    %c0_i32 = arith.constant 0 : i32
    %c0_i32_0 = arith.constant 0 : i32
    return %arg0, %c0_i32 : i32, i32
  }
  func.func @transform_3(%arg0: i32) -> (i32, i32) {
    %c0_i32 = arith.constant 0 : i32
    %c0_i32_0 = arith.constant 0 : i32
    %c0_i32_1 = arith.constant 0 : i32
    return %c0_i32, %c0_i32_0 : i32, i32
  }
  func.func @transform_4(%arg0: i32) -> (i32, i32) {
    %c0_i32 = arith.constant 0 : i32
    %c0_i32_0 = arith.constant 0 : i32
    %c0_i32_1 = arith.constant 0 : i32
    return %c0_i32, %c0_i32_0 : i32, i32
  }
  func.func @transform_5(%arg0: i32) -> (i32, i32) {
    %c0_i32 = arith.constant 0 : i32
    %c0_i32_0 = arith.constant 0 : i32
    %c0_i32_1 = arith.constant 0 : i32
    return %c0_i32, %c0_i32_0 : i32, i32
  }
  func.func @transform_6(%arg0: i32) -> (i32, i32) {
    %c0_i32 = arith.constant 0 : i32
    %c0_i32_0 = arith.constant 0 : i32
    %c0_i32_1 = arith.constant 0 : i32
    return %c0_i32, %c0_i32_0 : i32, i32
  }
  func.func @transform_7(%arg0: i32) -> (i32, i32) {
    %c0_i32 = arith.constant 0 : i32
    %c0_i32_0 = arith.constant 0 : i32
    return %arg0, %c0_i32 : i32, i32
  }
  func.func @transform_8(%arg0: i32) -> (i32, i32) {
    %c0_i32 = arith.constant 0 : i32
    %c0_i32_0 = arith.constant 0 : i32
    return %arg0, %c0_i32 : i32, i32
  }
}

</mosaic_0001>

<sc_bundles>
// kernel: gather_offload_async_start.1
scs
__scs_entry_jumppad:
0x0: {  	(pc) =	sbr.rel $0x88, $3  }
0x1: {  	(tag) =	ssettag $0x0;
	lr =	simm.s32 $0x1  }
0x2: {  	[smem:$0x3F81] =	sst lr;
	_ =	strace $0xD0000000  }
0x3: {  	_ = 	snop  }
0x4: {  	_ = 	snop  }
0x5: {  	_ = 	snop  }
0x6: {  	_ = 	snop  }
0x7: {  	_ = 	snop  }
__scs_overlays_trampoline_lowered:
0x8: {  	[smem:$0x3F90] =	sst s0  }
0x9: {  	[smem:$0x3F91] =	sst s1  }
0xa: {  	[smem:$0x3F92] =	sst s2  }
0xb: {  	[smem:$0x3F93] =	sst s3  }
0xc: {  	[smem:$0x3F94] =	sst s4  }
0xd: {  	[smem:$0x3F95] =	sst s5  }
0xe: {  	[smem:$0x3F96] =	sst s6  }
0xf: {  	[smem:$0x3F97] =	sst s7  }
0x10: {  	[smem:$0x3F98] =	sst s8  }
0x11: {  	[smem:$0x3F99] =	sst s9;
	s0 =	simm.s32 @!p0 $0x0  }
0x12: {  	s1 =	sld [smem:$0x3F7F];
	s0 =	simm.s32 @p0 $0x1  }
0x13: {  	[smem:$0x3F9A] =	sst s0;
	s0 =	simm.s32 @!p1 $0x0  }
0x14: {  	s2 =	sld [smem:$0x3F7E];
	s0 =	simm.s32 @p1 $0x1  }
0x15: {  	[smem:$0x3F9B] =	sst s0;
	s0 =	simm.s32 @!p2 $0x0  }
0x16: {  	s3 =	sld [smem:$0x3FDB];
	s0 =	simm.s32 @p2 $0x1  }
0x17: {  	s4 =	simm.s32 $0x1BF5;
	[smem:$0x3F9D] =	sst s0  }
0x18: {  	s0 =	sld [smem:$0x3F80];
	_ =	swait.ge [sflag:s4], $0x0  }
0x19: {  	s7 =	sld [smem:$0x3F81]  }
0x1a: {  	s8 =	sadd.s32 $0xFFFFE003, lr  }
0x1b: {  	s9 =	sadd.s32 $0xFFFFFEF7, lr;
	s5 =	simm.s32 $0xFFFFFFFF;
	p2 =	slt.u32 s8, $0xFFFFF086  }
0x1c: {  	p1 =	slt.u32 s9, $0xF7A;
	s5 =	simm.s32 @!p2 $0x0  }
0x1d: {  	s5 =	simm.s32 @p1 $0x1;
	p0 =	seq.s32 s7, s2  }
0x1e: {  	s7 =	smul.u32 @!p0 $0xF7A, s2;
	p2 =	seq.s32 @!p0 s5, $0x0  }
0x1f: {  	s9 =	smul.u32 $0xF7A, s1;
	s8 =	simm.s32 @!p0 $0x1BF5;
	p2 =	por !p2, p0  }
0x20: {  	[sflag:s8] =	ssyncset.s32 @!p0 $0xFFFFF086;
	s6 =	sadd.s32 @!p0 s3, s7;
	s7 =	simm.s32 @!p0 $0x108  }
0x21: {  	s3 =	sadd.s32 s3, s9;
	s6 =	sadd.s32 @!p0 $0x88, s6;
	s7 =	simm.s32 @p2 $0x1082  }
0x22: {  	[simem:s7], [sflag:s8] =	dma.local @!p0 [hbm:s6], $0xF7A  }
0x23: {  	s9 =	sor.u32 $0xD0000000, s2;
	s6 =	simm.s32 $0x108;
	_ =	swait.ge @!p0 [sflag:s8], $0x0  }
0x24: {  	s3 =	sadd.s32 $0x88, s3;
	s6 =	simm.s32 @!p1 $0x1082;
	[sflag:s4] =	ssyncset.s32 $0xFFFFF086  }
0x25: {  	[simem:s6], [sflag:s4] =	dma.local [hbm:s3], $0xF7A  }
0x26: {  	[smem:$0x3F81] =	sst s1;
	(tag) =	ssettag s2;
	_ =	strace s9  }
0x27: {  	s1 =	sld [smem:$0x3F91]  }
0x28: {  	s2 =	sld [smem:$0x3F92]  }
0x29: {  	s4 =	sld [smem:$0x3F94]  }
0x2a: {  	p0 =	seq.s32 s5, $0x0;
	s5 =	sld [smem:$0x3F95]  }
0x2b: {  	s6 =	sld [smem:$0x3F96]  }
0x2c: {  	s7 =	sld [smem:$0x3F97]  }
0x2d: {  	s3 =	simm.s32 $0x108;
	s8 =	sld [smem:$0x3F98]  }
0x2e: {  	s3 =	simm.s32 @!p0 $0x1082;
	s9 =	sld [smem:$0x3F99]  }
0x2f: {  	lr =	sadd.s32 s0, s3;
	s0 =	sld [smem:$0x3F90]  }
0x30: {  	s3 =	sld [smem:$0x3F93]  }
0x31: {  	[smem:$0x3F9C] =	sst s10  }
0x32: {  	s10 =	sld [smem:$0x3F9A];
	_ =	sdelay $0x3  }
0x33: {  	p0 =	seq.s32 s10, $0x1;
	s10 =	sld [smem:$0x3F9C];
	_ =	sdelay $0x3  }
0x34: {  	[smem:$0x3F9C] =	sst s10  }
0x35: {  	s10 =	sld [smem:$0x3F9B];
	_ =	sdelay $0x3  }
0x36: {  	p1 =	seq.s32 s10, $0x1;
	s10 =	sld [smem:$0x3F9C];
	_ =	sdelay $0x3  }
0x37: {  	[smem:$0x3F9C] =	sst s10  }
0x38: {  	s10 =	sld [smem:$0x3F9D]  }
0x39: {  	_ = 	snop;
	(pc) =	sbr.ind lr, $3  }
0x3a: {  	_ = 	snop  }
0x3b: {  	_ = 	snop  }
0x3c: {  	p2 =	seq.s32 s10, $0x1;
	s10 =	sld [smem:$0x3F9C]  }
0x3d: {  	_ =	shalt  }
0x3e: {  	_ =	shalt  }
0x3f: {  	_ =	shalt  }
0x40: {  	_ =	shalt  }
0x41: {  	_ =	shalt  }
0x42: {  	_ =	shalt  }
0x43: {  	_ =	shalt  }
0x44: {  	_ =	shalt  }
0x45: {  	_ =	shalt  }
0x46: {  	_ =	shalt  }
0x47: {  	_ =	shalt  }
0x48: {  	_ =	shalt  }
0x49: {  	_ =	shalt  }
0x4a: {  	_ =	shalt  }
0x4b: {  	_ =	shalt  }
0x4c: {  	_ =	shalt  }
0x4d: {  	_ =	shalt  }
0x4e: {  	_ =	shalt  }
0x4f: {  	_ =	shalt  }
0x50: {  	_ =	shalt  }
0x51: {  	_ =	shalt  }
0x52: {  	_ =	shalt  }
0x53: {  	_ =	shalt  }
0x54: {  	_ =	shalt  }
0x55: {  	_ =	shalt  }
0x56: {  	_ =	shalt  }
0x57: {  	_ =	shalt  }
0x58: {  	_ =	shalt  }
0x59: {  	_ =	shalt  }
0x5a: {  	_ =	shalt  }
0x5b: {  	_ =	shalt  }
0x5c: {  	_ =	shalt  }
0x5d: {  	_ =	shalt  }
0x5e: {  	_ =	shalt  }
0x5f: {  	_ =	shalt  }
0x60: {  	_ =	shalt  }
0x61: {  	_ =	shalt  }
0x62: {  	_ =	shalt  }
0x63: {  	_ =	shalt  }
0x64: {  	_ =	shalt  }
0x65: {  	_ =	shalt  }
0x66: {  	_ =	shalt  }
0x67: {  	_ =	shalt  }
0x68: {  	_ =	shalt  }
0x69: {  	_ =	shalt  }
0x6a: {  	_ =	shalt  }
0x6b: {  	_ =	shalt  }
0x6c: {  	_ =	shalt  }
0x6d: {  	_ =	shalt  }
0x6e: {  	_ =	shalt  }
0x6f: {  	_ =	shalt  }
0x70: {  	_ =	shalt  }
0x71: {  	_ =	shalt  }
0x72: {  	_ =	shalt  }
0x73: {  	_ =	shalt  }
0x74: {  	_ =	shalt  }
0x75: {  	_ =	shalt  }
0x76: {  	_ =	shalt  }
0x77: {  	_ =	shalt  }
0x78: {  	_ =	shalt  }
0x79: {  	_ =	shalt  }
0x7a: {  	_ =	shalt  }
0x7b: {  	_ =	shalt  }
0x7c: {  	_ =	shalt  }
0x7d: {  	_ =	shalt  }
0x7e: {  	_ =	shalt  }
0x7f: {  	_ =	shalt  }
0x80: {  	_ =	shalt  }
0x81: {  	_ =	shalt  }
0x82: {  	_ =	shalt  }
0x83: {  	_ =	shalt  }
0x84: {  	_ =	shalt  }
0x85: {  	_ =	shalt  }
0x86: {  	_ =	shalt  }
0x87: {  	_ =	shalt  }
.Lfunc_end0:
.L_simem_size_0:
called_computation.3_lowered:
.L_overlay_start_0:
0x88: {  	s2 =	sld [smem:$0x3FD9]  }
0x89: {  	s3 =	sld [smem:$0x3FFE];
	_ =	sdelay $0x1  }
0x8a: {  	s1 =	srdreg.scid  }
0x8b: {  	s0 =	sand.u32 $0x1, s1  }
0x8c: {  	s17 =	sshll.u32 s0, $0xA;
	s2 =	sadd.s32 s3, s2  }
0x8d: {  	s2 =	sadd.s32 s2, s17  }
0x8e: {  	[smem:$0x3FA8] =	sst s2  }
0x8f: {  	_ = 	snop  }
0x90: {  	(tm) =	ssettm $0x1  }
0x91: {  	s18 =	sld [smem:$0x3FFB];
	_ =	sdelay $0x3  }
0x92: {  	_ =	strace s18  }
0x93: {  	s2 =	sld [smem:$0x3FFC];
	_ =	sdelay $0x3  }
0x94: {  	_ =	strace s2  }
0x95: {  	s2 =	sld [smem:$0x3FFD];
	_ =	sdelay $0x3  }
0x96: {  	_ =	strace s2  }
0x97: {  	_ =	strace $0x8FFFFFFF  }
0x98: {  	s19 =	sld [smem:$0x3FDB];
	_ =	sdelay $0x1  }
0x99: {  	s20 =	simm.s32 $_scs_section_size  }
0x9a: {  	s4 =	simm.s32 $_size__tile_overlayer_lowered;
	s5 =	simm.s32 $_tile_overlayer_lowered  }
0x9b: {  	s6 =	simm.s32 $0x1BFF;
	s21 =	sshll.u32 s5, $0x1;
	s3 =	sadd.s32 s20, s19  }
0x9c: {  	s22 =	simm.s32 $0x0;
	s4 =	sshll.u32 s4, $0x1;
	s5 =	sadd.s32 s21, s3  }
0x9d: {  	[timem:s22], [sflag:s6] =	dma.local [hbm:s5], s4  }
0x9e: {  	_ =	swait.ge [sflag:s6], s4  }
0x9f: {  	s4 =	ssub.s32 $0x0, s4;
	[sflag:s6] =	ssyncset.done $0x0  }
0xa0: {  	[sflag:s6] =	ssyncadd.s32 s4;
	_ =	sdelay $0x1  }
0xa1: {  	s23 =	simm.s32 $0x1B8B  }
0xa2: {  	_ =	swait.ge [sflag:s23], $0x1  }
0xa3: {  	[sflag:s23] =	ssyncset.done $0x0  }
0xa4: {  	[sflag:s23] =	ssyncadd.s32 $0xFFFFFFFF  }
0xa5: {  	s4 =	sld [smem:$0x0]  }
0xa6: {  	s5 =	sand.u32 $0xFFFFFFFE, s1  }
0xa7: {  	p0 =	sne.s32 s1, s5  }
0xa8: {  	s5 =	sshll.u32 @p0 s5, $0xE  }
0xa9: {  	s5 =	sadd.s32 @p0 $0x11B8D, s5;
	s6 =	sshll.u32 @p0 s4, $0x11  }
0xaa: {  	s5 =	sor.u32 @p0 s6, s5  }
0xab: {  	[sflag:s5] =	ssyncadd.remote.s32 @p0 $0x1;
	_ =	sdelay $0x1  }
0xac: {  	s5 =	simm.s32 @p0 $0x1B8D  }
0xad: {  	_ =	swait.eq @p0 [sflag:s5], $0x1  }
0xae: {  	[sflag:s5] =	ssyncadd.s32 @p0 $0xFFFFFFFF  }
0xaf: {  	s6 =	sshll.u32 @!p0 s1, $0xE  }
0xb0: {  	s6 =	sor.u32 @!p0 $0x4000, s6;
	s5 =	simm.s32 @!p0 $0x1B8D  }
0xb1: {  	s4 =	sshll.u32 @!p0 s4, $0x11;
	s6 =	sadd.s32 @!p0 $0x11B8D, s6;
	_ =	swait.eq @!p0 [sflag:s5], $0x1  }
0xb2: {  	s4 =	sor.u32 @!p0 s4, s6;
	[sflag:s5] =	ssyncadd.s32 @!p0 $0xFFFFFFFF  }
0xb3: {  	s25 =	simm.s32 $0x1B8E;
	s24 =	sld [smem:$0x3FFE];
	[sflag:s4] =	ssyncadd.remote.s32 @!p0 $0x1  }
0xb4: {  	s26 =	simm.s32 $execute0_lowered;
	[smem:$0x3FD2] =	sst s25  }
0xb5: {  	s5 =	sshll.u32 s26, $0x1;
	_ =	strace $0x80000049;
	[dreg:$0x1] =	wrdreg $0xFFFFFFFF  }
0xb6: {  	s28 =	simm.s32 $_size_execute0_lowered;
	s3 =	sadd.s32 s3, s5;
	[dreg:$0x0] =	wrdreg $0x0  }
0xb7: {  	s5 =	sshll.u32 s28, $0x1;
	[dreg:$0x2] =	wrdreg s3  }
0xb8: {  	[dreg:$0x3] =	wrdreg s5  }
0xb9: {  	[dreg:$0x4] =	wrdreg $0xC0  }
0xba: {  	_ =	task [dreg:s22], $0x5FFFF  }
0xbb: {  	[dreg:$0x1] =	wrdreg $0xFFFFFFFF  }
0xbc: {  	[dreg:$0x0] =	wrdreg $0x60  }
0xbd: {  	[dreg:$0x2] =	wrdreg s24  }
0xbe: {  	[dreg:$0x3] =	wrdreg $0xA  }
0xbf: {  	_ =	task.clear_ibuf [dreg:s22], $0x4FFFF;
	_ =	strace $0x90000049  }
0xc0: {  	s29 =	simm.s32 $0xA;
	_ =	strace $0x8000004B  }
0xc1: {  	_ =	swait.ge [sflag:s29], $0x1  }
0xc2: {  	[sflag:s29] =	ssyncadd.s32 $0xFFFFFFFF  }
0xc3: {  	_ =	strace $0x9000004B  }
0xc4: {  	_ =	sfence  }
0xc5: {  	s30 =	sld [smem:$0x0];
	_ =	sdelay $0x2  }
0xc6: {  	s31 =	sshll.u32 s1, $0xD;
	s1 =	sshrl.u32 s1, $0x2  }
0xc7: {  	s4 =	sand.u32 $0x4000, s31;
	s1 =	sadd.s32 s1, s30  }
0xc8: {  	s0 =	sor.u32 s4, s0;
	s1 =	sshll.u32 s1, $0x11  }
0xc9: {  	s0 =	sor.u32 s1, s0  }
0xca: {  	s0 =	sadd.s32 $0x8F2B, s0  }
0xcb: {  	[sflag:s0] =	ssyncadd.remote.s32 $0x1  }
0xcc: {  	_ =	sfence.sel $0xFFFF  }
0xcd: {  	[dreg:$0x0] =	wrdreg $0xFFFFFFFF;
	(pc) =	sbr.abs _section_cstart, $3  }
0xce: {  	[dreg:$0x1] =	wrdreg $0xFFFFFFFF  }
0xcf: {  	_ =	task.clear_ibuf [dreg:s22], $0x2FFFF;
	_ =	strace $0x9FFFFFFF  }
0xd0: {  	(tm) =	ssettm $0x7FFFFFFF  }
0xd1: {  	_ =	shalt  }
tec
execute0_lowered:
.L_overlay_start_1:
0x0: {  	(tag) =	ssettag $0x1  }
0x1: {  	s0 =	srdreg.scid  }
0x2: {  	s1 =	sshll.u32 s0, $0x4  }
0x3: {  	s0 =	stileid.u32;
	s1 =	sand.u32 $0x10, s1  }
0x4: {  	s2 =	sor.u32 s0, s1  }
0x5: {  	s3 =	smul.u32 $0x3E, s2  }
0x6: {  	s1 =	sshrl.u32 s1, $0x4;
	s2 =	smin.u32 s2, $0x10  }
0x7: {  	s1 =	sxor.u32 $0x3F, s1;
	s2 =	sadd.s32 s2, s3  }
0x8: {  	s1 =	sadd.s32 s1, s2  }
0x9: {  	s1 =	smul.u32 $0x140, s1  }
0xa: {  	s2 =	smul.u32 $0x140, s2  }
0xb: {  	s3 =	smin.u32 s1, $0x9C400  }
0xc: {  	s7 =	ssub.s32 s3, s2  }
0xd: {  	p0 =	sgt.s32 s7, $0x0  }
0xe: {  	s7 =	simm.s32 @!p0 $0x0  }
0xf: {  	s4 =	smulhi.u32 $0x66666667, s7  }
0x10: {  	s9 =	rddreg [dreg:$0x0];
	s6 =	simm.s32 $0x1;
	s11 =	simm.s32 $0x3  }
0x11: {  	s13 =	simm.s32 $0x0;
	s12 =	simm.s32 $0x0;
	s8 =	sshrl.u32 s4, $0x7  }
0x12: {  	s1 =	rddreg [dreg:$0x1];
	_ =	strace $0x8000004A;
	s10 =	smul.u32 $0x140, s8  }
.Ltmp0:
0x13: {  	s5 =	sadd.s32 $0x1D65C00, s9;
	[sflag:s6] =	ssyncpa.u1 $0x0;
	(pc) =	sbr.rel .LBB2_1-.Ltmp0, $4  }
0x14: {  	s4 =	sadd.s32 $0x4FBC00, s9;
	p0 =	sne.s32 s7, s10;
	s10 =	simm.s32 $0x1  }
0x15: {  	s9 =	sadd.s32 $0x1D79600, s9;
	s7 =	simm.s32 $0x2;
	s10 =	simm.s32 @!p0 $0x0  }
0x16: {  	[sflag:s7] =	ssyncpa.u1 $0x0;
	p0 =	por $0x0, $0x0;
	s8 =	sadd.s32 s10, s8  }
0x17: {  	vm0 =	vmmov $0xff;
	vm1 =	vcmask $0x3F20;
	[sflag:s11] =	ssyncpa.u1 $0x0;
	s11 =	smov.u32 s2;
	s10 =	sadd.s32 $0x1, s8  }
.LBB2_6:
0x18: {  	[hbm:s17] =	stream.linear.scatter [tilespmem:s14], [sflag:$0x3], $0x400, $0x38;
	[tilespmem:$0x14280] =	vst v63  }
.LBB2_7:
0x19: {  	s13 =	sadd.s32 $0x140, s11  }
0x1a: {  	s15 =	smov.u32 s2;
	p2 =	slt.s32 s13, s3  }
0x1b: {  	s15 =	smov.u32 @p2 s13;
	p2 =	sne.s32 s12, s10  }
.Ltmp1:
0x1c: {  	p1 =	slt.u32 s12, $0x2;
	(pc) =	sbr.rel @!p2 .LBB2_8-.Ltmp1, $4  }
0x1d: {  	s14 =	simm.s32 @!p1 $0x3  }
0x1e: {  	s16 =	sadd.s32 $0x1, s12;
	_ =	swait.ge @!p1 [sflag:s14], $0xA000  }
0x1f: {  	p0 =	por !p0, !p0;
	s13 =	smov.u32 s11;
	[sflag:s14] =	ssyncset.done @!p1 $0x0  }
0x20: {  	s12 =	smov.u32 s16;
	s11 =	smov.u32 s15;
	[sflag:s14] =	ssyncadd.s32 @!p1 $0xFFFF6000  }
.LBB2_1:
0x21: {  	p1 =	sge.u32 s12, s8  }
0x22: {  	s14 =	sxor.u32 @!p1 $0xFFFFFFFF, s12  }
0x23: {  	s14 =	sand.u32 @!p1 $0x1, s14  }
0x24: {  	s14 =	smul.u32 @!p1 $0x500, s14  }
0x25: {  	s31 =	sadd.s32 $0xFFFFFFFF, s12;
	s15 =	sshrl.u32 @!p1 s11, $0x3  }
0x26: {  	s16 =	sand.u32 @!p1 $0x7, s11;
	s15 =	sadd.s32 @!p1 s5, s15;
	s14 =	sshrl.u32 @!p1 s14, $0x2  }
0x27: {  	[tilespmem:s14], [sflag:$0x2] =	stream.linear.gather @!p1 [hbm4b:s15+s16], $0x140, $0x38;
	[tilespmem:$0x14280] =	vst v63  }
0x28: {  	p1 =	sge.u32 s31, s8  }
.Ltmp2:
0x29: {  	_ = 	snop;
	(pc) =	sbr.rel @p1 .LBB2_7-.Ltmp2, $1  }
0x2a: {  	_ =	sdelay $0x3  }
0x2b: {  	s14 =	simm.s32 $0x1  }
0x2c: {  	s14 =	simm.s32 @!p0 $0x0  }
0x2d: {  	s15 =	smul.u32 $0x500, s14  }
0x2e: {  	_ =	swait.ge [sflag:s7], $0x140  }
0x2f: {  	[sflag:s7] =	ssyncset.done $0x0;
	s16 =	sshrl.u32 s15, $0x2  }
0x30: {  	[sflag:s7] =	ssyncadd.s32 $0xFFFFFEC0;
	s15 =	sadd.s32 $0x0, s16  }
0x31: {  	v0 =	vld.msk [tilespmem:s15+$0x0 ss:$0x1], $0xffff;
	_ =	sdelay $0x4  }
0x32: {  	vm2 =	vgt.s32 v0, $0x0  }
0x33: {  	v0 =	vnsel vm2, $0x0, v0  }
0x34: {  	v0 =	vmin.u32 v0, $0x4E1FF  }
0x35: {  	v0 =	vshll.u32 v0, $0x4  }
0x36: {  	s14 =	smul.u32 $0x28000, s14;
	_ =	sdelay $0x1  }
0x37: {  	s14 =	sshrl.u32 s14, $0x2  }
0x38: {  	s14 =	sor.u32 $0x280, s14  }
0x39: {  	[tilespmem:s14], [sflag:$0x1] =	stream.indirect_vreg.gather [hbm:s4], $0x80, v0, vm0, $0x38;
	[tilespmem:$0x14280] =	vst v63  }
0x3a: {  	s17 =	sadd.s32 $0x10, s16;
	s15 =	sadd.s32 $0x400, s14  }
0x3b: {  	[tilespmem:s15], [sflag:$0x1] =	stream.indirect_vreg.gather [hbm:s4], $0x80, v0, vm1, $0x38;
	[tilespmem:$0x14280] =	vst v63  }
0x3c: {  	s18 =	simm.s32 $0x80;
	v0 =	vld.msk [tilespmem:s17+$0x0 ss:$0x1], $0xffff;
	s17 =	smov.u32 s14  }
.LBB2_3:
0x3d: {  	p1 =	sne.s32 s18, $0x4C0;
	_ =	sdelay $0x4  }
0x3e: {  	vm2 =	vgt.s32 v0, $0x0  }
0x3f: {  	v0 =	vnsel vm2, $0x0, v0  }
0x40: {  	v0 =	vmin.u32 v0, $0x4E1FF  }
0x41: {  	v0 =	vshll.u32 v0, $0x4;
	_ =	sdelay $0x3  }
.Ltmp3:
0x42: {  	s19 =	sshra.s32 s18, $0x2;
	s17 =	sadd.s32 $0x800, s17;
	(pc) =	sbr.rel @p1 .LBB2_3-.Ltmp3, $4  }
0x43: {  	[tilespmem:s17], [sflag:$0x1] =	stream.indirect_vreg.gather [hbm:s4], $0x80, v0, vm0, $0x38;
	[tilespmem:$0x14280] =	vst v63  }
0x44: {  	s19 =	sadd.s32 s19, s16;
	s20 =	sadd.s32 $0x400, s17  }
0x45: {  	[tilespmem:s20], [sflag:$0x1] =	stream.indirect_vreg.gather [hbm:s4], $0x80, v0, vm1, $0x38;
	[tilespmem:$0x14280] =	vst v63  }
0x46: {  	s18 =	sadd.s32 $0x40, s18;
	v0 =	vld.msk [tilespmem:s19+$0x0 ss:$0x1], $0xffff  }
0x47: {  	_ =	sdelay $0x3  }
0x48: {  	vm2 =	vgt.s32 v0, $0x0  }
0x49: {  	v0 =	vnsel vm2, $0x0, v0  }
0x4a: {  	v0 =	vmin.u32 v0, $0x4E1FF  }
0x4b: {  	v0 =	vshll.u32 v0, $0x4;
	_ =	sdelay $0x3  }
0x4c: {  	s16 =	sadd.s32 $0x800, s17  }
0x4d: {  	[tilespmem:s16], [sflag:$0x1] =	stream.indirect_vreg.gather [hbm:s4], $0x80, v0, vm0, $0x38;
	[tilespmem:$0x14280] =	vst v63  }
0x4e: {  	s16 =	sadd.s32 $0x400, s16  }
0x4f: {  	[tilespmem:s16], [sflag:$0x1] =	stream.indirect_vreg.gather [hbm:s4], $0x80, v0, vm1, $0x38;
	[tilespmem:$0x14280] =	vst v63  }
0x50: {  	s13 =	sshll.u32 s13, $0x4;
	_ =	swait.ge [sflag:s6], $0xA000  }
0x51: {  	s13 =	sadd.s32 s13, s9;
	[sflag:s6] =	ssyncset.done $0x0  }
0x52: {  	s17 =	sadd.s32 $0x0, s13;
	s16 =	simm.s32 $0x80;
	[sflag:s6] =	ssyncadd.s32 $0xFFFF6000  }
.LBB2_5:
0x53: {  	[hbm:s17] =	stream.linear.scatter [tilespmem:s14], [sflag:$0x3], $0x400, $0x38;
	[tilespmem:$0x14280] =	vst v63  }
0x54: {  	s17 =	smov.u32 s16;
	s14 =	smov.u32 s15;
	p1 =	sne.s32 s16, $0x1380  }
.Ltmp4:
0x55: {  	s16 =	sadd.s32 $0x80, s16;
	(pc) =	sbr.rel @p1 .LBB2_5-.Ltmp4, $2  }
0x56: {  	_ =	sdelay $0x2  }
0x57: {  	s15 =	sadd.s32 $0x400, s15;
	s17 =	sadd.s32 s17, s13  }
.Ltmp5:
0x58: {  	_ = 	snop;
	(pc) =	sbr.rel .LBB2_6-.Ltmp5, $1  }
0x59: {  	_ =	sdelay $0x3  }
.LBB2_8:
0x5a: {  	_ =	sfence.sel $0x180000  }
0x5b: {  	s2 =	simm.s32 $0x2;
	[bflag:$0x0] =	sbarrier.arrive $0xFFFF  }
0x5c: {  	s30 =	simm.s32 $0x3;
	[sflag:s2] =	ssyncpa.u1 $0x1  }
0x5d: {  	s31 =	simm.s32 $0x1;
	[sflag:s30] =	ssyncpa.u1 $0x1  }
0x5e: {  	[sflag:s31] =	ssyncpa.u1 $0x1  }
0x5f: {  	p0 =	sne.s32 s0, $0x0;
	_ =	strace $0x9000004A  }
0x60: {  	s0 =	sadd.s32 @!p0 $0x100000, s1;
	[bflag:$0x2] =	sbarrier.arrive $0xFFFF  }
0x61: {  	[sflag:s0] =	ssyncadd.tile.s32 @!p0 $0x1;
	_ =	shalt  }
.Lfunc_end2:
_tile_overlayer_lowered:
.L_overlay_start_2:
0x62: {  	(tag) =	ssettag $0x2  }
0x63: {  	s0 =	rddreg [dreg:$0x0];
	s2 =	stileid.u32  }
0x64: {  	s1 =	rddreg [dreg:$0x1];
	p0 =	sne.s32 s2, $0x0  }
0x65: {  	s3 =	rddreg [dreg:$0x2];
	[bflag:$0x3] =	sbarrier.arrive $0xFFFF;
	s2 =	simm.s32 @!p0 $0x1C01  }
0x66: {  	[timem:s3], [sflag:s2] =	dma.local @!p0 [hbm:s0], s1  }
0x67: {  	s0 =	simm.s32 @!p0 $0x1  }
0x68: {  	_ =	swait.ge @!p0 [sflag:s0], s1  }
0x69: {  	s1 =	ssub.s32 @!p0 $0x0, s1;
	[sflag:s0] =	ssyncset.done @!p0 $0x0  }
0x6a: {  	[sflag:s0] =	ssyncadd.s32 @!p0 s1  }
0x6b: {  	[bflag:$0x3] =	sbarrier.arrive $0xFFFF  }
0x6c: {  	_ =	shalt  }

// kernel: gather_offload_async_start.2
scs
__scs_entry_jumppad:
0x0: {  	(pc) =	sbr.rel $0x88, $3  }
0x1: {  	(tag) =	ssettag $0x0;
	lr =	simm.s32 $0x1  }
0x2: {  	[smem:$0x3F81] =	sst lr;
	_ =	strace $0xD0000000  }
0x3: {  	_ = 	snop  }
0x4: {  	_ = 	snop  }
0x5: {  	_ = 	snop  }
0x6: {  	_ = 	snop  }
0x7: {  	_ = 	snop  }
__scs_overlays_trampoline_lowered:
0x8: {  	[smem:$0x3F90] =	sst s0  }
0x9: {  	[smem:$0x3F91] =	sst s1  }
0xa: {  	[smem:$0x3F92] =	sst s2  }
0xb: {  	[smem:$0x3F93] =	sst s3  }
0xc: {  	[smem:$0x3F94] =	sst s4  }
0xd: {  	[smem:$0x3F95] =	sst s5  }
0xe: {  	[smem:$0x3F96] =	sst s6  }
0xf: {  	[smem:$0x3F97] =	sst s7  }
0x10: {  	[smem:$0x3F98] =	sst s8  }
0x11: {  	[smem:$0x3F99] =	sst s9;
	s0 =	simm.s32 @!p0 $0x0  }
0x12: {  	s1 =	sld [smem:$0x3F7F];
	s0 =	simm.s32 @p0 $0x1  }
0x13: {  	[smem:$0x3F9A] =	sst s0;
	s0 =	simm.s32 @!p1 $0x0  }
0x14: {  	s2 =	sld [smem:$0x3F7E];
	s0 =	simm.s32 @p1 $0x1  }
0x15: {  	[smem:$0x3F9B] =	sst s0;
	s0 =	simm.s32 @!p2 $0x0  }
0x16: {  	s3 =	sld [smem:$0x3FDB];
	s0 =	simm.s32 @p2 $0x1  }
0x17: {  	s4 =	simm.s32 $0x1BF5;
	[smem:$0x3F9D] =	sst s0  }
0x18: {  	s0 =	sld [smem:$0x3F80];
	_ =	swait.ge [sflag:s4], $0x0  }
0x19: {  	s7 =	sld [smem:$0x3F81]  }
0x1a: {  	s8 =	sadd.s32 $0xFFFFE003, lr  }
0x1b: {  	s9 =	sadd.s32 $0xFFFFFEF7, lr;
	s5 =	simm.s32 $0xFFFFFFFF;
	p2 =	slt.u32 s8, $0xFFFFF086  }
0x1c: {  	p1 =	slt.u32 s9, $0xF7A;
	s5 =	simm.s32 @!p2 $0x0  }
0x1d: {  	s5 =	simm.s32 @p1 $0x1;
	p0 =	seq.s32 s7, s2  }
0x1e: {  	s7 =	smul.u32 @!p0 $0xF7A, s2;
	p2 =	seq.s32 @!p0 s5, $0x0  }
0x1f: {  	s9 =	smul.u32 $0xF7A, s1;
	s8 =	simm.s32 @!p0 $0x1BF5;
	p2 =	por !p2, p0  }
0x20: {  	[sflag:s8] =	ssyncset.s32 @!p0 $0xFFFFF086;
	s6 =	sadd.s32 @!p0 s3, s7;
	s7 =	simm.s32 @!p0 $0x108  }
0x21: {  	s3 =	sadd.s32 s3, s9;
	s6 =	sadd.s32 @!p0 $0x88, s6;
	s7 =	simm.s32 @p2 $0x1082  }
0x22: {  	[simem:s7], [sflag:s8] =	dma.local @!p0 [hbm:s6], $0xF7A  }
0x23: {  	s9 =	sor.u32 $0xD0000000, s2;
	s6 =	simm.s32 $0x108;
	_ =	swait.ge @!p0 [sflag:s8], $0x0  }
0x24: {  	s3 =	sadd.s32 $0x88, s3;
	s6 =	simm.s32 @!p1 $0x1082;
	[sflag:s4] =	ssyncset.s32 $0xFFFFF086  }
0x25: {  	[simem:s6], [sflag:s4] =	dma.local [hbm:s3], $0xF7A  }
0x26: {  	[smem:$0x3F81] =	sst s1;
	(tag) =	ssettag s2;
	_ =	strace s9  }
0x27: {  	s1 =	sld [smem:$0x3F91]  }
0x28: {  	s2 =	sld [smem:$0x3F92]  }
0x29: {  	s4 =	sld [smem:$0x3F94]  }
0x2a: {  	p0 =	seq.s32 s5, $0x0;
	s5 =	sld [smem:$0x3F95]  }
0x2b: {  	s6 =	sld [smem:$0x3F96]  }
0x2c: {  	s7 =	sld [smem:$0x3F97]  }
0x2d: {  	s3 =	simm.s32 $0x108;
	s8 =	sld [smem:$0x3F98]  }
0x2e: {  	s3 =	simm.s32 @!p0 $0x1082;
	s9 =	sld [smem:$0x3F99]  }
0x2f: {  	lr =	sadd.s32 s0, s3;
	s0 =	sld [smem:$0x3F90]  }
0x30: {  	s3 =	sld [smem:$0x3F93]  }
0x31: {  	[smem:$0x3F9C] =	sst s10  }
0x32: {  	s10 =	sld [smem:$0x3F9A];
	_ =	sdelay $0x3  }
0x33: {  	p0 =	seq.s32 s10, $0x1;
	s10 =	sld [smem:$0x3F9C];
	_ =	sdelay $0x3  }
0x34: {  	[smem:$0x3F9C] =	sst s10  }
0x35: {  	s10 =	sld [smem:$0x3F9B];
	_ =	sdelay $0x3  }
0x36: {  	p1 =	seq.s32 s10, $0x1;
	s10 =	sld [smem:$0x3F9C];
	_ =	sdelay $0x3  }
0x37: {  	[smem:$0x3F9C] =	sst s10  }
0x38: {  	s10 =	sld [smem:$0x3F9D]  }
0x39: {  	_ = 	snop;
	(pc) =	sbr.ind lr, $3  }
0x3a: {  	_ = 	snop  }
0x3b: {  	_ = 	snop  }
0x3c: {  	p2 =	seq.s32 s10, $0x1;
	s10 =	sld [smem:$0x3F9C]  }
0x3d: {  	_ =	shalt  }
0x3e: {  	_ =	shalt  }
0x3f: {  	_ =	shalt  }
0x40: {  	_ =	shalt  }
0x41: {  	_ =	shalt  }
0x42: {  	_ =	shalt  }
0x43: {  	_ =	shalt  }
0x44: {  	_ =	shalt  }
0x45: {  	_ =	shalt  }
0x46: {  	_ =	shalt  }
0x47: {  	_ =	shalt  }
0x48: {  	_ =	shalt  }
0x49: {  	_ =	shalt  }
0x4a: {  	_ =	shalt  }
0x4b: {  	_ =	shalt  }
0x4c: {  	_ =	shalt  }
0x4d: {  	_ =	shalt  }
0x4e: {  	_ =	shalt  }
0x4f: {  	_ =	shalt  }
0x50: {  	_ =	shalt  }
0x51: {  	_ =	shalt  }
0x52: {  	_ =	shalt  }
0x53: {  	_ =	shalt  }
0x54: {  	_ =	shalt  }
0x55: {  	_ =	shalt  }
0x56: {  	_ =	shalt  }
0x57: {  	_ =	shalt  }
0x58: {  	_ =	shalt  }
0x59: {  	_ =	shalt  }
0x5a: {  	_ =	shalt  }
0x5b: {  	_ =	shalt  }
0x5c: {  	_ =	shalt  }
0x5d: {  	_ =	shalt  }
0x5e: {  	_ =	shalt  }
0x5f: {  	_ =	shalt  }
0x60: {  	_ =	shalt  }
0x61: {  	_ =	shalt  }
0x62: {  	_ =	shalt  }
0x63: {  	_ =	shalt  }
0x64: {  	_ =	shalt  }
0x65: {  	_ =	shalt  }
0x66: {  	_ =	shalt  }
0x67: {  	_ =	shalt  }
0x68: {  	_ =	shalt  }
0x69: {  	_ =	shalt  }
0x6a: {  	_ =	shalt  }
0x6b: {  	_ =	shalt  }
0x6c: {  	_ =	shalt  }
0x6d: {  	_ =	shalt  }
0x6e: {  	_ =	shalt  }
0x6f: {  	_ =	shalt  }
0x70: {  	_ =	shalt  }
0x71: {  	_ =	shalt  }
0x72: {  	_ =	shalt  }
0x73: {  	_ =	shalt  }
0x74: {  	_ =	shalt  }
0x75: {  	_ =	shalt  }
0x76: {  	_ =	shalt  }
0x77: {  	_ =	shalt  }
0x78: {  	_ =	shalt  }
0x79: {  	_ =	shalt  }
0x7a: {  	_ =	shalt  }
0x7b: {  	_ =	shalt  }
0x7c: {  	_ =	shalt  }
0x7d: {  	_ =	shalt  }
0x7e: {  	_ =	shalt  }
0x7f: {  	_ =	shalt  }
0x80: {  	_ =	shalt  }
0x81: {  	_ =	shalt  }
0x82: {  	_ =	shalt  }
0x83: {  	_ =	shalt  }
0x84: {  	_ =	shalt  }
0x85: {  	_ =	shalt  }
0x86: {  	_ =	shalt  }
0x87: {  	_ =	shalt  }
.Lfunc_end0:
.L_simem_size_0:
called_computation.4_lowered:
.L_overlay_start_0:
0x88: {  	s2 =	sld [smem:$0x3FD9]  }
0x89: {  	s3 =	sld [smem:$0x3FFE];
	_ =	sdelay $0x1  }
0x8a: {  	s1 =	srdreg.scid  }
0x8b: {  	s0 =	sand.u32 $0x1, s1  }
0x8c: {  	s17 =	sshll.u32 s0, $0xA;
	s2 =	sadd.s32 s3, s2  }
0x8d: {  	s2 =	sadd.s32 s2, s17  }
0x8e: {  	[smem:$0x3FA8] =	sst s2  }
0x8f: {  	_ = 	snop  }
0x90: {  	(tm) =	ssettm $0x1  }
0x91: {  	s18 =	sld [smem:$0x3FFB];
	_ =	sdelay $0x3  }
0x92: {  	_ =	strace s18  }
0x93: {  	s2 =	sld [smem:$0x3FFC];
	_ =	sdelay $0x3  }
0x94: {  	_ =	strace s2  }
0x95: {  	s2 =	sld [smem:$0x3FFD];
	_ =	sdelay $0x3  }
0x96: {  	_ =	strace s2  }
0x97: {  	_ =	strace $0x8FFFFFFF  }
0x98: {  	s19 =	sld [smem:$0x3FDB];
	_ =	sdelay $0x1  }
0x99: {  	s20 =	simm.s32 $_scs_section_size  }
0x9a: {  	s4 =	simm.s32 $_size__tile_overlayer_lowered;
	s5 =	simm.s32 $_tile_overlayer_lowered  }
0x9b: {  	s6 =	simm.s32 $0x1BFF;
	s21 =	sshll.u32 s5, $0x1;
	s3 =	sadd.s32 s20, s19  }
0x9c: {  	s22 =	simm.s32 $0x0;
	s4 =	sshll.u32 s4, $0x1;
	s5 =	sadd.s32 s21, s3  }
0x9d: {  	[timem:s22], [sflag:s6] =	dma.local [hbm:s5], s4  }
0x9e: {  	_ =	swait.ge [sflag:s6], s4  }
0x9f: {  	s4 =	ssub.s32 $0x0, s4;
	[sflag:s6] =	ssyncset.done $0x0  }
0xa0: {  	[sflag:s6] =	ssyncadd.s32 s4;
	_ =	sdelay $0x1  }
0xa1: {  	s23 =	simm.s32 $0x1B8B  }
0xa2: {  	_ =	swait.ge [sflag:s23], $0x1  }
0xa3: {  	[sflag:s23] =	ssyncset.done $0x0  }
0xa4: {  	[sflag:s23] =	ssyncadd.s32 $0xFFFFFFFF  }
0xa5: {  	s4 =	sld [smem:$0x0]  }
0xa6: {  	s5 =	sand.u32 $0xFFFFFFFE, s1  }
0xa7: {  	p0 =	sne.s32 s1, s5  }
0xa8: {  	s5 =	sshll.u32 @p0 s5, $0xE  }
0xa9: {  	s5 =	sadd.s32 @p0 $0x11B8D, s5;
	s6 =	sshll.u32 @p0 s4, $0x11  }
0xaa: {  	s5 =	sor.u32 @p0 s6, s5  }
0xab: {  	[sflag:s5] =	ssyncadd.remote.s32 @p0 $0x1;
	_ =	sdelay $0x1  }
0xac: {  	s5 =	simm.s32 @p0 $0x1B8D  }
0xad: {  	_ =	swait.eq @p0 [sflag:s5], $0x1  }
0xae: {  	[sflag:s5] =	ssyncadd.s32 @p0 $0xFFFFFFFF  }
0xaf: {  	s6 =	sshll.u32 @!p0 s1, $0xE  }
0xb0: {  	s6 =	sor.u32 @!p0 $0x4000, s6;
	s5 =	simm.s32 @!p0 $0x1B8D  }
0xb1: {  	s4 =	sshll.u32 @!p0 s4, $0x11;
	s6 =	sadd.s32 @!p0 $0x11B8D, s6;
	_ =	swait.eq @!p0 [sflag:s5], $0x1  }
0xb2: {  	s4 =	sor.u32 @!p0 s4, s6;
	[sflag:s5] =	ssyncadd.s32 @!p0 $0xFFFFFFFF  }
0xb3: {  	s25 =	simm.s32 $0x1B8E;
	s24 =	sld [smem:$0x3FFE];
	[sflag:s4] =	ssyncadd.remote.s32 @!p0 $0x1  }
0xb4: {  	s26 =	simm.s32 $execute0_lowered;
	[smem:$0x3FD2] =	sst s25  }
0xb5: {  	s5 =	sshll.u32 s26, $0x1;
	_ =	strace $0x8000004F;
	[dreg:$0x1] =	wrdreg $0xFFFFFFFF  }
0xb6: {  	s28 =	simm.s32 $_size_execute0_lowered;
	s3 =	sadd.s32 s3, s5;
	[dreg:$0x0] =	wrdreg $0x0  }
0xb7: {  	s5 =	sshll.u32 s28, $0x1;
	[dreg:$0x2] =	wrdreg s3  }
0xb8: {  	[dreg:$0x3] =	wrdreg s5  }
0xb9: {  	[dreg:$0x4] =	wrdreg $0xC0  }
0xba: {  	_ =	task [dreg:s22], $0x5FFFF  }
0xbb: {  	[dreg:$0x1] =	wrdreg $0xFFFFFFFF  }
0xbc: {  	[dreg:$0x0] =	wrdreg $0x60  }
0xbd: {  	[dreg:$0x2] =	wrdreg s24  }
0xbe: {  	[dreg:$0x3] =	wrdreg $0x9  }
0xbf: {  	_ =	task.clear_ibuf [dreg:s22], $0x4FFFF;
	_ =	strace $0x9000004F  }
0xc0: {  	s29 =	simm.s32 $0x9;
	_ =	strace $0x80000051  }
0xc1: {  	_ =	swait.ge [sflag:s29], $0x1  }
0xc2: {  	[sflag:s29] =	ssyncadd.s32 $0xFFFFFFFF  }
0xc3: {  	_ =	strace $0x90000051  }
0xc4: {  	_ =	sfence  }
0xc5: {  	s30 =	sld [smem:$0x0];
	_ =	sdelay $0x2  }
0xc6: {  	s31 =	sshll.u32 s1, $0xD;
	s1 =	sshrl.u32 s1, $0x2  }
0xc7: {  	s4 =	sand.u32 $0x4000, s31;
	s1 =	sadd.s32 s1, s30  }
0xc8: {  	s0 =	sor.u32 s4, s0;
	s1 =	sshll.u32 s1, $0x11  }
0xc9: {  	s0 =	sor.u32 s1, s0  }
0xca: {  	s0 =	sadd.s32 $0x8F2B, s0  }
0xcb: {  	[sflag:s0] =	ssyncadd.remote.s32 $0x1  }
0xcc: {  	_ =	sfence.sel $0xFFFF  }
0xcd: {  	[dreg:$0x0] =	wrdreg $0xFFFFFFFF;
	(pc) =	sbr.abs _section_cstart, $3  }
0xce: {  	[dreg:$0x1] =	wrdreg $0xFFFFFFFF  }
0xcf: {  	_ =	task.clear_ibuf [dreg:s22], $0x2FFFF;
	_ =	strace $0x9FFFFFFF  }
0xd0: {  	(tm) =	ssettm $0x7FFFFFFF  }
0xd1: {  	_ =	shalt  }
tec
execute0_lowered:
.L_overlay_start_1:
0x0: {  	(tag) =	ssettag $0x1  }
0x1: {  	s7 =	rddreg [dreg:$0x0]  }
0x2: {  	s1 =	srdreg.scid;
	s0 =	rddreg [dreg:$0x1]  }
0x3: {  	_ =	strace $0x80000050;
	s3 =	simm.s32 $0x1;
	s5 =	simm.s32 $0x2  }
0x4: {  	s9 =	simm.s32 $0x3;
	s11 =	simm.s32 $0x0;
	s2 =	sshll.u32 s1, $0x4  }
.Ltmp0:
0x5: {  	s1 =	stileid.u32;
	s4 =	sand.u32 $0x10, s2;
	(pc) =	sbr.rel .LBB2_1-.Ltmp0, $4  }
0x6: {  	p0 =	por $0x0, $0x0;
	[sflag:s3] =	ssyncpa.u1 $0x0;
	s4 =	sor.u32 s1, s4  }
0x7: {  	s6 =	sadd.s32 $0x1D65C00, s7;
	[sflag:s5] =	ssyncpa.u1 $0x0;
	s4 =	smul.u32 $0x4E20, s4  }
0x8: {  	s2 =	sadd.s32 $0x9DDC00, s7;
	s7 =	sadd.s32 $0x1D79600, s7;
	[sflag:s9] =	ssyncpa.u1 $0x0  }
0x9: {  	vm0 =	vmmov $0xff;
	vm1 =	vcmask $0x3F20;
	s9 =	simm.s32 $0x0;
	s8 =	sadd.s32 $0x4E20, s4;
	s10 =	smov.u32 s4  }
.LBB2_8:
0xa: {  	[hbm:s15] =	stream.linear.scatter [tilespmem:s12], [sflag:$0x3], $0x800, $0x38;
	[tilespmem:$0x14140] =	vst v63  }
.LBB2_9:
0xb: {  	p1 =	slt.u32 s9, $0x2;
	s11 =	sadd.s32 $0xA0, s10  }
0xc: {  	s13 =	smov.u32 s4;
	s9 =	sadd.s32 $0x1, s9;
	p2 =	slt.s32 s11, s8  }
0xd: {  	s13 =	smov.u32 @p2 s11;
	p2 =	sne.s32 s9, $0x7F  }
.Ltmp1:
0xe: {  	_ = 	snop;
	(pc) =	sbr.rel @!p2 .LBB2_10-.Ltmp1, $4  }
0xf: {  	s12 =	simm.s32 @!p1 $0x3  }
0x10: {  	_ =	swait.ge @!p1 [sflag:s12], $0xA000  }
0x11: {  	p0 =	por !p0, !p0;
	[sflag:s12] =	ssyncset.done @!p1 $0x0  }
0x12: {  	s11 =	smov.u32 s10;
	s10 =	smov.u32 s13;
	[sflag:s12] =	ssyncadd.s32 @!p1 $0xFFFF6000  }
.LBB2_1:
0x13: {  	p1 =	sgt.u32 s9, $0x7C  }
0x14: {  	s12 =	sxor.u32 @!p1 $0xFFFFFFFF, s9  }
0x15: {  	s12 =	sand.u32 @!p1 $0x1, s12  }
0x16: {  	s12 =	smul.u32 @!p1 $0x280, s12  }
0x17: {  	s31 =	sadd.s32 $0xFFFFFFFF, s9;
	s13 =	sshrl.u32 @!p1 s10, $0x3  }
0x18: {  	s14 =	sand.u32 @!p1 $0x7, s10;
	s13 =	sadd.s32 @!p1 s6, s13;
	s12 =	sshrl.u32 @!p1 s12, $0x2  }
0x19: {  	[tilespmem:s12], [sflag:$0x2] =	stream.linear.gather @!p1 [hbm4b:s13+s14], $0xA0, $0x38;
	[tilespmem:$0x14140] =	vst v63  }
0x1a: {  	p1 =	sgt.u32 s31, $0x7C  }
.Ltmp2:
0x1b: {  	_ = 	snop;
	(pc) =	sbr.rel @p1 .LBB2_9-.Ltmp2, $1  }
0x1c: {  	_ =	sdelay $0x3  }
0x1d: {  	s12 =	simm.s32 $0x1;
	s13 =	sand.u32 $0x1, s9  }
0x1e: {  	s12 =	simm.s32 @!p0 $0x0;
	s14 =	smul.u32 $0x28000, s13  }
0x1f: {  	_ =	swait.ge [sflag:s5], $0xA0;
	s12 =	smul.u32 $0x28000, s12  }
0x20: {  	s15 =	simm.s32 $0x0;
	[sflag:s5] =	ssyncset.done $0x0;
	s13 =	smul.u32 $0x280, s13  }
0x21: {  	[sflag:s5] =	ssyncadd.s32 $0xFFFFFF60;
	s14 =	sshrl.u32 s14, $0x2;
	s12 =	sshrl.u32 s12, $0x2  }
0x22: {  	s13 =	sshrl.u32 s13, $0x2;
	s14 =	sor.u32 $0x140, s14;
	s12 =	sor.u32 $0x140, s12  }
.LBB2_3:
0x23: {  	s16 =	sshll.u32 s15, $0x4  }
0x24: {  	s16 =	sand.u32 $0x3FFFFFF0, s16  }
0x25: {  	s16 =	sadd.s32 s16, s13  }
0x26: {  	v0 =	vld.msk [tilespmem:s16+$0x0 ss:$0x1], $0xffff;
	_ =	sdelay $0x4  }
0x27: {  	vm2 =	vgt.s32 v0, $0x0  }
0x28: {  	v0 =	vnsel vm2, $0x0, v0  }
0x29: {  	v0 =	vmin.u32 v0, $0x4E1FF  }
0x2a: {  	s31 =	sshll.u32 s15, $0xC;
	v1 =	vshll.u32 v0, $0x5;
	v0 =	vshll.u32 v0, $0x4  }
0x2b: {  	s16 =	sand.u32 $0x3FFFF000, s31;
	v1 =	vand.u32 $0xFFFF00, v1;
	v0 =	vand.u32 $0x70, v0  }
0x2c: {  	p1 =	por $0x1, $0x1;
	s17 =	simm.s32 $0x0;
	s16 =	sadd.s32 s16, s14;
	v0 =	vor.u32 v0, v1  }
.LBB2_4:
0x2d: {  	_ =	sdelay $0x1  }
0x2e: {  	s17 =	sshra.s32 s17, $0x2;
	p2 =	por p1, p1  }
.Ltmp3:
0x2f: {  	s17 =	sadd.s32 s17, s16;
	(pc) =	sbr.rel @p2 .LBB2_4-.Ltmp3, $4  }
0x30: {  	[tilespmem:s17], [sflag:$0x1] =	stream.indirect_vreg.gather [hbm:s2], $0x80, v0, vm0, $0x38;
	[tilespmem:$0x14140] =	vst v63  }
0x31: {  	s17 =	sadd.s32 $0x800, s17  }
0x32: {  	[tilespmem:s17], [sflag:$0x1] =	stream.indirect_vreg.gather [hbm:s2], $0x80, v0, vm1, $0x38;
	[tilespmem:$0x14140] =	vst v63  }
0x33: {  	p1 =	por $0x0, $0x0;
	v0 =	vadd.s32 $0x80, v0;
	s17 =	simm.s32 $0x1000  }
0x34: {  	s15 =	sadd.s32 $0x1, s15  }
0x35: {  	p1 =	sne.s32 s15, $0xA  }
.Ltmp4:
0x36: {  	_ = 	snop;
	(pc) =	sbr.rel @p1 .LBB2_3-.Ltmp4, $1  }
0x37: {  	_ =	sdelay $0x3  }
0x38: {  	s13 =	sshll.u32 s11, $0x5  }
0x39: {  	s31 =	sshll.u32 s11, $0x4;
	s13 =	sand.u32 $0xFFFFFF00, s13  }
0x3a: {  	_ =	swait.ge [sflag:s3], $0xA000;
	s11 =	sand.u32 $0x70, s31;
	s13 =	sadd.s32 s13, s7  }
0x3b: {  	s14 =	sadd.s32 $0x800, s12;
	[sflag:s3] =	ssyncset.done $0x0;
	s11 =	sadd.s32 s11, s13  }
0x3c: {  	[sflag:s3] =	ssyncadd.s32 $0xFFFF6000;
	s13 =	simm.s32 $0x100;
	s15 =	sadd.s32 $0x0, s11  }
.LBB2_7:
0x3d: {  	[hbm:s15] =	stream.linear.scatter [tilespmem:s12], [sflag:$0x3], $0x800, $0x38;
	[tilespmem:$0x14140] =	vst v63  }
0x3e: {  	s15 =	smov.u32 s13;
	s12 =	smov.u32 s14;
	p1 =	sne.s32 s13, $0x1300  }
.Ltmp5:
0x3f: {  	s13 =	sadd.s32 $0x100, s13;
	(pc) =	sbr.rel @p1 .LBB2_7-.Ltmp5, $2  }
0x40: {  	_ =	sdelay $0x2  }
0x41: {  	s14 =	sadd.s32 $0x800, s14;
	s15 =	sadd.s32 s15, s11  }
.Ltmp6:
0x42: {  	_ = 	snop;
	(pc) =	sbr.rel .LBB2_8-.Ltmp6, $1  }
0x43: {  	_ =	sdelay $0x3  }
.LBB2_10:
0x44: {  	_ =	sfence.sel $0x180000  }
0x45: {  	s2 =	simm.s32 $0x2;
	[bflag:$0x0] =	sbarrier.arrive $0xFFFF  }
0x46: {  	s30 =	simm.s32 $0x3;
	[sflag:s2] =	ssyncpa.u1 $0x1  }
0x47: {  	s31 =	simm.s32 $0x1;
	[sflag:s30] =	ssyncpa.u1 $0x1  }
0x48: {  	[sflag:s31] =	ssyncpa.u1 $0x1  }
0x49: {  	p0 =	sne.s32 s1, $0x0;
	_ =	strace $0x90000050  }
0x4a: {  	s0 =	sadd.s32 @!p0 $0x100000, s0;
	[bflag:$0x2] =	sbarrier.arrive $0xFFFF  }
0x4b: {  	[sflag:s0] =	ssyncadd.tile.s32 @!p0 $0x1;
	_ =	shalt  }
.Lfunc_end2:
_tile_overlayer_lowered:
.L_overlay_start_2:
0x4c: {  	(tag) =	ssettag $0x2  }
0x4d: {  	s0 =	rddreg [dreg:$0x0];
	s2 =	stileid.u32  }
0x4e: {  	s1 =	rddreg [dreg:$0x1];
	p0 =	sne.s32 s2, $0x0  }
0x4f: {  	s3 =	rddreg [dreg:$0x2];
	[bflag:$0x3] =	sbarrier.arrive $0xFFFF;
	s2 =	simm.s32 @!p0 $0x1C01  }
0x50: {  	[timem:s3], [sflag:s2] =	dma.local @!p0 [hbm:s0], s1  }
0x51: {  	s0 =	simm.s32 @!p0 $0x1  }
0x52: {  	_ =	swait.ge @!p0 [sflag:s0], s1  }
0x53: {  	s1 =	ssub.s32 @!p0 $0x0, s1;
	[sflag:s0] =	ssyncset.done @!p0 $0x0  }
0x54: {  	[sflag:s0] =	ssyncadd.s32 @!p0 s1  }
0x55: {  	[bflag:$0x3] =	sbarrier.arrive $0xFFFF  }
0x56: {  	_ =	shalt  }

// kernel: gather_offload_async_start.3
scs
__scs_entry_jumppad:
0x0: {  	(pc) =	sbr.rel $0x88, $3  }
0x1: {  	(tag) =	ssettag $0x0;
	lr =	simm.s32 $0x1  }
0x2: {  	[smem:$0x3F81] =	sst lr;
	_ =	strace $0xD0000000  }
0x3: {  	_ = 	snop  }
0x4: {  	_ = 	snop  }
0x5: {  	_ = 	snop  }
0x6: {  	_ = 	snop  }
0x7: {  	_ = 	snop  }
__scs_overlays_trampoline_lowered:
0x8: {  	[smem:$0x3F90] =	sst s0  }
0x9: {  	[smem:$0x3F91] =	sst s1  }
0xa: {  	[smem:$0x3F92] =	sst s2  }
0xb: {  	[smem:$0x3F93] =	sst s3  }
0xc: {  	[smem:$0x3F94] =	sst s4  }
0xd: {  	[smem:$0x3F95] =	sst s5  }
0xe: {  	[smem:$0x3F96] =	sst s6  }
0xf: {  	[smem:$0x3F97] =	sst s7  }
0x10: {  	[smem:$0x3F98] =	sst s8  }
0x11: {  	[smem:$0x3F99] =	sst s9;
	s0 =	simm.s32 @!p0 $0x0  }
0x12: {  	s1 =	sld [smem:$0x3F7F];
	s0 =	simm.s32 @p0 $0x1  }
0x13: {  	[smem:$0x3F9A] =	sst s0;
	s0 =	simm.s32 @!p1 $0x0  }
0x14: {  	s2 =	sld [smem:$0x3F7E];
	s0 =	simm.s32 @p1 $0x1  }
0x15: {  	[smem:$0x3F9B] =	sst s0;
	s0 =	simm.s32 @!p2 $0x0  }
0x16: {  	s3 =	sld [smem:$0x3FDB];
	s0 =	simm.s32 @p2 $0x1  }
0x17: {  	s4 =	simm.s32 $0x1BF5;
	[smem:$0x3F9D] =	sst s0  }
0x18: {  	s0 =	sld [smem:$0x3F80];
	_ =	swait.ge [sflag:s4], $0x0  }
0x19: {  	s7 =	sld [smem:$0x3F81]  }
0x1a: {  	s8 =	sadd.s32 $0xFFFFE003, lr  }
0x1b: {  	s9 =	sadd.s32 $0xFFFFFEF7, lr;
	s5 =	simm.s32 $0xFFFFFFFF;
	p2 =	slt.u32 s8, $0xFFFFF086  }
0x1c: {  	p1 =	slt.u32 s9, $0xF7A;
	s5 =	simm.s32 @!p2 $0x0  }
0x1d: {  	s5 =	simm.s32 @p1 $0x1;
	p0 =	seq.s32 s7, s2  }
0x1e: {  	s7 =	smul.u32 @!p0 $0xF7A, s2;
	p2 =	seq.s32 @!p0 s5, $0x0  }
0x1f: {  	s9 =	smul.u32 $0xF7A, s1;
	s8 =	simm.s32 @!p0 $0x1BF5;
	p2 =	por !p2, p0  }
0x20: {  	[sflag:s8] =	ssyncset.s32 @!p0 $0xFFFFF086;
	s6 =	sadd.s32 @!p0 s3, s7;
	s7 =	simm.s32 @!p0 $0x108  }
0x21: {  	s3 =	sadd.s32 s3, s9;
	s6 =	sadd.s32 @!p0 $0x88, s6;
	s7 =	simm.s32 @p2 $0x1082  }
0x22: {  	[simem:s7], [sflag:s8] =	dma.local @!p0 [hbm:s6], $0xF7A  }
0x23: {  	s9 =	sor.u32 $0xD0000000, s2;
	s6 =	simm.s32 $0x108;
	_ =	swait.ge @!p0 [sflag:s8], $0x0  }
0x24: {  	s3 =	sadd.s32 $0x88, s3;
	s6 =	simm.s32 @!p1 $0x1082;
	[sflag:s4] =	ssyncset.s32 $0xFFFFF086  }
0x25: {  	[simem:s6], [sflag:s4] =	dma.local [hbm:s3], $0xF7A  }
0x26: {  	[smem:$0x3F81] =	sst s1;
	(tag) =	ssettag s2;
	_ =	strace s9  }
0x27: {  	s1 =	sld [smem:$0x3F91]  }
0x28: {  	s2 =	sld [smem:$0x3F92]  }
0x29: {  	s4 =	sld [smem:$0x3F94]  }
0x2a: {  	p0 =	seq.s32 s5, $0x0;
	s5 =	sld [smem:$0x3F95]  }
0x2b: {  	s6 =	sld [smem:$0x3F96]  }
0x2c: {  	s7 =	sld [smem:$0x3F97]  }
0x2d: {  	s3 =	simm.s32 $0x108;
	s8 =	sld [smem:$0x3F98]  }
0x2e: {  	s3 =	simm.s32 @!p0 $0x1082;
	s9 =	sld [smem:$0x3F99]  }
0x2f: {  	lr =	sadd.s32 s0, s3;
	s0 =	sld [smem:$0x3F90]  }
0x30: {  	s3 =	sld [smem:$0x3F93]  }
0x31: {  	[smem:$0x3F9C] =	sst s10  }
0x32: {  	s10 =	sld [smem:$0x3F9A];
	_ =	sdelay $0x3  }
0x33: {  	p0 =	seq.s32 s10, $0x1;
	s10 =	sld [smem:$0x3F9C];
	_ =	sdelay $0x3  }
0x34: {  	[smem:$0x3F9C] =	sst s10  }
0x35: {  	s10 =	sld [smem:$0x3F9B];
	_ =	sdelay $0x3  }
0x36: {  	p1 =	seq.s32 s10, $0x1;
	s10 =	sld [smem:$0x3F9C];
	_ =	sdelay $0x3  }
0x37: {  	[smem:$0x3F9C] =	sst s10  }
0x38: {  	s10 =	sld [smem:$0x3F9D]  }
0x39: {  	_ = 	snop;
	(pc) =	sbr.ind lr, $3  }
0x3a: {  	_ = 	snop  }
0x3b: {  	_ = 	snop  }
0x3c: {  	p2 =	seq.s32 s10, $0x1;
	s10 =	sld [smem:$0x3F9C]  }
0x3d: {  	_ =	shalt  }
0x3e: {  	_ =	shalt  }
0x3f: {  	_ =	shalt  }
0x40: {  	_ =	shalt  }
0x41: {  	_ =	shalt  }
0x42: {  	_ =	shalt  }
0x43: {  	_ =	shalt  }
0x44: {  	_ =	shalt  }
0x45: {  	_ =	shalt  }
0x46: {  	_ =	shalt  }
0x47: {  	_ =	shalt  }
0x48: {  	_ =	shalt  }
0x49: {  	_ =	shalt  }
0x4a: {  	_ =	shalt  }
0x4b: {  	_ =	shalt  }
0x4c: {  	_ =	shalt  }
0x4d: {  	_ =	shalt  }
0x4e: {  	_ =	shalt  }
0x4f: {  	_ =	shalt  }
0x50: {  	_ =	shalt  }
0x51: {  	_ =	shalt  }
0x52: {  	_ =	shalt  }
0x53: {  	_ =	shalt  }
0x54: {  	_ =	shalt  }
0x55: {  	_ =	shalt  }
0x56: {  	_ =	shalt  }
0x57: {  	_ =	shalt  }
0x58: {  	_ =	shalt  }
0x59: {  	_ =	shalt  }
0x5a: {  	_ =	shalt  }
0x5b: {  	_ =	shalt  }
0x5c: {  	_ =	shalt  }
0x5d: {  	_ =	shalt  }
0x5e: {  	_ =	shalt  }
0x5f: {  	_ =	shalt  }
0x60: {  	_ =	shalt  }
0x61: {  	_ =	shalt  }
0x62: {  	_ =	shalt  }
0x63: {  	_ =	shalt  }
0x64: {  	_ =	shalt  }
0x65: {  	_ =	shalt  }
0x66: {  	_ =	shalt  }
0x67: {  	_ =	shalt  }
0x68: {  	_ =	shalt  }
0x69: {  	_ =	shalt  }
0x6a: {  	_ =	shalt  }
0x6b: {  	_ =	shalt  }
0x6c: {  	_ =	shalt  }
0x6d: {  	_ =	shalt  }
0x6e: {  	_ =	shalt  }
0x6f: {  	_ =	shalt  }
0x70: {  	_ =	shalt  }
0x71: {  	_ =	shalt  }
0x72: {  	_ =	shalt  }
0x73: {  	_ =	shalt  }
0x74: {  	_ =	shalt  }
0x75: {  	_ =	shalt  }
0x76: {  	_ =	shalt  }
0x77: {  	_ =	shalt  }
0x78: {  	_ =	shalt  }
0x79: {  	_ =	shalt  }
0x7a: {  	_ =	shalt  }
0x7b: {  	_ =	shalt  }
0x7c: {  	_ =	shalt  }
0x7d: {  	_ =	shalt  }
0x7e: {  	_ =	shalt  }
0x7f: {  	_ =	shalt  }
0x80: {  	_ =	shalt  }
0x81: {  	_ =	shalt  }
0x82: {  	_ =	shalt  }
0x83: {  	_ =	shalt  }
0x84: {  	_ =	shalt  }
0x85: {  	_ =	shalt  }
0x86: {  	_ =	shalt  }
0x87: {  	_ =	shalt  }
.Lfunc_end0:
.L_simem_size_0:
called_computation.5_lowered:
.L_overlay_start_0:
0x88: {  	s2 =	sld [smem:$0x3FD9]  }
0x89: {  	s3 =	sld [smem:$0x3FFE];
	_ =	sdelay $0x1  }
0x8a: {  	s1 =	srdreg.scid  }
0x8b: {  	s0 =	sand.u32 $0x1, s1  }
0x8c: {  	s15 =	sshll.u32 s0, $0xA;
	s2 =	sadd.s32 s3, s2  }
0x8d: {  	s2 =	sadd.s32 s2, s15  }
0x8e: {  	[smem:$0x3FA8] =	sst s2  }
0x8f: {  	_ = 	snop  }
0x90: {  	s2 =	sld [smem:$0x3FD0];
	_ =	sdelay $0x2  }
0x91: {  	s16 =	simm.s32 $0xB;
	s4 =	simm.s32 $0x10  }
0x92: {  	[smem:s4], [sflag:s16] =	dma.local [hbm:s2], $0x1  }
0x93: {  	_ =	swait.eq [sflag:s16], $0x1  }
0x94: {  	[sflag:s16] =	ssyncset.done $0x0  }
0x95: {  	[sflag:s16] =	ssyncadd.s32 $0xFFFFFFFF  }
0x96: {  	s17 =	sld [smem:$0x10];
	(tm) =	ssettm $0x1  }
0x97: {  	s18 =	sld [smem:$0x3FFB];
	_ =	sdelay $0x3  }
0x98: {  	_ =	strace s18  }
0x99: {  	s2 =	sld [smem:$0x3FFC];
	_ =	sdelay $0x3  }
0x9a: {  	_ =	strace s2  }
0x9b: {  	s2 =	sld [smem:$0x3FFD];
	_ =	sdelay $0x3  }
0x9c: {  	_ =	strace s2  }
0x9d: {  	_ =	strace $0x8FFFFFFF  }
0x9e: {  	s19 =	sld [smem:$0x3FDB];
	_ =	sdelay $0x1  }
0x9f: {  	s20 =	simm.s32 $_scs_section_size  }
0xa0: {  	s5 =	simm.s32 $_size__tile_overlayer_lowered;
	s6 =	simm.s32 $_tile_overlayer_lowered  }
0xa1: {  	s7 =	simm.s32 $0x1BFF;
	s21 =	sshll.u32 s6, $0x1;
	s4 =	sadd.s32 s20, s19  }
0xa2: {  	s22 =	simm.s32 $0x0;
	s5 =	sshll.u32 s5, $0x1;
	s6 =	sadd.s32 s21, s4  }
0xa3: {  	[timem:s22], [sflag:s7] =	dma.local [hbm:s6], s5  }
0xa4: {  	_ =	swait.ge [sflag:s7], s5  }
0xa5: {  	s5 =	ssub.s32 $0x0, s5;
	[sflag:s7] =	ssyncset.done $0x0  }
0xa6: {  	[sflag:s7] =	ssyncadd.s32 s5;
	_ =	sdelay $0x1  }
0xa7: {  	s23 =	simm.s32 $0x1B8B  }
0xa8: {  	_ =	swait.ge [sflag:s23], $0x1  }
0xa9: {  	[sflag:s23] =	ssyncset.done $0x0  }
0xaa: {  	[sflag:s23] =	ssyncadd.s32 $0xFFFFFFFF  }
0xab: {  	s5 =	sld [smem:$0x0]  }
0xac: {  	s6 =	sand.u32 $0xFFFFFFFE, s1  }
0xad: {  	p0 =	sne.s32 s1, s6  }
0xae: {  	s6 =	sshll.u32 @p0 s6, $0xE  }
0xaf: {  	s6 =	sadd.s32 @p0 $0x11B8D, s6;
	s7 =	sshll.u32 @p0 s5, $0x11  }
0xb0: {  	s6 =	sor.u32 @p0 s7, s6  }
0xb1: {  	[sflag:s6] =	ssyncadd.remote.s32 @p0 $0x1;
	_ =	sdelay $0x1  }
0xb2: {  	s6 =	simm.s32 @p0 $0x1B8D  }
0xb3: {  	_ =	swait.eq @p0 [sflag:s6], $0x1  }
0xb4: {  	[sflag:s6] =	ssyncadd.s32 @p0 $0xFFFFFFFF  }
0xb5: {  	s7 =	sshll.u32 @!p0 s1, $0xE  }
0xb6: {  	s7 =	sor.u32 @!p0 $0x4000, s7;
	s6 =	simm.s32 @!p0 $0x1B8D  }
0xb7: {  	s5 =	sshll.u32 @!p0 s5, $0x11;
	s7 =	sadd.s32 @!p0 $0x11B8D, s7;
	_ =	swait.eq @!p0 [sflag:s6], $0x1  }
0xb8: {  	s5 =	sor.u32 @!p0 s5, s7;
	[sflag:s6] =	ssyncadd.s32 @!p0 $0xFFFFFFFF  }
0xb9: {  	s25 =	simm.s32 $0x1B8E;
	s24 =	sld [smem:$0x3FFE];
	[sflag:s5] =	ssyncadd.remote.s32 @!p0 $0x1  }
0xba: {  	s26 =	simm.s32 $execute0_lowered;
	[smem:$0x3FD2] =	sst s25  }
0xbb: {  	s6 =	sshll.u32 s26, $0x1;
	_ =	strace $0x80000052;
	[dreg:$0x1] =	wrdreg $0xFFFFFFFF  }
0xbc: {  	s28 =	simm.s32 $_size_execute0_lowered;
	s4 =	sadd.s32 s4, s6;
	[dreg:$0x0] =	wrdreg $0x0  }
0xbd: {  	s6 =	sshll.u32 s28, $0x1;
	[dreg:$0x2] =	wrdreg s4  }
0xbe: {  	[dreg:$0x3] =	wrdreg s6  }
0xbf: {  	[dreg:$0x4] =	wrdreg $0xC0  }
0xc0: {  	_ =	task [dreg:s22], $0x5FFFF  }
0xc1: {  	[dreg:$0x1] =	wrdreg $0xFFFFFFFF  }
0xc2: {  	[dreg:$0x0] =	wrdreg $0x60  }
0xc3: {  	[dreg:$0x2] =	wrdreg s17  }
0xc4: {  	[dreg:$0x3] =	wrdreg s24  }
0xc5: {  	[dreg:$0x4] =	wrdreg $0xA  }
0xc6: {  	_ =	task.clear_ibuf [dreg:s22], $0x5FFFF;
	_ =	strace $0x90000052  }
0xc7: {  	s29 =	simm.s32 $0xA;
	_ =	strace $0x80000054  }
0xc8: {  	_ =	swait.ge [sflag:s29], $0x1  }
0xc9: {  	[sflag:s29] =	ssyncadd.s32 $0xFFFFFFFF  }
0xca: {  	_ =	strace $0x90000054  }
0xcb: {  	_ =	sfence  }
0xcc: {  	s30 =	sld [smem:$0x0];
	_ =	sdelay $0x2  }
0xcd: {  	s31 =	sshll.u32 s1, $0xD;
	s1 =	sshrl.u32 s1, $0x2  }
0xce: {  	s4 =	sand.u32 $0x4000, s31;
	s1 =	sadd.s32 s1, s30  }
0xcf: {  	s0 =	sor.u32 s4, s0;
	s1 =	sshll.u32 s1, $0x11  }
0xd0: {  	s0 =	sor.u32 s1, s0  }
0xd1: {  	s0 =	sadd.s32 $0x8F2B, s0  }
0xd2: {  	[sflag:s0] =	ssyncadd.remote.s32 $0x1  }
0xd3: {  	_ =	sfence.sel $0xFFFF  }
0xd4: {  	[dreg:$0x0] =	wrdreg $0xFFFFFFFF;
	(pc) =	sbr.abs _section_cstart, $3  }
0xd5: {  	[dreg:$0x1] =	wrdreg $0xFFFFFFFF  }
0xd6: {  	_ =	task.clear_ibuf [dreg:s22], $0x2FFFF;
	_ =	strace $0x9FFFFFFF  }
0xd7: {  	(tm) =	ssettm $0x7FFFFFFF  }
tec
execute0_lowered:
.L_overlay_start_1:
0x0: {  	(tag) =	ssettag $0x1  }
0x1: {  	s0 =	srdreg.scid  }
0x2: {  	s1 =	sshll.u32 s0, $0x4  }
0x3: {  	s0 =	stileid.u32;
	s1 =	sand.u32 $0x10, s1  }
0x4: {  	s2 =	sor.u32 s0, s1  }
0x5: {  	s3 =	smul.u32 $0x3E, s2  }
0x6: {  	s1 =	sshrl.u32 s1, $0x4;
	s2 =	smin.u32 s2, $0x10  }
0x7: {  	s1 =	sxor.u32 $0x3F, s1;
	s2 =	sadd.s32 s2, s3  }
0x8: {  	s1 =	sadd.s32 s1, s2  }
0x9: {  	s1 =	smul.u32 $0x140, s1  }
0xa: {  	s2 =	smul.u32 $0x140, s2  }
0xb: {  	s3 =	smin.u32 s1, $0x9C400  }
0xc: {  	s7 =	ssub.s32 s3, s2  }
0xd: {  	p0 =	sgt.s32 s7, $0x0  }
0xe: {  	s7 =	simm.s32 @!p0 $0x0  }
0xf: {  	s4 =	rddreg [dreg:$0x0];
	s31 =	smulhi.u32 $0x66666667, s7  }
0x10: {  	s9 =	rddreg [dreg:$0x1];
	s6 =	simm.s32 $0x1  }
0x11: {  	s11 =	simm.s32 $0x3;
	s13 =	simm.s32 $0x0;
	s8 =	sshrl.u32 s31, $0x7  }
0x12: {  	s12 =	simm.s32 $0x0;
	s5 =	sadd.s32 $0x4E8200, s9;
	s10 =	smul.u32 $0x140, s8  }
.Ltmp0:
0x13: {  	s9 =	sadd.s32 $0x13A1C00, s9;
	s1 =	rddreg [dreg:$0x2];
	(pc) =	sbr.rel .LBB2_1-.Ltmp0, $4  }
0x14: {  	_ =	strace $0x80000053;
	p0 =	sne.s32 s7, s10;
	s10 =	simm.s32 $0x1  }
0x15: {  	[sflag:s6] =	ssyncpa.u1 $0x0;
	s7 =	simm.s32 $0x2;
	s10 =	simm.s32 @!p0 $0x0  }
0x16: {  	[sflag:s7] =	ssyncpa.u1 $0x0;
	p0 =	por $0x0, $0x0;
	s8 =	sadd.s32 s10, s8  }
0x17: {  	vm0 =	vmmov $0xff;
	vm1 =	vcmask $0x3F20;
	[sflag:s11] =	ssyncpa.u1 $0x0;
	s11 =	smov.u32 s2;
	s10 =	sadd.s32 $0x1, s8  }
.LBB2_6:
0x18: {  	[hbm:s17] =	stream.linear.scatter [tilespmem:s14], [sflag:$0x3], $0x400, $0x38;
	[tilespmem:$0x14280] =	vst v63  }
.LBB2_7:
0x19: {  	s13 =	sadd.s32 $0x140, s11  }
0x1a: {  	s15 =	smov.u32 s2;
	p2 =	slt.s32 s13, s3  }
0x1b: {  	s15 =	smov.u32 @p2 s13;
	p2 =	sne.s32 s12, s10  }
.Ltmp1:
0x1c: {  	p1 =	slt.u32 s12, $0x2;
	(pc) =	sbr.rel @!p2 .LBB2_8-.Ltmp1, $4  }
0x1d: {  	s14 =	simm.s32 @!p1 $0x3  }
0x1e: {  	s16 =	sadd.s32 $0x1, s12;
	_ =	swait.ge @!p1 [sflag:s14], $0xA000  }
0x1f: {  	p0 =	por !p0, !p0;
	s13 =	smov.u32 s11;
	[sflag:s14] =	ssyncset.done @!p1 $0x0  }
0x20: {  	s12 =	smov.u32 s16;
	s11 =	smov.u32 s15;
	[sflag:s14] =	ssyncadd.s32 @!p1 $0xFFFF6000  }
.LBB2_1:
0x21: {  	p1 =	sge.u32 s12, s8  }
0x22: {  	s14 =	sxor.u32 @!p1 $0xFFFFFFFF, s12  }
0x23: {  	s14 =	sand.u32 @!p1 $0x1, s14  }
0x24: {  	s14 =	smul.u32 @!p1 $0x500, s14  }
0x25: {  	s31 =	sadd.s32 $0xFFFFFFFF, s12;
	s15 =	sshrl.u32 @!p1 s11, $0x3  }
0x26: {  	s16 =	sand.u32 @!p1 $0x7, s11;
	s15 =	sadd.s32 @!p1 s5, s15;
	s14 =	sshrl.u32 @!p1 s14, $0x2  }
0x27: {  	[tilespmem:s14], [sflag:$0x2] =	stream.linear.gather @!p1 [hbm4b:s15+s16], $0x140, $0x38;
	[tilespmem:$0x14280] =	vst v63  }
0x28: {  	p1 =	sge.u32 s31, s8  }
.Ltmp2:
0x29: {  	_ = 	snop;
	(pc) =	sbr.rel @p1 .LBB2_7-.Ltmp2, $1  }
0x2a: {  	_ =	sdelay $0x3  }
0x2b: {  	s14 =	simm.s32 $0x1  }
0x2c: {  	s14 =	simm.s32 @!p0 $0x0  }
0x2d: {  	s15 =	smul.u32 $0x500, s14  }
0x2e: {  	_ =	swait.ge [sflag:s7], $0x140  }
0x2f: {  	[sflag:s7] =	ssyncset.done $0x0;
	s16 =	sshrl.u32 s15, $0x2  }
0x30: {  	[sflag:s7] =	ssyncadd.s32 $0xFFFFFEC0;
	s15 =	sadd.s32 $0x0, s16  }
0x31: {  	v0 =	vld.msk [tilespmem:s15+$0x0 ss:$0x1], $0xffff;
	_ =	sdelay $0x4  }
0x32: {  	vm2 =	vgt.s32 v0, $0x0  }
0x33: {  	v0 =	vnsel vm2, $0x0, v0  }
0x34: {  	v0 =	vmin.u32 v0, $0x4E1FF  }
0x35: {  	v0 =	vshll.u32 v0, $0x4  }
0x36: {  	s14 =	smul.u32 $0x28000, s14;
	_ =	sdelay $0x1  }
0x37: {  	s14 =	sshrl.u32 s14, $0x2  }
0x38: {  	s14 =	sor.u32 $0x280, s14  }
0x39: {  	[tilespmem:s14], [sflag:$0x1] =	stream.indirect_vreg.gather [hbm:s4], $0x80, v0, vm0, $0x38;
	[tilespmem:$0x14280] =	vst v63  }
0x3a: {  	s17 =	sadd.s32 $0x10, s16;
	s15 =	sadd.s32 $0x400, s14  }
0x3b: {  	[tilespmem:s15], [sflag:$0x1] =	stream.indirect_vreg.gather [hbm:s4], $0x80, v0, vm1, $0x38;
	[tilespmem:$0x14280] =	vst v63  }
0x3c: {  	s18 =	simm.s32 $0x80;
	v0 =	vld.msk [tilespmem:s17+$0x0 ss:$0x1], $0xffff;
	s17 =	smov.u32 s14  }
.LBB2_3:
0x3d: {  	p1 =	sne.s32 s18, $0x4C0;
	_ =	sdelay $0x4  }
0x3e: {  	vm2 =	vgt.s32 v0, $0x0  }
0x3f: {  	v0 =	vnsel vm2, $0x0, v0  }
0x40: {  	v0 =	vmin.u32 v0, $0x4E1FF  }
0x41: {  	v0 =	vshll.u32 v0, $0x4;
	_ =	sdelay $0x3  }
.Ltmp3:
0x42: {  	s19 =	sshra.s32 s18, $0x2;
	s17 =	sadd.s32 $0x800, s17;
	(pc) =	sbr.rel @p1 .LBB2_3-.Ltmp3, $4  }
0x43: {  	[tilespmem:s17], [sflag:$0x1] =	stream.indirect_vreg.gather [hbm:s4], $0x80, v0, vm0, $0x38;
	[tilespmem:$0x14280] =	vst v63  }
0x44: {  	s19 =	sadd.s32 s19, s16;
	s20 =	sadd.s32 $0x400, s17  }
0x45: {  	[tilespmem:s20], [sflag:$0x1] =	stream.indirect_vreg.gather [hbm:s4], $0x80, v0, vm1, $0x38;
	[tilespmem:$0x14280] =	vst v63  }
0x46: {  	s18 =	sadd.s32 $0x40, s18;
	v0 =	vld.msk [tilespmem:s19+$0x0 ss:$0x1], $0xffff  }
0x47: {  	_ =	sdelay $0x3  }
0x48: {  	vm2 =	vgt.s32 v0, $0x0  }
0x49: {  	v0 =	vnsel vm2, $0x0, v0  }
0x4a: {  	v0 =	vmin.u32 v0, $0x4E1FF  }
0x4b: {  	v0 =	vshll.u32 v0, $0x4;
	_ =	sdelay $0x3  }
0x4c: {  	s16 =	sadd.s32 $0x800, s17  }
0x4d: {  	[tilespmem:s16], [sflag:$0x1] =	stream.indirect_vreg.gather [hbm:s4], $0x80, v0, vm0, $0x38;
	[tilespmem:$0x14280] =	vst v63  }
0x4e: {  	s16 =	sadd.s32 $0x400, s16  }
0x4f: {  	[tilespmem:s16], [sflag:$0x1] =	stream.indirect_vreg.gather [hbm:s4], $0x80, v0, vm1, $0x38;
	[tilespmem:$0x14280] =	vst v63  }
0x50: {  	s13 =	sshll.u32 s13, $0x4;
	_ =	swait.ge [sflag:s6], $0xA000  }
0x51: {  	s13 =	sadd.s32 s13, s9;
	[sflag:s6] =	ssyncset.done $0x0  }
0x52: {  	s17 =	sadd.s32 $0x0, s13;
	s16 =	simm.s32 $0x80;
	[sflag:s6] =	ssyncadd.s32 $0xFFFF6000  }
.LBB2_5:
0x53: {  	[hbm:s17] =	stream.linear.scatter [tilespmem:s14], [sflag:$0x3], $0x400, $0x38;
	[tilespmem:$0x14280] =	vst v63  }
0x54: {  	s17 =	smov.u32 s16;
	s14 =	smov.u32 s15;
	p1 =	sne.s32 s16, $0x1380  }
.Ltmp4:
0x55: {  	s16 =	sadd.s32 $0x80, s16;
	(pc) =	sbr.rel @p1 .LBB2_5-.Ltmp4, $2  }
0x56: {  	_ =	sdelay $0x2  }
0x57: {  	s15 =	sadd.s32 $0x400, s15;
	s17 =	sadd.s32 s17, s13  }
.Ltmp5:
0x58: {  	_ = 	snop;
	(pc) =	sbr.rel .LBB2_6-.Ltmp5, $1  }
0x59: {  	_ =	sdelay $0x3  }
.LBB2_8:
0x5a: {  	_ =	sfence.sel $0x180000  }
0x5b: {  	s2 =	simm.s32 $0x2;
	[bflag:$0x0] =	sbarrier.arrive $0xFFFF  }
0x5c: {  	s30 =	simm.s32 $0x3;
	[sflag:s2] =	ssyncpa.u1 $0x1  }
0x5d: {  	s31 =	simm.s32 $0x1;
	[sflag:s30] =	ssyncpa.u1 $0x1  }
0x5e: {  	[sflag:s31] =	ssyncpa.u1 $0x1  }
0x5f: {  	p0 =	sne.s32 s0, $0x0;
	_ =	strace $0x90000053  }
0x60: {  	s0 =	sadd.s32 @!p0 $0x100000, s1;
	[bflag:$0x2] =	sbarrier.arrive $0xFFFF  }
0x61: {  	[sflag:s0] =	ssyncadd.tile.s32 @!p0 $0x1;
	_ =	shalt  }
.Lfunc_end2:
_tile_overlayer_lowered:
.L_overlay_start_2:
0x62: {  	(tag) =	ssettag $0x2  }
0x63: {  	s0 =	rddreg [dreg:$0x0];
	s2 =	stileid.u32  }
0x64: {  	s1 =	rddreg [dreg:$0x1];
	p0 =	sne.s32 s2, $0x0  }
0x65: {  	s3 =	rddreg [dreg:$0x2];
	[bflag:$0x3] =	sbarrier.arrive $0xFFFF;
	s2 =	simm.s32 @!p0 $0x1C01  }
0x66: {  	[timem:s3], [sflag:s2] =	dma.local @!p0 [hbm:s0], s1  }
0x67: {  	s0 =	simm.s32 @!p0 $0x1  }
0x68: {  	_ =	swait.ge @!p0 [sflag:s0], s1  }
0x69: {  	s1 =	ssub.s32 @!p0 $0x0, s1;
	[sflag:s0] =	ssyncset.done @!p0 $0x0  }
0x6a: {  	[sflag:s0] =	ssyncadd.s32 @!p0 s1  }
0x6b: {  	[bflag:$0x3] =	sbarrier.arrive $0xFFFF  }
0x6c: {  	_ =	shalt  }

// kernel: gather_offload_async_start
scs
__scs_entry_jumppad:
0x0: {  	(pc) =	sbr.rel $0x88, $3  }
0x1: {  	(tag) =	ssettag $0x0;
	lr =	simm.s32 $0x1  }
0x2: {  	[smem:$0x3F81] =	sst lr;
	_ =	strace $0xD0000000  }
0x3: {  	_ = 	snop  }
0x4: {  	_ = 	snop  }
0x5: {  	_ = 	snop  }
0x6: {  	_ = 	snop  }
0x7: {  	_ = 	snop  }
__scs_overlays_trampoline_lowered:
0x8: {  	[smem:$0x3F90] =	sst s0  }
0x9: {  	[smem:$0x3F91] =	sst s1  }
0xa: {  	[smem:$0x3F92] =	sst s2  }
0xb: {  	[smem:$0x3F93] =	sst s3  }
0xc: {  	[smem:$0x3F94] =	sst s4  }
0xd: {  	[smem:$0x3F95] =	sst s5  }
0xe: {  	[smem:$0x3F96] =	sst s6  }
0xf: {  	[smem:$0x3F97] =	sst s7  }
0x10: {  	[smem:$0x3F98] =	sst s8  }
0x11: {  	[smem:$0x3F99] =	sst s9;
	s0 =	simm.s32 @!p0 $0x0  }
0x12: {  	s1 =	sld [smem:$0x3F7F];
	s0 =	simm.s32 @p0 $0x1  }
0x13: {  	[smem:$0x3F9A] =	sst s0;
	s0 =	simm.s32 @!p1 $0x0  }
0x14: {  	s2 =	sld [smem:$0x3F7E];
	s0 =	simm.s32 @p1 $0x1  }
0x15: {  	[smem:$0x3F9B] =	sst s0;
	s0 =	simm.s32 @!p2 $0x0  }
0x16: {  	s3 =	sld [smem:$0x3FDB];
	s0 =	simm.s32 @p2 $0x1  }
0x17: {  	s4 =	simm.s32 $0x1BF5;
	[smem:$0x3F9D] =	sst s0  }
0x18: {  	s0 =	sld [smem:$0x3F80];
	_ =	swait.ge [sflag:s4], $0x0  }
0x19: {  	s7 =	sld [smem:$0x3F81]  }
0x1a: {  	s8 =	sadd.s32 $0xFFFFE003, lr  }
0x1b: {  	s9 =	sadd.s32 $0xFFFFFEF7, lr;
	s5 =	simm.s32 $0xFFFFFFFF;
	p2 =	slt.u32 s8, $0xFFFFF086  }
0x1c: {  	p1 =	slt.u32 s9, $0xF7A;
	s5 =	simm.s32 @!p2 $0x0  }
0x1d: {  	s5 =	simm.s32 @p1 $0x1;
	p0 =	seq.s32 s7, s2  }
0x1e: {  	s7 =	smul.u32 @!p0 $0xF7A, s2;
	p2 =	seq.s32 @!p0 s5, $0x0  }
0x1f: {  	s9 =	smul.u32 $0xF7A, s1;
	s8 =	simm.s32 @!p0 $0x1BF5;
	p2 =	por !p2, p0  }
0x20: {  	[sflag:s8] =	ssyncset.s32 @!p0 $0xFFFFF086;
	s6 =	sadd.s32 @!p0 s3, s7;
	s7 =	simm.s32 @!p0 $0x108  }
0x21: {  	s3 =	sadd.s32 s3, s9;
	s6 =	sadd.s32 @!p0 $0x88, s6;
	s7 =	simm.s32 @p2 $0x1082  }
0x22: {  	[simem:s7], [sflag:s8] =	dma.local @!p0 [hbm:s6], $0xF7A  }
0x23: {  	s9 =	sor.u32 $0xD0000000, s2;
	s6 =	simm.s32 $0x108;
	_ =	swait.ge @!p0 [sflag:s8], $0x0  }
0x24: {  	s3 =	sadd.s32 $0x88, s3;
	s6 =	simm.s32 @!p1 $0x1082;
	[sflag:s4] =	ssyncset.s32 $0xFFFFF086  }
0x25: {  	[simem:s6], [sflag:s4] =	dma.local [hbm:s3], $0xF7A  }
0x26: {  	[smem:$0x3F81] =	sst s1;
	(tag) =	ssettag s2;
	_ =	strace s9  }
0x27: {  	s1 =	sld [smem:$0x3F91]  }
0x28: {  	s2 =	sld [smem:$0x3F92]  }
0x29: {  	s4 =	sld [smem:$0x3F94]  }
0x2a: {  	p0 =	seq.s32 s5, $0x0;
	s5 =	sld [smem:$0x3F95]  }
0x2b: {  	s6 =	sld [smem:$0x3F96]  }
0x2c: {  	s7 =	sld [smem:$0x3F97]  }
0x2d: {  	s3 =	simm.s32 $0x108;
	s8 =	sld [smem:$0x3F98]  }
0x2e: {  	s3 =	simm.s32 @!p0 $0x1082;
	s9 =	sld [smem:$0x3F99]  }
0x2f: {  	lr =	sadd.s32 s0, s3;
	s0 =	sld [smem:$0x3F90]  }
0x30: {  	s3 =	sld [smem:$0x3F93]  }
0x31: {  	[smem:$0x3F9C] =	sst s10  }
0x32: {  	s10 =	sld [smem:$0x3F9A];
	_ =	sdelay $0x3  }
0x33: {  	p0 =	seq.s32 s10, $0x1;
	s10 =	sld [smem:$0x3F9C];
	_ =	sdelay $0x3  }
0x34: {  	[smem:$0x3F9C] =	sst s10  }
0x35: {  	s10 =	sld [smem:$0x3F9B];
	_ =	sdelay $0x3  }
0x36: {  	p1 =	seq.s32 s10, $0x1;
	s10 =	sld [smem:$0x3F9C];
	_ =	sdelay $0x3  }
0x37: {  	[smem:$0x3F9C] =	sst s10  }
0x38: {  	s10 =	sld [smem:$0x3F9D]  }
0x39: {  	_ = 	snop;
	(pc) =	sbr.ind lr, $3  }
0x3a: {  	_ = 	snop  }
0x3b: {  	_ = 	snop  }
0x3c: {  	p2 =	seq.s32 s10, $0x1;
	s10 =	sld [smem:$0x3F9C]  }
0x3d: {  	_ =	shalt  }
0x3e: {  	_ =	shalt  }
0x3f: {  	_ =	shalt  }
0x40: {  	_ =	shalt  }
0x41: {  	_ =	shalt  }
0x42: {  	_ =	shalt  }
0x43: {  	_ =	shalt  }
0x44: {  	_ =	shalt  }
0x45: {  	_ =	shalt  }
0x46: {  	_ =	shalt  }
0x47: {  	_ =	shalt  }
0x48: {  	_ =	shalt  }
0x49: {  	_ =	shalt  }
0x4a: {  	_ =	shalt  }
0x4b: {  	_ =	shalt  }
0x4c: {  	_ =	shalt  }
0x4d: {  	_ =	shalt  }
0x4e: {  	_ =	shalt  }
0x4f: {  	_ =	shalt  }
0x50: {  	_ =	shalt  }
0x51: {  	_ =	shalt  }
0x52: {  	_ =	shalt  }
0x53: {  	_ =	shalt  }
0x54: {  	_ =	shalt  }
0x55: {  	_ =	shalt  }
0x56: {  	_ =	shalt  }
0x57: {  	_ =	shalt  }
0x58: {  	_ =	shalt  }
0x59: {  	_ =	shalt  }
0x5a: {  	_ =	shalt  }
0x5b: {  	_ =	shalt  }
0x5c: {  	_ =	shalt  }
0x5d: {  	_ =	shalt  }
0x5e: {  	_ =	shalt  }
0x5f: {  	_ =	shalt  }
0x60: {  	_ =	shalt  }
0x61: {  	_ =	shalt  }
0x62: {  	_ =	shalt  }
0x63: {  	_ =	shalt  }
0x64: {  	_ =	shalt  }
0x65: {  	_ =	shalt  }
0x66: {  	_ =	shalt  }
0x67: {  	_ =	shalt  }
0x68: {  	_ =	shalt  }
0x69: {  	_ =	shalt  }
0x6a: {  	_ =	shalt  }
0x6b: {  	_ =	shalt  }
0x6c: {  	_ =	shalt  }
0x6d: {  	_ =	shalt  }
0x6e: {  	_ =	shalt  }
0x6f: {  	_ =	shalt  }
0x70: {  	_ =	shalt  }
0x71: {  	_ =	shalt  }
0x72: {  	_ =	shalt  }
0x73: {  	_ =	shalt  }
0x74: {  	_ =	shalt  }
0x75: {  	_ =	shalt  }
0x76: {  	_ =	shalt  }
0x77: {  	_ =	shalt  }
0x78: {  	_ =	shalt  }
0x79: {  	_ =	shalt  }
0x7a: {  	_ =	shalt  }
0x7b: {  	_ =	shalt  }
0x7c: {  	_ =	shalt  }
0x7d: {  	_ =	shalt  }
0x7e: {  	_ =	shalt  }
0x7f: {  	_ =	shalt  }
0x80: {  	_ =	shalt  }
0x81: {  	_ =	shalt  }
0x82: {  	_ =	shalt  }
0x83: {  	_ =	shalt  }
0x84: {  	_ =	shalt  }
0x85: {  	_ =	shalt  }
0x86: {  	_ =	shalt  }
0x87: {  	_ =	shalt  }
.Lfunc_end0:
.L_simem_size_0:
called_computation.2_lowered:
.L_overlay_start_0:
0x88: {  	s2 =	sld [smem:$0x3FD9]  }
0x89: {  	s3 =	sld [smem:$0x3FFE];
	_ =	sdelay $0x1  }
0x8a: {  	s1 =	srdreg.scid  }
0x8b: {  	s0 =	sand.u32 $0x1, s1  }
0x8c: {  	s14 =	sshll.u32 s0, $0xA;
	s2 =	sadd.s32 s3, s2  }
0x8d: {  	s2 =	sadd.s32 s2, s14  }
0x8e: {  	[smem:$0x3FA8] =	sst s2  }
0x8f: {  	_ = 	snop  }
0x90: {  	s2 =	sld [smem:$0x3FD0];
	_ =	sdelay $0x2  }
0x91: {  	s15 =	simm.s32 $0xB;
	s4 =	simm.s32 $0x10  }
0x92: {  	[smem:s4], [sflag:s15] =	dma.local [hbm:s2], $0x1  }
0x93: {  	_ =	swait.eq [sflag:s15], $0x1  }
0x94: {  	[sflag:s15] =	ssyncset.done $0x0  }
0x95: {  	[sflag:s15] =	ssyncadd.s32 $0xFFFFFFFF  }
0x96: {  	s16 =	sld [smem:$0x10];
	(tm) =	ssettm $0x1  }
0x97: {  	s17 =	sld [smem:$0x3FFB];
	_ =	sdelay $0x3  }
0x98: {  	_ =	strace s17  }
0x99: {  	s3 =	sld [smem:$0x3FFC];
	_ =	sdelay $0x3  }
0x9a: {  	_ =	strace s3  }
0x9b: {  	s3 =	sld [smem:$0x3FFD];
	_ =	sdelay $0x3  }
0x9c: {  	_ =	strace s3  }
0x9d: {  	_ =	strace $0x8FFFFFFF  }
0x9e: {  	s18 =	sld [smem:$0x3FDB];
	_ =	sdelay $0x1  }
0x9f: {  	s19 =	simm.s32 $_scs_section_size  }
0xa0: {  	s5 =	simm.s32 $_size__tile_overlayer_lowered;
	s6 =	simm.s32 $_tile_overlayer_lowered  }
0xa1: {  	s22 =	simm.s32 $0x1BFF;
	s21 =	sshll.u32 s6, $0x1;
	s3 =	sadd.s32 s19, s18  }
0xa2: {  	s7 =	simm.s32 $0x0;
	s20 =	sshll.u32 s5, $0x1;
	s5 =	sadd.s32 s21, s3  }
0xa3: {  	[timem:s7], [sflag:s22] =	dma.local [hbm:s5], s20  }
0xa4: {  	_ =	swait.ge [sflag:s22], s20  }
0xa5: {  	s4 =	ssub.s32 $0x0, s20;
	[sflag:s22] =	ssyncset.done $0x0  }
0xa6: {  	[sflag:s22] =	ssyncadd.s32 s4;
	_ =	sdelay $0x1  }
0xa7: {  	s23 =	simm.s32 $0x1B8B  }
0xa8: {  	_ =	swait.ge [sflag:s23], $0x1  }
0xa9: {  	[sflag:s23] =	ssyncset.done $0x0  }
0xaa: {  	s25 =	simm.s32 $0x1B8E;
	s24 =	sld [smem:$0x3FFE];
	[sflag:s23] =	ssyncadd.s32 $0xFFFFFFFF  }
0xab: {  	s26 =	simm.s32 $execute0_lowered;
	[smem:$0x3FD2] =	sst s25  }
0xac: {  	s5 =	sshll.u32 s26, $0x1;
	_ =	strace $0x80000046;
	[dreg:$0x1] =	wrdreg $0xFFFFFFFF  }
0xad: {  	s28 =	simm.s32 $_size_execute0_lowered;
	s3 =	sadd.s32 s3, s5;
	[dreg:$0x0] =	wrdreg $0x0  }
0xae: {  	s5 =	sshll.u32 s28, $0x1;
	[dreg:$0x2] =	wrdreg s3  }
0xaf: {  	[dreg:$0x3] =	wrdreg s5  }
0xb0: {  	[dreg:$0x4] =	wrdreg $0xC0  }
0xb1: {  	_ =	task [dreg:s7], $0x5FFFF  }
0xb2: {  	[dreg:$0x1] =	wrdreg $0xFFFFFFFF  }
0xb3: {  	[dreg:$0x0] =	wrdreg $0x60  }
0xb4: {  	[dreg:$0x2] =	wrdreg s16  }
0xb5: {  	[dreg:$0x3] =	wrdreg s24  }
0xb6: {  	[dreg:$0x4] =	wrdreg $0x9  }
0xb7: {  	_ =	task.clear_ibuf [dreg:s7], $0x5FFFF;
	_ =	strace $0x90000046  }
0xb8: {  	s29 =	simm.s32 $0x9;
	_ =	strace $0x80000048  }
0xb9: {  	_ =	swait.ge [sflag:s29], $0x1  }
0xba: {  	[sflag:s29] =	ssyncadd.s32 $0xFFFFFFFF  }
0xbb: {  	_ =	strace $0x90000048  }
0xbc: {  	_ =	sfence  }
0xbd: {  	s30 =	sld [smem:$0x0];
	_ =	sdelay $0x2  }
0xbe: {  	s31 =	sshll.u32 s1, $0xD;
	s1 =	sshrl.u32 s1, $0x2  }
0xbf: {  	s3 =	sand.u32 $0x4000, s31;
	s1 =	sadd.s32 s1, s30  }
0xc0: {  	s0 =	sor.u32 s3, s0;
	s1 =	sshll.u32 s1, $0x11  }
0xc1: {  	s0 =	sor.u32 s1, s0  }
0xc2: {  	s0 =	sadd.s32 $0x8F2B, s0  }
0xc3: {  	[sflag:s0] =	ssyncadd.remote.s32 $0x1  }
0xc4: {  	_ =	sfence.sel $0xFFFF  }
0xc5: {  	[dreg:$0x0] =	wrdreg $0xFFFFFFFF;
	(pc) =	sbr.abs _section_cstart, $3  }
0xc6: {  	[dreg:$0x1] =	wrdreg $0xFFFFFFFF  }
0xc7: {  	_ =	task.clear_ibuf [dreg:s7], $0x2FFFF;
	_ =	strace $0x9FFFFFFF  }
0xc8: {  	(tm) =	ssettm $0x7FFFFFFF  }
0xc9: {  	_ =	shalt  }
tec
execute0_lowered:
.L_overlay_start_1:
0x0: {  	(tag) =	ssettag $0x1  }
0x1: {  	s0 =	srdreg.scid  }
0x2: {  	s1 =	sshll.u32 s0, $0x4  }
0x3: {  	s0 =	stileid.u32;
	s1 =	sand.u32 $0x10, s1  }
0x4: {  	s2 =	sor.u32 s0, s1  }
0x5: {  	s3 =	smul.u32 $0x3E, s2  }
0x6: {  	s1 =	sshrl.u32 s1, $0x4;
	s2 =	smin.u32 s2, $0x10  }
0x7: {  	s1 =	sxor.u32 $0x3F, s1;
	s2 =	sadd.s32 s2, s3  }
0x8: {  	s1 =	sadd.s32 s1, s2  }
0x9: {  	s1 =	smul.u32 $0x140, s1  }
0xa: {  	s2 =	smul.u32 $0x140, s2  }
0xb: {  	s3 =	smin.u32 s1, $0x9C400  }
0xc: {  	s7 =	ssub.s32 s3, s2  }
0xd: {  	p0 =	sgt.s32 s7, $0x0  }
0xe: {  	s7 =	simm.s32 @!p0 $0x0  }
0xf: {  	s4 =	rddreg [dreg:$0x0];
	s31 =	smulhi.u32 $0x66666667, s7  }
0x10: {  	s9 =	rddreg [dreg:$0x1];
	s6 =	simm.s32 $0x1  }
0x11: {  	s11 =	simm.s32 $0x3;
	s13 =	simm.s32 $0x0;
	s8 =	sshrl.u32 s31, $0x7  }
0x12: {  	s12 =	simm.s32 $0x0;
	s5 =	sadd.s32 $0x4E8200, s9;
	s10 =	smul.u32 $0x140, s8  }
.Ltmp0:
0x13: {  	s9 =	sadd.s32 $0x13A1C00, s9;
	s1 =	rddreg [dreg:$0x2];
	(pc) =	sbr.rel .LBB2_1-.Ltmp0, $4  }
0x14: {  	_ =	strace $0x80000047;
	p0 =	sne.s32 s7, s10;
	s10 =	simm.s32 $0x1  }
0x15: {  	[sflag:s6] =	ssyncpa.u1 $0x0;
	s7 =	simm.s32 $0x2;
	s10 =	simm.s32 @!p0 $0x0  }
0x16: {  	[sflag:s7] =	ssyncpa.u1 $0x0;
	p0 =	por $0x0, $0x0;
	s8 =	sadd.s32 s10, s8  }
0x17: {  	vm0 =	vmmov $0xff;
	vm1 =	vcmask $0x3F20;
	[sflag:s11] =	ssyncpa.u1 $0x0;
	s11 =	smov.u32 s2;
	s10 =	sadd.s32 $0x1, s8  }
.LBB2_6:
0x18: {  	[hbm:s17] =	stream.linear.scatter [tilespmem:s14], [sflag:$0x3], $0x400, $0x38;
	[tilespmem:$0x14280] =	vst v63  }
.LBB2_7:
0x19: {  	s13 =	sadd.s32 $0x140, s11  }
0x1a: {  	s15 =	smov.u32 s2;
	p2 =	slt.s32 s13, s3  }
0x1b: {  	s15 =	smov.u32 @p2 s13;
	p2 =	sne.s32 s12, s10  }
.Ltmp1:
0x1c: {  	p1 =	slt.u32 s12, $0x2;
	(pc) =	sbr.rel @!p2 .LBB2_8-.Ltmp1, $4  }
0x1d: {  	s14 =	simm.s32 @!p1 $0x3  }
0x1e: {  	s16 =	sadd.s32 $0x1, s12;
	_ =	swait.ge @!p1 [sflag:s14], $0xA000  }
0x1f: {  	p0 =	por !p0, !p0;
	s13 =	smov.u32 s11;
	[sflag:s14] =	ssyncset.done @!p1 $0x0  }
0x20: {  	s12 =	smov.u32 s16;
	s11 =	smov.u32 s15;
	[sflag:s14] =	ssyncadd.s32 @!p1 $0xFFFF6000  }
.LBB2_1:
0x21: {  	p1 =	sge.u32 s12, s8  }
0x22: {  	s14 =	sxor.u32 @!p1 $0xFFFFFFFF, s12  }
0x23: {  	s14 =	sand.u32 @!p1 $0x1, s14  }
0x24: {  	s14 =	smul.u32 @!p1 $0x500, s14  }
0x25: {  	s31 =	sadd.s32 $0xFFFFFFFF, s12;
	s15 =	sshrl.u32 @!p1 s11, $0x3  }
0x26: {  	s16 =	sand.u32 @!p1 $0x7, s11;
	s15 =	sadd.s32 @!p1 s5, s15;
	s14 =	sshrl.u32 @!p1 s14, $0x2  }
0x27: {  	[tilespmem:s14], [sflag:$0x2] =	stream.linear.gather @!p1 [hbm4b:s15+s16], $0x140, $0x38;
	[tilespmem:$0x14280] =	vst v63  }
0x28: {  	p1 =	sge.u32 s31, s8  }
.Ltmp2:
0x29: {  	_ = 	snop;
	(pc) =	sbr.rel @p1 .LBB2_7-.Ltmp2, $1  }
0x2a: {  	_ =	sdelay $0x3  }
0x2b: {  	s14 =	simm.s32 $0x1  }
0x2c: {  	s14 =	simm.s32 @!p0 $0x0  }
0x2d: {  	s15 =	smul.u32 $0x500, s14  }
0x2e: {  	_ =	swait.ge [sflag:s7], $0x140  }
0x2f: {  	[sflag:s7] =	ssyncset.done $0x0;
	s16 =	sshrl.u32 s15, $0x2  }
0x30: {  	[sflag:s7] =	ssyncadd.s32 $0xFFFFFEC0;
	s15 =	sadd.s32 $0x0, s16  }
0x31: {  	v0 =	vld.msk [tilespmem:s15+$0x0 ss:$0x1], $0xffff;
	_ =	sdelay $0x4  }
0x32: {  	vm2 =	vgt.s32 v0, $0x0  }
0x33: {  	v0 =	vnsel vm2, $0x0, v0  }
0x34: {  	v0 =	vmin.u32 v0, $0x4E1FF  }
0x35: {  	v0 =	vshll.u32 v0, $0x4  }
0x36: {  	s14 =	smul.u32 $0x28000, s14;
	_ =	sdelay $0x1  }
0x37: {  	s14 =	sshrl.u32 s14, $0x2  }
0x38: {  	s14 =	sor.u32 $0x280, s14  }
0x39: {  	[tilespmem:s14], [sflag:$0x1] =	stream.indirect_vreg.gather [hbm:s4], $0x80, v0, vm0, $0x38;
	[tilespmem:$0x14280] =	vst v63  }
0x3a: {  	s17 =	sadd.s32 $0x10, s16;
	s15 =	sadd.s32 $0x400, s14  }
0x3b: {  	[tilespmem:s15], [sflag:$0x1] =	stream.indirect_vreg.gather [hbm:s4], $0x80, v0, vm1, $0x38;
	[tilespmem:$0x14280] =	vst v63  }
0x3c: {  	s18 =	simm.s32 $0x80;
	v0 =	vld.msk [tilespmem:s17+$0x0 ss:$0x1], $0xffff;
	s17 =	smov.u32 s14  }
.LBB2_3:
0x3d: {  	p1 =	sne.s32 s18, $0x4C0;
	_ =	sdelay $0x4  }
0x3e: {  	vm2 =	vgt.s32 v0, $0x0  }
0x3f: {  	v0 =	vnsel vm2, $0x0, v0  }
0x40: {  	v0 =	vmin.u32 v0, $0x4E1FF  }
0x41: {  	v0 =	vshll.u32 v0, $0x4;
	_ =	sdelay $0x3  }
.Ltmp3:
0x42: {  	s19 =	sshra.s32 s18, $0x2;
	s17 =	sadd.s32 $0x800, s17;
	(pc) =	sbr.rel @p1 .LBB2_3-.Ltmp3, $4  }
0x43: {  	[tilespmem:s17], [sflag:$0x1] =	stream.indirect_vreg.gather [hbm:s4], $0x80, v0, vm0, $0x38;
	[tilespmem:$0x14280] =	vst v63  }
0x44: {  	s19 =	sadd.s32 s19, s16;
	s20 =	sadd.s32 $0x400, s17  }
0x45: {  	[tilespmem:s20], [sflag:$0x1] =	stream.indirect_vreg.gather [hbm:s4], $0x80, v0, vm1, $0x38;
	[tilespmem:$0x14280] =	vst v63  }
0x46: {  	s18 =	sadd.s32 $0x40, s18;
	v0 =	vld.msk [tilespmem:s19+$0x0 ss:$0x1], $0xffff  }
0x47: {  	_ =	sdelay $0x3  }
0x48: {  	vm2 =	vgt.s32 v0, $0x0  }
0x49: {  	v0 =	vnsel vm2, $0x0, v0  }
0x4a: {  	v0 =	vmin.u32 v0, $0x4E1FF  }
0x4b: {  	v0 =	vshll.u32 v0, $0x4;
	_ =	sdelay $0x3  }
0x4c: {  	s16 =	sadd.s32 $0x800, s17  }
0x4d: {  	[tilespmem:s16], [sflag:$0x1] =	stream.indirect_vreg.gather [hbm:s4], $0x80, v0, vm0, $0x38;
	[tilespmem:$0x14280] =	vst v63  }
0x4e: {  	s16 =	sadd.s32 $0x400, s16  }
0x4f: {  	[tilespmem:s16], [sflag:$0x1] =	stream.indirect_vreg.gather [hbm:s4], $0x80, v0, vm1, $0x38;
	[tilespmem:$0x14280] =	vst v63  }
0x50: {  	s13 =	sshll.u32 s13, $0x4;
	_ =	swait.ge [sflag:s6], $0xA000  }
0x51: {  	s13 =	sadd.s32 s13, s9;
	[sflag:s6] =	ssyncset.done $0x0  }
0x52: {  	s17 =	sadd.s32 $0x0, s13;
	s16 =	simm.s32 $0x80;
	[sflag:s6] =	ssyncadd.s32 $0xFFFF6000  }
.LBB2_5:
0x53: {  	[hbm:s17] =	stream.linear.scatter [tilespmem:s14], [sflag:$0x3], $0x400, $0x38;
	[tilespmem:$0x14280] =	vst v63  }
0x54: {  	s17 =	smov.u32 s16;
	s14 =	smov.u32 s15;
	p1 =	sne.s32 s16, $0x1380  }
.Ltmp4:
0x55: {  	s16 =	sadd.s32 $0x80, s16;
	(pc) =	sbr.rel @p1 .LBB2_5-.Ltmp4, $2  }
0x56: {  	_ =	sdelay $0x2  }
0x57: {  	s15 =	sadd.s32 $0x400, s15;
	s17 =	sadd.s32 s17, s13  }
.Ltmp5:
0x58: {  	_ = 	snop;
	(pc) =	sbr.rel .LBB2_6-.Ltmp5, $1  }
0x59: {  	_ =	sdelay $0x3  }
.LBB2_8:
0x5a: {  	_ =	sfence.sel $0x180000  }
0x5b: {  	s2 =	simm.s32 $0x2;
	[bflag:$0x0] =	sbarrier.arrive $0xFFFF  }
0x5c: {  	s30 =	simm.s32 $0x3;
	[sflag:s2] =	ssyncpa.u1 $0x1  }
0x5d: {  	s31 =	simm.s32 $0x1;
	[sflag:s30] =	ssyncpa.u1 $0x1  }
0x5e: {  	[sflag:s31] =	ssyncpa.u1 $0x1  }
0x5f: {  	p0 =	sne.s32 s0, $0x0;
	_ =	strace $0x90000047  }
0x60: {  	s0 =	sadd.s32 @!p0 $0x100000, s1;
	[bflag:$0x2] =	sbarrier.arrive $0xFFFF  }
0x61: {  	[sflag:s0] =	ssyncadd.tile.s32 @!p0 $0x1;
	_ =	shalt  }
.Lfunc_end2:
_tile_overlayer_lowered:
.L_overlay_start_2:
0x62: {  	(tag) =	ssettag $0x2  }
0x63: {  	s0 =	rddreg [dreg:$0x0];
	s2 =	stileid.u32  }
0x64: {  	s1 =	rddreg [dreg:$0x1];
	p0 =	sne.s32 s2, $0x0  }
0x65: {  	s3 =	rddreg [dreg:$0x2];
	[bflag:$0x3] =	sbarrier.arrive $0xFFFF;
	s2 =	simm.s32 @!p0 $0x1C01  }
0x66: {  	[timem:s3], [sflag:s2] =	dma.local @!p0 [hbm:s0], s1  }
0x67: {  	s0 =	simm.s32 @!p0 $0x1  }
0x68: {  	_ =	swait.ge @!p0 [sflag:s0], s1  }
0x69: {  	s1 =	ssub.s32 @!p0 $0x0, s1;
	[sflag:s0] =	ssyncset.done @!p0 $0x0  }
0x6a: {  	[sflag:s0] =	ssyncadd.s32 @!p0 s1  }
0x6b: {  	[bflag:$0x3] =	sbarrier.arrive $0xFFFF  }
0x6c: {  	_ =	shalt  }

// kernel: scatter_offload_async_start.1
scs
__scs_entry_jumppad:
0x0: {  	(pc) =	sbr.rel $0x88, $3  }
0x1: {  	(tag) =	ssettag $0x0;
	lr =	simm.s32 $0x1  }
0x2: {  	[smem:$0x3F81] =	sst lr;
	_ =	strace $0xD0000000  }
0x3: {  	_ = 	snop  }
0x4: {  	_ = 	snop  }
0x5: {  	_ = 	snop  }
0x6: {  	_ = 	snop  }
0x7: {  	_ = 	snop  }
__scs_overlays_trampoline_lowered:
0x8: {  	[smem:$0x3F90] =	sst s0  }
0x9: {  	[smem:$0x3F91] =	sst s1  }
0xa: {  	[smem:$0x3F92] =	sst s2  }
0xb: {  	[smem:$0x3F93] =	sst s3  }
0xc: {  	[smem:$0x3F94] =	sst s4  }
0xd: {  	[smem:$0x3F95] =	sst s5  }
0xe: {  	[smem:$0x3F96] =	sst s6  }
0xf: {  	[smem:$0x3F97] =	sst s7  }
0x10: {  	[smem:$0x3F98] =	sst s8  }
0x11: {  	[smem:$0x3F99] =	sst s9;
	s0 =	simm.s32 @!p0 $0x0  }
0x12: {  	s1 =	sld [smem:$0x3F7F];
	s0 =	simm.s32 @p0 $0x1  }
0x13: {  	[smem:$0x3F9A] =	sst s0;
	s0 =	simm.s32 @!p1 $0x0  }
0x14: {  	s2 =	sld [smem:$0x3F7E];
	s0 =	simm.s32 @p1 $0x1  }
0x15: {  	[smem:$0x3F9B] =	sst s0;
	s0 =	simm.s32 @!p2 $0x0  }
0x16: {  	s3 =	sld [smem:$0x3FDB];
	s0 =	simm.s32 @p2 $0x1  }
0x17: {  	s4 =	simm.s32 $0x1BF5;
	[smem:$0x3F9D] =	sst s0  }
0x18: {  	s0 =	sld [smem:$0x3F80];
	_ =	swait.ge [sflag:s4], $0x0  }
0x19: {  	s7 =	sld [smem:$0x3F81]  }
0x1a: {  	s8 =	sadd.s32 $0xFFFFE003, lr  }
0x1b: {  	s9 =	sadd.s32 $0xFFFFFEF7, lr;
	s5 =	simm.s32 $0xFFFFFFFF;
	p2 =	slt.u32 s8, $0xFFFFF086  }
0x1c: {  	p1 =	slt.u32 s9, $0xF7A;
	s5 =	simm.s32 @!p2 $0x0  }
0x1d: {  	s5 =	simm.s32 @p1 $0x1;
	p0 =	seq.s32 s7, s2  }
0x1e: {  	s7 =	smul.u32 @!p0 $0xF7A, s2;
	p2 =	seq.s32 @!p0 s5, $0x0  }
0x1f: {  	s9 =	smul.u32 $0xF7A, s1;
	s8 =	simm.s32 @!p0 $0x1BF5;
	p2 =	por !p2, p0  }
0x20: {  	[sflag:s8] =	ssyncset.s32 @!p0 $0xFFFFF086;
	s6 =	sadd.s32 @!p0 s3, s7;
	s7 =	simm.s32 @!p0 $0x108  }
0x21: {  	s3 =	sadd.s32 s3, s9;
	s6 =	sadd.s32 @!p0 $0x88, s6;
	s7 =	simm.s32 @p2 $0x1082  }
0x22: {  	[simem:s7], [sflag:s8] =	dma.local @!p0 [hbm:s6], $0xF7A  }
0x23: {  	s9 =	sor.u32 $0xD0000000, s2;
	s6 =	simm.s32 $0x108;
	_ =	swait.ge @!p0 [sflag:s8], $0x0  }
0x24: {  	s3 =	sadd.s32 $0x88, s3;
	s6 =	simm.s32 @!p1 $0x1082;
	[sflag:s4] =	ssyncset.s32 $0xFFFFF086  }
0x25: {  	[simem:s6], [sflag:s4] =	dma.local [hbm:s3], $0xF7A  }
0x26: {  	[smem:$0x3F81] =	sst s1;
	(tag) =	ssettag s2;
	_ =	strace s9  }
0x27: {  	s1 =	sld [smem:$0x3F91]  }
0x28: {  	s2 =	sld [smem:$0x3F92]  }
0x29: {  	s4 =	sld [smem:$0x3F94]  }
0x2a: {  	p0 =	seq.s32 s5, $0x0;
	s5 =	sld [smem:$0x3F95]  }
0x2b: {  	s6 =	sld [smem:$0x3F96]  }
0x2c: {  	s7 =	sld [smem:$0x3F97]  }
0x2d: {  	s3 =	simm.s32 $0x108;
	s8 =	sld [smem:$0x3F98]  }
0x2e: {  	s3 =	simm.s32 @!p0 $0x1082;
	s9 =	sld [smem:$0x3F99]  }
0x2f: {  	lr =	sadd.s32 s0, s3;
	s0 =	sld [smem:$0x3F90]  }
0x30: {  	s3 =	sld [smem:$0x3F93]  }
0x31: {  	[smem:$0x3F9C] =	sst s10  }
0x32: {  	s10 =	sld [smem:$0x3F9A];
	_ =	sdelay $0x3  }
0x33: {  	p0 =	seq.s32 s10, $0x1;
	s10 =	sld [smem:$0x3F9C];
	_ =	sdelay $0x3  }
0x34: {  	[smem:$0x3F9C] =	sst s10  }
0x35: {  	s10 =	sld [smem:$0x3F9B];
	_ =	sdelay $0x3  }
0x36: {  	p1 =	seq.s32 s10, $0x1;
	s10 =	sld [smem:$0x3F9C];
	_ =	sdelay $0x3  }
0x37: {  	[smem:$0x3F9C] =	sst s10  }
0x38: {  	s10 =	sld [smem:$0x3F9D]  }
0x39: {  	_ = 	snop;
	(pc) =	sbr.ind lr, $3  }
0x3a: {  	_ = 	snop  }
0x3b: {  	_ = 	snop  }
0x3c: {  	p2 =	seq.s32 s10, $0x1;
	s10 =	sld [smem:$0x3F9C]  }
0x3d: {  	_ =	shalt  }
0x3e: {  	_ =	shalt  }
0x3f: {  	_ =	shalt  }
0x40: {  	_ =	shalt  }
0x41: {  	_ =	shalt  }
0x42: {  	_ =	shalt  }
0x43: {  	_ =	shalt  }
0x44: {  	_ =	shalt  }
0x45: {  	_ =	shalt  }
0x46: {  	_ =	shalt  }
0x47: {  	_ =	shalt  }
0x48: {  	_ =	shalt  }
0x49: {  	_ =	shalt  }
0x4a: {  	_ =	shalt  }
0x4b: {  	_ =	shalt  }
0x4c: {  	_ =	shalt  }
0x4d: {  	_ =	shalt  }
0x4e: {  	_ =	shalt  }
0x4f: {  	_ =	shalt  }
0x50: {  	_ =	shalt  }
0x51: {  	_ =	shalt  }
0x52: {  	_ =	shalt  }
0x53: {  	_ =	shalt  }
0x54: {  	_ =	shalt  }
0x55: {  	_ =	shalt  }
0x56: {  	_ =	shalt  }
0x57: {  	_ =	shalt  }
0x58: {  	_ =	shalt  }
0x59: {  	_ =	shalt  }
0x5a: {  	_ =	shalt  }
0x5b: {  	_ =	shalt  }
0x5c: {  	_ =	shalt  }
0x5d: {  	_ =	shalt  }
0x5e: {  	_ =	shalt  }
0x5f: {  	_ =	shalt  }
0x60: {  	_ =	shalt  }
0x61: {  	_ =	shalt  }
0x62: {  	_ =	shalt  }
0x63: {  	_ =	shalt  }
0x64: {  	_ =	shalt  }
0x65: {  	_ =	shalt  }
0x66: {  	_ =	shalt  }
0x67: {  	_ =	shalt  }
0x68: {  	_ =	shalt  }
0x69: {  	_ =	shalt  }
0x6a: {  	_ =	shalt  }
0x6b: {  	_ =	shalt  }
0x6c: {  	_ =	shalt  }
0x6d: {  	_ =	shalt  }
0x6e: {  	_ =	shalt  }
0x6f: {  	_ =	shalt  }
0x70: {  	_ =	shalt  }
0x71: {  	_ =	shalt  }
0x72: {  	_ =	shalt  }
0x73: {  	_ =	shalt  }
0x74: {  	_ =	shalt  }
0x75: {  	_ =	shalt  }
0x76: {  	_ =	shalt  }
0x77: {  	_ =	shalt  }
0x78: {  	_ =	shalt  }
0x79: {  	_ =	shalt  }
0x7a: {  	_ =	shalt  }
0x7b: {  	_ =	shalt  }
0x7c: {  	_ =	shalt  }
0x7d: {  	_ =	shalt  }
0x7e: {  	_ =	shalt  }
0x7f: {  	_ =	shalt  }
0x80: {  	_ =	shalt  }
0x81: {  	_ =	shalt  }
0x82: {  	_ =	shalt  }
0x83: {  	_ =	shalt  }
0x84: {  	_ =	shalt  }
0x85: {  	_ =	shalt  }
0x86: {  	_ =	shalt  }
0x87: {  	_ =	shalt  }
.Lfunc_end0:
.L_simem_size_0:
called_computation.1_lowered:
.L_overlay_start_0:
0x88: {  	s2 =	sld [smem:$0x3FD9]  }
0x89: {  	s3 =	sld [smem:$0x3FFE];
	_ =	sdelay $0x1  }
0x8a: {  	s1 =	srdreg.scid  }
0x8b: {  	s0 =	sand.u32 $0x1, s1  }
0x8c: {  	s16 =	sshll.u32 s0, $0xA;
	s2 =	sadd.s32 s3, s2  }
0x8d: {  	s2 =	sadd.s32 s2, s16  }
0x8e: {  	[smem:$0x3FA8] =	sst s2  }
0x8f: {  	_ = 	snop  }
0x90: {  	s2 =	sld [smem:$0x3FC6];
	(tm) =	ssettm $0x1  }
0x91: {  	s17 =	sld [smem:$0x3FFB];
	_ =	sdelay $0x3  }
0x92: {  	_ =	strace s17  }
0x93: {  	s3 =	sld [smem:$0x3FFC];
	_ =	sdelay $0x3  }
0x94: {  	_ =	strace s3  }
0x95: {  	s3 =	sld [smem:$0x3FFD];
	_ =	sdelay $0x3  }
0x96: {  	_ =	strace s3  }
0x97: {  	_ =	strace $0x8FFFFFFF  }
0x98: {  	s18 =	sld [smem:$0x3FDB];
	_ =	sdelay $0x1  }
0x99: {  	s4 =	simm.s32 $_scs_section_size  }
0x9a: {  	s5 =	simm.s32 $_size__tile_overlayer_lowered;
	s6 =	simm.s32 $_tile_overlayer_lowered  }
0x9b: {  	s21 =	simm.s32 $0x1BFF;
	s20 =	sshll.u32 s6, $0x1;
	s3 =	sadd.s32 s4, s18  }
0x9c: {  	s7 =	simm.s32 $0x0;
	s19 =	sshll.u32 s5, $0x1;
	s5 =	sadd.s32 s20, s3  }
0x9d: {  	[timem:s7], [sflag:s21] =	dma.local [hbm:s5], s19  }
0x9e: {  	_ =	swait.ge [sflag:s21], s19  }
0x9f: {  	s4 =	ssub.s32 $0x0, s19;
	[sflag:s21] =	ssyncset.done $0x0  }
0xa0: {  	[sflag:s21] =	ssyncadd.s32 s4;
	_ =	sdelay $0x1  }
0xa1: {  	s22 =	simm.s32 $0x1B8B  }
0xa2: {  	_ =	swait.ge [sflag:s22], $0x1  }
0xa3: {  	[sflag:s22] =	ssyncset.done $0x0  }
0xa4: {  	s23 =	sld [smem:$0x3FFE];
	[sflag:s22] =	ssyncadd.s32 $0xFFFFFFFF  }
0xa5: {  	s25 =	simm.s32 $0x1B8E;
	s24 =	sld [smem:$0x0]  }
0xa6: {  	s26 =	simm.s32 $execute0_lowered;
	[smem:$0x3FD2] =	sst s25  }
0xa7: {  	s6 =	sshll.u32 s26, $0x1;
	_ =	strace $0x80000055;
	[dreg:$0x1] =	wrdreg $0xFFFFFFFF  }
0xa8: {  	s28 =	simm.s32 $_size_execute0_lowered;
	s3 =	sadd.s32 s3, s6;
	[dreg:$0x0] =	wrdreg $0x0  }
0xa9: {  	s6 =	sshll.u32 s28, $0x1;
	[dreg:$0x2] =	wrdreg s3  }
0xaa: {  	[dreg:$0x3] =	wrdreg s6  }
0xab: {  	[dreg:$0x4] =	wrdreg $0xC0  }
0xac: {  	_ =	task [dreg:s7], $0x5FFFF  }
0xad: {  	[dreg:$0x1] =	wrdreg $0xFFFFFFFF  }
0xae: {  	[dreg:$0x0] =	wrdreg $0x60  }
0xaf: {  	[dreg:$0x2] =	wrdreg s23  }
0xb0: {  	[dreg:$0x3] =	wrdreg s2  }
0xb1: {  	[dreg:$0x4] =	wrdreg s1  }
0xb2: {  	[dreg:$0x5] =	wrdreg s24  }
0xb3: {  	[dreg:$0x6] =	wrdreg $0x9  }
0xb4: {  	_ =	task.clear_ibuf [dreg:s7], $0x7FFFF;
	_ =	strace $0x90000055  }
0xb5: {  	s29 =	simm.s32 $0x9;
	_ =	strace $0x80000057  }
0xb6: {  	_ =	swait.ge [sflag:s29], $0x1  }
0xb7: {  	[sflag:s29] =	ssyncadd.s32 $0xFFFFFFFF  }
0xb8: {  	_ =	strace $0x90000057  }
0xb9: {  	_ =	sfence  }
0xba: {  	s30 =	sld [smem:$0x0];
	_ =	sdelay $0x2  }
0xbb: {  	s31 =	sshll.u32 s1, $0xD;
	s1 =	sshrl.u32 s1, $0x2  }
0xbc: {  	s3 =	sand.u32 $0x4000, s31;
	s1 =	sadd.s32 s1, s30  }
0xbd: {  	s0 =	sor.u32 s3, s0;
	s1 =	sshll.u32 s1, $0x11  }
0xbe: {  	s0 =	sor.u32 s1, s0  }
0xbf: {  	s0 =	sadd.s32 $0x8F2B, s0  }
0xc0: {  	[sflag:s0] =	ssyncadd.remote.s32 $0x1  }
0xc1: {  	_ =	sfence.sel $0xFFFF  }
0xc2: {  	[dreg:$0x0] =	wrdreg $0xFFFFFFFF;
	(pc) =	sbr.abs _section_cstart, $3  }
0xc3: {  	[dreg:$0x1] =	wrdreg $0xFFFFFFFF  }
0xc4: {  	_ =	task.clear_ibuf [dreg:s7], $0x2FFFF;
	_ =	strace $0x9FFFFFFF  }
0xc5: {  	(tm) =	ssettm $0x7FFFFFFF  }
tec
execute0_lowered:
.L_overlay_start_1:
0x0: {  	(tag) =	ssettag $0x1  }
0x1: {  	s0 =	rddreg [dreg:$0x0]  }
0x2: {  	s5 =	rddreg [dreg:$0x1];
	_ =	strace $0x80000056;
	s1 =	simm.s32 $0x1  }
0x3: {  	s9 =	simm.s32 $0x208;
	v0 =	vimm.s32 $0x0;
	[sflag:s1] =	ssyncpa.u1 $0x0  }
0x4: {  	[tilespmem:s9+$0x70] =	vst v0  }
0x5: {  	[tilespmem:s9+$0x60] =	vst v0  }
0x6: {  	[tilespmem:s9+$0x50] =	vst v0  }
0x7: {  	[tilespmem:s9+$0x40] =	vst v0  }
0x8: {  	[tilespmem:s9+$0x30] =	vst v0  }
0x9: {  	[tilespmem:s9+$0x20] =	vst v0  }
0xa: {  	s2 =	simm.s32 $0x40;
	s1 =	sadd.s32 $0x4E8200, s0;
	s6 =	sadd.s32 $0x3AC5A00, s0;
	[tilespmem:s9+$0x10] =	vst v0  }
.LBB2_1:
0xb: {  	s2 =	sadd.s32 $0x40, s2;
	[tilespmem:s9+$0x0] =	vst v0;
	s9 =	sadd.s32 $0x80, s9  }
0xc: {  	p0 =	slt.u32 s2, $0x3880;
	[tilespmem:s9+$0x70] =	vst v0  }
0xd: {  	[tilespmem:s9+$0x60] =	vst v0  }
.Ltmp0:
0xe: {  	[tilespmem:s9+$0x50] =	vst v0;
	(pc) =	sbr.rel @p0 .LBB2_1-.Ltmp0, $4  }
0xf: {  	[tilespmem:s9+$0x40] =	vst v0  }
0x10: {  	[tilespmem:s9+$0x30] =	vst v0  }
0x11: {  	[tilespmem:s9+$0x20] =	vst v0  }
0x12: {  	[tilespmem:s9+$0x10] =	vst v0  }
0x13: {  	s0 =	srdreg.scid  }
0x14: {  	s0 =	sshll.u32 s0, $0x4  }
0x15: {  	s2 =	stileid.u32;
	s0 =	sand.u32 $0x10, s0  }
0x16: {  	s0 =	sor.u32 s2, s0  }
0x17: {  	s7 =	smul.u32 $0xB2, s0  }
0x18: {  	s8 =	smin.u32 s0, $0x13  }
0x19: {  	s7 =	sadd.s32 s8, s7  }
0x1a: {  	p0 =	slt.u32 s0, $0x13;
	s0 =	simm.s32 $0x4E50;
	s7 =	smul.u32 $0x70, s7  }
0x1b: {  	s0 =	simm.s32 @!p0 $0x4DE0  }
0x1c: {  	s0 =	sadd.s32 s0, s7  }
0x1d: {  	s8 =	smin.u32 s0, $0x9C450  }
0x1e: {  	s0 =	ssub.s32 s8, s7  }
0x1f: {  	p0 =	sgt.s32 s0, $0x0  }
0x20: {  	s0 =	simm.s32 @!p0 $0x0  }
0x21: {  	s10 =	smulhi.u32 $0x92492493, s0;
	_ =	sdelay $0x1  }
0x22: {  	[tilespmem:s9+$0x0] =	vst v0;
	s9 =	simm.s32 $0x2;
	s12 =	sshrl.u32 s10, $0x6  }
0x23: {  	s18 =	simm.s32 $0x0;
	p1 =	por $0x0, $0x0;
	s11 =	smul.u32 $0x70, s12  }
.Ltmp1:
0x24: {  	s14 =	simm.s32 $0xA;
	s15 =	simm.s32 $0x80;
	(pc) =	sbr.rel .LBB2_3-.Ltmp1, $4  }
0x25: {  	s17 =	simm.s32 $0x0;
	[sflag:s9] =	ssyncpa.u1 $0x0;
	s13 =	sshll.u32 s2, $0x9  }
0x26: {  	v0 =	vimm.s32 $0xFFFFFFFF;
	s10 =	simm.s32 $0x9;
	p0 =	sne.s32 s0, s11;
	s0 =	simm.s32 $0x1  }
0x27: {  	[tilespmem:$0xE408] =	vst v0;
	s16 =	smov.u32 s7;
	[sflag:s10] =	ssyncpa.u1 $0x0;
	s0 =	simm.s32 @!p0 $0x0  }
0x28: {  	v0 =	vlaneseq.u32;
	s11 =	simm.s32 $0x1;
	p0 =	por $0x1, $0x1;
	s12 =	sadd.s32 s0, s12  }
.LBB2_21:
0x29: {  	s0 =	sshrl.u32 s26, $0x2  }
.LBB2_23:
0x2a: {  	_ =	swait.ge [sflag:s14], s0  }
0x2b: {  	s31 =	ssub.s32 $0x0, s0;
	v1 =	vmov s21;
	vm0 =	veq.s32 v0, $0x0;
	[sflag:s14] =	ssyncset.done $0x0  }
0x2c: {  	vm15 =	veq.s32 v0, $0x2;
	v1 =	vsel vm0, s25, v1;
	[sflag:s14] =	ssyncadd.s32 s31  }
0x2d: {  	v1 =	vsel vm15, s18, v1;
	[sflag:s14] =	ssyncpa.u1 $0x1  }
0x2e: {  	[tilespmem:$0xE408] =	vst v1  }
.LBB2_24:
0x2f: {  	s0 =	sadd.s32 $0x70, s16  }
0x30: {  	s2 =	smov.u32 s7;
	p2 =	slt.s32 s0, s8  }
0x31: {  	s2 =	smov.u32 @p2 s0;
	p2 =	sne.s32 s17, s12  }
.Ltmp2:
0x32: {  	_ = 	snop;
	(pc) =	sbr.rel @!p2 .LBB2_25-.Ltmp2, $3  }
0x33: {  	_ =	sdelay $0x1  }
0x34: {  	s31 =	sadd.s32 $0x1, s17;
	s18 =	smov.u32 s16;
	p0 =	por !p0, !p0  }
0x35: {  	p1 =	por !p1, !p1;
	s17 =	smov.u32 s31;
	s16 =	smov.u32 s2  }
.LBB2_3:
0x36: {  	p2 =	sge.u32 s17, s12  }
0x37: {  	p3 =	sgt.s32 @!p2 s16, $0x9C3E0  }
0x38: {  	s0 =	smov.u32 s16;
	s19 =	sshra.s32 @!p2 s16, $0x1F;
	p3 =	por !p3, p2  }
0x39: {  	s19 =	sand.u32 @!p2 s19, s16;
	s0 =	simm.s32 @p3 $0x9C3E0  }
0x3a: {  	s0 =	ssub.s32 @!p2 s0, s19;
	s19 =	sxor.u32 @!p2 $0xFFFFFFFF, s17  }
0x3b: {  	s0 =	sadd.s32 @!p2 $0xFFF63C20, s0;
	s19 =	sand.u32 @!p2 $0x1, s19  }
0x3c: {  	s20 =	sshll.u32 @!p2 s0, $0x2;
	p3 =	sgt.s32 @!p2 s0, $0x6F;
	s19 =	smul.u32 @!p2 $0x1C0, s19  }
0x3d: {  	s21 =	sand.u32 @!p2 $0x7, s16;
	s0 =	ssub.s32 @!p2 $0x1C0, s20;
	p3 =	por !p3, p2  }
0x3e: {  	s20 =	sshrl.u32 @!p2 s16, $0x3;
	s0 =	sshrl.u32 @!p2 s0, $0x2;
	s19 =	sshrl.u32 @!p2 s19, $0x2  }
0x3f: {  	s20 =	sadd.s32 @!p2 s5, s20;
	s0 =	simm.s32 @!p3 $0x0;
	s19 =	sadd.s32 @!p2 $0x10448, s19  }
0x40: {  	[tilespmem:s19], [sflag:$0x9] =	stream.linear.gather @!p2 [hbm4b:s20+s21], s0, $0x38;
	[tilespmem:$0x1E528] =	vst v63  }
0x41: {  	s21 =	ssub.s32 @!p2 $0x9C400, s16  }
0x42: {  	p3 =	slt.s32 @!p2 s21, $0x1  }
0x43: {  	p2 =	por p2, p3  }
.Ltmp3:
0x44: {  	_ = 	snop;
	(pc) =	sbr.rel @p2 .LBB2_6-.Ltmp3, $1  }
0x45: {  	_ =	sdelay $0x3  }
0x46: {  	s0 =	simm.s32 $0x1  }
0x47: {  	s19 =	sshll.u32 s16, $0x7;
	s30 =	smin.u32 s21, $0x70;
	s0 =	simm.s32 @!p0 $0x0  }
0x48: {  	s22 =	sshll.u32 s16, $0x8;
	p2 =	sne.s32 s30, $0x1;
	s0 =	smul.u32 $0x1C000, s0  }
.Ltmp4:
0x49: {  	s20 =	sand.u32 $0xFFFFF800, s22;
	s23 =	sand.u32 $0x380, s19;
	(pc) =	sbr.rel @!p2 .LBB2_6-.Ltmp4, $4  }
0x4a: {  	s20 =	sor.u32 s23, s20  }
0x4b: {  	s21 =	sadd.s32 $0xFFFFFFFF, s30;
	s23 =	sshrl.u32 s20, $0x3;
	s0 =	sshrl.u32 s0, $0x2  }
0x4c: {  	s22 =	sadd.s32 $0x100, s22;
	s31 =	sadd.s32 s6, s23;
	s20 =	sor.u32 $0x10528, s0  }
0x4d: {  	[tilespmem:s20], [sflag:$0x9] =	stream.strided.gather [hbm:s31], $0x100, s15, s15, $0x38;
	[tilespmem:$0x1E528] =	vst v63  }
.LBB2_5:
0x4e: {  	s0 =	sand.u32 $0xFFFFF800, s22;
	s19 =	sadd.s32 $0x80, s19;
	p2 =	sne.s32 s21, $0x1  }
.Ltmp5:
0x4f: {  	s21 =	sadd.s32 $0xFFFFFFFF, s21;
	s23 =	sand.u32 $0x380, s19;
	(pc) =	sbr.rel @p2 .LBB2_5-.Ltmp5, $4  }
0x50: {  	s0 =	sor.u32 s23, s0  }
0x51: {  	s0 =	sshrl.u32 s0, $0x3  }
0x52: {  	s22 =	sadd.s32 $0x100, s22;
	s20 =	sadd.s32 $0x100, s20;
	s0 =	sadd.s32 s6, s0  }
0x53: {  	[tilespmem:s20], [sflag:$0x9] =	stream.strided.gather [hbm:s0], $0x100, s15, s15, $0x38;
	[tilespmem:$0x1E528] =	vst v63  }
.LBB2_6:
0x54: {  	p2 =	seq.s32 s17, $0x0  }
.Ltmp6:
0x55: {  	_ = 	snop;
	(pc) =	sbr.rel @p2 .LBB2_24-.Ltmp6, $1  }
0x56: {  	_ =	sdelay $0x3  }
0x57: {  	p2 =	sgt.s32 s18, $0x9C3E0  }
0x58: {  	s0 =	smov.u32 s18;
	s19 =	sshra.s32 s18, $0x1F;
	s20 =	ssub.s32 $0x9C400, s18  }
0x59: {  	s0 =	simm.s32 @!p2 $0x9C3E0;
	s19 =	sand.u32 s19, s18;
	p2 =	sgt.s32 s20, $0x0  }
0x5a: {  	s0 =	ssub.s32 s0, s19;
	s20 =	simm.s32 @!p2 $0x0  }
0x5b: {  	s0 =	sadd.s32 $0xFFF63C20, s0;
	s29 =	smin.u32 s20, $0x70  }
0x5c: {  	s21 =	sshll.u32 s0, $0x2;
	s19 =	sshll.u32 s29, $0x8  }
0x5d: {  	p2 =	sgt.s32 s0, $0x6F;
	s30 =	ssub.s32 $0x1C0, s21;
	_ =	swait.ge [sflag:s10], s19  }
0x5e: {  	s19 =	ssub.s32 $0x0, s19;
	[sflag:s10] =	ssyncset.done $0x0;
	s0 =	sshrl.u32 s30, $0x2  }
0x5f: {  	[sflag:s10] =	ssyncadd.s32 s19;
	s0 =	simm.s32 @p2 $0x0  }
0x60: {  	_ =	swait.ge [sflag:s10], s0  }
0x61: {  	s0 =	ssub.s32 $0x0, s0;
	[sflag:s10] =	ssyncset.done $0x0  }
0x62: {  	[sflag:s10] =	ssyncadd.s32 s0  }
0x63: {  	v1 =	vld [tilespmem:$0xE408];
	_ =	sdelay $0x4  }
0x64: {  	(v2sf) =	vpush v1, $0x0  }
0x65: {  	(v2sf) =	vpush v1, $0x1  }
0x66: {  	(v2sf) =	vpush v1, $0x2;
	_ =	sdelay $0x3  }
0x67: {  	s0 =	sadd.s32 $0x70, s18  }
0x68: {  	p2 =	slt.s32 s8, s0  }
0x69: {  	s0 =	smov.u32 @p2 s8  }
0x6a: {  	s19 =	ssub.s32 s0, s18  }
0x6b: {  	p2 =	slt.s32 s20, s19  }
0x6c: {  	s19 =	smov.u32 @p2 s20  }
0x6d: {  	s22 =	simm.s32 $0x1;
	p2 =	slt.s32 s19, $0x1  }
.Ltmp7:
0x6e: {  	s22 =	simm.s32 @!p1 $0x0;
	(pc) =	sbr.rel @p2 .LBB2_11-.Ltmp7, $4  }
0x6f: {  	s31 =	smul.u32 $0x1C0, s22  }
0x70: {  	s23 =	spop (v2sf)  }
0x71: {  	s0 =	sshrl.u32 s31, $0x2;
	s25 =	spop (v2sf)  }
0x72: {  	s20 =	sadd.s32 $0x10448, s0;
	s18 =	spop (v2sf)  }
0x73: {  	s0 =	smin.u32 s19, $0x10  }
0x74: {  	v1 =	vmov s0  }
0x75: {  	vm1 =	vgt.u32 v1, v0  }
0x76: {  	p3 =	sgt.s32 s19, $0x10  }
.Ltmp8:
0x77: {  	_ = 	snop;
	(pc) =	sbr.rel @!p3 .LBB2_10-.Ltmp8, $2  }
0x78: {  	_ =	sdelay $0x2  }
0x79: {  	s24 =	simm.s32 $0x10;
	s26 =	sadd.s32 $0xFFFFFFF0, s19;
	s21 =	smov.u32 s20;
	vm0 =	vmmov vm1;
	v1 =	vld.msk [tilespmem:s20+$0x0 ss:$0x1], vm1  }
.LBB2_9:
0x7a: {  	s0 =	smin.u32 s26, $0x10;
	s24 =	sadd.s32 $0x10, s24  }
0x7b: {  	v2 =	vmov s0;
	p3 =	slt.s32 s24, s19  }
0x7c: {  	vm1 =	vgt.u32 v2, v0;
	_ =	sdelay $0x1  }
0x7d: {  	v2 =	vshll.u32 v1, $0x5;
	v1 =	vshll.u32 v1, $0x4  }
.Ltmp9:
0x7e: {  	v2 =	vand.u32 $0xFFFFFF00, v2;
	v1 =	vand.u32 $0x70, v1;
	(pc) =	sbr.rel @p3 .LBB2_9-.Ltmp9, $4  }
0x7f: {  	v1 =	vor.u32 v1, v2  }
0x80: {  	[tilespmem:s21+$0x0] =	vst.msk vm0, v1;
	s21 =	sadd.s32 $0x10, s21;
	vm0 =	vmmov vm1  }
0x81: {  	v1 =	vld.msk [tilespmem:s21+$0x0 ss:$0x1], vm1  }
0x82: {  	s26 =	sadd.s32 $0xFFFFFFF0, s26  }
.LBB2_10:
0x83: {  	_ =	sdelay $0x3  }
0x84: {  	v2 =	vshll.u32 v1, $0x5;
	v1 =	vshll.u32 v1, $0x4  }
0x85: {  	v2 =	vand.u32 $0xFFFFFF00, v2;
	v1 =	vand.u32 $0x70, v1  }
0x86: {  	v1 =	vor.u32 v1, v2  }
0x87: {  	[tilespmem:s21+$0x0] =	vst.msk vm0, v1  }
.LBB2_11:
0x88: {  	s0 =	sand.u32 $0x1, s17  }
0x89: {  	s0 =	smul.u32 $0x70, s0  }
0x8a: {  	p3 =	sne.s32 s25, $0xFFFFFFFF  }
0x8b: {  	v1 =	vld.msk @!p3 [tilespmem:s0+$0x10448], $0x1;
	_ =	sdelay $0x4  }
0x8c: {  	(v2sf) =	vpush @!p3 v1, $0x0;
	_ =	sdelay $0xc  }
.Ltmp10:
0x8d: {  	_ = 	snop;
	(pc) =	sbr.rel @p2 .LBB2_22-.Ltmp10, $4  }
0x8e: {  	_ = 	snop  }
0x8f: {  	s24 =	spop @!p3 (v2sf)  }
0x90: {  	s18 =	simm.s32 @!p3 $0x0;
	s21 =	smov.u32 s24  }
0x91: {  	[sflag:s14] =	ssyncpa.u1 $0x0;
	s24 =	smov.u32 @p3 s23;
	s21 =	smov.u32 @p3 s25  }
0x92: {  	v1 =	vld.msk [tilespmem:s20+$0x0], $0x1;
	_ =	sdelay $0x4  }
0x93: {  	(v2sf) =	vpush v1, $0x0;
	_ =	sdelay $0xe  }
0x94: {  	s0 =	smul.u32 $0x1C000, s22;
	s26 =	spop (v2sf)  }
0x95: {  	s28 =	smov.u32 s24;
	p2 =	seq.s32 s24, s26  }
0x96: {  	s23 =	simm.s32 $0x0;
	s0 =	sshrl.u32 s0, $0x2;
	p3 =	sgt.s32 @!p2 s24, $0x0  }
0x97: {  	s25 =	sadd.s32 $0xFFFFFFFF, s19;
	s22 =	sor.u32 $0x105A8, s0;
	p3 =	por !p3, p2  }
0x98: {  	s29 =	simm.s32 @!p2 $0x1;
	s28 =	simm.s32 @p3 $0x0;
	p3 =	sne.s32 s25, $0x0  }
.Ltmp11:
0x99: {  	s29 =	smov.u32 @p2 s23;
	s0 =	smin.u32 @!p2 s28, $0x9C3F70;
	(pc) =	sbr.rel @!p3 .LBB2_14-.Ltmp11, $4  }
0x9a: {  	s28 =	simm.s32 @!p2 $0x7308;
	s30 =	sand.u32 @!p2 $0xFFFFF8, s0;
	s3 =	sadd.s32 @!p2 $0x80, s0  }
0x9b: {  	s31 =	sand.u32 @!p2 $0x7, s0;
	s30 =	sadd.s32 @!p2 s1, s30;
	s0 =	sand.u32 @!p2 $0x1FFFFF8, s3  }
0x9c: {  	[tilespmem:s28], [sflag:$0x2] =	stream.linear.gather @!p2 [hbm4b:s30+s31], $0x80, $0x38;
	[tilespmem:$0x1E528] =	vst v63  }
0x9d: {  	s30 =	simm.s32 @!p2 $0x7388;
	s0 =	sadd.s32 @!p2 s1, s0;
	s28 =	sadd.s32 $0x1, s20  }
.LBB2_13:
0x9e: {  	s3 =	smov.u32 s29  }
0x9f: {  	[tilespmem:s30], [sflag:$0x2] =	stream.linear.gather @!p2 [hbm4b:s0+s31], $0x80, $0x38;
	[tilespmem:$0x1E528] =	vst v63  }
0xa0: {  	s25 =	sadd.s32 $0xFFFFFFFF, s25;
	s0 =	smov.u32 s26;
	v1 =	vld.msk [tilespmem:s28+$0x0], $0x1  }
0xa1: {  	p3 =	sne.s32 s25, $0x0;
	_ =	sdelay $0x3  }
0xa2: {  	(v2sf) =	vpush v1, $0x0;
	_ =	sdelay $0xe  }
0xa3: {  	s26 =	spop (v2sf)  }
0xa4: {  	p2 =	seq.s32 s0, s26  }
0xa5: {  	p4 =	sgt.s32 @!p2 s0, $0x0;
	s30 =	sshll.u32 @!p2 s29, $0xA;
	s29 =	sadd.s32 @!p2 $0x1, s29  }
0xa6: {  	p4 =	por !p4, p2;
	s30 =	sshra.s32 @!p2 s30, $0x2;
	s29 =	smov.u32 @p2 s3  }
0xa7: {  	s0 =	simm.s32 @p4 $0x0;
	s3 =	sadd.s32 @!p2 $0x7308, s30;
	s30 =	sadd.s32 @!p2 $0x7388, s30  }
.Ltmp12:
0xa8: {  	s0 =	smin.u32 @!p2 s0, $0x9C3F70;
	(pc) =	sbr.rel @p3 .LBB2_13-.Ltmp12, $4  }
0xa9: {  	s31 =	sand.u32 @!p2 $0xFFFFF8, s0;
	s4 =	sadd.s32 @!p2 $0x80, s0  }
0xaa: {  	s2 =	sadd.s32 @!p2 s1, s31;
	s31 =	sand.u32 @!p2 $0x7, s0;
	s0 =	sand.u32 @!p2 $0x1FFFFF8, s4  }
0xab: {  	[tilespmem:s3], [sflag:$0x2] =	stream.linear.gather @!p2 [hbm4b:s2+s31], $0x80, $0x38;
	[tilespmem:$0x1E528] =	vst v63  }
0xac: {  	s28 =	sadd.s32 $0x1, s28;
	s0 =	sadd.s32 @!p2 s1, s0  }
.LBB2_14:
0xad: {  	[tilespmem:s30], [sflag:$0x2] =	stream.linear.gather @!p2 [hbm4b:s0+s31], $0x80, $0x38;
	[tilespmem:$0x1E528] =	vst v63  }
.Ltmp13:
0xae: {  	s31 =	sshll.u32 s29, $0x8;
	(pc) =	sbr.rel .LBB2_15-.Ltmp13, $4  }
0xaf: {  	s0 =	sand.u32 $0x3FFFFF00, s31  }
0xb0: {  	_ =	swait.ge [sflag:s9], s0  }
0xb1: {  	s0 =	ssub.s32 $0x0, s0;
	[sflag:s9] =	ssyncset.done $0x0  }
0xb2: {  	s26 =	simm.s32 $0x0;
	[sflag:s9] =	ssyncadd.s32 s0  }
.LBB2_16:
0xb3: {  	v1 =	vld [tilespmem:s22+$0xFFFFFF80];
	_ =	sdelay $0x3  }
0xb4: {  	s0 =	sshra.s32 s0, $0x2  }
0xb5: {  	[tilespmem:s0+$0x208] =	vst.add.f32.msk $0xffff, v1  }
0xb6: {  	v1 =	vld [tilespmem:s22+$0xFFFFFF90];
	_ =	sdelay $0x4  }
0xb7: {  	[tilespmem:s0+$0x218] =	vst.add.f32.msk $0xffff, v1  }
0xb8: {  	v1 =	vld [tilespmem:s22+$0xFFFFFFA0];
	_ =	sdelay $0x4  }
0xb9: {  	[tilespmem:s0+$0x228] =	vst.add.f32.msk $0xffff, v1  }
0xba: {  	v1 =	vld [tilespmem:s22+$0xFFFFFFB0];
	_ =	sdelay $0x4  }
0xbb: {  	[tilespmem:s0+$0x238] =	vst.add.f32.msk $0xffff, v1  }
0xbc: {  	v1 =	vld [tilespmem:s22+$0xFFFFFFC0];
	_ =	sdelay $0x4  }
0xbd: {  	[tilespmem:s0+$0x248] =	vst.add.f32.msk $0xffff, v1  }
0xbe: {  	v1 =	vld [tilespmem:s22+$0xFFFFFFD0];
	_ =	sdelay $0x4  }
0xbf: {  	[tilespmem:s0+$0x258] =	vst.add.f32.msk $0xffff, v1  }
0xc0: {  	v1 =	vld [tilespmem:s22+$0xFFFFFFE0];
	_ =	sdelay $0x4  }
0xc1: {  	[tilespmem:s0+$0x268] =	vst.add.f32.msk $0xffff, v1  }
0xc2: {  	v1 =	vld [tilespmem:s22+$0xFFFFFFF0];
	_ =	sdelay $0x4  }
0xc3: {  	[tilespmem:s0+$0x278] =	vst.add.f32.msk $0xffff, v1  }
0xc4: {  	v1 =	vld [tilespmem:s22+$0x0];
	_ =	sdelay $0x4  }
0xc5: {  	[tilespmem:s0+$0x288] =	vst.add.f32.msk $0xffff, v1  }
0xc6: {  	v1 =	vld [tilespmem:s22+$0x10];
	_ =	sdelay $0x4  }
0xc7: {  	[tilespmem:s0+$0x298] =	vst.add.f32.msk $0xffff, v1  }
0xc8: {  	v1 =	vld [tilespmem:s22+$0x20];
	_ =	sdelay $0x4  }
0xc9: {  	[tilespmem:s0+$0x2A8] =	vst.add.f32.msk $0xffff, v1  }
0xca: {  	v1 =	vld [tilespmem:s22+$0x30];
	_ =	sdelay $0x4  }
0xcb: {  	[tilespmem:s0+$0x2B8] =	vst.add.f32.msk $0xffff, v1  }
0xcc: {  	v1 =	vld [tilespmem:s22+$0x40];
	_ =	sdelay $0x4  }
0xcd: {  	[tilespmem:s0+$0x2C8] =	vst.add.f32.msk $0xffff, v1  }
0xce: {  	v1 =	vld [tilespmem:s22+$0x50];
	_ =	sdelay $0x4  }
0xcf: {  	[tilespmem:s0+$0x2D8] =	vst.add.f32.msk $0xffff, v1  }
0xd0: {  	v1 =	vld [tilespmem:s22+$0x60];
	_ =	sdelay $0x4  }
0xd1: {  	[tilespmem:s0+$0x2E8] =	vst.add.f32.msk $0xffff, v1  }
0xd2: {  	v1 =	vld [tilespmem:s22+$0x70];
	_ =	sdelay $0x4  }
0xd3: {  	[tilespmem:s0+$0x2F8] =	vst.add.f32.msk $0xffff, v1  }
.LBB2_20:
0xd4: {  	s19 =	sadd.s32 $0xFFFFFFFF, s19  }
0xd5: {  	p2 =	sne.s32 s19, $0x0  }
.Ltmp14:
0xd6: {  	_ = 	snop;
	(pc) =	sbr.rel @!p2 .LBB2_21-.Ltmp14, $2  }
0xd7: {  	_ =	sdelay $0x2  }
0xd8: {  	s20 =	sadd.s32 $0x1, s20;
	s22 =	sadd.s32 $0x100, s22;
	s24 =	smov.u32 s25  }
.LBB2_15:
0xd9: {  	v1 =	vld.msk [tilespmem:s20+$0x0], $0x1;
	_ =	sdelay $0x4  }
0xda: {  	(v2sf) =	vpush v1, $0x0;
	_ =	sdelay $0xe  }
0xdb: {  	s25 =	spop (v2sf)  }
0xdc: {  	p2 =	sne.s32 s24, s25  }
.Ltmp15:
0xdd: {  	_ = 	snop;
	(pc) =	sbr.rel @!p2 .LBB2_16-.Ltmp15, $2  }
0xde: {  	_ =	sdelay $0x2  }
0xdf: {  	s0 =	sshll.u32 s18, $0xA  }
0xe0: {  	p2 =	seq.s32 s24, s21  }
.Ltmp16:
0xe1: {  	_ = 	snop;
	(pc) =	sbr.rel @!p2 .LBB2_18-.Ltmp16, $2  }
0xe2: {  	_ =	sdelay $0x2  }
0xe3: {  	s28 =	sshra.s32 s0, $0x2  }
.Ltmp17:
0xe4: {  	s0 =	sadd.s32 $0x208, s28;
	(pc) =	sbr.rel .LBB2_19-.Ltmp17, $4  }
0xe5: {  	[spmem:s13] =	stream.linear.scatter [tilespmem:s0], [sflag:$0x1], $0x100, $0x38;
	[tilespmem:$0x1E528] =	vst v63  }
0xe6: {  	_ =	swait.ge [sflag:s11], $0x100  }
0xe7: {  	[sflag:s11] =	ssyncset.done $0x0  }
0xe8: {  	[sflag:s11] =	ssyncadd.s32 $0xFFFFFF00  }
.LBB2_18:
0xe9: {  	s0 =	sshll.u32 s23, $0xA  }
0xea: {  	s0 =	sshra.s32 s0, $0x2  }
0xeb: {  	v1 =	vld [tilespmem:s0+$0x7308];
	_ =	sdelay $0x4  }
0xec: {  	[tilespmem:s28+$0x208] =	vst.add.f32.msk $0xffff, v1  }
0xed: {  	v1 =	vld [tilespmem:s0+$0x7318];
	_ =	sdelay $0x4  }
0xee: {  	[tilespmem:s28+$0x218] =	vst.add.f32.msk $0xffff, v1  }
0xef: {  	v1 =	vld [tilespmem:s0+$0x7328];
	_ =	sdelay $0x4  }
0xf0: {  	[tilespmem:s28+$0x228] =	vst.add.f32.msk $0xffff, v1  }
0xf1: {  	v1 =	vld [tilespmem:s0+$0x7338];
	_ =	sdelay $0x4  }
0xf2: {  	[tilespmem:s28+$0x238] =	vst.add.f32.msk $0xffff, v1  }
0xf3: {  	v1 =	vld [tilespmem:s0+$0x7348];
	_ =	sdelay $0x4  }
0xf4: {  	[tilespmem:s28+$0x248] =	vst.add.f32.msk $0xffff, v1  }
0xf5: {  	v1 =	vld [tilespmem:s0+$0x7358];
	_ =	sdelay $0x4  }
0xf6: {  	[tilespmem:s28+$0x258] =	vst.add.f32.msk $0xffff, v1  }
0xf7: {  	v1 =	vld [tilespmem:s0+$0x7368];
	_ =	sdelay $0x4  }
0xf8: {  	[tilespmem:s28+$0x268] =	vst.add.f32.msk $0xffff, v1  }
0xf9: {  	v1 =	vld [tilespmem:s0+$0x7378];
	_ =	sdelay $0x4  }
0xfa: {  	[tilespmem:s28+$0x278] =	vst.add.f32.msk $0xffff, v1  }
0xfb: {  	v1 =	vld [tilespmem:s0+$0x7388];
	_ =	sdelay $0x4  }
0xfc: {  	[tilespmem:s28+$0x288] =	vst.add.f32.msk $0xffff, v1  }
0xfd: {  	v1 =	vld [tilespmem:s0+$0x7398];
	_ =	sdelay $0x4  }
0xfe: {  	[tilespmem:s28+$0x298] =	vst.add.f32.msk $0xffff, v1  }
0xff: {  	v1 =	vld [tilespmem:s0+$0x73A8];
	_ =	sdelay $0x4  }
0x100: {  	[tilespmem:s28+$0x2A8] =	vst.add.f32.msk $0xffff, v1  }
0x101: {  	v1 =	vld [tilespmem:s0+$0x73B8];
	_ =	sdelay $0x4  }
0x102: {  	[tilespmem:s28+$0x2B8] =	vst.add.f32.msk $0xffff, v1  }
0x103: {  	v1 =	vld [tilespmem:s0+$0x73C8];
	_ =	sdelay $0x4  }
0x104: {  	[tilespmem:s28+$0x2C8] =	vst.add.f32.msk $0xffff, v1  }
0x105: {  	v1 =	vld [tilespmem:s0+$0x73D8];
	_ =	sdelay $0x4  }
0x106: {  	[tilespmem:s28+$0x2D8] =	vst.add.f32.msk $0xffff, v1  }
0x107: {  	v1 =	vld [tilespmem:s0+$0x73E8];
	_ =	sdelay $0x4  }
0x108: {  	[tilespmem:s28+$0x2E8] =	vst.add.f32.msk $0xffff, v1  }
0x109: {  	v1 =	vld [tilespmem:s0+$0x73F8];
	_ =	sdelay $0x2  }
0x10a: {  	p2 =	sgt.u32 s24, $0x9C3F70  }
0x10b: {  	s0 =	sand.u32 @!p2 $0xFFFFF8, s24  }
0x10c: {  	s2 =	sadd.s32 $0x208, s28;
	s3 =	sand.u32 @!p2 $0x7, s24;
	s0 =	sadd.s32 @!p2 s1, s0;
	[tilespmem:s28+$0x2F8] =	vst.add.f32.msk $0xffff, v1  }
0x10d: {  	[hbm4b:s0+s3] =	stream.linear.scatter @!p2 [tilespmem:s2], [sflag:$0xA], $0x80, $0x38;
	[tilespmem:$0x1E528] =	vst v63  }
0x10e: {  	s0 =	sadd.s32 @!p2 $0x80, s24  }
0x10f: {  	s0 =	sand.u32 @!p2 $0x1FFFFF8, s0  }
0x110: {  	s2 =	sadd.s32 $0x288, s28;
	s0 =	sadd.s32 @!p2 s1, s0  }
0x111: {  	[hbm4b:s0+s3] =	stream.linear.scatter @!p2 [tilespmem:s2], [sflag:$0xA], $0x80, $0x38;
	[tilespmem:$0x1E528] =	vst v63  }
0x112: {  	s0 =	simm.s32 $0x0  }
0x113: {  	s0 =	simm.s32 @!p2 $0x400  }
0x114: {  	s26 =	sadd.s32 s0, s26  }
.LBB2_19:
0x115: {  	s0 =	sadd.s32 $0x1, s18  }
0x116: {  	s2 =	sshrl.u32 s0, $0x4  }
0x117: {  	s2 =	smulhi.u32 $0x24924925, s2  }
0x118: {  	v1 =	vld [tilespmem:s22+$0xFFFFFF80]  }
0x119: {  	s2 =	smul.u32 $0x70, s2;
	_ =	sdelay $0x1  }
0x11a: {  	s18 =	ssub.s32 s0, s2  }
0x11b: {  	s0 =	sshll.u32 s18, $0x8  }
0x11c: {  	[tilespmem:s0+$0x208] =	vst v1  }
0x11d: {  	v1 =	vld [tilespmem:s22+$0xFFFFFF90];
	_ =	sdelay $0x4  }
0x11e: {  	[tilespmem:s0+$0x218] =	vst v1  }
0x11f: {  	v1 =	vld [tilespmem:s22+$0xFFFFFFA0];
	_ =	sdelay $0x4  }
0x120: {  	[tilespmem:s0+$0x228] =	vst v1  }
0x121: {  	v1 =	vld [tilespmem:s22+$0xFFFFFFB0];
	_ =	sdelay $0x4  }
0x122: {  	[tilespmem:s0+$0x238] =	vst v1  }
0x123: {  	v1 =	vld [tilespmem:s22+$0xFFFFFFC0];
	_ =	sdelay $0x4  }
0x124: {  	[tilespmem:s0+$0x248] =	vst v1  }
0x125: {  	v1 =	vld [tilespmem:s22+$0xFFFFFFD0];
	_ =	sdelay $0x4  }
0x126: {  	[tilespmem:s0+$0x258] =	vst v1  }
0x127: {  	v1 =	vld [tilespmem:s22+$0xFFFFFFE0];
	_ =	sdelay $0x4  }
0x128: {  	[tilespmem:s0+$0x268] =	vst v1  }
0x129: {  	v1 =	vld [tilespmem:s22+$0xFFFFFFF0];
	_ =	sdelay $0x4  }
0x12a: {  	[tilespmem:s0+$0x278] =	vst v1  }
0x12b: {  	v1 =	vld [tilespmem:s22+$0x0];
	_ =	sdelay $0x4  }
0x12c: {  	[tilespmem:s0+$0x288] =	vst v1  }
0x12d: {  	v1 =	vld [tilespmem:s22+$0x10];
	_ =	sdelay $0x4  }
0x12e: {  	[tilespmem:s0+$0x298] =	vst v1  }
0x12f: {  	v1 =	vld [tilespmem:s22+$0x20];
	_ =	sdelay $0x4  }
0x130: {  	[tilespmem:s0+$0x2A8] =	vst v1  }
0x131: {  	v1 =	vld [tilespmem:s22+$0x30];
	_ =	sdelay $0x4  }
0x132: {  	[tilespmem:s0+$0x2B8] =	vst v1  }
0x133: {  	v1 =	vld [tilespmem:s22+$0x40];
	_ =	sdelay $0x4  }
0x134: {  	[tilespmem:s0+$0x2C8] =	vst v1  }
0x135: {  	v1 =	vld [tilespmem:s22+$0x50];
	_ =	sdelay $0x4  }
0x136: {  	[tilespmem:s0+$0x2D8] =	vst v1  }
0x137: {  	v1 =	vld [tilespmem:s22+$0x60];
	_ =	sdelay $0x4  }
0x138: {  	[tilespmem:s0+$0x2E8] =	vst v1  }
0x139: {  	v1 =	vld [tilespmem:s22+$0x70]  }
.Ltmp18:
0x13a: {  	_ = 	snop;
	(pc) =	sbr.rel .LBB2_20-.Ltmp18, $2  }
0x13b: {  	_ =	sdelay $0x2  }
0x13c: {  	s23 =	sadd.s32 $0x1, s23;
	[tilespmem:s0+$0x2F8] =	vst v1  }
.LBB2_22:
.Ltmp19:
0x13d: {  	(pc) =	sbr.rel .LBB2_23-.Ltmp19, $3  }
0x13e: {  	_ =	sdelay $0x1  }
0x13f: {  	_ =	swait.ge [sflag:s9], $0x0  }
0x140: {  	s0 =	simm.s32 $0x0;
	s25 =	smov.u32 s24;
	[sflag:s9] =	ssyncset.done $0x0  }
.LBB2_25:
0x141: {  	_ =	sfence.sel $0x180000  }
0x142: {  	s0 =	simm.s32 $0x9;
	[bflag:$0x0] =	sbarrier.arrive $0xFFFF  }
0x143: {  	s26 =	simm.s32 $0x2;
	[sflag:s0] =	ssyncpa.u1 $0x1  }
0x144: {  	[sflag:s26] =	ssyncpa.u1 $0x1  }
0x145: {  	v0 =	vld [tilespmem:$0xE408];
	_ =	sdelay $0x4  }
0x146: {  	(v2sf) =	vpush v0, $0x0  }
0x147: {  	(v2sf) =	vpush v0, $0x1;
	_ =	sdelay $0x1  }
0x148: {  	(v2sf) =	vpush v0, $0x2;
	_ =	sdelay $0xb  }
0x149: {  	s0 =	spop (v2sf)  }
0x14a: {  	s2 =	spop (v2sf)  }
0x14b: {  	s3 =	smov.u32 s0;
	p0 =	sne.s32 s0, s2  }
0x14c: {  	s4 =	spop (v2sf);
	s3 =	simm.s32 @!p0 $0xFFFFFFFF  }
0x14d: {  	v2 =	vimm.s32 $0x1;
	v3 =	vlaneseq.u32;
	p0 =	seq.s32 s4, $0xFFFFFFFF;
	v1 =	vmov s3  }
0x14e: {  	s17 =	stileid.u32;
	v0 =	vperm.xlane v0, v2;
	p1 =	sne.s32 @!p0 s0, s2;
	v1 =	vperm.xlane v1, v3  }
0x14f: {  	vm0 =	vcmask $0x3F04;
	s6 =	simm.s32 $0xE408;
	s0 =	simm.s32 @!p0 $0x1;
	p1 =	por !p1, p0  }
0x150: {  	s3 =	sshll.u32 s17, $0x1;
	s2 =	sshll.u32 @!p0 s4, $0xA;
	s0 =	simm.s32 @p1 $0x0;
	v0 =	vsel vm0, v1, v0  }
0x151: {  	s5 =	sor.u32 $0x2000, s3;
	s2 =	sshra.s32 @!p0 s2, $0x2;
	s0 =	sor.u32 @!p0 s0, s3;
	[tilespmem:$0xE408] =	vst v0  }
0x152: {  	[spmem:s5] =	stream.linear.scatter [tilespmem:s6], [sflag:$0x1], $0x2, $0x38;
	[tilespmem:$0x1E528] =	vst v63  }
0x153: {  	s2 =	sadd.s32 @!p0 $0x208, s2;
	s0 =	sshll.u32 @!p0 s0, $0x8  }
0x154: {  	[spmem:s0] =	stream.linear.scatter @!p0 [tilespmem:s2], [sflag:$0x1], $0x100, $0x38;
	[tilespmem:$0x1E528] =	vst v63  }
0x155: {  	s0 =	simm.s32 @!p0 $0x102  }
0x156: {  	s28 =	simm.s32 $0x1;
	s0 =	simm.s32 @p0 $0x2  }
0x157: {  	_ =	swait.ge [sflag:s28], s0  }
0x158: {  	s0 =	ssub.s32 $0x0, s0;
	[sflag:s28] =	ssyncset.done $0x0  }
0x159: {  	[sflag:s28] =	ssyncadd.s32 s0  }
0x15a: {  	p0 =	sne.s32 s17, $0x0;
	_ =	sfence.stream.spmem  }
.Ltmp20:
0x15b: {  	s29 =	simm.s32 $0x3;
	[bflag:$0x0] =	sbarrier.arrive $0xFFFF;
	(pc) =	sbr.rel @p0 .LBB2_42-.Ltmp20, $4  }
0x15c: {  	s30 =	simm.s32 $0x4;
	[sflag:s29] =	ssyncpa.u1 $0x1  }
0x15d: {  	[sflag:s30] =	ssyncpa.u1 $0x1  }
0x15e: {  	s31 =	simm.s32 $0x3C;
	s18 =	rddreg [dreg:$0x2]  }
0x15f: {  	[sflag:s31] =	ssyncpa.u1 $0x1;
	s5 =	sand.u32 $0x1, s18  }
0x160: {  	_ =	sfence.stream.spmem;
	s0 =	simm.s32 $0x5  }
0x161: {  	s2 =	simm.s32 $0x2000;
	s3 =	simm.s32 $0xE418;
	[sflag:s0] =	ssyncpa.u1 $0x0  }
0x162: {  	[tilespmem:s3], [sflag:$0x5] =	stream.linear.gather [spmem:s2], $0x20, $0x38;
	[tilespmem:$0x1E528] =	vst v63  }
0x163: {  	s26 =	simm.s32 $0x0;
	s28 =	simm.s32 $0xE438  }
0x164: {  	[tilespmem:s28], [sflag:$0x5] =	stream.linear.gather [spmem:s26], $0x2000, $0x38;
	[tilespmem:$0x1E528] =	vst v63  }
0x165: {  	_ =	swait.ge [sflag:s0], $0x2020  }
0x166: {  	[sflag:s0] =	ssyncset.done $0x0  }
0x167: {  	s29 =	simm.s32 $0x0;
	[sflag:s0] =	ssyncadd.s32 $0xFFFFDFE0  }
0x168: {  	v0 =	vld.msk [tilespmem:s29+$0xE418], $0x1;
	_ =	sdelay $0x1  }
0x169: {  	s30 =	simm.s32 $0x1  }
0x16a: {  	v1 =	vld.msk [tilespmem:s30+$0xE418], $0x1;
	_ =	sdelay $0x1  }
0x16b: {  	(v2sf) =	vpush v0, $0x0;
	_ =	sdelay $0x2  }
0x16c: {  	(v2sf) =	vpush v1, $0x0;
	_ =	sdelay $0x2  }
0x16d: {  	s31 =	simm.s32 $0x2  }
0x16e: {  	v0 =	vld.msk [tilespmem:s31+$0xE418], $0x1;
	_ =	sdelay $0x2  }
0x16f: {  	s7 =	simm.s32 $0xFFFFFFFF;
	s6 =	simm.s32 $0xC;
	s8 =	simm.s32 $0xFFFFFFFF  }
.LBB2_27:
0x170: {  	s0 =	smov.u32 s8;
	s2 =	smov.u32 s7  }
0x171: {  	s3 =	sshra.s32 s6, $0x2;
	p1 =	sne.s32 s6, $0x7C;
	s6 =	sadd.s32 $0x4, s6;
	(v2sf) =	vpush v0, $0x0  }
0x172: {  	v0 =	vld.msk [tilespmem:s3+$0xE418], $0x1  }
.Ltmp21:
0x173: {  	(pc) =	sbr.rel @p1 .LBB2_27-.Ltmp21, $4  }
0x174: {  	s8 =	spop (v2sf)  }
0x175: {  	p2 =	sne.s32 s7, $0xFFFFFFFF;
	s7 =	smov.u32 s8  }
0x176: {  	p3 =	seq.s32 s8, $0xFFFFFFFF;
	s7 =	smov.u32 @p2 s2  }
0x177: {  	s8 =	smov.u32 @p3 s0;
	s7 =	smov.u32 @p3 s2  }
0x178: {  	(v2sf) =	vpush v0, $0x0;
	_ =	sdelay $0x8  }
0x179: {  	s0 =	spop (v2sf)  }
0x17a: {  	p1 =	sne.s32 s7, $0xFFFFFFFF;
	s9 =	simm.s32 $0x6;
	s2 =	smov.u32 s0  }
0x17b: {  	s6 =	simm.s32 $0x0;
	p2 =	seq.s32 s0, $0xFFFFFFFF;
	s2 =	smov.u32 @p1 s7  }
0x17c: {  	s10 =	simm.s32 $0xE308;
	s2 =	smov.u32 @p2 s7;
	s3 =	spop (v2sf)  }
0x17d: {  	s0 =	smov.u32 @p2 s8;
	p1 =	sne.s32 s2, $0xFFFFFFFF;
	s4 =	smov.u32 s3  }
.Ltmp22:
0x17e: {  	p2 =	seq.s32 s3, $0xFFFFFFFF;
	s4 =	smov.u32 @p1 s2;
	(pc) =	sbr.rel .LBB2_29-.Ltmp22, $4  }
0x17f: {  	s11 =	simm.s32 $0xE388;
	s4 =	smov.u32 @p2 s2;
	s7 =	spop (v2sf)  }
0x180: {  	s12 =	simm.s32 $0x0;
	p1 =	sne.s32 s4, $0xFFFFFFFF;
	s8 =	smov.u32 s7  }
0x181: {  	s3 =	smov.u32 @p2 s0;
	p2 =	seq.s32 s7, $0xFFFFFFFF;
	s8 =	smov.u32 @p1 s4  }
0x182: {  	[sflag:s9] =	ssyncpa.u1 $0x0;
	s7 =	smov.u32 @p2 s3;
	s8 =	smov.u32 @p2 s4  }
.LBB2_35:
0x183: {  	p1 =	sgt.u32 s13, $0x9C3F70  }
0x184: {  	p2 =	seq.s32 @!p1 s13, s8  }
0x185: {  	p1 =	por p1, p2  }
0x186: {  	p2 =	sne.s32 @!p1 s13, s7  }
0x187: {  	p1 =	por p1, !p2  }
0x188: {  	s13 =	sshll.u32 @p1 s12, $0xA  }
0x189: {  	s0 =	sand.u32 @!p1 $0xFFFFF8, s13  }
0x18a: {  	s2 =	sand.u32 @!p1 $0x7, s13;
	s0 =	sadd.s32 @!p1 s1, s0  }
0x18b: {  	[tilespmem:s10], [sflag:$0x6] =	stream.linear.gather @!p1 [hbm4b:s0+s2], $0x80, $0x38;
	[tilespmem:$0x1E528] =	vst v63  }
0x18c: {  	s0 =	sadd.s32 @!p1 $0x80, s13  }
0x18d: {  	s0 =	sand.u32 @!p1 $0x1FFFFF8, s0  }
0x18e: {  	s0 =	sadd.s32 @!p1 s1, s0  }
0x18f: {  	[tilespmem:s11], [sflag:$0x6] =	stream.linear.gather @!p1 [hbm4b:s0+s2], $0x80, $0x38;
	[tilespmem:$0x1E528] =	vst v63  }
0x190: {  	_ =	swait.ge @!p1 [sflag:s9], $0x100  }
0x191: {  	[sflag:s9] =	ssyncset.done @!p1 $0x0  }
0x192: {  	[sflag:s9] =	ssyncadd.s32 @!p1 $0xFFFFFF00  }
0x193: {  	v1 =	vld @!p1 [tilespmem:$0xE308];
	_ =	sdelay $0x2  }
0x194: {  	s13 =	sshll.u32 @!p1 s12, $0xA  }
0x195: {  	s0 =	sshrl.u32 @!p1 s13, $0x2  }
0x196: {  	[tilespmem:s0+$0xE438] =	vst.add.f32.msk @!p1 $0xffff, v1  }
0x197: {  	v1 =	vld @!p1 [tilespmem:$0xE318];
	_ =	sdelay $0x4  }
0x198: {  	[tilespmem:s0+$0xE448] =	vst.add.f32.msk @!p1 $0xffff, v1  }
0x199: {  	v1 =	vld @!p1 [tilespmem:$0xE328];
	_ =	sdelay $0x4  }
0x19a: {  	[tilespmem:s0+$0xE458] =	vst.add.f32.msk @!p1 $0xffff, v1  }
0x19b: {  	v1 =	vld @!p1 [tilespmem:$0xE338];
	_ =	sdelay $0x4  }
0x19c: {  	[tilespmem:s0+$0xE468] =	vst.add.f32.msk @!p1 $0xffff, v1  }
0x19d: {  	v1 =	vld @!p1 [tilespmem:$0xE348];
	_ =	sdelay $0x4  }
0x19e: {  	[tilespmem:s0+$0xE478] =	vst.add.f32.msk @!p1 $0xffff, v1  }
0x19f: {  	v1 =	vld @!p1 [tilespmem:$0xE358];
	_ =	sdelay $0x4  }
0x1a0: {  	[tilespmem:s0+$0xE488] =	vst.add.f32.msk @!p1 $0xffff, v1  }
0x1a1: {  	v1 =	vld @!p1 [tilespmem:$0xE368];
	_ =	sdelay $0x4  }
0x1a2: {  	[tilespmem:s0+$0xE498] =	vst.add.f32.msk @!p1 $0xffff, v1  }
0x1a3: {  	v1 =	vld @!p1 [tilespmem:$0xE378];
	_ =	sdelay $0x4  }
0x1a4: {  	[tilespmem:s0+$0xE4A8] =	vst.add.f32.msk @!p1 $0xffff, v1  }
0x1a5: {  	v1 =	vld @!p1 [tilespmem:$0xE388];
	_ =	sdelay $0x4  }
0x1a6: {  	[tilespmem:s0+$0xE4B8] =	vst.add.f32.msk @!p1 $0xffff, v1  }
0x1a7: {  	v1 =	vld @!p1 [tilespmem:$0xE398];
	_ =	sdelay $0x4  }
0x1a8: {  	[tilespmem:s0+$0xE4C8] =	vst.add.f32.msk @!p1 $0xffff, v1  }
0x1a9: {  	v1 =	vld @!p1 [tilespmem:$0xE3A8];
	_ =	sdelay $0x4  }
0x1aa: {  	[tilespmem:s0+$0xE4D8] =	vst.add.f32.msk @!p1 $0xffff, v1  }
0x1ab: {  	v1 =	vld @!p1 [tilespmem:$0xE3B8];
	_ =	sdelay $0x4  }
0x1ac: {  	[tilespmem:s0+$0xE4E8] =	vst.add.f32.msk @!p1 $0xffff, v1  }
0x1ad: {  	v1 =	vld @!p1 [tilespmem:$0xE3C8];
	_ =	sdelay $0x4  }
0x1ae: {  	[tilespmem:s0+$0xE4F8] =	vst.add.f32.msk @!p1 $0xffff, v1  }
0x1af: {  	v1 =	vld @!p1 [tilespmem:$0xE3D8];
	_ =	sdelay $0x4  }
0x1b0: {  	[tilespmem:s0+$0xE508] =	vst.add.f32.msk @!p1 $0xffff, v1  }
0x1b1: {  	v1 =	vld @!p1 [tilespmem:$0xE3E8];
	_ =	sdelay $0x4  }
0x1b2: {  	[tilespmem:s0+$0xE518] =	vst.add.f32.msk @!p1 $0xffff, v1  }
0x1b3: {  	v1 =	vld @!p1 [tilespmem:$0xE3F8];
	_ =	sdelay $0x4  }
0x1b4: {  	[tilespmem:s0+$0xE528] =	vst.add.f32.msk @!p1 $0xffff, v1  }
0x1b5: {  	s30 =	sshrl.u32 s13, $0x2;
	[tilespmem:s6+$0xE418] =	vst.msk $0x1, v0  }
0x1b6: {  	v0 =	vld [tilespmem:s30+$0xE438];
	_ =	sdelay $0x2  }
0x1b7: {  	s31 =	sshll.u32 s6, $0xA  }
0x1b8: {  	s2 =	sshra.s32 s31, $0x2  }
0x1b9: {  	[tilespmem:s2+$0xE438] =	vst v0  }
0x1ba: {  	v0 =	vld [tilespmem:s30+$0xE448];
	_ =	sdelay $0x4  }
0x1bb: {  	[tilespmem:s2+$0xE448] =	vst v0  }
0x1bc: {  	v0 =	vld [tilespmem:s30+$0xE458];
	_ =	sdelay $0x4  }
0x1bd: {  	[tilespmem:s2+$0xE458] =	vst v0  }
0x1be: {  	v0 =	vld [tilespmem:s30+$0xE468];
	_ =	sdelay $0x4  }
0x1bf: {  	[tilespmem:s2+$0xE468] =	vst v0  }
0x1c0: {  	v0 =	vld [tilespmem:s30+$0xE478];
	_ =	sdelay $0x4  }
0x1c1: {  	[tilespmem:s2+$0xE478] =	vst v0  }
0x1c2: {  	v0 =	vld [tilespmem:s30+$0xE488];
	_ =	sdelay $0x4  }
0x1c3: {  	[tilespmem:s2+$0xE488] =	vst v0  }
0x1c4: {  	v0 =	vld [tilespmem:s30+$0xE498];
	_ =	sdelay $0x4  }
0x1c5: {  	[tilespmem:s2+$0xE498] =	vst v0  }
0x1c6: {  	v0 =	vld [tilespmem:s30+$0xE4A8];
	_ =	sdelay $0x4  }
0x1c7: {  	[tilespmem:s2+$0xE4A8] =	vst v0  }
0x1c8: {  	v0 =	vld [tilespmem:s30+$0xE4B8];
	_ =	sdelay $0x4  }
0x1c9: {  	[tilespmem:s2+$0xE4B8] =	vst v0  }
0x1ca: {  	v0 =	vld [tilespmem:s30+$0xE4C8];
	_ =	sdelay $0x4  }
0x1cb: {  	[tilespmem:s2+$0xE4C8] =	vst v0  }
0x1cc: {  	v0 =	vld [tilespmem:s30+$0xE4D8];
	_ =	sdelay $0x4  }
0x1cd: {  	[tilespmem:s2+$0xE4D8] =	vst v0  }
0x1ce: {  	v0 =	vld [tilespmem:s30+$0xE4E8];
	_ =	sdelay $0x4  }
0x1cf: {  	[tilespmem:s2+$0xE4E8] =	vst v0  }
0x1d0: {  	v0 =	vld [tilespmem:s30+$0xE4F8];
	_ =	sdelay $0x4  }
0x1d1: {  	[tilespmem:s2+$0xE4F8] =	vst v0  }
0x1d2: {  	v0 =	vld [tilespmem:s30+$0xE508];
	_ =	sdelay $0x4  }
0x1d3: {  	[tilespmem:s2+$0xE508] =	vst v0  }
0x1d4: {  	v0 =	vld [tilespmem:s30+$0xE518];
	_ =	sdelay $0x4  }
0x1d5: {  	[tilespmem:s2+$0xE518] =	vst v0  }
0x1d6: {  	v0 =	vld [tilespmem:s30+$0xE528];
	_ =	sdelay $0x4  }
0x1d7: {  	s6 =	sadd.s32 $0x1, s6;
	[tilespmem:s2+$0xE528] =	vst v0  }
.LBB2_36:
0x1d8: {  	s12 =	sadd.s32 $0x1, s12  }
0x1d9: {  	p1 =	sne.s32 s12, $0x20  }
.Ltmp23:
0x1da: {  	_ = 	snop;
	(pc) =	sbr.rel @!p1 .LBB2_37-.Ltmp23, $1  }
0x1db: {  	_ =	sdelay $0x3  }
.LBB2_29:
0x1dc: {  	v0 =	vld.msk [tilespmem:s12+$0xE418], $0x1;
	_ =	sdelay $0x4  }
0x1dd: {  	(v2sf) =	vpush v0, $0x0;
	_ =	sdelay $0xe  }
0x1de: {  	s13 =	spop (v2sf)  }
0x1df: {  	p1 =	seq.s32 s13, $0xFFFFFFFF  }
.Ltmp24:
0x1e0: {  	_ = 	snop;
	(pc) =	sbr.rel @p1 .LBB2_36-.Ltmp24, $1  }
0x1e1: {  	_ =	sdelay $0x3  }
0x1e2: {  	p1 =	slt.s32 s6, $0x1  }
.Ltmp25:
0x1e3: {  	_ = 	snop;
	(pc) =	sbr.rel @p1 .LBB2_35-.Ltmp25, $1  }
0x1e4: {  	_ =	sdelay $0x3  }
0x1e5: {  	s14 =	simm.s32 $0xE418;
	p1 =	por $0x0, $0x0  }
0x1e6: {  	v1 =	vld.msk @!p1 [tilespmem:s14+$0x0], $0x1;
	_ =	sdelay $0x4  }
0x1e7: {  	(v2sf) =	vpush @!p1 v1, $0x0;
	_ =	sdelay $0xd  }
0x1e8: {  	p3 =	sne.s32 s6, $0x1  }
.Ltmp26:
0x1e9: {  	s0 =	spop @!p1 (v2sf);
	(pc) =	sbr.rel @!p3 .LBB2_33-.Ltmp26, $4  }
0x1ea: {  	p2 =	seq.s32 @!p1 s13, s0  }
0x1eb: {  	s15 =	simm.s32 $0x0;
	p2 =	por !p2, p1  }
0x1ec: {  	s0 =	simm.s32 $0xFFFFFFFF;
	s15 =	simm.s32 @p2 $0xFFFFFFFF  }
0x1ed: {  	s16 =	simm.s32 $0x1;
	s15 =	smov.u32 @p1 s0  }
.LBB2_32:
0x1ee: {  	s0 =	smov.u32 s15;
	p1 =	sne.s32 s15, $0xFFFFFFFF  }
0x1ef: {  	s14 =	sadd.s32 $0x1, s14;
	s15 =	smov.u32 s16;
	s16 =	sadd.s32 $0x1, s16  }
0x1f0: {  	p2 =	sne.s32 s6, s16;
	v1 =	vld.msk @!p1 [tilespmem:s14+$0x0], $0x1;
	_ =	sdelay $0x4  }
0x1f1: {  	(v2sf) =	vpush @!p1 v1, $0x0;
	_ =	sdelay $0xe  }
.Ltmp27:
0x1f2: {  	s2 =	spop @!p1 (v2sf);
	(pc) =	sbr.rel @p2 .LBB2_32-.Ltmp27, $4  }
0x1f3: {  	p3 =	seq.s32 @!p1 s13, s2  }
0x1f4: {  	p3 =	por !p3, p1  }
0x1f5: {  	s15 =	simm.s32 @p3 $0xFFFFFFFF  }
0x1f6: {  	s15 =	smov.u32 @p1 s0  }
.LBB2_33:
0x1f7: {  	p1 =	seq.s32 s15, $0xFFFFFFFF  }
.Ltmp28:
0x1f8: {  	_ = 	snop;
	(pc) =	sbr.rel @p1 .LBB2_35-.Ltmp28, $1  }
0x1f9: {  	_ =	sdelay $0x3  }
0x1fa: {  	s0 =	sshll.u32 s12, $0x8  }
0x1fb: {  	s0 =	sand.u32 $0x3FFFFF00, s0  }
0x1fc: {  	v0 =	vld [tilespmem:s0+$0xE438];
	_ =	sdelay $0x2  }
0x1fd: {  	s2 =	sshll.u32 s15, $0xA  }
0x1fe: {  	s2 =	sshra.s32 s2, $0x2  }
0x1ff: {  	[tilespmem:s2+$0xE438] =	vst.add.f32.msk $0xffff, v0  }
0x200: {  	v0 =	vld [tilespmem:s0+$0xE448];
	_ =	sdelay $0x4  }
0x201: {  	[tilespmem:s2+$0xE448] =	vst.add.f32.msk $0xffff, v0  }
0x202: {  	v0 =	vld [tilespmem:s0+$0xE458];
	_ =	sdelay $0x4  }
0x203: {  	[tilespmem:s2+$0xE458] =	vst.add.f32.msk $0xffff, v0  }
0x204: {  	v0 =	vld [tilespmem:s0+$0xE468];
	_ =	sdelay $0x4  }
0x205: {  	[tilespmem:s2+$0xE468] =	vst.add.f32.msk $0xffff, v0  }
0x206: {  	v0 =	vld [tilespmem:s0+$0xE478];
	_ =	sdelay $0x4  }
0x207: {  	[tilespmem:s2+$0xE478] =	vst.add.f32.msk $0xffff, v0  }
0x208: {  	v0 =	vld [tilespmem:s0+$0xE488];
	_ =	sdelay $0x4  }
0x209: {  	[tilespmem:s2+$0xE488] =	vst.add.f32.msk $0xffff, v0  }
0x20a: {  	v0 =	vld [tilespmem:s0+$0xE498];
	_ =	sdelay $0x4  }
0x20b: {  	[tilespmem:s2+$0xE498] =	vst.add.f32.msk $0xffff, v0  }
0x20c: {  	v0 =	vld [tilespmem:s0+$0xE4A8];
	_ =	sdelay $0x4  }
0x20d: {  	[tilespmem:s2+$0xE4A8] =	vst.add.f32.msk $0xffff, v0  }
0x20e: {  	v0 =	vld [tilespmem:s0+$0xE4B8];
	_ =	sdelay $0x4  }
0x20f: {  	[tilespmem:s2+$0xE4B8] =	vst.add.f32.msk $0xffff, v0  }
0x210: {  	v0 =	vld [tilespmem:s0+$0xE4C8];
	_ =	sdelay $0x4  }
0x211: {  	[tilespmem:s2+$0xE4C8] =	vst.add.f32.msk $0xffff, v0  }
0x212: {  	v0 =	vld [tilespmem:s0+$0xE4D8];
	_ =	sdelay $0x4  }
0x213: {  	[tilespmem:s2+$0xE4D8] =	vst.add.f32.msk $0xffff, v0  }
0x214: {  	v0 =	vld [tilespmem:s0+$0xE4E8];
	_ =	sdelay $0x4  }
0x215: {  	[tilespmem:s2+$0xE4E8] =	vst.add.f32.msk $0xffff, v0  }
0x216: {  	v0 =	vld [tilespmem:s0+$0xE4F8];
	_ =	sdelay $0x4  }
0x217: {  	[tilespmem:s2+$0xE4F8] =	vst.add.f32.msk $0xffff, v0  }
0x218: {  	v0 =	vld [tilespmem:s0+$0xE508];
	_ =	sdelay $0x4  }
0x219: {  	[tilespmem:s2+$0xE508] =	vst.add.f32.msk $0xffff, v0  }
0x21a: {  	v0 =	vld [tilespmem:s0+$0xE518];
	_ =	sdelay $0x4  }
0x21b: {  	[tilespmem:s2+$0xE518] =	vst.add.f32.msk $0xffff, v0  }
0x21c: {  	v0 =	vld [tilespmem:s0+$0xE528]  }
.Ltmp29:
0x21d: {  	_ = 	snop;
	(pc) =	sbr.rel .LBB2_36-.Ltmp29, $2  }
0x21e: {  	_ =	sdelay $0x2  }
0x21f: {  	[tilespmem:s2+$0xE528] =	vst.add.f32.msk $0xffff, v0  }
.LBB2_37:
0x220: {  	s0 =	simm.s32 $0x6;
	p1 =	seq.s32 s6, $0x0  }
0x221: {  	[sflag:s0] =	ssyncpa.u1 $0x1;
	v0 =	vimm.s32 @p1 $0xFFFFFFFF  }
0x222: {  	s9 =	sadd.s32 $0xFFFFFFFF, s6;
	[tilespmem:$0x10438] =	vst @p1 v0  }
0x223: {  	v0 =	vld.msk @!p1 [tilespmem:s9+$0xE418], $0x1;
	_ =	sdelay $0x1  }
0x224: {  	v1 =	vld.msk @!p1 [tilespmem:$0xE418], $0x1;
	_ =	sdelay $0x2  }
0x225: {  	p2 =	seq.s32 @!p1 s9, $0x0;
	v0 =	vbroadcast @!p1 v0, $0x0  }
0x226: {  	vm0 =	vmmov @!p1 $0x1;
	p2 =	por !p2, p1  }
0x227: {  	v1 =	vnsel @!p1 vm0, $0xFFFFFFFF, v1;
	vm0 =	vcmask @!p1 $0x308;
	v0 =	vpsel !p2, $0xFFFFFFFF, v0  }
0x228: {  	p2 =	sne.s32 @!p1 s8, s7;
	v0 =	vsel @!p1 vm0, v1, v0  }
0x229: {  	s0 =	simm.s32 @!p1 $0xE438;
	s2 =	simm.s32 @!p1 $0x0;
	p3 =	por !p2, p1;
	[tilespmem:$0x10438] =	vst @!p1 v0  }
0x22a: {  	[spmem:s2] =	stream.linear.scatter @!p1 [tilespmem:s0], [sflag:$0x1], $0x100, $0x38;
	[tilespmem:$0x1E528] =	vst v63  }
0x22b: {  	s0 =	sshll.u32 @!p3 s9, $0xA  }
0x22c: {  	s0 =	sshra.s32 @!p3 s0, $0x2  }
0x22d: {  	s2 =	simm.s32 @!p3 $0x100;
	s0 =	sadd.s32 @!p3 $0xE438, s0  }
0x22e: {  	[spmem:s2] =	stream.linear.scatter @!p3 [tilespmem:s0], [sflag:$0x1], $0x100, $0x38;
	[tilespmem:$0x1E528] =	vst v63  }
0x22f: {  	s0 =	simm.s32 @!p3 $0x1  }
0x230: {  	_ =	swait.ge @!p3 [sflag:s0], $0x200  }
0x231: {  	p1 =	por p2, p1;
	[sflag:s0] =	ssyncset.done @!p3 $0x0  }
0x232: {  	[sflag:s0] =	ssyncadd.s32 @!p3 $0xFFFFFE00;
	s0 =	simm.s32 @!p1 $0x1  }
0x233: {  	_ =	swait.ge @!p1 [sflag:s0], $0x100  }
0x234: {  	s29 =	simm.s32 $0x10438;
	[sflag:s0] =	ssyncset.done @!p1 $0x0  }
0x235: {  	s30 =	simm.s32 $0x2000;
	s31 =	simm.s32 $0x1;
	[sflag:s0] =	ssyncadd.s32 @!p1 $0xFFFFFF00  }
0x236: {  	[spmem:s30] =	stream.linear.scatter [tilespmem:s29], [sflag:$0x1], $0x10, $0x38;
	[tilespmem:$0x1E528] =	vst v63  }
0x237: {  	_ =	swait.ge [sflag:s31], $0x10  }
0x238: {  	[sflag:s31] =	ssyncset.done $0x0  }
0x239: {  	p1 =	seq.s32 s5, $0x0;
	[sflag:s31] =	ssyncadd.s32 $0xFFFFFFF0  }
0x23a: {  	s2 =	sshll.u32 @p1 s18, $0xE;
	s8 =	rddreg [dreg:$0x3]  }
0x23b: {  	s0 =	sadd.s32 @p1 $0x15C3C, s2;
	s2 =	sshll.u32 @p1 s8, $0x11  }
0x23c: {  	_ =	sfence.stream.spmem;
	s0 =	sor.u32 @p1 s2, s0  }
0x23d: {  	[sflag:s0] =	ssyncadd.remote.s32 @p1 $0x1;
	s0 =	simm.s32 @p1 $0x4  }
0x23e: {  	s3 =	simm.s32 @!p1 $0x3C;
	s2 =	sand.u32 $0xFFFFFFFE, s18;
	_ =	swait.ge @p1 [sflag:s0], $0x42  }
0x23f: {  	s4 =	simm.s32 @!p1 $0x0;
	s2 =	sadd.s32 @!p1 $0x4, s2;
	[sflag:s0] =	ssyncset.done @p1 $0x0  }
0x240: {  	s7 =	simm.s32 @!p1 $0x200;
	[sflag:s0] =	ssyncadd.s32 @p1 $0xFFFFFFBE;
	s0 =	sshll.u32 @!p1 s2, $0x1A  }
0x241: {  	s2 =	sshll.u32 @!p1 s2, $0xD;
	s0 =	sor.u32 @!p1 s0, s8;
	_ =	swait.eq @!p1 [sflag:s3], $0x1  }
0x242: {  	s2 =	sor.u32 @!p1 $0x1C04, s2;
	s3 =	simm.s32 @!p1 $0x1C03;
	s0 =	sor.u32 @!p1 $0x80004000, s0  }
0x243: {  	[spmem:s7], [sflag:s2] =	dma.general @!p1 [spmem:s4], [sflag:s3], length:$0x40, [dreg:$0x0], stride_count:$0x0, ici_dest:s0, dma_misc:DstOpCode:WRITE  }
0x244: {  	p2 =	slt.s32 s9, $0x2;
	s4 =	simm.s32 @!p1 $0x400;
	s7 =	simm.s32 @!p1 $0x402  }
0x245: {  	[spmem:s7], [sflag:s2] =	dma.general @!p1 [spmem:s4], [sflag:s3], length:$0x2, [dreg:$0x0], stride_count:$0x0, ici_dest:s0, dma_misc:DstOpCode:WRITE  }
.Ltmp30:
0x246: {  	s0 =	simm.s32 @!p1 $0x3;
	(pc) =	sbr.rel @p2 .LBB2_41-.Ltmp30, $4  }
0x247: {  	s2 =	sshll.u32 @!p1 s18, $0xE;
	_ =	swait.ge @!p1 [sflag:s0], $0x42  }
0x248: {  	s3 =	sshll.u32 @!p1 s8, $0x11;
	s2 =	sadd.s32 @!p1 $0x11C3C, s2;
	[sflag:s0] =	ssyncset.done @!p1 $0x0  }
0x249: {  	[sflag:s0] =	ssyncadd.s32 @!p1 $0xFFFFFFBE;
	s0 =	sor.u32 @!p1 s3, s2  }
0x24a: {  	[sflag:s0] =	ssyncadd.remote.s32 @!p1 $0xFFFFFFFF;
	s0 =	simm.s32 $0x0  }
0x24b: {  	s0 =	simm.s32 $0xE419  }
0x24c: {  	v0 =	vld.msk [tilespmem:s0+$0x0], $0x1;
	_ =	sdelay $0x4  }
0x24d: {  	(v2sf) =	vpush v0, $0x0;
	_ =	sdelay $0xd  }
0x24e: {  	s31 =	sadd.s32 $0xFFFFFFFE, s6  }
0x24f: {  	s2 =	simm.s32 $0x0;
	s3 =	sadd.s32 $0xFFFFFFFF, s31;
	s6 =	spop (v2sf)  }
0x250: {  	s7 =	simm.s32 $0xE538;
	p1 =	sne.s32 s3, $0x0;
	p2 =	sgt.u32 s6, $0x9C3F70  }
.Ltmp31:
0x251: {  	s4 =	simm.s32 $0xE638;
	s0 =	sand.u32 @!p2 $0xFFFFF8, s6;
	(pc) =	sbr.rel @!p1 .LBB2_40-.Ltmp31, $4  }
0x252: {  	s9 =	sadd.s32 @!p2 $0x80, s6;
	s8 =	sand.u32 @!p2 $0x7, s6;
	s0 =	sadd.s32 @!p2 s1, s0  }
0x253: {  	[hbm4b:s0+s8] =	stream.linear.scatter @!p2 [tilespmem:s7], [sflag:$0x5], $0x80, $0x38;
	[tilespmem:$0x1E528] =	vst v63  }
0x254: {  	s6 =	simm.s32 $0xE41A;
	s2 =	simm.s32 @!p2 $0x400;
	s0 =	sand.u32 @!p2 $0x1FFFFF8, s9  }
0x255: {  	s9 =	simm.s32 @!p2 $0xE5B8;
	s7 =	sadd.s32 $0x0, s2;
	s0 =	sadd.s32 @!p2 s1, s0  }
.LBB2_39:
0x256: {  	[hbm4b:s0+s8] =	stream.linear.scatter @!p2 [tilespmem:s9], [sflag:$0x5], $0x80, $0x38;
	[tilespmem:$0x1E528] =	vst v63  }
0x257: {  	s3 =	sadd.s32 $0xFFFFFFFF, s3;
	s0 =	smov.u32 s4;
	v0 =	vld.msk [tilespmem:s6+$0x0], $0x1  }
0x258: {  	p1 =	sne.s32 s3, $0x0;
	_ =	sdelay $0x3  }
0x259: {  	(v2sf) =	vpush v0, $0x0;
	_ =	sdelay $0xe  }
0x25a: {  	s4 =	sadd.s32 $0x100, s4;
	s10 =	simm.s32 $0x0;
	s2 =	spop (v2sf)  }
.Ltmp32:
0x25b: {  	s6 =	sadd.s32 $0x1, s6;
	p2 =	sgt.u32 s2, $0x9C3F70;
	(pc) =	sbr.rel @p1 .LBB2_39-.Ltmp32, $4  }
0x25c: {  	s10 =	simm.s32 @!p2 $0x400;
	s8 =	sand.u32 @!p2 $0xFFFFF8, s2;
	s9 =	sadd.s32 @!p2 $0x80, s2  }
0x25d: {  	s11 =	sadd.s32 @!p2 s1, s8;
	s8 =	sand.u32 @!p2 $0x7, s2;
	s2 =	sand.u32 @!p2 $0x1FFFFF8, s9  }
0x25e: {  	[hbm4b:s11+s8] =	stream.linear.scatter @!p2 [tilespmem:s0], [sflag:$0x5], $0x80, $0x38;
	[tilespmem:$0x1E528] =	vst v63  }
0x25f: {  	s9 =	sadd.s32 @!p2 $0x80, s0;
	s7 =	sadd.s32 s7, s10;
	s0 =	sadd.s32 @!p2 s1, s2  }
.LBB2_40:
0x260: {  	[hbm4b:s0+s8] =	stream.linear.scatter @!p2 [tilespmem:s9], [sflag:$0x5], $0x80, $0x38;
	[tilespmem:$0x1E528] =	vst v63  }
0x261: {  	s0 =	sshrl.u32 s7, $0x2  }
.LBB2_41:
0x262: {  	s2 =	simm.s32 $0x5  }
0x263: {  	_ =	swait.ge [sflag:s2], s0  }
0x264: {  	s31 =	ssub.s32 $0x0, s0;
	[sflag:s2] =	ssyncset.done $0x0  }
0x265: {  	[sflag:s2] =	ssyncadd.s32 s31  }
0x266: {  	[sflag:s2] =	ssyncpa.u1 $0x1  }
.LBB2_42:
0x267: {  	s0 =	sor.u32 s5, s17  }
0x268: {  	p1 =	sne.s32 s0, $0x0  }
.Ltmp33:
0x269: {  	_ = 	snop;
	(pc) =	sbr.rel @p1 .LBB2_57-.Ltmp33, $3  }
0x26a: {  	_ =	sdelay $0x1  }
0x26b: {  	[bflag:$0x0] =	sbarrier.arrive $0xFFFF  }
0x26c: {  	_ =	sfence  }
0x26d: {  	s0 =	simm.s32 $0x7  }
0x26e: {  	s2 =	simm.s32 $0x2000;
	s3 =	simm.s32 $0xE418;
	[sflag:s0] =	ssyncpa.u1 $0x0  }
0x26f: {  	[tilespmem:s3], [sflag:$0x7] =	stream.linear.gather [spmem:s2], $0x20, $0x38;
	[tilespmem:$0x1E528] =	vst v63  }
0x270: {  	s30 =	simm.s32 $0xE438;
	s2 =	simm.s32 $0x0  }
0x271: {  	[tilespmem:s30], [sflag:$0x7] =	stream.linear.gather [spmem:s2], $0x2000, $0x38;
	[tilespmem:$0x1E528] =	vst v63  }
.Ltmp34:
0x272: {  	_ = 	snop;
	(pc) =	sbr.rel .LBB2_44-.Ltmp34, $4  }
0x273: {  	_ =	swait.ge [sflag:s0], $0x2020  }
0x274: {  	[sflag:s0] =	ssyncset.done $0x0  }
0x275: {  	s31 =	simm.s32 $0x8;
	[sflag:s0] =	ssyncadd.s32 $0xFFFFDFE0  }
0x276: {  	s3 =	simm.s32 $0x0;
	[sflag:s31] =	ssyncpa.u1 $0x0  }
.LBB2_50:
0x277: {  	p1 =	slt.u32 s4, $0x9C3F71  }
0x278: {  	s0 =	sand.u32 @p1 $0xFFFFF8, s4  }
0x279: {  	s5 =	sand.u32 @p1 $0x7, s4;
	s6 =	simm.s32 @p1 $0xE308;
	s0 =	sadd.s32 @p1 s1, s0  }
0x27a: {  	[tilespmem:s6], [sflag:$0x8] =	stream.linear.gather @p1 [hbm4b:s0+s5], $0x80, $0x38;
	[tilespmem:$0x1E528] =	vst v63  }
0x27b: {  	s0 =	sadd.s32 @p1 $0x80, s4  }
0x27c: {  	s0 =	sand.u32 @p1 $0x1FFFFF8, s0  }
0x27d: {  	s4 =	simm.s32 @p1 $0xE388;
	s0 =	sadd.s32 @p1 s1, s0  }
0x27e: {  	[tilespmem:s4], [sflag:$0x8] =	stream.linear.gather @p1 [hbm4b:s0+s5], $0x80, $0x38;
	[tilespmem:$0x1E528] =	vst v63  }
0x27f: {  	s0 =	simm.s32 @p1 $0x8  }
0x280: {  	_ =	swait.ge @p1 [sflag:s0], $0x100  }
0x281: {  	[sflag:s0] =	ssyncset.done @p1 $0x0  }
0x282: {  	[sflag:s0] =	ssyncadd.s32 @p1 $0xFFFFFF00  }
0x283: {  	v1 =	vld @p1 [tilespmem:$0xE308];
	_ =	sdelay $0x2  }
0x284: {  	s0 =	sshll.u32 @p1 s3, $0xA  }
0x285: {  	s4 =	sshrl.u32 @p1 s0, $0x2  }
0x286: {  	[tilespmem:s4+$0xE438] =	vst.add.f32.msk @p1 $0xffff, v1  }
0x287: {  	v1 =	vld @p1 [tilespmem:$0xE318];
	_ =	sdelay $0x4  }
0x288: {  	[tilespmem:s4+$0xE448] =	vst.add.f32.msk @p1 $0xffff, v1  }
0x289: {  	v1 =	vld @p1 [tilespmem:$0xE328];
	_ =	sdelay $0x4  }
0x28a: {  	[tilespmem:s4+$0xE458] =	vst.add.f32.msk @p1 $0xffff, v1  }
0x28b: {  	v1 =	vld @p1 [tilespmem:$0xE338];
	_ =	sdelay $0x4  }
0x28c: {  	[tilespmem:s4+$0xE468] =	vst.add.f32.msk @p1 $0xffff, v1  }
0x28d: {  	v1 =	vld @p1 [tilespmem:$0xE348];
	_ =	sdelay $0x4  }
0x28e: {  	[tilespmem:s4+$0xE478] =	vst.add.f32.msk @p1 $0xffff, v1  }
0x28f: {  	v1 =	vld @p1 [tilespmem:$0xE358];
	_ =	sdelay $0x4  }
0x290: {  	[tilespmem:s4+$0xE488] =	vst.add.f32.msk @p1 $0xffff, v1  }
0x291: {  	v1 =	vld @p1 [tilespmem:$0xE368];
	_ =	sdelay $0x4  }
0x292: {  	[tilespmem:s4+$0xE498] =	vst.add.f32.msk @p1 $0xffff, v1  }
0x293: {  	v1 =	vld @p1 [tilespmem:$0xE378];
	_ =	sdelay $0x4  }
0x294: {  	[tilespmem:s4+$0xE4A8] =	vst.add.f32.msk @p1 $0xffff, v1  }
0x295: {  	v1 =	vld @p1 [tilespmem:$0xE388];
	_ =	sdelay $0x4  }
0x296: {  	[tilespmem:s4+$0xE4B8] =	vst.add.f32.msk @p1 $0xffff, v1  }
0x297: {  	v1 =	vld @p1 [tilespmem:$0xE398];
	_ =	sdelay $0x4  }
0x298: {  	[tilespmem:s4+$0xE4C8] =	vst.add.f32.msk @p1 $0xffff, v1  }
0x299: {  	v1 =	vld @p1 [tilespmem:$0xE3A8];
	_ =	sdelay $0x4  }
0x29a: {  	[tilespmem:s4+$0xE4D8] =	vst.add.f32.msk @p1 $0xffff, v1  }
0x29b: {  	v1 =	vld @p1 [tilespmem:$0xE3B8];
	_ =	sdelay $0x4  }
0x29c: {  	[tilespmem:s4+$0xE4E8] =	vst.add.f32.msk @p1 $0xffff, v1  }
0x29d: {  	v1 =	vld @p1 [tilespmem:$0xE3C8];
	_ =	sdelay $0x4  }
0x29e: {  	[tilespmem:s4+$0xE4F8] =	vst.add.f32.msk @p1 $0xffff, v1  }
0x29f: {  	v1 =	vld @p1 [tilespmem:$0xE3D8];
	_ =	sdelay $0x4  }
0x2a0: {  	[tilespmem:s4+$0xE508] =	vst.add.f32.msk @p1 $0xffff, v1  }
0x2a1: {  	v1 =	vld @p1 [tilespmem:$0xE3E8];
	_ =	sdelay $0x4  }
0x2a2: {  	[tilespmem:s4+$0xE518] =	vst.add.f32.msk @p1 $0xffff, v1  }
0x2a3: {  	v1 =	vld @p1 [tilespmem:$0xE3F8];
	_ =	sdelay $0x3  }
0x2a4: {  	s5 =	sshll.u32 @!p1 s3, $0xA  }
0x2a5: {  	s5 =	smov.u32 @p1 s0;
	[tilespmem:s4+$0xE528] =	vst.add.f32.msk @p1 $0xffff, v1  }
0x2a6: {  	s0 =	sshrl.u32 s5, $0x2;
	[tilespmem:s2+$0xE418] =	vst.msk $0x1, v0  }
0x2a7: {  	v0 =	vld [tilespmem:s0+$0xE438];
	_ =	sdelay $0x2  }
0x2a8: {  	s31 =	sshll.u32 s2, $0xA  }
0x2a9: {  	s4 =	sshra.s32 s31, $0x2  }
0x2aa: {  	[tilespmem:s4+$0xE438] =	vst v0  }
0x2ab: {  	v0 =	vld [tilespmem:s0+$0xE448];
	_ =	sdelay $0x4  }
0x2ac: {  	[tilespmem:s4+$0xE448] =	vst v0  }
0x2ad: {  	v0 =	vld [tilespmem:s0+$0xE458];
	_ =	sdelay $0x4  }
0x2ae: {  	[tilespmem:s4+$0xE458] =	vst v0  }
0x2af: {  	v0 =	vld [tilespmem:s0+$0xE468];
	_ =	sdelay $0x4  }
0x2b0: {  	[tilespmem:s4+$0xE468] =	vst v0  }
0x2b1: {  	v0 =	vld [tilespmem:s0+$0xE478];
	_ =	sdelay $0x4  }
0x2b2: {  	[tilespmem:s4+$0xE478] =	vst v0  }
0x2b3: {  	v0 =	vld [tilespmem:s0+$0xE488];
	_ =	sdelay $0x4  }
0x2b4: {  	[tilespmem:s4+$0xE488] =	vst v0  }
0x2b5: {  	v0 =	vld [tilespmem:s0+$0xE498];
	_ =	sdelay $0x4  }
0x2b6: {  	[tilespmem:s4+$0xE498] =	vst v0  }
0x2b7: {  	v0 =	vld [tilespmem:s0+$0xE4A8];
	_ =	sdelay $0x4  }
0x2b8: {  	[tilespmem:s4+$0xE4A8] =	vst v0  }
0x2b9: {  	v0 =	vld [tilespmem:s0+$0xE4B8];
	_ =	sdelay $0x4  }
0x2ba: {  	[tilespmem:s4+$0xE4B8] =	vst v0  }
0x2bb: {  	v0 =	vld [tilespmem:s0+$0xE4C8];
	_ =	sdelay $0x4  }
0x2bc: {  	[tilespmem:s4+$0xE4C8] =	vst v0  }
0x2bd: {  	v0 =	vld [tilespmem:s0+$0xE4D8];
	_ =	sdelay $0x4  }
0x2be: {  	[tilespmem:s4+$0xE4D8] =	vst v0  }
0x2bf: {  	v0 =	vld [tilespmem:s0+$0xE4E8];
	_ =	sdelay $0x4  }
0x2c0: {  	[tilespmem:s4+$0xE4E8] =	vst v0  }
0x2c1: {  	v0 =	vld [tilespmem:s0+$0xE4F8];
	_ =	sdelay $0x4  }
0x2c2: {  	[tilespmem:s4+$0xE4F8] =	vst v0  }
0x2c3: {  	v0 =	vld [tilespmem:s0+$0xE508];
	_ =	sdelay $0x4  }
0x2c4: {  	[tilespmem:s4+$0xE508] =	vst v0  }
0x2c5: {  	v0 =	vld [tilespmem:s0+$0xE518];
	_ =	sdelay $0x4  }
0x2c6: {  	[tilespmem:s4+$0xE518] =	vst v0  }
0x2c7: {  	v0 =	vld [tilespmem:s0+$0xE528];
	_ =	sdelay $0x4  }
0x2c8: {  	s2 =	sadd.s32 $0x1, s2;
	[tilespmem:s4+$0xE528] =	vst v0  }
.LBB2_51:
0x2c9: {  	s3 =	sadd.s32 $0x1, s3  }
0x2ca: {  	p1 =	sne.s32 s3, $0x20  }
.Ltmp35:
0x2cb: {  	_ = 	snop;
	(pc) =	sbr.rel @!p1 .LBB2_52-.Ltmp35, $1  }
0x2cc: {  	_ =	sdelay $0x3  }
.LBB2_44:
0x2cd: {  	v0 =	vld.msk [tilespmem:s3+$0xE418], $0x1;
	_ =	sdelay $0x4  }
0x2ce: {  	(v2sf) =	vpush v0, $0x0;
	_ =	sdelay $0xe  }
0x2cf: {  	s4 =	spop (v2sf)  }
0x2d0: {  	p1 =	seq.s32 s4, $0xFFFFFFFF  }
.Ltmp36:
0x2d1: {  	_ = 	snop;
	(pc) =	sbr.rel @p1 .LBB2_51-.Ltmp36, $1  }
0x2d2: {  	_ =	sdelay $0x3  }
0x2d3: {  	p1 =	slt.s32 s2, $0x1  }
.Ltmp37:
0x2d4: {  	_ = 	snop;
	(pc) =	sbr.rel @p1 .LBB2_50-.Ltmp37, $1  }
0x2d5: {  	_ =	sdelay $0x3  }
0x2d6: {  	s5 =	simm.s32 $0xE418;
	p1 =	por $0x0, $0x0  }
0x2d7: {  	v1 =	vld.msk @!p1 [tilespmem:s5+$0x0], $0x1;
	_ =	sdelay $0x4  }
0x2d8: {  	(v2sf) =	vpush @!p1 v1, $0x0;
	_ =	sdelay $0xd  }
0x2d9: {  	p3 =	sne.s32 s2, $0x1  }
.Ltmp38:
0x2da: {  	s0 =	spop @!p1 (v2sf);
	(pc) =	sbr.rel @!p3 .LBB2_48-.Ltmp38, $4  }
0x2db: {  	p2 =	seq.s32 @!p1 s4, s0  }
0x2dc: {  	s6 =	simm.s32 $0x0;
	p2 =	por !p2, p1  }
0x2dd: {  	s0 =	simm.s32 $0xFFFFFFFF;
	s6 =	simm.s32 @p2 $0xFFFFFFFF  }
0x2de: {  	s7 =	simm.s32 $0x1;
	s6 =	smov.u32 @p1 s0  }
.LBB2_47:
0x2df: {  	s0 =	smov.u32 s6;
	p1 =	sne.s32 s6, $0xFFFFFFFF  }
0x2e0: {  	s5 =	sadd.s32 $0x1, s5;
	s6 =	smov.u32 s7;
	s7 =	sadd.s32 $0x1, s7  }
0x2e1: {  	p2 =	sne.s32 s2, s7;
	v1 =	vld.msk @!p1 [tilespmem:s5+$0x0], $0x1;
	_ =	sdelay $0x4  }
0x2e2: {  	(v2sf) =	vpush @!p1 v1, $0x0;
	_ =	sdelay $0xe  }
.Ltmp39:
0x2e3: {  	s8 =	spop @!p1 (v2sf);
	(pc) =	sbr.rel @p2 .LBB2_47-.Ltmp39, $4  }
0x2e4: {  	p3 =	seq.s32 @!p1 s4, s8  }
0x2e5: {  	p3 =	por !p3, p1  }
0x2e6: {  	s6 =	simm.s32 @p3 $0xFFFFFFFF  }
0x2e7: {  	s6 =	smov.u32 @p1 s0  }
.LBB2_48:
0x2e8: {  	p1 =	seq.s32 s6, $0xFFFFFFFF  }
.Ltmp40:
0x2e9: {  	_ = 	snop;
	(pc) =	sbr.rel @p1 .LBB2_50-.Ltmp40, $1  }
0x2ea: {  	_ =	sdelay $0x3  }
0x2eb: {  	s0 =	sshll.u32 s3, $0x8  }
0x2ec: {  	s0 =	sand.u32 $0x3FFFFF00, s0  }
0x2ed: {  	v0 =	vld [tilespmem:s0+$0xE438];
	_ =	sdelay $0x2  }
0x2ee: {  	s4 =	sshll.u32 s6, $0xA  }
0x2ef: {  	s4 =	sshra.s32 s4, $0x2  }
0x2f0: {  	[tilespmem:s4+$0xE438] =	vst.add.f32.msk $0xffff, v0  }
0x2f1: {  	v0 =	vld [tilespmem:s0+$0xE448];
	_ =	sdelay $0x4  }
0x2f2: {  	[tilespmem:s4+$0xE448] =	vst.add.f32.msk $0xffff, v0  }
0x2f3: {  	v0 =	vld [tilespmem:s0+$0xE458];
	_ =	sdelay $0x4  }
0x2f4: {  	[tilespmem:s4+$0xE458] =	vst.add.f32.msk $0xffff, v0  }
0x2f5: {  	v0 =	vld [tilespmem:s0+$0xE468];
	_ =	sdelay $0x4  }
0x2f6: {  	[tilespmem:s4+$0xE468] =	vst.add.f32.msk $0xffff, v0  }
0x2f7: {  	v0 =	vld [tilespmem:s0+$0xE478];
	_ =	sdelay $0x4  }
0x2f8: {  	[tilespmem:s4+$0xE478] =	vst.add.f32.msk $0xffff, v0  }
0x2f9: {  	v0 =	vld [tilespmem:s0+$0xE488];
	_ =	sdelay $0x4  }
0x2fa: {  	[tilespmem:s4+$0xE488] =	vst.add.f32.msk $0xffff, v0  }
0x2fb: {  	v0 =	vld [tilespmem:s0+$0xE498];
	_ =	sdelay $0x4  }
0x2fc: {  	[tilespmem:s4+$0xE498] =	vst.add.f32.msk $0xffff, v0  }
0x2fd: {  	v0 =	vld [tilespmem:s0+$0xE4A8];
	_ =	sdelay $0x4  }
0x2fe: {  	[tilespmem:s4+$0xE4A8] =	vst.add.f32.msk $0xffff, v0  }
0x2ff: {  	v0 =	vld [tilespmem:s0+$0xE4B8];
	_ =	sdelay $0x4  }
0x300: {  	[tilespmem:s4+$0xE4B8] =	vst.add.f32.msk $0xffff, v0  }
0x301: {  	v0 =	vld [tilespmem:s0+$0xE4C8];
	_ =	sdelay $0x4  }
0x302: {  	[tilespmem:s4+$0xE4C8] =	vst.add.f32.msk $0xffff, v0  }
0x303: {  	v0 =	vld [tilespmem:s0+$0xE4D8];
	_ =	sdelay $0x4  }
0x304: {  	[tilespmem:s4+$0xE4D8] =	vst.add.f32.msk $0xffff, v0  }
0x305: {  	v0 =	vld [tilespmem:s0+$0xE4E8];
	_ =	sdelay $0x4  }
0x306: {  	[tilespmem:s4+$0xE4E8] =	vst.add.f32.msk $0xffff, v0  }
0x307: {  	v0 =	vld [tilespmem:s0+$0xE4F8];
	_ =	sdelay $0x4  }
0x308: {  	[tilespmem:s4+$0xE4F8] =	vst.add.f32.msk $0xffff, v0  }
0x309: {  	v0 =	vld [tilespmem:s0+$0xE508];
	_ =	sdelay $0x4  }
0x30a: {  	[tilespmem:s4+$0xE508] =	vst.add.f32.msk $0xffff, v0  }
0x30b: {  	v0 =	vld [tilespmem:s0+$0xE518];
	_ =	sdelay $0x4  }
0x30c: {  	[tilespmem:s4+$0xE518] =	vst.add.f32.msk $0xffff, v0  }
0x30d: {  	v0 =	vld [tilespmem:s0+$0xE528]  }
.Ltmp41:
0x30e: {  	_ = 	snop;
	(pc) =	sbr.rel .LBB2_51-.Ltmp41, $2  }
0x30f: {  	_ =	sdelay $0x2  }
0x310: {  	[tilespmem:s4+$0xE528] =	vst.add.f32.msk $0xffff, v0  }
.LBB2_52:
0x311: {  	p1 =	slt.s32 s2, $0x1  }
.Ltmp42:
0x312: {  	_ = 	snop;
	(pc) =	sbr.rel @p1 .LBB2_56-.Ltmp42, $3  }
0x313: {  	_ =	sdelay $0x1  }
0x314: {  	s0 =	simm.s32 $0x8  }
0x315: {  	s5 =	simm.s32 $0x0;
	[sflag:s0] =	ssyncpa.u1 $0x1  }
0x316: {  	s0 =	simm.s32 $0xE418  }
0x317: {  	v0 =	vld.msk [tilespmem:s0+$0x0], $0x1;
	_ =	sdelay $0x4  }
0x318: {  	(v2sf) =	vpush v0, $0x0;
	_ =	sdelay $0xe  }
0x319: {  	s2 =	sadd.s32 $0xFFFFFFFF, s2;
	s0 =	spop (v2sf)  }
0x31a: {  	s4 =	simm.s32 $0xE438;
	p1 =	sne.s32 s2, $0x0;
	p2 =	sgt.u32 s0, $0x9C3F70  }
.Ltmp43:
0x31b: {  	s3 =	simm.s32 $0xE538;
	s6 =	sand.u32 @!p2 $0xFFFFF8, s0;
	(pc) =	sbr.rel @!p1 .LBB2_55-.Ltmp43, $4  }
0x31c: {  	s7 =	sadd.s32 @!p2 $0x80, s0;
	s5 =	simm.s32 @!p2 $0x400;
	s8 =	sadd.s32 @!p2 s1, s6  }
0x31d: {  	s6 =	sand.u32 @!p2 $0x7, s0;
	s0 =	sand.u32 @!p2 $0x1FFFFF8, s7;
	s7 =	simm.s32 @!p2 $0xE4B8  }
0x31e: {  	[hbm4b:s8+s6] =	stream.linear.scatter @!p2 [tilespmem:s4], [sflag:$0x7], $0x80, $0x38;
	[tilespmem:$0x1E528] =	vst v63  }
0x31f: {  	s5 =	sadd.s32 $0x0, s5;
	s4 =	simm.s32 $0xE419;
	s0 =	sadd.s32 @!p2 s1, s0  }
.LBB2_54:
0x320: {  	[hbm4b:s0+s6] =	stream.linear.scatter @!p2 [tilespmem:s7], [sflag:$0x7], $0x80, $0x38;
	[tilespmem:$0x1E528] =	vst v63  }
0x321: {  	s2 =	sadd.s32 $0xFFFFFFFF, s2;
	s0 =	smov.u32 s3;
	v0 =	vld.msk [tilespmem:s4+$0x0], $0x1  }
0x322: {  	p1 =	sne.s32 s2, $0x0;
	_ =	sdelay $0x3  }
0x323: {  	(v2sf) =	vpush v0, $0x0;
	_ =	sdelay $0xe  }
0x324: {  	s3 =	sadd.s32 $0x100, s3;
	s8 =	simm.s32 $0x0;
	s6 =	spop (v2sf)  }
.Ltmp44:
0x325: {  	s4 =	sadd.s32 $0x1, s4;
	p2 =	sgt.u32 s6, $0x9C3F70;
	(pc) =	sbr.rel @p1 .LBB2_54-.Ltmp44, $4  }
0x326: {  	s8 =	simm.s32 @!p2 $0x400;
	s7 =	sand.u32 @!p2 $0xFFFFF8, s6;
	s9 =	sadd.s32 @!p2 $0x80, s6  }
0x327: {  	s6 =	sand.u32 @!p2 $0x7, s6;
	s7 =	sadd.s32 @!p2 s1, s7;
	s9 =	sand.u32 @!p2 $0x1FFFFF8, s9  }
0x328: {  	[hbm4b:s7+s6] =	stream.linear.scatter @!p2 [tilespmem:s0], [sflag:$0x7], $0x80, $0x38;
	[tilespmem:$0x1E528] =	vst v63  }
0x329: {  	s5 =	sadd.s32 s5, s8;
	s7 =	sadd.s32 @!p2 $0x80, s0;
	s0 =	sadd.s32 @!p2 s1, s9  }
.LBB2_55:
0x32a: {  	[hbm4b:s0+s6] =	stream.linear.scatter @!p2 [tilespmem:s7], [sflag:$0x7], $0x80, $0x38;
	[tilespmem:$0x1E528] =	vst v63  }
0x32b: {  	s5 =	sshrl.u32 s5, $0x2  }
.LBB2_56:
0x32c: {  	s0 =	simm.s32 $0x7  }
0x32d: {  	_ =	swait.ge [sflag:s0], s5  }
0x32e: {  	s1 =	ssub.s32 $0x0, s5;
	[sflag:s0] =	ssyncset.done $0x0  }
0x32f: {  	[sflag:s0] =	ssyncadd.s32 s1  }
0x330: {  	[sflag:s0] =	ssyncpa.u1 $0x1  }
.LBB2_57:
0x331: {  	_ =	sfence;
	s0 =	simm.s32 $0x1  }
0x332: {  	[sflag:s0] =	ssyncpa.u1 $0x1  }
0x333: {  	_ =	strace $0x90000056  }
0x334: {  	[bflag:$0x2] =	sbarrier.arrive $0xFFFF  }
0x335: {  	s0 =	rddreg [dreg:$0x4]  }
0x336: {  	s0 =	sadd.s32 @!p0 $0x100000, s0  }
0x337: {  	[sflag:s0] =	ssyncadd.tile.s32 @!p0 $0x1;
	_ =	shalt  }
.Lfunc_end2:
_tile_overlayer_lowered:
.L_overlay_start_2:
0x338: {  	(tag) =	ssettag $0x2  }
0x339: {  	s0 =	rddreg [dreg:$0x0];
	s2 =	stileid.u32  }
0x33a: {  	s1 =	rddreg [dreg:$0x1];
	p0 =	sne.s32 s2, $0x0  }
0x33b: {  	s3 =	rddreg [dreg:$0x2];
	[bflag:$0x3] =	sbarrier.arrive $0xFFFF;
	s2 =	simm.s32 @!p0 $0x1C01  }
0x33c: {  	[timem:s3], [sflag:s2] =	dma.local @!p0 [hbm:s0], s1  }
0x33d: {  	s0 =	simm.s32 @!p0 $0x1  }
0x33e: {  	_ =	swait.ge @!p0 [sflag:s0], s1  }
0x33f: {  	s1 =	ssub.s32 @!p0 $0x0, s1;
	[sflag:s0] =	ssyncset.done @!p0 $0x0  }
0x340: {  	[sflag:s0] =	ssyncadd.s32 @!p0 s1  }
0x341: {  	[bflag:$0x3] =	sbarrier.arrive $0xFFFF  }
0x342: {  	_ =	shalt  }

// kernel: scatter_offload_async_start
scs
__scs_entry_jumppad:
0x0: {  	(pc) =	sbr.rel $0x88, $3  }
0x1: {  	(tag) =	ssettag $0x0;
	lr =	simm.s32 $0x1  }
0x2: {  	[smem:$0x3F81] =	sst lr;
	_ =	strace $0xD0000000  }
0x3: {  	_ = 	snop  }
0x4: {  	_ = 	snop  }
0x5: {  	_ = 	snop  }
0x6: {  	_ = 	snop  }
0x7: {  	_ = 	snop  }
__scs_overlays_trampoline_lowered:
0x8: {  	[smem:$0x3F90] =	sst s0  }
0x9: {  	[smem:$0x3F91] =	sst s1  }
0xa: {  	[smem:$0x3F92] =	sst s2  }
0xb: {  	[smem:$0x3F93] =	sst s3  }
0xc: {  	[smem:$0x3F94] =	sst s4  }
0xd: {  	[smem:$0x3F95] =	sst s5  }
0xe: {  	[smem:$0x3F96] =	sst s6  }
0xf: {  	[smem:$0x3F97] =	sst s7  }
0x10: {  	[smem:$0x3F98] =	sst s8  }
0x11: {  	[smem:$0x3F99] =	sst s9;
	s0 =	simm.s32 @!p0 $0x0  }
0x12: {  	s1 =	sld [smem:$0x3F7F];
	s0 =	simm.s32 @p0 $0x1  }
0x13: {  	[smem:$0x3F9A] =	sst s0;
	s0 =	simm.s32 @!p1 $0x0  }
0x14: {  	s2 =	sld [smem:$0x3F7E];
	s0 =	simm.s32 @p1 $0x1  }
0x15: {  	[smem:$0x3F9B] =	sst s0;
	s0 =	simm.s32 @!p2 $0x0  }
0x16: {  	s3 =	sld [smem:$0x3FDB];
	s0 =	simm.s32 @p2 $0x1  }
0x17: {  	s4 =	simm.s32 $0x1BF5;
	[smem:$0x3F9D] =	sst s0  }
0x18: {  	s0 =	sld [smem:$0x3F80];
	_ =	swait.ge [sflag:s4], $0x0  }
0x19: {  	s7 =	sld [smem:$0x3F81]  }
0x1a: {  	s8 =	sadd.s32 $0xFFFFE003, lr  }
0x1b: {  	s9 =	sadd.s32 $0xFFFFFEF7, lr;
	s5 =	simm.s32 $0xFFFFFFFF;
	p2 =	slt.u32 s8, $0xFFFFF086  }
0x1c: {  	p1 =	slt.u32 s9, $0xF7A;
	s5 =	simm.s32 @!p2 $0x0  }
0x1d: {  	s5 =	simm.s32 @p1 $0x1;
	p0 =	seq.s32 s7, s2  }
0x1e: {  	s7 =	smul.u32 @!p0 $0xF7A, s2;
	p2 =	seq.s32 @!p0 s5, $0x0  }
0x1f: {  	s9 =	smul.u32 $0xF7A, s1;
	s8 =	simm.s32 @!p0 $0x1BF5;
	p2 =	por !p2, p0  }
0x20: {  	[sflag:s8] =	ssyncset.s32 @!p0 $0xFFFFF086;
	s6 =	sadd.s32 @!p0 s3, s7;
	s7 =	simm.s32 @!p0 $0x108  }
0x21: {  	s3 =	sadd.s32 s3, s9;
	s6 =	sadd.s32 @!p0 $0x88, s6;
	s7 =	simm.s32 @p2 $0x1082  }
0x22: {  	[simem:s7], [sflag:s8] =	dma.local @!p0 [hbm:s6], $0xF7A  }
0x23: {  	s9 =	sor.u32 $0xD0000000, s2;
	s6 =	simm.s32 $0x108;
	_ =	swait.ge @!p0 [sflag:s8], $0x0  }
0x24: {  	s3 =	sadd.s32 $0x88, s3;
	s6 =	simm.s32 @!p1 $0x1082;
	[sflag:s4] =	ssyncset.s32 $0xFFFFF086  }
0x25: {  	[simem:s6], [sflag:s4] =	dma.local [hbm:s3], $0xF7A  }
0x26: {  	[smem:$0x3F81] =	sst s1;
	(tag) =	ssettag s2;
	_ =	strace s9  }
0x27: {  	s1 =	sld [smem:$0x3F91]  }
0x28: {  	s2 =	sld [smem:$0x3F92]  }
0x29: {  	s4 =	sld [smem:$0x3F94]  }
0x2a: {  	p0 =	seq.s32 s5, $0x0;
	s5 =	sld [smem:$0x3F95]  }
0x2b: {  	s6 =	sld [smem:$0x3F96]  }
0x2c: {  	s7 =	sld [smem:$0x3F97]  }
0x2d: {  	s3 =	simm.s32 $0x108;
	s8 =	sld [smem:$0x3F98]  }
0x2e: {  	s3 =	simm.s32 @!p0 $0x1082;
	s9 =	sld [smem:$0x3F99]  }
0x2f: {  	lr =	sadd.s32 s0, s3;
	s0 =	sld [smem:$0x3F90]  }
0x30: {  	s3 =	sld [smem:$0x3F93]  }
0x31: {  	[smem:$0x3F9C] =	sst s10  }
0x32: {  	s10 =	sld [smem:$0x3F9A];
	_ =	sdelay $0x3  }
0x33: {  	p0 =	seq.s32 s10, $0x1;
	s10 =	sld [smem:$0x3F9C];
	_ =	sdelay $0x3  }
0x34: {  	[smem:$0x3F9C] =	sst s10  }
0x35: {  	s10 =	sld [smem:$0x3F9B];
	_ =	sdelay $0x3  }
0x36: {  	p1 =	seq.s32 s10, $0x1;
	s10 =	sld [smem:$0x3F9C];
	_ =	sdelay $0x3  }
0x37: {  	[smem:$0x3F9C] =	sst s10  }
0x38: {  	s10 =	sld [smem:$0x3F9D]  }
0x39: {  	_ = 	snop;
	(pc) =	sbr.ind lr, $3  }
0x3a: {  	_ = 	snop  }
0x3b: {  	_ = 	snop  }
0x3c: {  	p2 =	seq.s32 s10, $0x1;
	s10 =	sld [smem:$0x3F9C]  }
0x3d: {  	_ =	shalt  }
0x3e: {  	_ =	shalt  }
0x3f: {  	_ =	shalt  }
0x40: {  	_ =	shalt  }
0x41: {  	_ =	shalt  }
0x42: {  	_ =	shalt  }
0x43: {  	_ =	shalt  }
0x44: {  	_ =	shalt  }
0x45: {  	_ =	shalt  }
0x46: {  	_ =	shalt  }
0x47: {  	_ =	shalt  }
0x48: {  	_ =	shalt  }
0x49: {  	_ =	shalt  }
0x4a: {  	_ =	shalt  }
0x4b: {  	_ =	shalt  }
0x4c: {  	_ =	shalt  }
0x4d: {  	_ =	shalt  }
0x4e: {  	_ =	shalt  }
0x4f: {  	_ =	shalt  }
0x50: {  	_ =	shalt  }
0x51: {  	_ =	shalt  }
0x52: {  	_ =	shalt  }
0x53: {  	_ =	shalt  }
0x54: {  	_ =	shalt  }
0x55: {  	_ =	shalt  }
0x56: {  	_ =	shalt  }
0x57: {  	_ =	shalt  }
0x58: {  	_ =	shalt  }
0x59: {  	_ =	shalt  }
0x5a: {  	_ =	shalt  }
0x5b: {  	_ =	shalt  }
0x5c: {  	_ =	shalt  }
0x5d: {  	_ =	shalt  }
0x5e: {  	_ =	shalt  }
0x5f: {  	_ =	shalt  }
0x60: {  	_ =	shalt  }
0x61: {  	_ =	shalt  }
0x62: {  	_ =	shalt  }
0x63: {  	_ =	shalt  }
0x64: {  	_ =	shalt  }
0x65: {  	_ =	shalt  }
0x66: {  	_ =	shalt  }
0x67: {  	_ =	shalt  }
0x68: {  	_ =	shalt  }
0x69: {  	_ =	shalt  }
0x6a: {  	_ =	shalt  }
0x6b: {  	_ =	shalt  }
0x6c: {  	_ =	shalt  }
0x6d: {  	_ =	shalt  }
0x6e: {  	_ =	shalt  }
0x6f: {  	_ =	shalt  }
0x70: {  	_ =	shalt  }
0x71: {  	_ =	shalt  }
0x72: {  	_ =	shalt  }
0x73: {  	_ =	shalt  }
0x74: {  	_ =	shalt  }
0x75: {  	_ =	shalt  }
0x76: {  	_ =	shalt  }
0x77: {  	_ =	shalt  }
0x78: {  	_ =	shalt  }
0x79: {  	_ =	shalt  }
0x7a: {  	_ =	shalt  }
0x7b: {  	_ =	shalt  }
0x7c: {  	_ =	shalt  }
0x7d: {  	_ =	shalt  }
0x7e: {  	_ =	shalt  }
0x7f: {  	_ =	shalt  }
0x80: {  	_ =	shalt  }
0x81: {  	_ =	shalt  }
0x82: {  	_ =	shalt  }
0x83: {  	_ =	shalt  }
0x84: {  	_ =	shalt  }
0x85: {  	_ =	shalt  }
0x86: {  	_ =	shalt  }
0x87: {  	_ =	shalt  }
.Lfunc_end0:
.L_simem_size_0:
called_computation_lowered:
.L_overlay_start_0:
0x88: {  	s2 =	sld [smem:$0x3FD9]  }
0x89: {  	s3 =	sld [smem:$0x3FFE];
	_ =	sdelay $0x1  }
0x8a: {  	s1 =	srdreg.scid  }
0x8b: {  	s0 =	sand.u32 $0x1, s1  }
0x8c: {  	s13 =	sshll.u32 s0, $0xA;
	s2 =	sadd.s32 s3, s2  }
0x8d: {  	s2 =	sadd.s32 s2, s13  }
0x8e: {  	[smem:$0x3FA8] =	sst s2  }
0x8f: {  	_ = 	snop  }
0x90: {  	s2 =	sld [smem:$0x3FD0];
	_ =	sdelay $0x2  }
0x91: {  	s4 =	simm.s32 $0xB;
	s5 =	simm.s32 $0x10;
	s14 =	sld [smem:$0x3FC6]  }
0x92: {  	[smem:s5], [sflag:s4] =	dma.local [hbm:s2], $0x1  }
0x93: {  	_ =	swait.eq [sflag:s4], $0x1  }
0x94: {  	[sflag:s4] =	ssyncset.done $0x0  }
0x95: {  	[sflag:s4] =	ssyncadd.s32 $0xFFFFFFFF  }
0x96: {  	s15 =	sld [smem:$0x10];
	(tm) =	ssettm $0x1  }
0x97: {  	s16 =	sld [smem:$0x3FFB];
	_ =	sdelay $0x3  }
0x98: {  	_ =	strace s16  }
0x99: {  	s4 =	sld [smem:$0x3FFC];
	_ =	sdelay $0x3  }
0x9a: {  	_ =	strace s4  }
0x9b: {  	s4 =	sld [smem:$0x3FFD];
	_ =	sdelay $0x3  }
0x9c: {  	_ =	strace s4  }
0x9d: {  	_ =	strace $0x8FFFFFFF  }
0x9e: {  	s17 =	sld [smem:$0x3FDB];
	_ =	sdelay $0x1  }
0x9f: {  	s18 =	simm.s32 $_scs_section_size  }
0xa0: {  	s6 =	simm.s32 $_size__tile_overlayer_lowered;
	s7 =	simm.s32 $_tile_overlayer_lowered  }
0xa1: {  	s21 =	simm.s32 $0x1BFF;
	s20 =	sshll.u32 s7, $0x1;
	s4 =	sadd.s32 s18, s17  }
0xa2: {  	s8 =	simm.s32 $0x0;
	s19 =	sshll.u32 s6, $0x1;
	s6 =	sadd.s32 s20, s4  }
0xa3: {  	[timem:s8], [sflag:s21] =	dma.local [hbm:s6], s19  }
0xa4: {  	_ =	swait.ge [sflag:s21], s19  }
0xa5: {  	s5 =	ssub.s32 $0x0, s19;
	[sflag:s21] =	ssyncset.done $0x0  }
0xa6: {  	[sflag:s21] =	ssyncadd.s32 s5;
	_ =	sdelay $0x1  }
0xa7: {  	s22 =	simm.s32 $0x1B8B  }
0xa8: {  	_ =	swait.ge [sflag:s22], $0x1  }
0xa9: {  	[sflag:s22] =	ssyncset.done $0x0  }
0xaa: {  	s23 =	sld [smem:$0x3FFE];
	[sflag:s22] =	ssyncadd.s32 $0xFFFFFFFF  }
0xab: {  	s25 =	simm.s32 $0x1B8E;
	s24 =	sld [smem:$0x0]  }
0xac: {  	s26 =	simm.s32 $execute0_lowered;
	[smem:$0x3FD2] =	sst s25  }
0xad: {  	s7 =	sshll.u32 s26, $0x1;
	_ =	strace $0x8000004C;
	[dreg:$0x1] =	wrdreg $0xFFFFFFFF  }
0xae: {  	s28 =	simm.s32 $_size_execute0_lowered;
	s4 =	sadd.s32 s4, s7;
	[dreg:$0x0] =	wrdreg $0x0  }
0xaf: {  	s7 =	sshll.u32 s28, $0x1;
	[dreg:$0x2] =	wrdreg s4  }
0xb0: {  	[dreg:$0x3] =	wrdreg s7  }
0xb1: {  	[dreg:$0x4] =	wrdreg $0xC0  }
0xb2: {  	_ =	task [dreg:s8], $0x5FFFF  }
0xb3: {  	[dreg:$0x1] =	wrdreg $0xFFFFFFFF  }
0xb4: {  	[dreg:$0x0] =	wrdreg $0x60  }
0xb5: {  	[dreg:$0x2] =	wrdreg s15  }
0xb6: {  	[dreg:$0x3] =	wrdreg s14  }
0xb7: {  	[dreg:$0x4] =	wrdreg s23  }
0xb8: {  	[dreg:$0x5] =	wrdreg s1  }
0xb9: {  	[dreg:$0x6] =	wrdreg s24  }
0xba: {  	[dreg:$0x7] =	wrdreg $0xA  }
0xbb: {  	_ =	task.clear_ibuf [dreg:s8], $0x8FFFF;
	_ =	strace $0x9000004C  }
0xbc: {  	s29 =	simm.s32 $0xA;
	_ =	strace $0x8000004E  }
0xbd: {  	_ =	swait.ge [sflag:s29], $0x1  }
0xbe: {  	[sflag:s29] =	ssyncadd.s32 $0xFFFFFFFF  }
0xbf: {  	_ =	strace $0x9000004E  }
0xc0: {  	_ =	sfence  }
0xc1: {  	s30 =	sld [smem:$0x0];
	_ =	sdelay $0x2  }
0xc2: {  	s31 =	sshll.u32 s1, $0xD;
	s1 =	sshrl.u32 s1, $0x2  }
0xc3: {  	s3 =	sand.u32 $0x4000, s31;
	s1 =	sadd.s32 s1, s30  }
0xc4: {  	s0 =	sor.u32 s3, s0;
	s1 =	sshll.u32 s1, $0x11  }
0xc5: {  	s0 =	sor.u32 s1, s0  }
0xc6: {  	s0 =	sadd.s32 $0x8F2B, s0  }
0xc7: {  	[sflag:s0] =	ssyncadd.remote.s32 $0x1  }
0xc8: {  	_ =	sfence.sel $0xFFFF  }
0xc9: {  	[dreg:$0x0] =	wrdreg $0xFFFFFFFF;
	(pc) =	sbr.abs _section_cstart, $3  }
0xca: {  	[dreg:$0x1] =	wrdreg $0xFFFFFFFF  }
0xcb: {  	_ =	task.clear_ibuf [dreg:s8], $0x2FFFF;
	_ =	strace $0x9FFFFFFF  }
0xcc: {  	(tm) =	ssettm $0x7FFFFFFF  }
0xcd: {  	_ =	shalt  }
tec
execute0_lowered:
.L_overlay_start_1:
0x0: {  	(tag) =	ssettag $0x1  }
0x1: {  	s1 =	rddreg [dreg:$0x0]  }
0x2: {  	s4 =	rddreg [dreg:$0x1]  }
0x3: {  	s6 =	rddreg [dreg:$0x2]  }
0x4: {  	s3 =	rddreg [dreg:$0x3]  }
0x5: {  	s2 =	rddreg [dreg:$0x4]  }
0x6: {  	s0 =	rddreg [dreg:$0x5];
	_ =	strace $0x8000004D;
	s5 =	simm.s32 $0x1  }
0x7: {  	v0 =	vimm.s32 $0x0;
	[sflag:s5] =	ssyncpa.u1 $0x0  }
0x8: {  	[tilespmem:$0x48] =	vst v0  }
0x9: {  	[tilespmem:$0x58] =	vst v0  }
0xa: {  	[tilespmem:$0x68] =	vst v0  }
0xb: {  	[tilespmem:$0x78] =	vst v0  }
0xc: {  	[tilespmem:$0x88] =	vst v0  }
0xd: {  	[tilespmem:$0x98] =	vst v0  }
0xe: {  	[tilespmem:$0xA8] =	vst v0  }
0xf: {  	[tilespmem:$0xB8] =	vst v0  }
0x10: {  	[tilespmem:$0xC8] =	vst v0  }
0x11: {  	[tilespmem:$0xD8] =	vst v0  }
0x12: {  	[tilespmem:$0xE8] =	vst v0  }
0x13: {  	[tilespmem:$0xF8] =	vst v0  }
0x14: {  	[tilespmem:$0x108] =	vst v0  }
0x15: {  	[tilespmem:$0x118] =	vst v0  }
0x16: {  	[tilespmem:$0x128] =	vst v0  }
0x17: {  	[tilespmem:$0x138] =	vst v0  }
0x18: {  	[tilespmem:$0x148] =	vst v0  }
0x19: {  	[tilespmem:$0x158] =	vst v0  }
0x1a: {  	[tilespmem:$0x168] =	vst v0  }
0x1b: {  	[tilespmem:$0x178] =	vst v0  }
0x1c: {  	[tilespmem:$0x188] =	vst v0  }
0x1d: {  	[tilespmem:$0x198] =	vst v0  }
0x1e: {  	[tilespmem:$0x1A8] =	vst v0  }
0x1f: {  	[tilespmem:$0x1B8] =	vst v0  }
0x20: {  	[tilespmem:$0x1C8] =	vst v0  }
0x21: {  	[tilespmem:$0x1D8] =	vst v0  }
0x22: {  	[tilespmem:$0x1E8] =	vst v0  }
0x23: {  	[tilespmem:$0x1F8] =	vst v0  }
0x24: {  	[tilespmem:$0x208] =	vst v0  }
0x25: {  	[tilespmem:$0x218] =	vst v0  }
0x26: {  	[tilespmem:$0x228] =	vst v0  }
0x27: {  	[tilespmem:$0x238] =	vst v0  }
0x28: {  	[tilespmem:$0x248] =	vst v0  }
0x29: {  	[tilespmem:$0x258] =	vst v0  }
0x2a: {  	[tilespmem:$0x268] =	vst v0  }
0x2b: {  	[tilespmem:$0x278] =	vst v0  }
0x2c: {  	[tilespmem:$0x288] =	vst v0  }
0x2d: {  	[tilespmem:$0x298] =	vst v0  }
0x2e: {  	[tilespmem:$0x2A8] =	vst v0  }
0x2f: {  	[tilespmem:$0x2B8] =	vst v0  }
0x30: {  	[tilespmem:$0x2C8] =	vst v0  }
0x31: {  	[tilespmem:$0x2D8] =	vst v0  }
0x32: {  	[tilespmem:$0x2E8] =	vst v0  }
0x33: {  	[tilespmem:$0x2F8] =	vst v0  }
0x34: {  	[tilespmem:$0x308] =	vst v0  }
0x35: {  	[tilespmem:$0x318] =	vst v0  }
0x36: {  	[tilespmem:$0x328] =	vst v0  }
0x37: {  	[tilespmem:$0x338] =	vst v0  }
0x38: {  	[tilespmem:$0x348] =	vst v0  }
0x39: {  	[tilespmem:$0x358] =	vst v0  }
0x3a: {  	[tilespmem:$0x368] =	vst v0  }
0x3b: {  	[tilespmem:$0x378] =	vst v0  }
0x3c: {  	[tilespmem:$0x388] =	vst v0  }
0x3d: {  	[tilespmem:$0x398] =	vst v0  }
0x3e: {  	[tilespmem:$0x3A8] =	vst v0  }
0x3f: {  	[tilespmem:$0x3B8] =	vst v0  }
0x40: {  	[tilespmem:$0x3C8] =	vst v0  }
0x41: {  	[tilespmem:$0x3D8] =	vst v0  }
0x42: {  	[tilespmem:$0x3E8] =	vst v0  }
0x43: {  	[tilespmem:$0x3F8] =	vst v0  }
0x44: {  	[tilespmem:$0x408] =	vst v0  }
0x45: {  	[tilespmem:$0x418] =	vst v0  }
0x46: {  	[tilespmem:$0x428] =	vst v0  }
0x47: {  	[tilespmem:$0x438] =	vst v0  }
0x48: {  	[tilespmem:$0x448] =	vst v0  }
0x49: {  	[tilespmem:$0x458] =	vst v0  }
0x4a: {  	[tilespmem:$0x468] =	vst v0  }
0x4b: {  	[tilespmem:$0x478] =	vst v0  }
0x4c: {  	[tilespmem:$0x488] =	vst v0  }
0x4d: {  	[tilespmem:$0x498] =	vst v0  }
0x4e: {  	[tilespmem:$0x4A8] =	vst v0  }
0x4f: {  	[tilespmem:$0x4B8] =	vst v0  }
0x50: {  	[tilespmem:$0x4C8] =	vst v0  }
0x51: {  	[tilespmem:$0x4D8] =	vst v0  }
0x52: {  	[tilespmem:$0x4E8] =	vst v0  }
0x53: {  	[tilespmem:$0x4F8] =	vst v0  }
0x54: {  	[tilespmem:$0x508] =	vst v0  }
0x55: {  	[tilespmem:$0x518] =	vst v0  }
0x56: {  	[tilespmem:$0x528] =	vst v0  }
0x57: {  	[tilespmem:$0x538] =	vst v0  }
0x58: {  	[tilespmem:$0x548] =	vst v0  }
0x59: {  	[tilespmem:$0x558] =	vst v0  }
0x5a: {  	[tilespmem:$0x568] =	vst v0  }
0x5b: {  	[tilespmem:$0x578] =	vst v0  }
0x5c: {  	[tilespmem:$0x588] =	vst v0  }
0x5d: {  	[tilespmem:$0x598] =	vst v0  }
0x5e: {  	[tilespmem:$0x5A8] =	vst v0  }
0x5f: {  	[tilespmem:$0x5B8] =	vst v0  }
0x60: {  	[tilespmem:$0x5C8] =	vst v0  }
0x61: {  	[tilespmem:$0x5D8] =	vst v0  }
0x62: {  	[tilespmem:$0x5E8] =	vst v0  }
0x63: {  	[tilespmem:$0x5F8] =	vst v0  }
0x64: {  	[tilespmem:$0x608] =	vst v0  }
0x65: {  	[tilespmem:$0x618] =	vst v0  }
0x66: {  	[tilespmem:$0x628] =	vst v0  }
0x67: {  	[tilespmem:$0x638] =	vst v0  }
0x68: {  	[tilespmem:$0x648] =	vst v0  }
0x69: {  	[tilespmem:$0x658] =	vst v0  }
0x6a: {  	[tilespmem:$0x668] =	vst v0  }
0x6b: {  	[tilespmem:$0x678] =	vst v0  }
0x6c: {  	[tilespmem:$0x688] =	vst v0  }
0x6d: {  	[tilespmem:$0x698] =	vst v0  }
0x6e: {  	[tilespmem:$0x6A8] =	vst v0  }
0x6f: {  	[tilespmem:$0x6B8] =	vst v0  }
0x70: {  	[tilespmem:$0x6C8] =	vst v0  }
0x71: {  	[tilespmem:$0x6D8] =	vst v0  }
0x72: {  	[tilespmem:$0x6E8] =	vst v0  }
0x73: {  	[tilespmem:$0x6F8] =	vst v0  }
0x74: {  	[tilespmem:$0x708] =	vst v0  }
0x75: {  	[tilespmem:$0x718] =	vst v0  }
0x76: {  	[tilespmem:$0x728] =	vst v0  }
0x77: {  	[tilespmem:$0x738] =	vst v0  }
0x78: {  	[tilespmem:$0x748] =	vst v0  }
0x79: {  	[tilespmem:$0x758] =	vst v0  }
0x7a: {  	[tilespmem:$0x768] =	vst v0  }
0x7b: {  	[tilespmem:$0x778] =	vst v0  }
0x7c: {  	[tilespmem:$0x788] =	vst v0  }
0x7d: {  	[tilespmem:$0x798] =	vst v0  }
0x7e: {  	[tilespmem:$0x7A8] =	vst v0  }
0x7f: {  	[tilespmem:$0x7B8] =	vst v0  }
0x80: {  	[tilespmem:$0x7C8] =	vst v0  }
0x81: {  	[tilespmem:$0x7D8] =	vst v0  }
0x82: {  	[tilespmem:$0x7E8] =	vst v0  }
0x83: {  	[tilespmem:$0x7F8] =	vst v0  }
0x84: {  	[tilespmem:$0x808] =	vst v0  }
0x85: {  	[tilespmem:$0x818] =	vst v0  }
0x86: {  	[tilespmem:$0x828] =	vst v0  }
0x87: {  	[tilespmem:$0x838] =	vst v0  }
0x88: {  	[tilespmem:$0x848] =	vst v0  }
0x89: {  	[tilespmem:$0x858] =	vst v0  }
0x8a: {  	[tilespmem:$0x868] =	vst v0  }
0x8b: {  	[tilespmem:$0x878] =	vst v0  }
0x8c: {  	[tilespmem:$0x888] =	vst v0  }
0x8d: {  	[tilespmem:$0x898] =	vst v0  }
0x8e: {  	[tilespmem:$0x8A8] =	vst v0  }
0x8f: {  	[tilespmem:$0x8B8] =	vst v0  }
0x90: {  	[tilespmem:$0x8C8] =	vst v0  }
0x91: {  	[tilespmem:$0x8D8] =	vst v0  }
0x92: {  	[tilespmem:$0x8E8] =	vst v0  }
0x93: {  	[tilespmem:$0x8F8] =	vst v0  }
0x94: {  	[tilespmem:$0x908] =	vst v0  }
0x95: {  	[tilespmem:$0x918] =	vst v0  }
0x96: {  	[tilespmem:$0x928] =	vst v0  }
0x97: {  	[tilespmem:$0x938] =	vst v0  }
0x98: {  	[tilespmem:$0x948] =	vst v0  }
0x99: {  	[tilespmem:$0x958] =	vst v0  }
0x9a: {  	[tilespmem:$0x968] =	vst v0  }
0x9b: {  	[tilespmem:$0x978] =	vst v0  }
0x9c: {  	[tilespmem:$0x988] =	vst v0  }
0x9d: {  	[tilespmem:$0x998] =	vst v0  }
0x9e: {  	[tilespmem:$0x9A8] =	vst v0  }
0x9f: {  	[tilespmem:$0x9B8] =	vst v0  }
0xa0: {  	[tilespmem:$0x9C8] =	vst v0  }
0xa1: {  	[tilespmem:$0x9D8] =	vst v0  }
0xa2: {  	[tilespmem:$0x9E8] =	vst v0  }
0xa3: {  	[tilespmem:$0x9F8] =	vst v0  }
0xa4: {  	[tilespmem:$0xA08] =	vst v0  }
0xa5: {  	[tilespmem:$0xA18] =	vst v0  }
0xa6: {  	[tilespmem:$0xA28] =	vst v0  }
0xa7: {  	[tilespmem:$0xA38] =	vst v0  }
0xa8: {  	[tilespmem:$0xA48] =	vst v0  }
0xa9: {  	[tilespmem:$0xA58] =	vst v0  }
0xaa: {  	[tilespmem:$0xA68] =	vst v0  }
0xab: {  	[tilespmem:$0xA78] =	vst v0  }
0xac: {  	[tilespmem:$0xA88] =	vst v0  }
0xad: {  	[tilespmem:$0xA98] =	vst v0  }
0xae: {  	[tilespmem:$0xAA8] =	vst v0  }
0xaf: {  	[tilespmem:$0xAB8] =	vst v0  }
0xb0: {  	[tilespmem:$0xAC8] =	vst v0  }
0xb1: {  	[tilespmem:$0xAD8] =	vst v0  }
0xb2: {  	[tilespmem:$0xAE8] =	vst v0  }
0xb3: {  	[tilespmem:$0xAF8] =	vst v0  }
0xb4: {  	[tilespmem:$0xB08] =	vst v0  }
0xb5: {  	[tilespmem:$0xB18] =	vst v0  }
0xb6: {  	[tilespmem:$0xB28] =	vst v0  }
0xb7: {  	[tilespmem:$0xB38] =	vst v0  }
0xb8: {  	[tilespmem:$0xB48] =	vst v0  }
0xb9: {  	[tilespmem:$0xB58] =	vst v0  }
0xba: {  	[tilespmem:$0xB68] =	vst v0  }
0xbb: {  	[tilespmem:$0xB78] =	vst v0  }
0xbc: {  	[tilespmem:$0xB88] =	vst v0  }
0xbd: {  	[tilespmem:$0xB98] =	vst v0  }
0xbe: {  	[tilespmem:$0xBA8] =	vst v0  }
0xbf: {  	[tilespmem:$0xBB8] =	vst v0  }
0xc0: {  	[tilespmem:$0xBC8] =	vst v0  }
0xc1: {  	[tilespmem:$0xBD8] =	vst v0  }
0xc2: {  	[tilespmem:$0xBE8] =	vst v0  }
0xc3: {  	[tilespmem:$0xBF8] =	vst v0  }
0xc4: {  	[tilespmem:$0xC08] =	vst v0  }
0xc5: {  	[tilespmem:$0xC18] =	vst v0  }
0xc6: {  	[tilespmem:$0xC28] =	vst v0  }
0xc7: {  	[tilespmem:$0xC38] =	vst v0  }
0xc8: {  	[tilespmem:$0xC48] =	vst v0  }
0xc9: {  	[tilespmem:$0xC58] =	vst v0  }
0xca: {  	[tilespmem:$0xC68] =	vst v0  }
0xcb: {  	[tilespmem:$0xC78] =	vst v0  }
0xcc: {  	[tilespmem:$0xC88] =	vst v0  }
0xcd: {  	[tilespmem:$0xC98] =	vst v0  }
0xce: {  	[tilespmem:$0xCA8] =	vst v0  }
0xcf: {  	[tilespmem:$0xCB8] =	vst v0  }
0xd0: {  	[tilespmem:$0xCC8] =	vst v0  }
0xd1: {  	[tilespmem:$0xCD8] =	vst v0  }
0xd2: {  	[tilespmem:$0xCE8] =	vst v0  }
0xd3: {  	[tilespmem:$0xCF8] =	vst v0  }
0xd4: {  	[tilespmem:$0xD08] =	vst v0  }
0xd5: {  	[tilespmem:$0xD18] =	vst v0  }
0xd6: {  	[tilespmem:$0xD28] =	vst v0  }
0xd7: {  	[tilespmem:$0xD38] =	vst v0  }
0xd8: {  	[tilespmem:$0xD48] =	vst v0  }
0xd9: {  	[tilespmem:$0xD58] =	vst v0  }
0xda: {  	[tilespmem:$0xD68] =	vst v0  }
0xdb: {  	[tilespmem:$0xD78] =	vst v0  }
0xdc: {  	[tilespmem:$0xD88] =	vst v0  }
0xdd: {  	[tilespmem:$0xD98] =	vst v0  }
0xde: {  	[tilespmem:$0xDA8] =	vst v0  }
0xdf: {  	[tilespmem:$0xDB8] =	vst v0  }
0xe0: {  	[tilespmem:$0xDC8] =	vst v0  }
0xe1: {  	[tilespmem:$0xDD8] =	vst v0  }
0xe2: {  	[tilespmem:$0xDE8] =	vst v0  }
0xe3: {  	[tilespmem:$0xDF8] =	vst v0  }
0xe4: {  	[tilespmem:$0xE08] =	vst v0  }
0xe5: {  	[tilespmem:$0xE18] =	vst v0  }
0xe6: {  	[tilespmem:$0xE28] =	vst v0  }
0xe7: {  	[tilespmem:$0xE38] =	vst v0  }
0xe8: {  	[tilespmem:$0xE48] =	vst v0  }
0xe9: {  	[tilespmem:$0xE58] =	vst v0  }
0xea: {  	[tilespmem:$0xE68] =	vst v0  }
0xeb: {  	[tilespmem:$0xE78] =	vst v0  }
0xec: {  	[tilespmem:$0xE88] =	vst v0  }
0xed: {  	[tilespmem:$0xE98] =	vst v0  }
0xee: {  	[tilespmem:$0xEA8] =	vst v0  }
0xef: {  	[tilespmem:$0xEB8] =	vst v0  }
0xf0: {  	[tilespmem:$0xEC8] =	vst v0  }
0xf1: {  	[tilespmem:$0xED8] =	vst v0  }
0xf2: {  	[tilespmem:$0xEE8] =	vst v0  }
0xf3: {  	[tilespmem:$0xEF8] =	vst v0  }
0xf4: {  	[tilespmem:$0xF08] =	vst v0  }
0xf5: {  	[tilespmem:$0xF18] =	vst v0  }
0xf6: {  	[tilespmem:$0xF28] =	vst v0  }
0xf7: {  	[tilespmem:$0xF38] =	vst v0  }
0xf8: {  	[tilespmem:$0xF48] =	vst v0  }
0xf9: {  	[tilespmem:$0xF58] =	vst v0  }
0xfa: {  	[tilespmem:$0xF68] =	vst v0  }
0xfb: {  	[tilespmem:$0xF78] =	vst v0  }
0xfc: {  	[tilespmem:$0xF88] =	vst v0  }
0xfd: {  	[tilespmem:$0xF98] =	vst v0  }
0xfe: {  	[tilespmem:$0xFA8] =	vst v0  }
0xff: {  	[tilespmem:$0xFB8] =	vst v0  }
0x100: {  	[tilespmem:$0xFC8] =	vst v0  }
0x101: {  	[tilespmem:$0xFD8] =	vst v0  }
0x102: {  	[tilespmem:$0xFE8] =	vst v0  }
0x103: {  	[tilespmem:$0xFF8] =	vst v0  }
0x104: {  	[tilespmem:$0x1008] =	vst v0  }
0x105: {  	[tilespmem:$0x1018] =	vst v0  }
0x106: {  	[tilespmem:$0x1028] =	vst v0  }
0x107: {  	[tilespmem:$0x1038] =	vst v0  }
0x108: {  	[tilespmem:$0x1048] =	vst v0  }
0x109: {  	[tilespmem:$0x1058] =	vst v0  }
0x10a: {  	[tilespmem:$0x1068] =	vst v0  }
0x10b: {  	[tilespmem:$0x1078] =	vst v0  }
0x10c: {  	[tilespmem:$0x1088] =	vst v0  }
0x10d: {  	[tilespmem:$0x1098] =	vst v0  }
0x10e: {  	[tilespmem:$0x10A8] =	vst v0  }
0x10f: {  	[tilespmem:$0x10B8] =	vst v0  }
0x110: {  	[tilespmem:$0x10C8] =	vst v0  }
0x111: {  	[tilespmem:$0x10D8] =	vst v0  }
0x112: {  	[tilespmem:$0x10E8] =	vst v0  }
0x113: {  	[tilespmem:$0x10F8] =	vst v0  }
0x114: {  	[tilespmem:$0x1108] =	vst v0  }
0x115: {  	[tilespmem:$0x1118] =	vst v0  }
0x116: {  	[tilespmem:$0x1128] =	vst v0  }
0x117: {  	[tilespmem:$0x1138] =	vst v0  }
0x118: {  	[tilespmem:$0x1148] =	vst v0  }
0x119: {  	[tilespmem:$0x1158] =	vst v0  }
0x11a: {  	[tilespmem:$0x1168] =	vst v0  }
0x11b: {  	[tilespmem:$0x1178] =	vst v0  }
0x11c: {  	[tilespmem:$0x1188] =	vst v0  }
0x11d: {  	[tilespmem:$0x1198] =	vst v0  }
0x11e: {  	[tilespmem:$0x11A8] =	vst v0  }
0x11f: {  	[tilespmem:$0x11B8] =	vst v0  }
0x120: {  	[tilespmem:$0x11C8] =	vst v0  }
0x121: {  	[tilespmem:$0x11D8] =	vst v0  }
0x122: {  	[tilespmem:$0x11E8] =	vst v0  }
0x123: {  	[tilespmem:$0x11F8] =	vst v0  }
0x124: {  	[tilespmem:$0x1208] =	vst v0  }
0x125: {  	[tilespmem:$0x1218] =	vst v0  }
0x126: {  	[tilespmem:$0x1228] =	vst v0  }
0x127: {  	[tilespmem:$0x1238] =	vst v0  }
0x128: {  	[tilespmem:$0x1248] =	vst v0  }
0x129: {  	[tilespmem:$0x1258] =	vst v0  }
0x12a: {  	[tilespmem:$0x1268] =	vst v0  }
0x12b: {  	[tilespmem:$0x1278] =	vst v0  }
0x12c: {  	[tilespmem:$0x1288] =	vst v0  }
0x12d: {  	[tilespmem:$0x1298] =	vst v0  }
0x12e: {  	[tilespmem:$0x12A8] =	vst v0  }
0x12f: {  	[tilespmem:$0x12B8] =	vst v0  }
0x130: {  	[tilespmem:$0x12C8] =	vst v0  }
0x131: {  	[tilespmem:$0x12D8] =	vst v0  }
0x132: {  	[tilespmem:$0x12E8] =	vst v0  }
0x133: {  	[tilespmem:$0x12F8] =	vst v0  }
0x134: {  	[tilespmem:$0x1308] =	vst v0  }
0x135: {  	[tilespmem:$0x1318] =	vst v0  }
0x136: {  	[tilespmem:$0x1328] =	vst v0  }
0x137: {  	[tilespmem:$0x1338] =	vst v0  }
0x138: {  	[tilespmem:$0x1348] =	vst v0  }
0x139: {  	[tilespmem:$0x1358] =	vst v0  }
0x13a: {  	[tilespmem:$0x1368] =	vst v0  }
0x13b: {  	[tilespmem:$0x1378] =	vst v0  }
0x13c: {  	[tilespmem:$0x1388] =	vst v0  }
0x13d: {  	[tilespmem:$0x1398] =	vst v0  }
0x13e: {  	[tilespmem:$0x13A8] =	vst v0  }
0x13f: {  	[tilespmem:$0x13B8] =	vst v0  }
0x140: {  	[tilespmem:$0x13C8] =	vst v0  }
0x141: {  	[tilespmem:$0x13D8] =	vst v0  }
0x142: {  	[tilespmem:$0x13E8] =	vst v0  }
0x143: {  	[tilespmem:$0x13F8] =	vst v0  }
0x144: {  	[tilespmem:$0x1408] =	vst v0  }
0x145: {  	[tilespmem:$0x1418] =	vst v0  }
0x146: {  	[tilespmem:$0x1428] =	vst v0  }
0x147: {  	[tilespmem:$0x1438] =	vst v0  }
0x148: {  	[tilespmem:$0x1448] =	vst v0  }
0x149: {  	[tilespmem:$0x1458] =	vst v0  }
0x14a: {  	[tilespmem:$0x1468] =	vst v0  }
0x14b: {  	[tilespmem:$0x1478] =	vst v0  }
0x14c: {  	[tilespmem:$0x1488] =	vst v0  }
0x14d: {  	[tilespmem:$0x1498] =	vst v0  }
0x14e: {  	[tilespmem:$0x14A8] =	vst v0  }
0x14f: {  	[tilespmem:$0x14B8] =	vst v0  }
0x150: {  	[tilespmem:$0x14C8] =	vst v0  }
0x151: {  	[tilespmem:$0x14D8] =	vst v0  }
0x152: {  	[tilespmem:$0x14E8] =	vst v0  }
0x153: {  	[tilespmem:$0x14F8] =	vst v0  }
0x154: {  	[tilespmem:$0x1508] =	vst v0  }
0x155: {  	[tilespmem:$0x1518] =	vst v0  }
0x156: {  	[tilespmem:$0x1528] =	vst v0  }
0x157: {  	[tilespmem:$0x1538] =	vst v0  }
0x158: {  	[tilespmem:$0x1548] =	vst v0  }
0x159: {  	[tilespmem:$0x1558] =	vst v0  }
0x15a: {  	[tilespmem:$0x1568] =	vst v0  }
0x15b: {  	[tilespmem:$0x1578] =	vst v0  }
0x15c: {  	[tilespmem:$0x1588] =	vst v0  }
0x15d: {  	[tilespmem:$0x1598] =	vst v0  }
0x15e: {  	[tilespmem:$0x15A8] =	vst v0  }
0x15f: {  	[tilespmem:$0x15B8] =	vst v0  }
0x160: {  	[tilespmem:$0x15C8] =	vst v0  }
0x161: {  	[tilespmem:$0x15D8] =	vst v0  }
0x162: {  	[tilespmem:$0x15E8] =	vst v0  }
0x163: {  	[tilespmem:$0x15F8] =	vst v0  }
0x164: {  	[tilespmem:$0x1608] =	vst v0  }
0x165: {  	[tilespmem:$0x1618] =	vst v0  }
0x166: {  	[tilespmem:$0x1628] =	vst v0  }
0x167: {  	[tilespmem:$0x1638] =	vst v0  }
0x168: {  	[tilespmem:$0x1648] =	vst v0  }
0x169: {  	[tilespmem:$0x1658] =	vst v0  }
0x16a: {  	[tilespmem:$0x1668] =	vst v0  }
0x16b: {  	[tilespmem:$0x1678] =	vst v0  }
0x16c: {  	[tilespmem:$0x1688] =	vst v0  }
0x16d: {  	[tilespmem:$0x1698] =	vst v0  }
0x16e: {  	[tilespmem:$0x16A8] =	vst v0  }
0x16f: {  	[tilespmem:$0x16B8] =	vst v0  }
0x170: {  	[tilespmem:$0x16C8] =	vst v0  }
0x171: {  	[tilespmem:$0x16D8] =	vst v0  }
0x172: {  	[tilespmem:$0x16E8] =	vst v0  }
0x173: {  	[tilespmem:$0x16F8] =	vst v0  }
0x174: {  	[tilespmem:$0x1708] =	vst v0  }
0x175: {  	[tilespmem:$0x1718] =	vst v0  }
0x176: {  	[tilespmem:$0x1728] =	vst v0  }
0x177: {  	[tilespmem:$0x1738] =	vst v0  }
0x178: {  	[tilespmem:$0x1748] =	vst v0  }
0x179: {  	[tilespmem:$0x1758] =	vst v0  }
0x17a: {  	[tilespmem:$0x1768] =	vst v0  }
0x17b: {  	[tilespmem:$0x1778] =	vst v0  }
0x17c: {  	[tilespmem:$0x1788] =	vst v0  }
0x17d: {  	[tilespmem:$0x1798] =	vst v0  }
0x17e: {  	[tilespmem:$0x17A8] =	vst v0  }
0x17f: {  	[tilespmem:$0x17B8] =	vst v0  }
0x180: {  	[tilespmem:$0x17C8] =	vst v0  }
0x181: {  	[tilespmem:$0x17D8] =	vst v0  }
0x182: {  	[tilespmem:$0x17E8] =	vst v0  }
0x183: {  	[tilespmem:$0x17F8] =	vst v0  }
0x184: {  	[tilespmem:$0x1808] =	vst v0  }
0x185: {  	[tilespmem:$0x1818] =	vst v0  }
0x186: {  	[tilespmem:$0x1828] =	vst v0  }
0x187: {  	[tilespmem:$0x1838] =	vst v0  }
0x188: {  	[tilespmem:$0x1848] =	vst v0  }
0x189: {  	[tilespmem:$0x1858] =	vst v0  }
0x18a: {  	[tilespmem:$0x1868] =	vst v0  }
0x18b: {  	[tilespmem:$0x1878] =	vst v0  }
0x18c: {  	[tilespmem:$0x1888] =	vst v0  }
0x18d: {  	[tilespmem:$0x1898] =	vst v0  }
0x18e: {  	[tilespmem:$0x18A8] =	vst v0  }
0x18f: {  	[tilespmem:$0x18B8] =	vst v0  }
0x190: {  	[tilespmem:$0x18C8] =	vst v0  }
0x191: {  	[tilespmem:$0x18D8] =	vst v0  }
0x192: {  	[tilespmem:$0x18E8] =	vst v0  }
0x193: {  	[tilespmem:$0x18F8] =	vst v0  }
0x194: {  	[tilespmem:$0x1908] =	vst v0  }
0x195: {  	[tilespmem:$0x1918] =	vst v0  }
0x196: {  	[tilespmem:$0x1928] =	vst v0  }
0x197: {  	[tilespmem:$0x1938] =	vst v0  }
0x198: {  	[tilespmem:$0x1948] =	vst v0  }
0x199: {  	[tilespmem:$0x1958] =	vst v0  }
0x19a: {  	[tilespmem:$0x1968] =	vst v0  }
0x19b: {  	[tilespmem:$0x1978] =	vst v0  }
0x19c: {  	[tilespmem:$0x1988] =	vst v0  }
0x19d: {  	[tilespmem:$0x1998] =	vst v0  }
0x19e: {  	[tilespmem:$0x19A8] =	vst v0  }
0x19f: {  	[tilespmem:$0x19B8] =	vst v0  }
0x1a0: {  	[tilespmem:$0x19C8] =	vst v0  }
0x1a1: {  	[tilespmem:$0x19D8] =	vst v0  }
0x1a2: {  	[tilespmem:$0x19E8] =	vst v0  }
0x1a3: {  	[tilespmem:$0x19F8] =	vst v0  }
0x1a4: {  	[tilespmem:$0x1A08] =	vst v0  }
0x1a5: {  	[tilespmem:$0x1A18] =	vst v0  }
0x1a6: {  	[tilespmem:$0x1A28] =	vst v0  }
0x1a7: {  	[tilespmem:$0x1A38] =	vst v0  }
0x1a8: {  	[tilespmem:$0x1A48] =	vst v0  }
0x1a9: {  	[tilespmem:$0x1A58] =	vst v0  }
0x1aa: {  	[tilespmem:$0x1A68] =	vst v0  }
0x1ab: {  	[tilespmem:$0x1A78] =	vst v0  }
0x1ac: {  	[tilespmem:$0x1A88] =	vst v0  }
0x1ad: {  	[tilespmem:$0x1A98] =	vst v0  }
0x1ae: {  	[tilespmem:$0x1AA8] =	vst v0  }
0x1af: {  	[tilespmem:$0x1AB8] =	vst v0  }
0x1b0: {  	[tilespmem:$0x1AC8] =	vst v0  }
0x1b1: {  	[tilespmem:$0x1AD8] =	vst v0  }
0x1b2: {  	[tilespmem:$0x1AE8] =	vst v0  }
0x1b3: {  	[tilespmem:$0x1AF8] =	vst v0  }
0x1b4: {  	[tilespmem:$0x1B08] =	vst v0  }
0x1b5: {  	[tilespmem:$0x1B18] =	vst v0  }
0x1b6: {  	[tilespmem:$0x1B28] =	vst v0  }
0x1b7: {  	[tilespmem:$0x1B38] =	vst v0  }
0x1b8: {  	[tilespmem:$0x1B48] =	vst v0  }
0x1b9: {  	[tilespmem:$0x1B58] =	vst v0  }
0x1ba: {  	[tilespmem:$0x1B68] =	vst v0  }
0x1bb: {  	[tilespmem:$0x1B78] =	vst v0  }
0x1bc: {  	[tilespmem:$0x1B88] =	vst v0  }
0x1bd: {  	[tilespmem:$0x1B98] =	vst v0  }
0x1be: {  	[tilespmem:$0x1BA8] =	vst v0  }
0x1bf: {  	[tilespmem:$0x1BB8] =	vst v0  }
0x1c0: {  	[tilespmem:$0x1BC8] =	vst v0  }
0x1c1: {  	[tilespmem:$0x1BD8] =	vst v0  }
0x1c2: {  	[tilespmem:$0x1BE8] =	vst v0  }
0x1c3: {  	[tilespmem:$0x1BF8] =	vst v0  }
0x1c4: {  	[tilespmem:$0x1C08] =	vst v0  }
0x1c5: {  	[tilespmem:$0x1C18] =	vst v0  }
0x1c6: {  	[tilespmem:$0x1C28] =	vst v0  }
0x1c7: {  	[tilespmem:$0x1C38] =	vst v0  }
0x1c8: {  	[tilespmem:$0x1C48] =	vst v0  }
0x1c9: {  	[tilespmem:$0x1C58] =	vst v0  }
0x1ca: {  	[tilespmem:$0x1C68] =	vst v0  }
0x1cb: {  	[tilespmem:$0x1C78] =	vst v0  }
0x1cc: {  	[tilespmem:$0x1C88] =	vst v0  }
0x1cd: {  	[tilespmem:$0x1C98] =	vst v0  }
0x1ce: {  	[tilespmem:$0x1CA8] =	vst v0  }
0x1cf: {  	[tilespmem:$0x1CB8] =	vst v0  }
0x1d0: {  	[tilespmem:$0x1CC8] =	vst v0  }
0x1d1: {  	[tilespmem:$0x1CD8] =	vst v0  }
0x1d2: {  	[tilespmem:$0x1CE8] =	vst v0  }
0x1d3: {  	[tilespmem:$0x1CF8] =	vst v0  }
0x1d4: {  	[tilespmem:$0x1D08] =	vst v0  }
0x1d5: {  	[tilespmem:$0x1D18] =	vst v0  }
0x1d6: {  	[tilespmem:$0x1D28] =	vst v0  }
0x1d7: {  	[tilespmem:$0x1D38] =	vst v0  }
0x1d8: {  	[tilespmem:$0x1D48] =	vst v0  }
0x1d9: {  	[tilespmem:$0x1D58] =	vst v0  }
0x1da: {  	[tilespmem:$0x1D68] =	vst v0  }
0x1db: {  	[tilespmem:$0x1D78] =	vst v0  }
0x1dc: {  	[tilespmem:$0x1D88] =	vst v0  }
0x1dd: {  	[tilespmem:$0x1D98] =	vst v0  }
0x1de: {  	[tilespmem:$0x1DA8] =	vst v0  }
0x1df: {  	[tilespmem:$0x1DB8] =	vst v0  }
0x1e0: {  	[tilespmem:$0x1DC8] =	vst v0  }
0x1e1: {  	[tilespmem:$0x1DD8] =	vst v0  }
0x1e2: {  	[tilespmem:$0x1DE8] =	vst v0  }
0x1e3: {  	[tilespmem:$0x1DF8] =	vst v0  }
0x1e4: {  	[tilespmem:$0x1E08] =	vst v0  }
0x1e5: {  	[tilespmem:$0x1E18] =	vst v0  }
0x1e6: {  	[tilespmem:$0x1E28] =	vst v0  }
0x1e7: {  	[tilespmem:$0x1E38] =	vst v0  }
0x1e8: {  	[tilespmem:$0x1E48] =	vst v0  }
0x1e9: {  	[tilespmem:$0x1E58] =	vst v0  }
0x1ea: {  	[tilespmem:$0x1E68] =	vst v0  }
0x1eb: {  	[tilespmem:$0x1E78] =	vst v0  }
0x1ec: {  	[tilespmem:$0x1E88] =	vst v0  }
0x1ed: {  	[tilespmem:$0x1E98] =	vst v0  }
0x1ee: {  	[tilespmem:$0x1EA8] =	vst v0  }
0x1ef: {  	[tilespmem:$0x1EB8] =	vst v0  }
0x1f0: {  	[tilespmem:$0x1EC8] =	vst v0  }
0x1f1: {  	[tilespmem:$0x1ED8] =	vst v0  }
0x1f2: {  	[tilespmem:$0x1EE8] =	vst v0  }
0x1f3: {  	[tilespmem:$0x1EF8] =	vst v0  }
0x1f4: {  	[tilespmem:$0x1F08] =	vst v0  }
0x1f5: {  	[tilespmem:$0x1F18] =	vst v0  }
0x1f6: {  	[tilespmem:$0x1F28] =	vst v0  }
0x1f7: {  	[tilespmem:$0x1F38] =	vst v0  }
0x1f8: {  	[tilespmem:$0x1F48] =	vst v0  }
0x1f9: {  	[tilespmem:$0x1F58] =	vst v0  }
0x1fa: {  	[tilespmem:$0x1F68] =	vst v0  }
0x1fb: {  	[tilespmem:$0x1F78] =	vst v0  }
0x1fc: {  	[tilespmem:$0x1F88] =	vst v0  }
0x1fd: {  	[tilespmem:$0x1F98] =	vst v0  }
0x1fe: {  	[tilespmem:$0x1FA8] =	vst v0  }
0x1ff: {  	[tilespmem:$0x1FB8] =	vst v0  }
0x200: {  	[tilespmem:$0x1FC8] =	vst v0  }
0x201: {  	[tilespmem:$0x1FD8] =	vst v0  }
0x202: {  	[tilespmem:$0x1FE8] =	vst v0  }
0x203: {  	[tilespmem:$0x1FF8] =	vst v0  }
0x204: {  	[tilespmem:$0x2008] =	vst v0  }
0x205: {  	[tilespmem:$0x2018] =	vst v0  }
0x206: {  	[tilespmem:$0x2028] =	vst v0  }
0x207: {  	[tilespmem:$0x2038] =	vst v0  }
0x208: {  	[tilespmem:$0x2048] =	vst v0  }
0x209: {  	[tilespmem:$0x2058] =	vst v0  }
0x20a: {  	[tilespmem:$0x2068] =	vst v0  }
0x20b: {  	[tilespmem:$0x2078] =	vst v0  }
0x20c: {  	[tilespmem:$0x2088] =	vst v0  }
0x20d: {  	[tilespmem:$0x2098] =	vst v0  }
0x20e: {  	[tilespmem:$0x20A8] =	vst v0  }
0x20f: {  	[tilespmem:$0x20B8] =	vst v0  }
0x210: {  	[tilespmem:$0x20C8] =	vst v0  }
0x211: {  	[tilespmem:$0x20D8] =	vst v0  }
0x212: {  	[tilespmem:$0x20E8] =	vst v0  }
0x213: {  	[tilespmem:$0x20F8] =	vst v0  }
0x214: {  	[tilespmem:$0x2108] =	vst v0  }
0x215: {  	[tilespmem:$0x2118] =	vst v0  }
0x216: {  	[tilespmem:$0x2128] =	vst v0  }
0x217: {  	[tilespmem:$0x2138] =	vst v0  }
0x218: {  	[tilespmem:$0x2148] =	vst v0  }
0x219: {  	[tilespmem:$0x2158] =	vst v0  }
0x21a: {  	[tilespmem:$0x2168] =	vst v0  }
0x21b: {  	[tilespmem:$0x2178] =	vst v0  }
0x21c: {  	[tilespmem:$0x2188] =	vst v0  }
0x21d: {  	[tilespmem:$0x2198] =	vst v0  }
0x21e: {  	[tilespmem:$0x21A8] =	vst v0  }
0x21f: {  	[tilespmem:$0x21B8] =	vst v0  }
0x220: {  	[tilespmem:$0x21C8] =	vst v0  }
0x221: {  	[tilespmem:$0x21D8] =	vst v0  }
0x222: {  	[tilespmem:$0x21E8] =	vst v0  }
0x223: {  	[tilespmem:$0x21F8] =	vst v0  }
0x224: {  	[tilespmem:$0x2208] =	vst v0  }
0x225: {  	[tilespmem:$0x2218] =	vst v0  }
0x226: {  	[tilespmem:$0x2228] =	vst v0  }
0x227: {  	[tilespmem:$0x2238] =	vst v0  }
0x228: {  	[tilespmem:$0x2248] =	vst v0  }
0x229: {  	[tilespmem:$0x2258] =	vst v0  }
0x22a: {  	[tilespmem:$0x2268] =	vst v0  }
0x22b: {  	[tilespmem:$0x2278] =	vst v0  }
0x22c: {  	[tilespmem:$0x2288] =	vst v0  }
0x22d: {  	[tilespmem:$0x2298] =	vst v0  }
0x22e: {  	[tilespmem:$0x22A8] =	vst v0  }
0x22f: {  	[tilespmem:$0x22B8] =	vst v0  }
0x230: {  	[tilespmem:$0x22C8] =	vst v0  }
0x231: {  	[tilespmem:$0x22D8] =	vst v0  }
0x232: {  	[tilespmem:$0x22E8] =	vst v0  }
0x233: {  	[tilespmem:$0x22F8] =	vst v0  }
0x234: {  	[tilespmem:$0x2308] =	vst v0  }
0x235: {  	[tilespmem:$0x2318] =	vst v0  }
0x236: {  	[tilespmem:$0x2328] =	vst v0  }
0x237: {  	[tilespmem:$0x2338] =	vst v0  }
0x238: {  	[tilespmem:$0x2348] =	vst v0  }
0x239: {  	[tilespmem:$0x2388] =	vst v0  }
0x23a: {  	[tilespmem:$0x3258] =	vst v0  }
0x23b: {  	[tilespmem:$0x3248] =	vst v0  }
0x23c: {  	[tilespmem:$0x3238] =	vst v0  }
0x23d: {  	[tilespmem:$0x3228] =	vst v0  }
0x23e: {  	[tilespmem:$0x3218] =	vst v0  }
0x23f: {  	[tilespmem:$0x3208] =	vst v0  }
0x240: {  	[tilespmem:$0x31F8] =	vst v0  }
0x241: {  	[tilespmem:$0x31E8] =	vst v0  }
0x242: {  	[tilespmem:$0x31D8] =	vst v0  }
0x243: {  	[tilespmem:$0x31C8] =	vst v0  }
0x244: {  	[tilespmem:$0x31B8] =	vst v0  }
0x245: {  	[tilespmem:$0x31A8] =	vst v0  }
0x246: {  	[tilespmem:$0x3198] =	vst v0  }
0x247: {  	[tilespmem:$0x3188] =	vst v0  }
0x248: {  	[tilespmem:$0x3178] =	vst v0  }
0x249: {  	[tilespmem:$0x3168] =	vst v0  }
0x24a: {  	[tilespmem:$0x3158] =	vst v0  }
0x24b: {  	[tilespmem:$0x3148] =	vst v0  }
0x24c: {  	[tilespmem:$0x3138] =	vst v0  }
0x24d: {  	[tilespmem:$0x3128] =	vst v0  }
0x24e: {  	[tilespmem:$0x3118] =	vst v0  }
0x24f: {  	[tilespmem:$0x3108] =	vst v0  }
0x250: {  	[tilespmem:$0x30F8] =	vst v0  }
0x251: {  	[tilespmem:$0x30E8] =	vst v0  }
0x252: {  	[tilespmem:$0x30D8] =	vst v0  }
0x253: {  	[tilespmem:$0x30C8] =	vst v0  }
0x254: {  	[tilespmem:$0x30B8] =	vst v0  }
0x255: {  	[tilespmem:$0x30A8] =	vst v0  }
0x256: {  	[tilespmem:$0x3098] =	vst v0  }
0x257: {  	[tilespmem:$0x3088] =	vst v0  }
0x258: {  	[tilespmem:$0x3078] =	vst v0  }
0x259: {  	[tilespmem:$0x3068] =	vst v0  }
0x25a: {  	[tilespmem:$0x3058] =	vst v0  }
0x25b: {  	[tilespmem:$0x3048] =	vst v0  }
0x25c: {  	[tilespmem:$0x3038] =	vst v0  }
0x25d: {  	[tilespmem:$0x3028] =	vst v0  }
0x25e: {  	[tilespmem:$0x3018] =	vst v0  }
0x25f: {  	[tilespmem:$0x3008] =	vst v0  }
0x260: {  	[tilespmem:$0x2FF8] =	vst v0  }
0x261: {  	[tilespmem:$0x2FE8] =	vst v0  }
0x262: {  	[tilespmem:$0x2FD8] =	vst v0  }
0x263: {  	[tilespmem:$0x2FC8] =	vst v0  }
0x264: {  	[tilespmem:$0x2FB8] =	vst v0  }
0x265: {  	[tilespmem:$0x2FA8] =	vst v0  }
0x266: {  	[tilespmem:$0x2F98] =	vst v0  }
0x267: {  	[tilespmem:$0x2F88] =	vst v0  }
0x268: {  	[tilespmem:$0x2F78] =	vst v0  }
0x269: {  	[tilespmem:$0x2F68] =	vst v0  }
0x26a: {  	[tilespmem:$0x2F58] =	vst v0  }
0x26b: {  	[tilespmem:$0x2F48] =	vst v0  }
0x26c: {  	[tilespmem:$0x2F38] =	vst v0  }
0x26d: {  	[tilespmem:$0x2F28] =	vst v0  }
0x26e: {  	[tilespmem:$0x2F18] =	vst v0  }
0x26f: {  	[tilespmem:$0x2F08] =	vst v0  }
0x270: {  	[tilespmem:$0x2EF8] =	vst v0  }
0x271: {  	[tilespmem:$0x2EE8] =	vst v0  }
0x272: {  	[tilespmem:$0x2ED8] =	vst v0  }
0x273: {  	[tilespmem:$0x2EC8] =	vst v0  }
0x274: {  	[tilespmem:$0x2EB8] =	vst v0  }
0x275: {  	[tilespmem:$0x2EA8] =	vst v0  }
0x276: {  	[tilespmem:$0x2E98] =	vst v0  }
0x277: {  	[tilespmem:$0x2E88] =	vst v0  }
0x278: {  	[tilespmem:$0x2E78] =	vst v0  }
0x279: {  	[tilespmem:$0x2E68] =	vst v0  }
0x27a: {  	[tilespmem:$0x2E58] =	vst v0  }
0x27b: {  	[tilespmem:$0x2E48] =	vst v0  }
0x27c: {  	[tilespmem:$0x2E38] =	vst v0  }
0x27d: {  	[tilespmem:$0x2E28] =	vst v0  }
0x27e: {  	[tilespmem:$0x2E18] =	vst v0  }
0x27f: {  	[tilespmem:$0x2E08] =	vst v0  }
0x280: {  	[tilespmem:$0x2DF8] =	vst v0  }
0x281: {  	[tilespmem:$0x2DE8] =	vst v0  }
0x282: {  	[tilespmem:$0x2DD8] =	vst v0  }
0x283: {  	[tilespmem:$0x2DC8] =	vst v0  }
0x284: {  	[tilespmem:$0x2DB8] =	vst v0  }
0x285: {  	[tilespmem:$0x2DA8] =	vst v0  }
0x286: {  	[tilespmem:$0x2D98] =	vst v0  }
0x287: {  	[tilespmem:$0x2D88] =	vst v0  }
0x288: {  	[tilespmem:$0x2D78] =	vst v0  }
0x289: {  	[tilespmem:$0x2D68] =	vst v0  }
0x28a: {  	[tilespmem:$0x2D58] =	vst v0  }
0x28b: {  	[tilespmem:$0x2D48] =	vst v0  }
0x28c: {  	[tilespmem:$0x2D38] =	vst v0  }
0x28d: {  	[tilespmem:$0x2D28] =	vst v0  }
0x28e: {  	[tilespmem:$0x2D18] =	vst v0  }
0x28f: {  	[tilespmem:$0x2D08] =	vst v0  }
0x290: {  	[tilespmem:$0x2CF8] =	vst v0  }
0x291: {  	[tilespmem:$0x2CE8] =	vst v0  }
0x292: {  	[tilespmem:$0x2CD8] =	vst v0  }
0x293: {  	[tilespmem:$0x2CC8] =	vst v0  }
0x294: {  	[tilespmem:$0x2CB8] =	vst v0  }
0x295: {  	[tilespmem:$0x2CA8] =	vst v0  }
0x296: {  	[tilespmem:$0x2C98] =	vst v0  }
0x297: {  	[tilespmem:$0x2C88] =	vst v0  }
0x298: {  	[tilespmem:$0x2C78] =	vst v0  }
0x299: {  	[tilespmem:$0x2C68] =	vst v0  }
0x29a: {  	[tilespmem:$0x2C58] =	vst v0  }
0x29b: {  	[tilespmem:$0x2C48] =	vst v0  }
0x29c: {  	[tilespmem:$0x2C38] =	vst v0  }
0x29d: {  	[tilespmem:$0x2C28] =	vst v0  }
0x29e: {  	[tilespmem:$0x2C18] =	vst v0  }
0x29f: {  	[tilespmem:$0x2C08] =	vst v0  }
0x2a0: {  	[tilespmem:$0x2BF8] =	vst v0  }
0x2a1: {  	[tilespmem:$0x2BE8] =	vst v0  }
0x2a2: {  	[tilespmem:$0x2BD8] =	vst v0  }
0x2a3: {  	[tilespmem:$0x2BC8] =	vst v0  }
0x2a4: {  	[tilespmem:$0x2BB8] =	vst v0  }
0x2a5: {  	[tilespmem:$0x2BA8] =	vst v0  }
0x2a6: {  	[tilespmem:$0x2B98] =	vst v0  }
0x2a7: {  	[tilespmem:$0x2B88] =	vst v0  }
0x2a8: {  	[tilespmem:$0x2B78] =	vst v0  }
0x2a9: {  	[tilespmem:$0x2B68] =	vst v0  }
0x2aa: {  	[tilespmem:$0x2B58] =	vst v0  }
0x2ab: {  	[tilespmem:$0x2B48] =	vst v0  }
0x2ac: {  	[tilespmem:$0x2B38] =	vst v0  }
0x2ad: {  	[tilespmem:$0x2B28] =	vst v0  }
0x2ae: {  	[tilespmem:$0x2B18] =	vst v0  }
0x2af: {  	[tilespmem:$0x2B08] =	vst v0  }
0x2b0: {  	[tilespmem:$0x2AF8] =	vst v0  }
0x2b1: {  	[tilespmem:$0x2AE8] =	vst v0  }
0x2b2: {  	[tilespmem:$0x2AD8] =	vst v0  }
0x2b3: {  	[tilespmem:$0x2AC8] =	vst v0  }
0x2b4: {  	[tilespmem:$0x2AB8] =	vst v0  }
0x2b5: {  	[tilespmem:$0x2AA8] =	vst v0  }
0x2b6: {  	[tilespmem:$0x2A98] =	vst v0  }
0x2b7: {  	[tilespmem:$0x2A88] =	vst v0  }
0x2b8: {  	[tilespmem:$0x2A78] =	vst v0  }
0x2b9: {  	[tilespmem:$0x2A68] =	vst v0  }
0x2ba: {  	[tilespmem:$0x2A58] =	vst v0  }
0x2bb: {  	[tilespmem:$0x2A48] =	vst v0  }
0x2bc: {  	[tilespmem:$0x2A38] =	vst v0  }
0x2bd: {  	[tilespmem:$0x2A28] =	vst v0  }
0x2be: {  	[tilespmem:$0x2A18] =	vst v0  }
0x2bf: {  	[tilespmem:$0x2A08] =	vst v0  }
0x2c0: {  	[tilespmem:$0x29F8] =	vst v0  }
0x2c1: {  	[tilespmem:$0x29E8] =	vst v0  }
0x2c2: {  	[tilespmem:$0x29D8] =	vst v0  }
0x2c3: {  	[tilespmem:$0x29C8] =	vst v0  }
0x2c4: {  	[tilespmem:$0x29B8] =	vst v0  }
0x2c5: {  	[tilespmem:$0x29A8] =	vst v0  }
0x2c6: {  	[tilespmem:$0x2998] =	vst v0  }
0x2c7: {  	[tilespmem:$0x2988] =	vst v0  }
0x2c8: {  	[tilespmem:$0x2978] =	vst v0  }
0x2c9: {  	[tilespmem:$0x2968] =	vst v0  }
0x2ca: {  	[tilespmem:$0x2958] =	vst v0  }
0x2cb: {  	[tilespmem:$0x2948] =	vst v0  }
0x2cc: {  	[tilespmem:$0x2938] =	vst v0  }
0x2cd: {  	[tilespmem:$0x2928] =	vst v0  }
0x2ce: {  	[tilespmem:$0x2918] =	vst v0  }
0x2cf: {  	[tilespmem:$0x2908] =	vst v0  }
0x2d0: {  	[tilespmem:$0x28F8] =	vst v0  }
0x2d1: {  	[tilespmem:$0x28E8] =	vst v0  }
0x2d2: {  	[tilespmem:$0x28D8] =	vst v0  }
0x2d3: {  	[tilespmem:$0x28C8] =	vst v0  }
0x2d4: {  	[tilespmem:$0x28B8] =	vst v0  }
0x2d5: {  	[tilespmem:$0x28A8] =	vst v0  }
0x2d6: {  	[tilespmem:$0x2898] =	vst v0  }
0x2d7: {  	[tilespmem:$0x2888] =	vst v0  }
0x2d8: {  	[tilespmem:$0x2878] =	vst v0  }
0x2d9: {  	[tilespmem:$0x2868] =	vst v0  }
0x2da: {  	[tilespmem:$0x2858] =	vst v0  }
0x2db: {  	[tilespmem:$0x2848] =	vst v0  }
0x2dc: {  	[tilespmem:$0x2838] =	vst v0  }
0x2dd: {  	[tilespmem:$0x2828] =	vst v0  }
0x2de: {  	[tilespmem:$0x2818] =	vst v0  }
0x2df: {  	[tilespmem:$0x2808] =	vst v0  }
0x2e0: {  	[tilespmem:$0x27F8] =	vst v0  }
0x2e1: {  	[tilespmem:$0x27E8] =	vst v0  }
0x2e2: {  	[tilespmem:$0x27D8] =	vst v0  }
0x2e3: {  	[tilespmem:$0x27C8] =	vst v0  }
0x2e4: {  	[tilespmem:$0x27B8] =	vst v0  }
0x2e5: {  	[tilespmem:$0x27A8] =	vst v0  }
0x2e6: {  	[tilespmem:$0x2798] =	vst v0  }
0x2e7: {  	[tilespmem:$0x2788] =	vst v0  }
0x2e8: {  	[tilespmem:$0x2778] =	vst v0  }
0x2e9: {  	[tilespmem:$0x2768] =	vst v0  }
0x2ea: {  	[tilespmem:$0x2758] =	vst v0  }
0x2eb: {  	[tilespmem:$0x2748] =	vst v0  }
0x2ec: {  	[tilespmem:$0x2738] =	vst v0  }
0x2ed: {  	[tilespmem:$0x2728] =	vst v0  }
0x2ee: {  	[tilespmem:$0x2718] =	vst v0  }
0x2ef: {  	[tilespmem:$0x2708] =	vst v0  }
0x2f0: {  	[tilespmem:$0x26F8] =	vst v0  }
0x2f1: {  	[tilespmem:$0x26E8] =	vst v0  }
0x2f2: {  	[tilespmem:$0x26D8] =	vst v0  }
0x2f3: {  	[tilespmem:$0x26C8] =	vst v0  }
0x2f4: {  	[tilespmem:$0x26B8] =	vst v0  }
0x2f5: {  	[tilespmem:$0x26A8] =	vst v0  }
0x2f6: {  	[tilespmem:$0x2698] =	vst v0  }
0x2f7: {  	[tilespmem:$0x2688] =	vst v0  }
0x2f8: {  	[tilespmem:$0x2678] =	vst v0  }
0x2f9: {  	[tilespmem:$0x2668] =	vst v0  }
0x2fa: {  	[tilespmem:$0x2658] =	vst v0  }
0x2fb: {  	[tilespmem:$0x2648] =	vst v0  }
0x2fc: {  	[tilespmem:$0x2638] =	vst v0  }
0x2fd: {  	[tilespmem:$0x2628] =	vst v0  }
0x2fe: {  	[tilespmem:$0x2618] =	vst v0  }
0x2ff: {  	[tilespmem:$0x2608] =	vst v0  }
0x300: {  	[tilespmem:$0x25F8] =	vst v0  }
0x301: {  	[tilespmem:$0x25E8] =	vst v0  }
0x302: {  	[tilespmem:$0x25D8] =	vst v0  }
0x303: {  	[tilespmem:$0x25C8] =	vst v0  }
0x304: {  	[tilespmem:$0x25B8] =	vst v0  }
0x305: {  	[tilespmem:$0x25A8] =	vst v0  }
0x306: {  	[tilespmem:$0x2598] =	vst v0  }
0x307: {  	[tilespmem:$0x2588] =	vst v0  }
0x308: {  	[tilespmem:$0x2578] =	vst v0  }
0x309: {  	[tilespmem:$0x2568] =	vst v0  }
0x30a: {  	[tilespmem:$0x2558] =	vst v0  }
0x30b: {  	[tilespmem:$0x2548] =	vst v0  }
0x30c: {  	[tilespmem:$0x2538] =	vst v0  }
0x30d: {  	[tilespmem:$0x2528] =	vst v0  }
0x30e: {  	[tilespmem:$0x2518] =	vst v0  }
0x30f: {  	[tilespmem:$0x2508] =	vst v0  }
0x310: {  	[tilespmem:$0x24F8] =	vst v0  }
0x311: {  	[tilespmem:$0x24E8] =	vst v0  }
0x312: {  	[tilespmem:$0x24D8] =	vst v0  }
0x313: {  	[tilespmem:$0x24C8] =	vst v0  }
0x314: {  	[tilespmem:$0x24B8] =	vst v0  }
0x315: {  	[tilespmem:$0x24A8] =	vst v0  }
0x316: {  	[tilespmem:$0x2498] =	vst v0  }
0x317: {  	[tilespmem:$0x2488] =	vst v0  }
0x318: {  	[tilespmem:$0x2478] =	vst v0  }
0x319: {  	[tilespmem:$0x2468] =	vst v0  }
0x31a: {  	[tilespmem:$0x2458] =	vst v0  }
0x31b: {  	[tilespmem:$0x2448] =	vst v0  }
0x31c: {  	[tilespmem:$0x2438] =	vst v0  }
0x31d: {  	[tilespmem:$0x2428] =	vst v0  }
0x31e: {  	[tilespmem:$0x2418] =	vst v0  }
0x31f: {  	[tilespmem:$0x2408] =	vst v0  }
0x320: {  	[tilespmem:$0x23F8] =	vst v0  }
0x321: {  	[tilespmem:$0x23E8] =	vst v0  }
0x322: {  	[tilespmem:$0x23D8] =	vst v0  }
0x323: {  	[tilespmem:$0x23C8] =	vst v0  }
0x324: {  	[tilespmem:$0x23B8] =	vst v0  }
0x325: {  	s7 =	srdreg.scid;
	[tilespmem:$0x23A8] =	vst v0  }
0x326: {  	s8 =	simm.s32 $0x2;
	s7 =	sshll.u32 s7, $0x4;
	[tilespmem:$0x2398] =	vst v0  }
.Ltmp0:
0x327: {  	[tilespmem:$0x2378] =	vst v0;
	s9 =	sand.u32 $0x10, s7;
	s7 =	stileid.u32;
	(pc) =	sbr.rel .LBB2_1-.Ltmp0, $4  }
0x328: {  	s10 =	simm.s32 $0x9;
	s16 =	simm.s32 $0x0;
	[tilespmem:$0x2368] =	vst v0;
	s9 =	sor.u32 s7, s9  }
0x329: {  	s13 =	simm.s32 $0xA;
	[tilespmem:$0x2358] =	vst v0;
	[sflag:s8] =	ssyncpa.u1 $0x0;
	v0 =	vimm.s32 $0xFFFFFFFF;
	s9 =	smul.u32 $0x4E20, s9  }
0x32a: {  	s15 =	simm.s32 $0x0;
	s6 =	sadd.s32 $0x3101A00, s6;
	[tilespmem:$0x6488] =	vst v0;
	[sflag:s10] =	ssyncpa.u1 $0x0  }
0x32b: {  	s12 =	sshll.u32 s7, $0x6;
	v0 =	vlaneseq.u32;
	s11 =	sadd.s32 $0x4E20, s9;
	s14 =	smov.u32 s9  }
.LBB2_16:
0x32c: {  	s17 =	sshrl.u32 s23, $0x2  }
.LBB2_18:
0x32d: {  	_ =	swait.ge [sflag:s13], s17  }
0x32e: {  	s31 =	ssub.s32 $0x0, s17;
	v1 =	vmov s20;
	vm0 =	veq.s32 v0, $0x0;
	[sflag:s13] =	ssyncset.done $0x0  }
0x32f: {  	vm15 =	veq.s32 v0, $0x2;
	v1 =	vsel vm0, s19, v1;
	[sflag:s13] =	ssyncadd.s32 s31  }
0x330: {  	v1 =	vsel vm15, s16, v1;
	[sflag:s13] =	ssyncpa.u1 $0x1  }
0x331: {  	[tilespmem:$0x6488] =	vst v1  }
.LBB2_19:
0x332: {  	s16 =	sadd.s32 $0x190, s14  }
0x333: {  	s17 =	smov.u32 s9;
	s15 =	sadd.s32 $0x1, s15;
	p0 =	slt.s32 s16, s11  }
0x334: {  	s17 =	smov.u32 @p0 s16;
	p0 =	sne.s32 s15, $0x33  }
.Ltmp1:
0x335: {  	_ = 	snop;
	(pc) =	sbr.rel @!p0 .LBB2_20-.Ltmp1, $2  }
0x336: {  	_ =	sdelay $0x2  }
0x337: {  	s16 =	smov.u32 s14;
	s14 =	smov.u32 s17  }
.LBB2_1:
0x338: {  	p0 =	seq.s32 s15, $0x32  }
0x339: {  	p1 =	sgt.s32 @!p0 s14, $0x9C270  }
0x33a: {  	s17 =	smov.u32 s14;
	s18 =	sshra.s32 @!p0 s14, $0x1F;
	p1 =	por !p1, p0  }
0x33b: {  	s18 =	sand.u32 @!p0 s18, s14;
	s17 =	simm.s32 @p1 $0x9C270  }
0x33c: {  	s17 =	ssub.s32 @!p0 s17, s18  }
0x33d: {  	s19 =	sand.u32 @!p0 $0x1, s15;
	s17 =	sadd.s32 @!p0 $0xFFF63D90, s17  }
0x33e: {  	s18 =	sxor.u32 @!p0 $0x1, s19;
	s20 =	sshll.u32 @!p0 s17, $0x2  }
0x33f: {  	p1 =	sgt.s32 @!p0 s17, $0x18F;
	s17 =	ssub.s32 @!p0 $0x640, s20;
	s20 =	smul.u32 @!p0 $0x640, s18  }
0x340: {  	s21 =	sshrl.u32 @!p0 s14, $0x3;
	s22 =	sand.u32 @!p0 $0x7, s14  }
0x341: {  	p1 =	por !p1, p0;
	s17 =	sshrl.u32 @!p0 s17, $0x2;
	s20 =	sshrl.u32 @!p0 s20, $0x2  }
0x342: {  	s21 =	sadd.s32 @!p0 s4, s21;
	s17 =	simm.s32 @!p1 $0x0;
	s20 =	sadd.s32 @!p0 $0x68C8, s20  }
0x343: {  	[tilespmem:s20], [sflag:$0x9] =	stream.linear.gather @!p0 [hbm4b:s21+s22], s17, $0x38;
	[tilespmem:$0x1FBE8] =	vst v63  }
0x344: {  	s17 =	ssub.s32 @!p0 $0x9C400, s14  }
0x345: {  	p1 =	sgt.s32 @!p0 s17, $0x0  }
0x346: {  	p1 =	por !p1, p0  }
0x347: {  	s17 =	simm.s32 @p1 $0x0;
	p1 =	seq.s32 @!p0 s15, $0x0  }
0x348: {  	s18 =	smul.u32 @!p0 $0x32000, s18;
	p1 =	por p0, !p1  }
.Ltmp2:
0x349: {  	_ = 	snop;
	(pc) =	sbr.rel @!p1 .LBB2_19-.Ltmp2, $4  }
0x34a: {  	_ = 	snop  }
0x34b: {  	s18 =	sshrl.u32 @!p0 s18, $0x2;
	s20 =	sshll.u32 @!p0 s14, $0x4;
	s17 =	smin.u32 @!p0 s17, $0x190  }
0x34c: {  	s18 =	sadd.s32 @!p0 $0x6BE8, s18;
	s20 =	sadd.s32 @!p0 s6, s20;
	s17 =	sshll.u32 @!p0 s17, $0x7  }
0x34d: {  	[tilespmem:s18], [sflag:$0x9] =	stream.linear.gather @!p0 [hbm:s20], s17, $0x38;
	[tilespmem:$0x1FBE8] =	vst v63  }
0x34e: {  	p1 =	sgt.s32 s16, $0x9C270  }
0x34f: {  	s17 =	smov.u32 s16;
	s18 =	sshra.s32 s16, $0x1F;
	s22 =	ssub.s32 $0x9C400, s16  }
0x350: {  	s17 =	simm.s32 @!p1 $0x9C270;
	s18 =	sand.u32 s18, s16;
	p1 =	sgt.s32 s22, $0x0  }
0x351: {  	s17 =	ssub.s32 s17, s18;
	s22 =	simm.s32 @!p1 $0x0  }
0x352: {  	s17 =	sadd.s32 $0xFFF63D90, s17;
	s30 =	smin.u32 s22, $0x190  }
0x353: {  	s20 =	sshll.u32 s17, $0x2;
	s18 =	sshll.u32 s30, $0x7  }
0x354: {  	p1 =	sgt.s32 s17, $0x18F;
	s31 =	ssub.s32 $0x640, s20;
	_ =	swait.ge [sflag:s10], s18  }
0x355: {  	s18 =	ssub.s32 $0x0, s18;
	[sflag:s10] =	ssyncset.done $0x0;
	s17 =	sshrl.u32 s31, $0x2  }
0x356: {  	[sflag:s10] =	ssyncadd.s32 s18;
	s17 =	simm.s32 @p1 $0x0  }
0x357: {  	_ =	swait.ge [sflag:s10], s17  }
0x358: {  	s17 =	ssub.s32 $0x0, s17;
	[sflag:s10] =	ssyncset.done $0x0  }
0x359: {  	[sflag:s10] =	ssyncadd.s32 s17  }
0x35a: {  	v1 =	vld [tilespmem:$0x6488];
	_ =	sdelay $0x4  }
0x35b: {  	(v2sf) =	vpush v1, $0x0  }
0x35c: {  	(v2sf) =	vpush v1, $0x1  }
0x35d: {  	(v2sf) =	vpush v1, $0x2;
	_ =	sdelay $0x3  }
0x35e: {  	s17 =	sadd.s32 $0x190, s16  }
0x35f: {  	p1 =	slt.s32 s11, s17  }
0x360: {  	s17 =	smov.u32 @p1 s11  }
0x361: {  	s17 =	ssub.s32 s17, s16  }
0x362: {  	s19 =	simm.s32 @p0 $0x0;
	p0 =	slt.s32 s22, s17  }
0x363: {  	s17 =	smov.u32 @p0 s22  }
0x364: {  	p0 =	slt.s32 s17, $0x1  }
.Ltmp3:
0x365: {  	_ = 	snop;
	(pc) =	sbr.rel @p0 .LBB2_6-.Ltmp3, $4  }
0x366: {  	_ = 	snop  }
0x367: {  	s20 =	smul.u32 $0x190, s19;
	s21 =	spop (v2sf)  }
0x368: {  	s23 =	spop (v2sf)  }
0x369: {  	s18 =	sadd.s32 $0x68C8, s20;
	s16 =	spop (v2sf)  }
0x36a: {  	s22 =	smin.u32 s17, $0x10  }
0x36b: {  	v1 =	vmov s22  }
0x36c: {  	p1 =	sgt.s32 s17, $0x10;
	vm1 =	vgt.u32 v1, v0  }
.Ltmp4:
0x36d: {  	_ = 	snop;
	(pc) =	sbr.rel @!p1 .LBB2_5-.Ltmp4, $2  }
0x36e: {  	_ =	sdelay $0x2  }
0x36f: {  	s24 =	simm.s32 $0x10;
	s25 =	sadd.s32 $0xFFFFFFF0, s17;
	s22 =	sadd.s32 $0x68C8, s20;
	vm0 =	vmmov vm1  }
.LBB2_4:
0x370: {  	s26 =	smin.u32 s25, $0x10;
	s24 =	sadd.s32 $0x10, s24;
	v1 =	vld.msk [tilespmem:s22+$0x0 ss:$0x1], vm1  }
0x371: {  	v2 =	vmov s26;
	p1 =	slt.s32 s24, s17  }
0x372: {  	vm1 =	vgt.u32 v2, v0  }
.Ltmp5:
0x373: {  	(pc) =	sbr.rel @p1 .LBB2_4-.Ltmp5, $3  }
0x374: {  	_ =	sdelay $0x1  }
0x375: {  	v1 =	vshll.u32 v1, $0x4  }
0x376: {  	s25 =	sadd.s32 $0xFFFFFFF0, s25;
	[tilespmem:s22+$0x0] =	vst.msk vm0, v1;
	s22 =	sadd.s32 $0x10, s22;
	vm0 =	vmmov vm1  }
.LBB2_5:
0x377: {  	_ =	sdelay $0x4  }
0x378: {  	v1 =	vld.msk [tilespmem:s22+$0x0 ss:$0x1], vm1;
	_ =	sdelay $0x4  }
0x379: {  	v1 =	vshll.u32 v1, $0x4  }
0x37a: {  	[tilespmem:s22+$0x0] =	vst.msk vm0, v1  }
.LBB2_6:
0x37b: {  	p1 =	sne.s32 s23, $0xFFFFFFFF  }
0x37c: {  	v1 =	vld.msk @!p1 [tilespmem:s20+$0x68C8], $0x1;
	_ =	sdelay $0x4  }
0x37d: {  	(v2sf) =	vpush @!p1 v1, $0x0;
	_ =	sdelay $0x3  }
0x37e: {  	s20 =	smul.u32 $0xC800, s19;
	_ =	sdelay $0x1  }
0x37f: {  	v1 =	vld @!p1 [tilespmem:s20+$0x6BE8];
	_ =	sdelay $0x4  }
0x380: {  	[tilespmem:$0x48] =	vst @!p1 v1  }
0x381: {  	v1 =	vld @!p1 [tilespmem:s20+$0x6BF8]  }
.Ltmp6:
0x382: {  	_ = 	snop;
	(pc) =	sbr.rel @p0 .LBB2_17-.Ltmp6, $4  }
0x383: {  	_ = 	snop  }
0x384: {  	s22 =	spop @!p1 (v2sf)  }
0x385: {  	s16 =	simm.s32 @!p1 $0x0;
	s20 =	smov.u32 s22  }
0x386: {  	[tilespmem:$0x58] =	vst @!p1 v1;
	[sflag:s13] =	ssyncpa.u1 $0x0;
	s22 =	smov.u32 @p1 s21;
	s20 =	smov.u32 @p1 s23  }
0x387: {  	v1 =	vld.msk [tilespmem:s18+$0x0], $0x1;
	_ =	sdelay $0x4  }
0x388: {  	(v2sf) =	vpush v1, $0x0;
	_ =	sdelay $0xe  }
0x389: {  	s25 =	spop (v2sf)  }
0x38a: {  	p0 =	seq.s32 s22, s25  }
0x38b: {  	p1 =	sgt.s32 @!p0 s22, $0x0  }
0x38c: {  	s24 =	smov.u32 s22;
	s23 =	sadd.s32 $0xFFFFFFFF, s17;
	p1 =	por !p1, p0  }
0x38d: {  	s24 =	simm.s32 @p1 $0x0;
	p1 =	sne.s32 s23, $0x0  }
.Ltmp7:
0x38e: {  	_ = 	snop;
	(pc) =	sbr.rel @!p1 .LBB2_9-.Ltmp7, $4  }
0x38f: {  	_ = 	snop  }
0x390: {  	s21 =	simm.s32 $0x0;
	s26 =	simm.s32 @!p0 $0x1;
	s24 =	smin.u32 @!p0 s24, $0x4E1FFC  }
0x391: {  	s28 =	simm.s32 @!p0 $0x3268;
	s26 =	smov.u32 @p0 s21;
	s30 =	sand.u32 @!p0 $0x7FFFF8, s24  }
0x392: {  	s29 =	sand.u32 @!p0 $0x7, s24;
	s24 =	sadd.s32 $0x1, s18;
	s30 =	sadd.s32 @!p0 s1, s30  }
.LBB2_8:
0x393: {  	s31 =	smov.u32 s26  }
0x394: {  	[tilespmem:s28], [sflag:$0x2] =	stream.linear.gather @!p0 [hbm4b:s30+s29], $0x20, $0x38;
	[tilespmem:$0x1FBE8] =	vst v63  }
0x395: {  	s23 =	sadd.s32 $0xFFFFFFFF, s23;
	s29 =	smov.u32 s25;
	v1 =	vld.msk [tilespmem:s24+$0x0], $0x1  }
0x396: {  	p1 =	sne.s32 s23, $0x0;
	_ =	sdelay $0x3  }
0x397: {  	(v2sf) =	vpush v1, $0x0;
	_ =	sdelay $0xe  }
0x398: {  	s25 =	spop (v2sf)  }
0x399: {  	p0 =	seq.s32 s29, s25  }
0x39a: {  	p2 =	sgt.s32 @!p0 s29, $0x0;
	s28 =	sshll.u32 @!p0 s26, $0x7;
	s26 =	sadd.s32 @!p0 $0x1, s26  }
.Ltmp8:
0x39b: {  	p2 =	por !p2, p0;
	s28 =	sshra.s32 @!p0 s28, $0x2;
	(pc) =	sbr.rel @p1 .LBB2_8-.Ltmp8, $4  }
0x39c: {  	s26 =	smov.u32 @p0 s31;
	s29 =	simm.s32 @p2 $0x0;
	s28 =	sadd.s32 @!p0 $0x3268, s28  }
0x39d: {  	s29 =	smin.u32 @!p0 s29, $0x4E1FFC  }
0x39e: {  	s30 =	sand.u32 @!p0 $0x7FFFF8, s29;
	s29 =	sand.u32 @!p0 $0x7, s29  }
0x39f: {  	s24 =	sadd.s32 $0x1, s24;
	s30 =	sadd.s32 @!p0 s1, s30  }
.LBB2_9:
0x3a0: {  	[tilespmem:s28], [sflag:$0x2] =	stream.linear.gather @!p0 [hbm4b:s30+s29], $0x20, $0x38;
	[tilespmem:$0x1FBE8] =	vst v63  }
.Ltmp9:
0x3a1: {  	s23 =	sshll.u32 s26, $0x5;
	(pc) =	sbr.rel .LBB2_10-.Ltmp9, $4  }
0x3a2: {  	s19 =	smul.u32 $0x32000, s19;
	s23 =	sand.u32 $0x3FFFFFE0, s23  }
0x3a3: {  	_ =	swait.ge [sflag:s8], s23  }
0x3a4: {  	s23 =	ssub.s32 $0x0, s23;
	s19 =	sshrl.u32 s19, $0x2;
	[sflag:s8] =	ssyncset.done $0x0  }
0x3a5: {  	s24 =	sadd.s32 $0x6BF8, s19;
	[sflag:s8] =	ssyncadd.s32 s23;
	s23 =	simm.s32 $0x0  }
.LBB2_11:
0x3a6: {  	s22 =	sshra.s32 s25, $0x2;
	v1 =	vld [tilespmem:s24+$0xFFFFFFF0]  }
0x3a7: {  	v2 =	vld [tilespmem:s22+$0x48];
	_ =	sdelay $0x4  }
0x3a8: {  	v1 =	vmax.f32 v1, v2  }
0x3a9: {  	v2 =	vld [tilespmem:s22+$0x58];
	[tilespmem:s22+$0x48] =	vst v1  }
0x3aa: {  	v1 =	vld [tilespmem:s24+$0x0];
	_ =	sdelay $0x4  }
0x3ab: {  	v1 =	vmax.f32 v1, v2  }
0x3ac: {  	[tilespmem:s22+$0x58] =	vst v1  }
.LBB2_15:
0x3ad: {  	s17 =	sadd.s32 $0xFFFFFFFF, s17  }
0x3ae: {  	p0 =	sne.s32 s17, $0x0  }
.Ltmp10:
0x3af: {  	_ = 	snop;
	(pc) =	sbr.rel @!p0 .LBB2_16-.Ltmp10, $2  }
0x3b0: {  	_ =	sdelay $0x2  }
0x3b1: {  	s24 =	sadd.s32 $0x80, s24;
	s18 =	sadd.s32 $0x1, s18;
	s22 =	smov.u32 s19  }
.LBB2_10:
0x3b2: {  	v1 =	vld.msk [tilespmem:s18+$0x0], $0x1;
	_ =	sdelay $0x4  }
0x3b3: {  	(v2sf) =	vpush v1, $0x0;
	_ =	sdelay $0xe  }
0x3b4: {  	s19 =	spop (v2sf)  }
0x3b5: {  	p0 =	sne.s32 s22, s19  }
.Ltmp11:
0x3b6: {  	_ = 	snop;
	(pc) =	sbr.rel @!p0 .LBB2_11-.Ltmp11, $2  }
0x3b7: {  	_ =	sdelay $0x2  }
0x3b8: {  	s25 =	sshll.u32 s16, $0x7  }
0x3b9: {  	p0 =	seq.s32 s22, s20  }
.Ltmp12:
0x3ba: {  	_ = 	snop;
	(pc) =	sbr.rel @!p0 .LBB2_13-.Ltmp12, $1  }
0x3bb: {  	_ =	sdelay $0x3  }
0x3bc: {  	s22 =	sshra.s32 s25, $0x2  }
.Ltmp13:
0x3bd: {  	s22 =	sadd.s32 $0x48, s22;
	(pc) =	sbr.rel .LBB2_14-.Ltmp13, $4  }
0x3be: {  	[spmem:s12] =	stream.linear.scatter [tilespmem:s22], [sflag:$0x1], $0x20, $0x38;
	[tilespmem:$0x1FBE8] =	vst v63  }
0x3bf: {  	_ =	swait.ge [sflag:s5], $0x20  }
0x3c0: {  	[sflag:s5] =	ssyncset.done $0x0  }
0x3c1: {  	[sflag:s5] =	ssyncadd.s32 $0xFFFFFFE0  }
.LBB2_13:
0x3c2: {  	s26 =	sshll.u32 s21, $0x7;
	s25 =	sshra.s32 s25, $0x2  }
0x3c3: {  	s26 =	sshra.s32 s26, $0x2;
	v2 =	vld [tilespmem:s25+$0x48]  }
0x3c4: {  	v1 =	vld [tilespmem:s26+$0x3268];
	_ =	sdelay $0x4  }
0x3c5: {  	v1 =	vmax.f32 v1, v2  }
0x3c6: {  	v2 =	vld [tilespmem:s25+$0x58];
	[tilespmem:s25+$0x48] =	vst v1  }
0x3c7: {  	v1 =	vld [tilespmem:s26+$0x3278];
	_ =	sdelay $0x3  }
0x3c8: {  	p0 =	sgt.u32 s22, $0x4E1FFC  }
0x3c9: {  	s26 =	sand.u32 @!p0 $0x7FFFF8, s22;
	v1 =	vmax.f32 v1, v2  }
0x3ca: {  	s28 =	sadd.s32 $0x48, s25;
	s22 =	sand.u32 @!p0 $0x7, s22;
	[tilespmem:s25+$0x58] =	vst v1;
	s25 =	sadd.s32 @!p0 s1, s26  }
0x3cb: {  	[hbm4b:s25+s22] =	stream.linear.scatter @!p0 [tilespmem:s28], [sflag:$0xA], $0x20, $0x38;
	[tilespmem:$0x1FBE8] =	vst v63  }
0x3cc: {  	s22 =	simm.s32 $0x0  }
0x3cd: {  	s22 =	simm.s32 @!p0 $0x80  }
0x3ce: {  	s23 =	sadd.s32 s22, s23  }
.LBB2_14:
0x3cf: {  	s16 =	sadd.s32 $0x1, s16  }
0x3d0: {  	s22 =	smulhi.u32 $0x51EB851F, s16;
	_ =	sdelay $0x1  }
0x3d1: {  	v1 =	vld [tilespmem:s24+$0xFFFFFFF0];
	s22 =	sshrl.u32 s22, $0x7  }
0x3d2: {  	s22 =	smul.u32 $0x190, s22;
	_ =	sdelay $0x1  }
0x3d3: {  	s16 =	ssub.s32 s16, s22  }
0x3d4: {  	s22 =	sshll.u32 s16, $0x5  }
0x3d5: {  	[tilespmem:s22+$0x48] =	vst v1  }
0x3d6: {  	v1 =	vld [tilespmem:s24+$0x0]  }
.Ltmp14:
0x3d7: {  	_ = 	snop;
	(pc) =	sbr.rel .LBB2_15-.Ltmp14, $2  }
0x3d8: {  	_ =	sdelay $0x2  }
0x3d9: {  	s21 =	sadd.s32 $0x1, s21;
	[tilespmem:s22+$0x58] =	vst v1  }
.LBB2_17:
.Ltmp15:
0x3da: {  	(pc) =	sbr.rel .LBB2_18-.Ltmp15, $3  }
0x3db: {  	_ =	sdelay $0x1  }
0x3dc: {  	_ =	swait.ge [sflag:s8], $0x0  }
0x3dd: {  	s17 =	simm.s32 $0x0;
	s19 =	smov.u32 s22;
	[sflag:s8] =	ssyncset.done $0x0  }
.LBB2_20:
0x3de: {  	_ =	sfence.sel $0x180000  }
0x3df: {  	s4 =	simm.s32 $0x9;
	[bflag:$0x0] =	sbarrier.arrive $0xFFFF  }
0x3e0: {  	s26 =	simm.s32 $0x2;
	[sflag:s4] =	ssyncpa.u1 $0x1  }
0x3e1: {  	[sflag:s26] =	ssyncpa.u1 $0x1  }
0x3e2: {  	v0 =	vld [tilespmem:$0x6488];
	_ =	sdelay $0x4  }
0x3e3: {  	(v2sf) =	vpush v0, $0x0  }
0x3e4: {  	(v2sf) =	vpush v0, $0x1;
	_ =	sdelay $0x1  }
0x3e5: {  	(v2sf) =	vpush v0, $0x2;
	_ =	sdelay $0xb  }
0x3e6: {  	s4 =	spop (v2sf)  }
0x3e7: {  	s5 =	spop (v2sf)  }
0x3e8: {  	s6 =	smov.u32 s4;
	p0 =	sne.s32 s4, s5  }
0x3e9: {  	s8 =	spop (v2sf);
	s6 =	simm.s32 @!p0 $0xFFFFFFFF  }
0x3ea: {  	v2 =	vimm.s32 $0x1;
	v3 =	vlaneseq.u32;
	p0 =	seq.s32 s8, $0xFFFFFFFF;
	v1 =	vmov s6  }
0x3eb: {  	v0 =	vperm.xlane v0, v2;
	p1 =	sne.s32 @!p0 s4, s5;
	v1 =	vperm.xlane v1, v3  }
0x3ec: {  	vm0 =	vcmask $0x3F04;
	s10 =	simm.s32 $0x6488;
	s4 =	simm.s32 @!p0 $0x1;
	p1 =	por !p1, p0  }
0x3ed: {  	s6 =	sshll.u32 s7, $0x1;
	s5 =	sshll.u32 @!p0 s8, $0x7;
	s4 =	simm.s32 @p1 $0x0;
	v0 =	vsel vm0, v1, v0  }
0x3ee: {  	s9 =	sor.u32 $0x400, s6;
	s5 =	sshra.s32 @!p0 s5, $0x2;
	s4 =	sor.u32 @!p0 s4, s6;
	[tilespmem:$0x6488] =	vst v0  }
0x3ef: {  	[spmem:s9] =	stream.linear.scatter [tilespmem:s10], [sflag:$0x1], $0x2, $0x38;
	[tilespmem:$0x1FBE8] =	vst v63  }
0x3f0: {  	s5 =	sadd.s32 @!p0 $0x48, s5;
	s4 =	sshll.u32 @!p0 s4, $0x5  }
0x3f1: {  	[spmem:s4] =	stream.linear.scatter @!p0 [tilespmem:s5], [sflag:$0x1], $0x20, $0x38;
	[tilespmem:$0x1FBE8] =	vst v63  }
0x3f2: {  	s4 =	simm.s32 @!p0 $0x22  }
0x3f3: {  	s28 =	simm.s32 $0x1;
	s4 =	simm.s32 @p0 $0x2  }
0x3f4: {  	_ =	swait.ge [sflag:s28], s4  }
0x3f5: {  	s4 =	ssub.s32 $0x0, s4;
	[sflag:s28] =	ssyncset.done $0x0  }
0x3f6: {  	p0 =	sne.s32 s7, $0x0;
	[sflag:s28] =	ssyncadd.s32 s4  }
.Ltmp16:
0x3f7: {  	_ =	sfence.stream.spmem;
	(pc) =	sbr.rel @p0 .LBB2_37-.Ltmp16, $4  }
0x3f8: {  	s29 =	simm.s32 $0x3;
	[bflag:$0x0] =	sbarrier.arrive $0xFFFF  }
0x3f9: {  	s30 =	simm.s32 $0x4;
	[sflag:s29] =	ssyncpa.u1 $0x1  }
0x3fa: {  	s31 =	simm.s32 $0x3C;
	[sflag:s30] =	ssyncpa.u1 $0x1  }
0x3fb: {  	s4 =	sand.u32 $0x1, s3;
	[sflag:s31] =	ssyncpa.u1 $0x1  }
0x3fc: {  	_ =	sfence.stream.spmem;
	s5 =	simm.s32 $0x5  }
0x3fd: {  	s6 =	simm.s32 $0x400;
	s8 =	simm.s32 $0x6498;
	[sflag:s5] =	ssyncpa.u1 $0x0  }
0x3fe: {  	[tilespmem:s8], [sflag:$0x5] =	stream.linear.gather [spmem:s6], $0x20, $0x38;
	[tilespmem:$0x1FBE8] =	vst v63  }
0x3ff: {  	s26 =	simm.s32 $0x0;
	s28 =	simm.s32 $0x64B8  }
0x400: {  	[tilespmem:s28], [sflag:$0x5] =	stream.linear.gather [spmem:s26], $0x400, $0x38;
	[tilespmem:$0x1FBE8] =	vst v63  }
0x401: {  	_ =	swait.ge [sflag:s5], $0x420  }
0x402: {  	[sflag:s5] =	ssyncset.done $0x0  }
0x403: {  	s29 =	simm.s32 $0x0;
	[sflag:s5] =	ssyncadd.s32 $0xFFFFFBE0  }
0x404: {  	v0 =	vld.msk [tilespmem:s29+$0x6498], $0x1;
	_ =	sdelay $0x1  }
0x405: {  	s30 =	simm.s32 $0x1  }
0x406: {  	v1 =	vld.msk [tilespmem:s30+$0x6498], $0x1;
	_ =	sdelay $0x1  }
0x407: {  	(v2sf) =	vpush v0, $0x0;
	_ =	sdelay $0x2  }
0x408: {  	(v2sf) =	vpush v1, $0x0;
	_ =	sdelay $0x2  }
0x409: {  	s31 =	simm.s32 $0x2  }
0x40a: {  	v0 =	vld.msk [tilespmem:s31+$0x6498], $0x1;
	_ =	sdelay $0x2  }
0x40b: {  	s6 =	simm.s32 $0xFFFFFFFF;
	s8 =	simm.s32 $0xFFFFFFFF;
	s5 =	simm.s32 $0xC  }
.LBB2_22:
0x40c: {  	s9 =	smov.u32 s8;
	s10 =	smov.u32 s6  }
0x40d: {  	s6 =	sshra.s32 s5, $0x2;
	p1 =	sne.s32 s5, $0x7C;
	s5 =	sadd.s32 $0x4, s5;
	(v2sf) =	vpush v0, $0x0  }
0x40e: {  	v0 =	vld.msk [tilespmem:s6+$0x6498], $0x1  }
.Ltmp17:
0x40f: {  	(pc) =	sbr.rel @p1 .LBB2_22-.Ltmp17, $4  }
0x410: {  	s8 =	spop (v2sf)  }
0x411: {  	p2 =	sne.s32 s10, $0xFFFFFFFF;
	s6 =	smov.u32 s8  }
0x412: {  	p3 =	seq.s32 s8, $0xFFFFFFFF;
	s6 =	smov.u32 @p2 s10  }
0x413: {  	s8 =	smov.u32 @p3 s9;
	s6 =	smov.u32 @p3 s10  }
0x414: {  	(v2sf) =	vpush v0, $0x0;
	_ =	sdelay $0x7  }
0x415: {  	s5 =	spop (v2sf)  }
0x416: {  	p1 =	sne.s32 s6, $0xFFFFFFFF;
	s9 =	smov.u32 s5  }
0x417: {  	p2 =	seq.s32 s5, $0xFFFFFFFF;
	s9 =	smov.u32 @p1 s6  }
0x418: {  	s9 =	smov.u32 @p2 s6;
	s10 =	spop (v2sf)  }
0x419: {  	p1 =	sne.s32 s9, $0xFFFFFFFF;
	s11 =	smov.u32 s10  }
0x41a: {  	s5 =	smov.u32 @p2 s8;
	p2 =	seq.s32 s10, $0xFFFFFFFF;
	s11 =	smov.u32 @p1 s9  }
.Ltmp18:
0x41b: {  	s10 =	smov.u32 @p2 s5;
	s5 =	simm.s32 $0x0;
	(pc) =	sbr.rel .LBB2_24-.Ltmp18, $4  }
0x41c: {  	s11 =	smov.u32 @p2 s9;
	s9 =	simm.s32 $0x6;
	s6 =	spop (v2sf)  }
0x41d: {  	p1 =	sne.s32 s11, $0xFFFFFFFF;
	s8 =	smov.u32 s6;
	p2 =	seq.s32 s6, $0xFFFFFFFF  }
0x41e: {  	[sflag:s9] =	ssyncpa.u1 $0x0;
	s8 =	smov.u32 @p1 s11;
	s6 =	smov.u32 @p2 s10  }
0x41f: {  	s10 =	simm.s32 $0x6468;
	s8 =	smov.u32 @p2 s11;
	s11 =	simm.s32 $0x0  }
.LBB2_30:
0x420: {  	p1 =	sgt.u32 s12, $0x4E1FFC  }
0x421: {  	p2 =	seq.s32 @!p1 s12, s8  }
0x422: {  	p1 =	por p1, p2  }
0x423: {  	p2 =	sne.s32 @!p1 s12, s6  }
0x424: {  	p1 =	por p1, !p2  }
0x425: {  	s12 =	sshll.u32 @p1 s11, $0x7  }
0x426: {  	s13 =	sand.u32 @!p1 $0x7FFFF8, s12  }
0x427: {  	s12 =	sand.u32 @!p1 $0x7, s12;
	s13 =	sadd.s32 @!p1 s1, s13  }
0x428: {  	[tilespmem:s10], [sflag:$0x6] =	stream.linear.gather @!p1 [hbm4b:s13+s12], $0x20, $0x38;
	[tilespmem:$0x1FBE8] =	vst v63  }
0x429: {  	_ =	swait.ge @!p1 [sflag:s9], $0x20  }
0x42a: {  	[sflag:s9] =	ssyncset.done @!p1 $0x0  }
0x42b: {  	s12 =	sshll.u32 @!p1 s11, $0x7;
	[sflag:s9] =	ssyncadd.s32 @!p1 $0xFFFFFFE0  }
0x42c: {  	s13 =	sshrl.u32 @!p1 s12, $0x2;
	v1 =	vld @!p1 [tilespmem:$0x6468]  }
0x42d: {  	v2 =	vld @!p1 [tilespmem:s13+$0x64B8];
	_ =	sdelay $0x4  }
0x42e: {  	v1 =	vmax.f32 @!p1 v1, v2  }
0x42f: {  	v2 =	vld @!p1 [tilespmem:s13+$0x64C8];
	[tilespmem:s13+$0x64B8] =	vst @!p1 v1  }
0x430: {  	v1 =	vld @!p1 [tilespmem:$0x6478];
	_ =	sdelay $0x4  }
0x431: {  	v1 =	vmax.f32 @!p1 v1, v2  }
0x432: {  	[tilespmem:s13+$0x64C8] =	vst @!p1 v1  }
0x433: {  	s12 =	sshrl.u32 s12, $0x2;
	[tilespmem:s5+$0x6498] =	vst.msk $0x1, v0  }
0x434: {  	v0 =	vld [tilespmem:s12+$0x64B8];
	_ =	sdelay $0x2  }
0x435: {  	s31 =	sshll.u32 s5, $0x7  }
0x436: {  	s13 =	sshra.s32 s31, $0x2  }
0x437: {  	[tilespmem:s13+$0x64B8] =	vst v0  }
0x438: {  	v0 =	vld [tilespmem:s12+$0x64C8];
	_ =	sdelay $0x4  }
0x439: {  	s5 =	sadd.s32 $0x1, s5;
	[tilespmem:s13+$0x64C8] =	vst v0  }
.LBB2_31:
0x43a: {  	s11 =	sadd.s32 $0x1, s11  }
0x43b: {  	p1 =	sne.s32 s11, $0x20  }
.Ltmp19:
0x43c: {  	_ = 	snop;
	(pc) =	sbr.rel @!p1 .LBB2_32-.Ltmp19, $1  }
0x43d: {  	_ =	sdelay $0x3  }
.LBB2_24:
0x43e: {  	v0 =	vld.msk [tilespmem:s11+$0x6498], $0x1;
	_ =	sdelay $0x4  }
0x43f: {  	(v2sf) =	vpush v0, $0x0;
	_ =	sdelay $0xe  }
0x440: {  	s12 =	spop (v2sf)  }
0x441: {  	p1 =	seq.s32 s12, $0xFFFFFFFF  }
.Ltmp20:
0x442: {  	_ = 	snop;
	(pc) =	sbr.rel @p1 .LBB2_31-.Ltmp20, $1  }
0x443: {  	_ =	sdelay $0x3  }
0x444: {  	p1 =	slt.s32 s5, $0x1  }
.Ltmp21:
0x445: {  	_ = 	snop;
	(pc) =	sbr.rel @p1 .LBB2_30-.Ltmp21, $1  }
0x446: {  	_ =	sdelay $0x3  }
0x447: {  	s13 =	simm.s32 $0x6498;
	p1 =	por $0x0, $0x0  }
0x448: {  	v1 =	vld.msk @!p1 [tilespmem:s13+$0x0], $0x1;
	_ =	sdelay $0x4  }
0x449: {  	(v2sf) =	vpush @!p1 v1, $0x0;
	_ =	sdelay $0xd  }
0x44a: {  	p3 =	sne.s32 s5, $0x1  }
.Ltmp22:
0x44b: {  	s14 =	spop @!p1 (v2sf);
	(pc) =	sbr.rel @!p3 .LBB2_28-.Ltmp22, $4  }
0x44c: {  	p2 =	seq.s32 @!p1 s12, s14  }
0x44d: {  	s14 =	simm.s32 $0x0;
	p2 =	por !p2, p1  }
0x44e: {  	s16 =	simm.s32 $0xFFFFFFFF;
	s14 =	simm.s32 @p2 $0xFFFFFFFF  }
0x44f: {  	s15 =	simm.s32 $0x1;
	s14 =	smov.u32 @p1 s16  }
.LBB2_27:
0x450: {  	s16 =	smov.u32 s14;
	p1 =	sne.s32 s14, $0xFFFFFFFF  }
0x451: {  	s13 =	sadd.s32 $0x1, s13;
	s14 =	smov.u32 s15;
	s15 =	sadd.s32 $0x1, s15  }
0x452: {  	p2 =	sne.s32 s5, s15;
	v1 =	vld.msk @!p1 [tilespmem:s13+$0x0], $0x1;
	_ =	sdelay $0x4  }
0x453: {  	(v2sf) =	vpush @!p1 v1, $0x0;
	_ =	sdelay $0xe  }
.Ltmp23:
0x454: {  	s17 =	spop @!p1 (v2sf);
	(pc) =	sbr.rel @p2 .LBB2_27-.Ltmp23, $4  }
0x455: {  	p3 =	seq.s32 @!p1 s12, s17  }
0x456: {  	p3 =	por !p3, p1  }
0x457: {  	s14 =	simm.s32 @p3 $0xFFFFFFFF  }
0x458: {  	s14 =	smov.u32 @p1 s16  }
.LBB2_28:
0x459: {  	p1 =	seq.s32 s14, $0xFFFFFFFF  }
.Ltmp24:
0x45a: {  	_ = 	snop;
	(pc) =	sbr.rel @p1 .LBB2_30-.Ltmp24, $1  }
0x45b: {  	_ =	sdelay $0x3  }
0x45c: {  	s12 =	sshll.u32 s11, $0x5  }
0x45d: {  	s13 =	sshll.u32 s14, $0x7;
	s12 =	sand.u32 $0x3FFFFFE0, s12  }
0x45e: {  	s13 =	sshra.s32 s13, $0x2;
	v0 =	vld [tilespmem:s12+$0x64B8]  }
0x45f: {  	v1 =	vld [tilespmem:s13+$0x64B8];
	_ =	sdelay $0x4  }
0x460: {  	v0 =	vmax.f32 v0, v1  }
0x461: {  	v63 =	vld [tilespmem:s13+$0x64C8];
	[tilespmem:s13+$0x64B8] =	vst v0  }
0x462: {  	v0 =	vld [tilespmem:s12+$0x64C8];
	_ =	sdelay $0x1  }
.Ltmp25:
0x463: {  	_ = 	snop;
	(pc) =	sbr.rel .LBB2_31-.Ltmp25, $3  }
0x464: {  	_ =	sdelay $0x1  }
0x465: {  	v0 =	vmax.f32 v0, v63  }
0x466: {  	[tilespmem:s13+$0x64C8] =	vst v0  }
.LBB2_32:
0x467: {  	s9 =	simm.s32 $0x6;
	p1 =	seq.s32 s5, $0x0  }
0x468: {  	[sflag:s9] =	ssyncpa.u1 $0x1;
	v0 =	vimm.s32 @p1 $0xFFFFFFFF  }
0x469: {  	s9 =	sadd.s32 $0xFFFFFFFF, s5;
	[tilespmem:$0x68B8] =	vst @p1 v0  }
0x46a: {  	v0 =	vld.msk @!p1 [tilespmem:s9+$0x6498], $0x1;
	_ =	sdelay $0x1  }
0x46b: {  	v1 =	vld.msk @!p1 [tilespmem:$0x6498], $0x1;
	_ =	sdelay $0x2  }
0x46c: {  	p2 =	seq.s32 @!p1 s9, $0x0;
	v0 =	vbroadcast @!p1 v0, $0x0  }
0x46d: {  	vm0 =	vmmov @!p1 $0x1;
	p2 =	por !p2, p1  }
0x46e: {  	v1 =	vnsel @!p1 vm0, $0xFFFFFFFF, v1;
	vm0 =	vcmask @!p1 $0x308;
	v0 =	vpsel !p2, $0xFFFFFFFF, v0  }
0x46f: {  	p2 =	sne.s32 @!p1 s8, s6;
	v0 =	vsel @!p1 vm0, v1, v0  }
0x470: {  	s6 =	simm.s32 @!p1 $0x64B8;
	s8 =	simm.s32 @!p1 $0x0;
	p3 =	por !p2, p1;
	[tilespmem:$0x68B8] =	vst @!p1 v0  }
0x471: {  	[spmem:s8] =	stream.linear.scatter @!p1 [tilespmem:s6], [sflag:$0x1], $0x20, $0x38;
	[tilespmem:$0x1FBE8] =	vst v63  }
0x472: {  	s6 =	sshll.u32 @!p3 s9, $0x7  }
0x473: {  	s6 =	sshra.s32 @!p3 s6, $0x2  }
0x474: {  	s8 =	simm.s32 @!p3 $0x20;
	s6 =	sadd.s32 @!p3 $0x64B8, s6  }
0x475: {  	[spmem:s8] =	stream.linear.scatter @!p3 [tilespmem:s6], [sflag:$0x1], $0x20, $0x38;
	[tilespmem:$0x1FBE8] =	vst v63  }
0x476: {  	s6 =	simm.s32 @!p3 $0x1  }
0x477: {  	_ =	swait.ge @!p3 [sflag:s6], $0x40  }
0x478: {  	p1 =	por p2, p1;
	[sflag:s6] =	ssyncset.done @!p3 $0x0  }
0x479: {  	[sflag:s6] =	ssyncadd.s32 @!p3 $0xFFFFFFC0;
	s6 =	simm.s32 @!p1 $0x1  }
0x47a: {  	_ =	swait.ge @!p1 [sflag:s6], $0x20  }
0x47b: {  	s29 =	simm.s32 $0x68B8;
	[sflag:s6] =	ssyncset.done @!p1 $0x0  }
0x47c: {  	s30 =	simm.s32 $0x400;
	s31 =	simm.s32 $0x1;
	[sflag:s6] =	ssyncadd.s32 @!p1 $0xFFFFFFE0  }
0x47d: {  	[spmem:s30] =	stream.linear.scatter [tilespmem:s29], [sflag:$0x1], $0x10, $0x38;
	[tilespmem:$0x1FBE8] =	vst v63  }
0x47e: {  	p1 =	seq.s32 s4, $0x0;
	_ =	swait.ge [sflag:s31], $0x10  }
0x47f: {  	s8 =	sshll.u32 @p1 s3, $0xE;
	[sflag:s31] =	ssyncset.done $0x0  }
0x480: {  	s6 =	sadd.s32 @p1 $0x15C3C, s8;
	s8 =	sshll.u32 @p1 s2, $0x11;
	[sflag:s31] =	ssyncadd.s32 $0xFFFFFFF0  }
0x481: {  	s6 =	sor.u32 @p1 s8, s6;
	_ =	sfence.stream.spmem  }
0x482: {  	[sflag:s6] =	ssyncadd.remote.s32 @p1 $0x1;
	s6 =	simm.s32 @p1 $0x4  }
0x483: {  	s10 =	simm.s32 @!p1 $0x3C;
	s8 =	sand.u32 $0xFFFFFFFE, s3;
	_ =	swait.ge @p1 [sflag:s6], $0xA  }
0x484: {  	s11 =	simm.s32 @!p1 $0x0;
	s8 =	sadd.s32 @!p1 $0x4, s8;
	[sflag:s6] =	ssyncset.done @p1 $0x0  }
0x485: {  	s12 =	simm.s32 @!p1 $0x40;
	[sflag:s6] =	ssyncadd.s32 @p1 $0xFFFFFFF6;
	s6 =	sshll.u32 @!p1 s8, $0x1A  }
0x486: {  	s8 =	sshll.u32 @!p1 s8, $0xD;
	s6 =	sor.u32 @!p1 s6, s2;
	_ =	swait.eq @!p1 [sflag:s10], $0x1  }
0x487: {  	s8 =	sor.u32 @!p1 $0x1C04, s8;
	s10 =	simm.s32 @!p1 $0x1C03;
	s6 =	sor.u32 @!p1 $0x80004000, s6  }
0x488: {  	[spmem:s12], [sflag:s8] =	dma.general @!p1 [spmem:s11], [sflag:s10], length:$0x8, [dreg:$0x0], stride_count:$0x0, ici_dest:s6, dma_misc:DstOpCode:WRITE  }
0x489: {  	p2 =	slt.s32 s9, $0x2;
	s11 =	simm.s32 @!p1 $0x80;
	s12 =	simm.s32 @!p1 $0x82  }
0x48a: {  	[spmem:s12], [sflag:s8] =	dma.general @!p1 [spmem:s11], [sflag:s10], length:$0x2, [dreg:$0x0], stride_count:$0x0, ici_dest:s6, dma_misc:DstOpCode:WRITE  }
.Ltmp26:
0x48b: {  	s6 =	simm.s32 @!p1 $0x3;
	(pc) =	sbr.rel @p2 .LBB2_36-.Ltmp26, $4  }
0x48c: {  	s3 =	sshll.u32 @!p1 s3, $0xE;
	_ =	swait.ge @!p1 [sflag:s6], $0xA  }
0x48d: {  	s3 =	sadd.s32 @!p1 $0x11C3C, s3;
	s2 =	sshll.u32 @!p1 s2, $0x11;
	[sflag:s6] =	ssyncset.done @!p1 $0x0  }
0x48e: {  	s2 =	sor.u32 @!p1 s2, s3;
	[sflag:s6] =	ssyncadd.s32 @!p1 $0xFFFFFFF6  }
0x48f: {  	[sflag:s2] =	ssyncadd.remote.s32 @!p1 $0xFFFFFFFF;
	s2 =	simm.s32 $0x0  }
0x490: {  	s2 =	simm.s32 $0x6499  }
0x491: {  	v0 =	vld.msk [tilespmem:s2+$0x0], $0x1;
	_ =	sdelay $0x4  }
0x492: {  	(v2sf) =	vpush v0, $0x0;
	_ =	sdelay $0xc  }
0x493: {  	s3 =	sadd.s32 $0xFFFFFFFE, s5  }
0x494: {  	s3 =	sadd.s32 $0xFFFFFFFF, s3  }
0x495: {  	p2 =	sne.s32 s3, $0x0;
	s6 =	spop (v2sf)  }
.Ltmp27:
0x496: {  	p1 =	sgt.u32 s6, $0x4E1FFC;
	(pc) =	sbr.rel @!p2 .LBB2_35-.Ltmp27, $4  }
0x497: {  	s8 =	simm.s32 $0x0;
	s5 =	sand.u32 @!p1 $0x7FFFF8, s6  }
0x498: {  	s2 =	simm.s32 $0x64D8;
	s6 =	sand.u32 @!p1 $0x7, s6;
	s5 =	sadd.s32 @!p1 s1, s5  }
0x499: {  	[hbm4b:s5+s6] =	stream.linear.scatter @!p1 [tilespmem:s2], [sflag:$0x5], $0x20, $0x38;
	[tilespmem:$0x1FBE8] =	vst v63  }
0x49a: {  	s8 =	simm.s32 @!p1 $0x80;
	s5 =	simm.s32 $0x0;
	s6 =	simm.s32 $0x649A  }
.LBB2_34:
0x49b: {  	v0 =	vld.msk [tilespmem:s6+$0x0], $0x1;
	s3 =	sadd.s32 $0xFFFFFFFF, s3;
	s5 =	sadd.s32 s5, s8  }
0x49c: {  	p1 =	sne.s32 s3, $0x0;
	_ =	sdelay $0x3  }
0x49d: {  	(v2sf) =	vpush v0, $0x0;
	_ =	sdelay $0xe  }
.Ltmp28:
0x49e: {  	s9 =	spop (v2sf);
	(pc) =	sbr.rel @p1 .LBB2_34-.Ltmp28, $4  }
0x49f: {  	s8 =	simm.s32 $0x0;
	p2 =	sgt.u32 s9, $0x4E1FFC  }
0x4a0: {  	s2 =	sadd.s32 $0x20, s2;
	s8 =	simm.s32 @!p2 $0x80;
	s10 =	sand.u32 @!p2 $0x7FFFF8, s9  }
0x4a1: {  	s6 =	sadd.s32 $0x1, s6;
	s9 =	sand.u32 @!p2 $0x7, s9;
	s10 =	sadd.s32 @!p2 s1, s10  }
0x4a2: {  	[hbm4b:s10+s9] =	stream.linear.scatter @!p2 [tilespmem:s2], [sflag:$0x5], $0x20, $0x38;
	[tilespmem:$0x1FBE8] =	vst v63  }
.LBB2_35:
0x4a3: {  	s2 =	sadd.s32 s5, s8  }
0x4a4: {  	s2 =	sshrl.u32 s2, $0x2  }
.LBB2_36:
0x4a5: {  	s3 =	simm.s32 $0x5  }
0x4a6: {  	_ =	swait.ge [sflag:s3], s2  }
0x4a7: {  	s31 =	ssub.s32 $0x0, s2;
	[sflag:s3] =	ssyncset.done $0x0  }
0x4a8: {  	[sflag:s3] =	ssyncadd.s32 s31  }
0x4a9: {  	[sflag:s3] =	ssyncpa.u1 $0x1  }
.LBB2_37:
0x4aa: {  	s2 =	sor.u32 s4, s7  }
0x4ab: {  	p1 =	sne.s32 s2, $0x0  }
.Ltmp29:
0x4ac: {  	_ = 	snop;
	(pc) =	sbr.rel @p1 .LBB2_52-.Ltmp29, $3  }
0x4ad: {  	_ =	sdelay $0x1  }
0x4ae: {  	[bflag:$0x0] =	sbarrier.arrive $0xFFFF  }
0x4af: {  	_ =	sfence  }
0x4b0: {  	s3 =	simm.s32 $0x7  }
0x4b1: {  	s2 =	simm.s32 $0x400;
	s4 =	simm.s32 $0x6498;
	[sflag:s3] =	ssyncpa.u1 $0x0  }
0x4b2: {  	[tilespmem:s4], [sflag:$0x7] =	stream.linear.gather [spmem:s2], $0x20, $0x38;
	[tilespmem:$0x1FBE8] =	vst v63  }
0x4b3: {  	s30 =	simm.s32 $0x64B8;
	s2 =	simm.s32 $0x0  }
0x4b4: {  	[tilespmem:s30], [sflag:$0x7] =	stream.linear.gather [spmem:s2], $0x400, $0x38;
	[tilespmem:$0x1FBE8] =	vst v63  }
.Ltmp30:
0x4b5: {  	_ = 	snop;
	(pc) =	sbr.rel .LBB2_39-.Ltmp30, $4  }
0x4b6: {  	_ =	swait.ge [sflag:s3], $0x420  }
0x4b7: {  	[sflag:s3] =	ssyncset.done $0x0  }
0x4b8: {  	s31 =	simm.s32 $0x8;
	[sflag:s3] =	ssyncadd.s32 $0xFFFFFBE0  }
0x4b9: {  	s3 =	simm.s32 $0x0;
	[sflag:s31] =	ssyncpa.u1 $0x0  }
.LBB2_45:
0x4ba: {  	p1 =	slt.u32 s4, $0x4E1FFD  }
0x4bb: {  	s5 =	sand.u32 @p1 $0x7FFFF8, s4  }
0x4bc: {  	s4 =	sand.u32 @p1 $0x7, s4;
	s6 =	simm.s32 @p1 $0x6468;
	s5 =	sadd.s32 @p1 s1, s5  }
0x4bd: {  	[tilespmem:s6], [sflag:$0x8] =	stream.linear.gather @p1 [hbm4b:s5+s4], $0x20, $0x38;
	[tilespmem:$0x1FBE8] =	vst v63  }
0x4be: {  	s4 =	simm.s32 @p1 $0x8  }
0x4bf: {  	_ =	swait.ge @p1 [sflag:s4], $0x20  }
0x4c0: {  	[sflag:s4] =	ssyncset.done @p1 $0x0  }
0x4c1: {  	[sflag:s4] =	ssyncadd.s32 @p1 $0xFFFFFFE0;
	s4 =	sshll.u32 @p1 s3, $0x7  }
0x4c2: {  	s5 =	sshrl.u32 @p1 s4, $0x2;
	v1 =	vld @p1 [tilespmem:$0x6468]  }
0x4c3: {  	v2 =	vld @p1 [tilespmem:s5+$0x64B8];
	_ =	sdelay $0x4  }
0x4c4: {  	v1 =	vmax.f32 @p1 v1, v2  }
0x4c5: {  	v2 =	vld @p1 [tilespmem:s5+$0x64C8];
	[tilespmem:s5+$0x64B8] =	vst @p1 v1  }
0x4c6: {  	v1 =	vld @p1 [tilespmem:$0x6478];
	_ =	sdelay $0x4  }
0x4c7: {  	s6 =	sshll.u32 @!p1 s3, $0x7;
	v1 =	vmax.f32 @p1 v1, v2  }
0x4c8: {  	s6 =	smov.u32 @p1 s4;
	[tilespmem:s5+$0x64C8] =	vst @p1 v1  }
0x4c9: {  	s4 =	sshrl.u32 s6, $0x2;
	[tilespmem:s2+$0x6498] =	vst.msk $0x1, v0  }
0x4ca: {  	v0 =	vld [tilespmem:s4+$0x64B8];
	_ =	sdelay $0x2  }
0x4cb: {  	s31 =	sshll.u32 s2, $0x7  }
0x4cc: {  	s5 =	sshra.s32 s31, $0x2  }
0x4cd: {  	[tilespmem:s5+$0x64B8] =	vst v0  }
0x4ce: {  	v0 =	vld [tilespmem:s4+$0x64C8];
	_ =	sdelay $0x4  }
0x4cf: {  	s2 =	sadd.s32 $0x1, s2;
	[tilespmem:s5+$0x64C8] =	vst v0  }
.LBB2_46:
0x4d0: {  	s3 =	sadd.s32 $0x1, s3  }
0x4d1: {  	p1 =	sne.s32 s3, $0x20  }
.Ltmp31:
0x4d2: {  	_ = 	snop;
	(pc) =	sbr.rel @!p1 .LBB2_47-.Ltmp31, $1  }
0x4d3: {  	_ =	sdelay $0x3  }
.LBB2_39:
0x4d4: {  	v0 =	vld.msk [tilespmem:s3+$0x6498], $0x1;
	_ =	sdelay $0x4  }
0x4d5: {  	(v2sf) =	vpush v0, $0x0;
	_ =	sdelay $0xe  }
0x4d6: {  	s4 =	spop (v2sf)  }
0x4d7: {  	p1 =	seq.s32 s4, $0xFFFFFFFF  }
.Ltmp32:
0x4d8: {  	_ = 	snop;
	(pc) =	sbr.rel @p1 .LBB2_46-.Ltmp32, $1  }
0x4d9: {  	_ =	sdelay $0x3  }
0x4da: {  	p1 =	slt.s32 s2, $0x1  }
.Ltmp33:
0x4db: {  	_ = 	snop;
	(pc) =	sbr.rel @p1 .LBB2_45-.Ltmp33, $1  }
0x4dc: {  	_ =	sdelay $0x3  }
0x4dd: {  	s5 =	simm.s32 $0x6498;
	p1 =	por $0x0, $0x0  }
0x4de: {  	v1 =	vld.msk @!p1 [tilespmem:s5+$0x0], $0x1;
	_ =	sdelay $0x4  }
0x4df: {  	(v2sf) =	vpush @!p1 v1, $0x0;
	_ =	sdelay $0xd  }
0x4e0: {  	p3 =	sne.s32 s2, $0x1  }
.Ltmp34:
0x4e1: {  	s6 =	spop @!p1 (v2sf);
	(pc) =	sbr.rel @!p3 .LBB2_43-.Ltmp34, $4  }
0x4e2: {  	p2 =	seq.s32 @!p1 s4, s6  }
0x4e3: {  	s6 =	simm.s32 $0x0;
	p2 =	por !p2, p1  }
0x4e4: {  	s8 =	simm.s32 $0xFFFFFFFF;
	s6 =	simm.s32 @p2 $0xFFFFFFFF  }
0x4e5: {  	s7 =	simm.s32 $0x1;
	s6 =	smov.u32 @p1 s8  }
.LBB2_42:
0x4e6: {  	s8 =	smov.u32 s6;
	p1 =	sne.s32 s6, $0xFFFFFFFF  }
0x4e7: {  	s5 =	sadd.s32 $0x1, s5;
	s6 =	smov.u32 s7;
	s7 =	sadd.s32 $0x1, s7  }
0x4e8: {  	p2 =	sne.s32 s2, s7;
	v1 =	vld.msk @!p1 [tilespmem:s5+$0x0], $0x1;
	_ =	sdelay $0x4  }
0x4e9: {  	(v2sf) =	vpush @!p1 v1, $0x0;
	_ =	sdelay $0xe  }
.Ltmp35:
0x4ea: {  	s9 =	spop @!p1 (v2sf);
	(pc) =	sbr.rel @p2 .LBB2_42-.Ltmp35, $4  }
0x4eb: {  	p3 =	seq.s32 @!p1 s4, s9  }
0x4ec: {  	p3 =	por !p3, p1  }
0x4ed: {  	s6 =	simm.s32 @p3 $0xFFFFFFFF  }
0x4ee: {  	s6 =	smov.u32 @p1 s8  }
.LBB2_43:
0x4ef: {  	p1 =	seq.s32 s6, $0xFFFFFFFF  }
.Ltmp36:
0x4f0: {  	_ = 	snop;
	(pc) =	sbr.rel @p1 .LBB2_45-.Ltmp36, $1  }
0x4f1: {  	_ =	sdelay $0x3  }
0x4f2: {  	s4 =	sshll.u32 s3, $0x5  }
0x4f3: {  	s5 =	sshll.u32 s6, $0x7;
	s4 =	sand.u32 $0x3FFFFFE0, s4  }
0x4f4: {  	s5 =	sshra.s32 s5, $0x2;
	v0 =	vld [tilespmem:s4+$0x64B8]  }
0x4f5: {  	v1 =	vld [tilespmem:s5+$0x64B8];
	_ =	sdelay $0x4  }
0x4f6: {  	v0 =	vmax.f32 v0, v1  }
0x4f7: {  	v63 =	vld [tilespmem:s5+$0x64C8];
	[tilespmem:s5+$0x64B8] =	vst v0  }
0x4f8: {  	v0 =	vld [tilespmem:s4+$0x64C8];
	_ =	sdelay $0x1  }
.Ltmp37:
0x4f9: {  	_ = 	snop;
	(pc) =	sbr.rel .LBB2_46-.Ltmp37, $3  }
0x4fa: {  	_ =	sdelay $0x1  }
0x4fb: {  	v0 =	vmax.f32 v0, v63  }
0x4fc: {  	[tilespmem:s5+$0x64C8] =	vst v0  }
.LBB2_47:
0x4fd: {  	p1 =	slt.s32 s2, $0x1  }
.Ltmp38:
0x4fe: {  	_ = 	snop;
	(pc) =	sbr.rel @p1 .LBB2_51-.Ltmp38, $3  }
0x4ff: {  	_ =	sdelay $0x1  }
0x500: {  	s3 =	simm.s32 $0x8  }
0x501: {  	[sflag:s3] =	ssyncpa.u1 $0x1;
	s3 =	simm.s32 $0x0  }
0x502: {  	s4 =	simm.s32 $0x6498  }
0x503: {  	v0 =	vld.msk [tilespmem:s4+$0x0], $0x1;
	_ =	sdelay $0x4  }
0x504: {  	(v2sf) =	vpush v0, $0x0;
	_ =	sdelay $0xe  }
0x505: {  	s2 =	sadd.s32 $0xFFFFFFFF, s2;
	s5 =	spop (v2sf)  }
0x506: {  	p2 =	sne.s32 s2, $0x0;
	p1 =	sgt.u32 s5, $0x4E1FFC  }
.Ltmp39:
0x507: {  	s6 =	sand.u32 @!p1 $0x7FFFF8, s5;
	(pc) =	sbr.rel @!p2 .LBB2_50-.Ltmp39, $4  }
0x508: {  	s4 =	simm.s32 $0x64B8;
	s5 =	sand.u32 @!p1 $0x7, s5;
	s6 =	sadd.s32 @!p1 s1, s6  }
0x509: {  	[hbm4b:s6+s5] =	stream.linear.scatter @!p1 [tilespmem:s4], [sflag:$0x7], $0x20, $0x38;
	[tilespmem:$0x1FBE8] =	vst v63  }
0x50a: {  	s6 =	simm.s32 $0x0  }
0x50b: {  	s5 =	simm.s32 $0x6499;
	s6 =	simm.s32 @!p1 $0x80  }
.LBB2_49:
0x50c: {  	v0 =	vld.msk [tilespmem:s5+$0x0], $0x1;
	s2 =	sadd.s32 $0xFFFFFFFF, s2;
	s3 =	sadd.s32 s3, s6  }
0x50d: {  	p1 =	sne.s32 s2, $0x0;
	_ =	sdelay $0x3  }
0x50e: {  	(v2sf) =	vpush v0, $0x0;
	_ =	sdelay $0xe  }
.Ltmp40:
0x50f: {  	s7 =	spop (v2sf);
	(pc) =	sbr.rel @p1 .LBB2_49-.Ltmp40, $4  }
0x510: {  	s6 =	simm.s32 $0x0;
	p2 =	sgt.u32 s7, $0x4E1FFC  }
0x511: {  	s4 =	sadd.s32 $0x20, s4;
	s6 =	simm.s32 @!p2 $0x80;
	s8 =	sand.u32 @!p2 $0x7FFFF8, s7  }
0x512: {  	s5 =	sadd.s32 $0x1, s5;
	s7 =	sand.u32 @!p2 $0x7, s7;
	s8 =	sadd.s32 @!p2 s1, s8  }
0x513: {  	[hbm4b:s8+s7] =	stream.linear.scatter @!p2 [tilespmem:s4], [sflag:$0x7], $0x20, $0x38;
	[tilespmem:$0x1FBE8] =	vst v63  }
.LBB2_50:
0x514: {  	s1 =	sadd.s32 s3, s6  }
0x515: {  	s3 =	sshrl.u32 s1, $0x2  }
.LBB2_51:
0x516: {  	s1 =	simm.s32 $0x7  }
0x517: {  	_ =	swait.ge [sflag:s1], s3  }
0x518: {  	s2 =	ssub.s32 $0x0, s3;
	[sflag:s1] =	ssyncset.done $0x0  }
0x519: {  	[sflag:s1] =	ssyncadd.s32 s2  }
0x51a: {  	[sflag:s1] =	ssyncpa.u1 $0x1  }
.LBB2_52:
0x51b: {  	_ =	sfence;
	s1 =	simm.s32 $0x1  }
0x51c: {  	[sflag:s1] =	ssyncpa.u1 $0x1  }
0x51d: {  	_ =	strace $0x9000004D  }
0x51e: {  	s0 =	sadd.s32 @!p0 $0x100000, s0;
	[bflag:$0x2] =	sbarrier.arrive $0xFFFF  }
0x51f: {  	[sflag:s0] =	ssyncadd.tile.s32 @!p0 $0x1;
	_ =	shalt  }
.Lfunc_end2:
_tile_overlayer_lowered:
.L_overlay_start_2:
0x520: {  	(tag) =	ssettag $0x2  }
0x521: {  	s0 =	rddreg [dreg:$0x0];
	s2 =	stileid.u32  }
0x522: {  	s1 =	rddreg [dreg:$0x1];
	p0 =	sne.s32 s2, $0x0  }
0x523: {  	s3 =	rddreg [dreg:$0x2];
	[bflag:$0x3] =	sbarrier.arrive $0xFFFF;
	s2 =	simm.s32 @!p0 $0x1C01  }
0x524: {  	[timem:s3], [sflag:s2] =	dma.local @!p0 [hbm:s0], s1  }
0x525: {  	s0 =	simm.s32 @!p0 $0x1  }
0x526: {  	_ =	swait.ge @!p0 [sflag:s0], s1  }
0x527: {  	s1 =	ssub.s32 @!p0 $0x0, s1;
	[sflag:s0] =	ssyncset.done @!p0 $0x0  }
0x528: {  	[sflag:s0] =	ssyncadd.s32 @!p0 s1  }
0x529: {  	[bflag:$0x3] =	sbarrier.arrive $0xFFFF  }
0x52a: {  	_ =	shalt  }

</sc_bundles>
